<compile_context>
chip_gen: v7x
topology: tpu7x:2x2x1
jax: 0.10.2.dev20260603
libtpu: 0.0.44.dev20260713+nightly
codegen_flags: <defaults>
</compile_context>

<pallas_src>
import functools

import jax
import jax.numpy as jnp
from jax import lax
from jax.experimental import pallas as pl
from jax.experimental.pallas import tpu as pltpu
from jax.experimental.pallas import tpu_sc as plsc

NC = 2
NS = 16
NW = NC * NS
L = 16
B = 64
D = 128


def _mm_body(x_ref, wl_ref, wr_ref, xl_ref, xr_ref):
    x = x_ref[...]
    dn = (((1,), (1,)), ((), ()))
    xl_ref[...] = lax.dot_general(x, wl_ref[...], dn,
                                  preferred_element_type=jnp.float32)
    xr_ref[...] = lax.dot_general(x, wr_ref[...], dn,
                                  preferred_element_type=jnp.float32)


def _edge_body(xl_hbm, xr_hbm, att_hbm, idx_hbm,
               acc_out,
               idxv, ga, gb, gd, attv, acc, sem0, sem1,
               tot_rows, k_chunks):
    cid = lax.axis_index("c")
    sid = lax.axis_index("s")
    wid = sid * NC + cid
    rz = tot_rows // NS
    row0 = sid * rz
    zero16 = jnp.zeros((L,), jnp.float32)

    def zrow(i, _):
        for c in range(D // L):
            ga[0, i, pl.ds(c * L, L)] = zero16
            gd[i, pl.ds(c * L, L)] = zero16
        return 0
    lax.fori_loop(0, B, zrow, 0)
    nfull = rz // B
    rem = rz - nfull * B
    for t in range(nfull):
        pltpu.sync_copy(ga.at[0], acc.at[pl.ds(row0 + t * B, B)])
    if rem:
        pltpu.sync_copy(ga.at[0, pl.ds(0, rem)],
                        acc.at[pl.ds(row0 + nfull * B, rem)])

    pltpu.sync_copy(att_hbm, attv)
    attc = [attv[pl.ds(c * L, L)] for c in range(D // L)]
    iota = lax.iota(jnp.int32, L)
    shuf = [iota ^ (1 << k) for k in range(4)]

    plsc.subcore_barrier()

    sems = (sem0, sem1)

    def prefetch(j, o, sem):
        pltpu.sync_copy(idx_hbm.at[wid, j], idxv.at[o])
        pltpu.async_copy(xl_hbm.at[idxv.at[o, 0]], ga.at[o], sem)
        pltpu.async_copy(xr_hbm.at[idxv.at[o, 1]], gb.at[o], sem)

    def drain(ph, sem):
        pltpu.make_async_copy(xl_hbm.at[idxv.at[ph, 0]], ga.at[ph],
                              sem).wait()
        pltpu.make_async_copy(xr_hbm.at[idxv.at[ph, 1]], gb.at[ph],
                              sem).wait()

    prefetch(0, 0, sem0)

    def pair(jp, _):
        j0 = 2 * jp
        for ph in range(2):
            o = 1 - ph
            prefetch(j0 + ph + 1, o, sems[o])
            drain(ph, sems[ph])

            for g in range(B // L):
                dvec = idxv[ph, 2, pl.ds(g * L, L)]

                def edge(jj, _):
                    i = g * L + jj
                    s = zero16
                    avals = []
                    for c in range(D // L):
                        a = ga[ph, i, pl.ds(c * L, L)]
                        b = gb[ph, i, pl.ds(c * L, L)]
                        y = a + b
                        ly = jnp.maximum(y, 0.2 * y)
                        s = s + ly * attc[c]
                        avals.append(a)
                    for sx in shuf:
                        s = s + s.at[sx].get(mode="promise_in_bounds")
                    p = jnp.exp(s)
                    for c in range(D // L):
                        ga[ph, i, pl.ds(c * L, L)] = avals[c] * p
                    jv = iota * 0 + jj
                    dall = dvec.at[jv].get(mode="promise_in_bounds")
                    gd[i, pl.ds(0, L)] = jnp.where(
                        (dall & (L - 1)) == iota, p, zero16)
                    return 0
                lax.fori_loop(0, L, edge, 0)

            pltpu.async_copy(ga.at[ph], acc.at[idxv.at[ph, 2]], sems[ph],
                             add=True)
            pltpu.async_copy(gd, acc.at[idxv.at[ph, 3]], sems[ph],
                             add=True)
            drain(ph, sems[ph])
        return 0
    lax.fori_loop(0, k_chunks // 2, pair, 0)
    drain(0, sem0)

    plsc.subcore_barrier()

    for t in range(nfull):
        pltpu.sync_copy(acc.at[pl.ds(row0 + t * B, B)],
                        acc_out.at[cid, pl.ds(row0 + t * B, B)])
    if rem:
        pltpu.sync_copy(acc.at[pl.ds(row0 + nfull * B, rem)],
                        acc_out.at[cid, pl.ds(row0 + nfull * B, rem)])


def _fin_body(msg_ref, den_ref, bias_ref, out_ref):
    m = msg_ref[0] + msg_ref[1]
    d = den_ref[0] + den_ref[1]
    out_ref[...] = m / d + bias_ref[...][None, :]


def kernel(x, edge_index, W_l, W_r, att, bias):
    n = x.shape[0]
    e = edge_index.shape[1]

    rb = 1000
    grid_mm = (n // rb,)
    xl, xr = pl.pallas_call(
        _mm_body,
        grid=grid_mm,
        in_specs=[
            pl.BlockSpec((rb, D), lambda i: (i, 0)),
            pl.BlockSpec((D, D), lambda i: (0, 0)),
            pl.BlockSpec((D, D), lambda i: (0, 0)),
        ],
        out_specs=[
            pl.BlockSpec((rb, D), lambda i: (i, 0)),
            pl.BlockSpec((rb, D), lambda i: (i, 0)),
        ],
        out_shape=[
            jax.ShapeDtypeStruct((n, D), jnp.float32),
            jax.ShapeDtypeStruct((n, D), jnp.float32),
        ],
    )(x, W_l, W_r)

    loop = jnp.arange(n, dtype=jnp.int32)
    src = jnp.concatenate([edge_index[0].astype(jnp.int32), loop])
    dst = jnp.concatenate([edge_index[1].astype(jnp.int32), loop])
    etot = e + n
    epad = -(-etot // (2 * NW * B)) * (2 * NW * B)
    k_chunks = epad // (NW * B)
    pad = epad - etot
    srcg = jnp.concatenate([src, jnp.zeros((pad,), jnp.int32)])
    dstg = jnp.concatenate([dst, jnp.zeros((pad,), jnp.int32)])
    dsts = jnp.concatenate([dst, jnp.full((pad,), n, jnp.int32)])

    nrows = -(-(n + 1) // (NS * 8)) * (NS * 8)
    prows = -(-(n + 1) // (L * NS * 8)) * (NS * 8)
    tot_rows = nrows + prows
    dend = nrows + dsts // L
    sidx = jnp.stack([srcg.reshape(NW, k_chunks, B),
                      dstg.reshape(NW, k_chunks, B),
                      dsts.reshape(NW, k_chunks, B),
                      dend.reshape(NW, k_chunks, B)], axis=2)
    sidx = jnp.pad(sidx, ((0, 0), (0, 1), (0, 0), (0, 0)))
    attf = att.reshape(D).astype(jnp.float32)

    mesh = plsc.VectorSubcoreMesh(core_axis_name="c", subcore_axis_name="s")
    edge_kernel = pl.kernel(
        functools.partial(_edge_body, tot_rows=tot_rows, k_chunks=k_chunks),
        out_type=[
            jax.ShapeDtypeStruct((NC, tot_rows, D), jnp.float32),
        ],
        mesh=mesh,
        scratch_types=[
            pltpu.VMEM((2, 4, B), jnp.int32),
            pltpu.VMEM((2, B, D), jnp.float32),
            pltpu.VMEM((2, B, D), jnp.float32),
            pltpu.VMEM((B, D), jnp.float32),
            pltpu.VMEM((D,), jnp.float32),
            pltpu.VMEM_SHARED((tot_rows, D), jnp.float32),
            pltpu.SemaphoreType.DMA,
            pltpu.SemaphoreType.DMA,
        ],
    )
    acc, = edge_kernel(xl, xr, attf, sidx)

    denflat = acc[:, nrows:, :L].reshape(NC, prows * L, 1)
    out = pl.pallas_call(
        _fin_body,
        grid=(n // rb,),
        in_specs=[
            pl.BlockSpec((NC, rb, D), lambda i: (0, i, 0)),
            pl.BlockSpec((NC, rb, 1), lambda i: (0, i, 0)),
            pl.BlockSpec((D,), lambda i: (0,)),
        ],
        out_specs=pl.BlockSpec((rb, D), lambda i: (i, 0)),
        out_shape=jax.ShapeDtypeStruct((n, D), jnp.float32),
    )(acc, denflat, bias.astype(jnp.float32))
    return out

# --- scband reference (transcript-rebuilt; emitter-appended) ---
"""Pipeline reference for scband-gatseq-classifier-11364483465674 (READ-ONLY COPY).

The authoritative reference and input builder live on the scoring server;
editing this copy changes nothing except your own understanding.
"""

import jax, jax.numpy as jnp
import numpy as np

N = 10000
E = 320000
D_IN = 128
D_OUT = 128
HEADS = 1

def setup_inputs(seed: int = 0) -> dict:
    key = jax.random.key(seed)
    k1, k2, k3, k4, k5 = jax.random.split(key, 5)
    x = jax.random.normal(k1, (N, D_IN), dtype=jnp.float32)
    edge_index = jax.random.randint(k2, (2, E), 0, N, dtype=jnp.int64)
    s = 1.0 / np.sqrt(D_IN)
    W_l = jax.random.uniform(k3, (HEADS * D_OUT, D_IN), dtype=jnp.float32, minval=-s, maxval=s)
    W_r = jax.random.uniform(k4, (HEADS * D_OUT, D_IN), dtype=jnp.float32, minval=-s, maxval=s)
    att = jax.random.uniform(k5, (HEADS, D_OUT), dtype=jnp.float32, minval=-s, maxval=s)
    bias = jnp.zeros((HEADS * D_OUT,), dtype=jnp.float32)
    return {"x": x, "edge_index": edge_index, "W_l": W_l, "W_r": W_r, "att": att, "bias": bias}

def reference(x, edge_index, W_l, W_r, att, bias):
    n = x.shape[0]
    # add self-loops (GATv2Conv default add_self_loops=True)
    loop = jnp.arange(n, dtype=edge_index.dtype)
    src = jnp.concatenate([edge_index[0], loop])
    dst = jnp.concatenate([edge_index[1], loop])
    x_l = (x @ W_l.T).reshape(n, HEADS, D_OUT)
    x_r = (x @ W_r.T).reshape(n, HEADS, D_OUT)
    # GATv2 attention: e_ij = a^T LeakyReLU(W_l x_j + W_r x_i)
    e = x_l[src] + x_r[dst]                      # [E', H, C] gather
    e = jax.nn.leaky_relu(e, negative_slope=0.2)
    alpha = jnp.sum(e * att[None, :, :], axis=-1)  # [E', H]
    # segment softmax over destination nodes
    amax = jax.ops.segment_max(alpha, dst, num_segments=n)
    alpha = jnp.exp(alpha - amax[dst])
    denom = jax.ops.segment_sum(alpha, dst, num_segments=n)
    alpha = alpha / (denom[dst] + 1e-16)
    msg = x_l[src] * alpha[:, :, None]           # [E', H, C]
    out = jax.ops.segment_sum(msg, dst, num_segments=n)  # scatter-add
    out = out.reshape(n, HEADS * D_OUT) + bias
    return out

if __name__ == "__main__":
    import jax
    _d = setup_inputs()
    print(jax.jit(kernel)(*tuple(_d.values())))

</pallas_src>

<mosaic_0001>
#map = affine_map<(d0, d1) -> (0, 0)>
#map1 = affine_map<(d0, d1) -> (0)>
#map2 = affine_map<(d0, d1) -> (0, 0, 0, 0)>
#map3 = affine_map<(d0, d1) -> (0, 0, 0)>
module attributes {stable_mosaic.version = 14 : i64} {
  func.func @_edge_body(%arg0: i32, %arg1: i32, %arg2: memref<10000x128xf32, #tpu.memory_space<hbm>>, %arg3: memref<10000x128xf32, #tpu.memory_space<hbm>>, %arg4: memref<128xf32, #tpu.memory_space<hbm>>, %arg5: memref<32x163x4x64xi32, #tpu.memory_space<hbm>>, %arg6: memref<2x10752x128xf32, #tpu.memory_space<hbm>>, %arg7: memref<2x4x64xi32, #tpu.memory_space<vmem>>, %arg8: memref<2x64x128xf32, #tpu.memory_space<vmem>>, %arg9: memref<2x64x128xf32, #tpu.memory_space<vmem>>, %arg10: memref<64x128xf32, #tpu.memory_space<vmem>>, %arg11: memref<128xf32, #tpu.memory_space<vmem>>, %arg12: memref<10752x128xf32, #tpu.memory_space<vmem_shared>>, %arg13: memref<!tpu.dma_semaphore, #tpu.memory_space<semaphore_mem>>, %arg14: memref<!tpu.dma_semaphore, #tpu.memory_space<semaphore_mem>>) attributes {dimension_semantics = [#tpu.dimension_semantics<core_parallel>, #tpu.dimension_semantics<subcore_parallel>], iteration_bounds = array<i64: 2, 16>, scalar_prefetch = 0 : i64, scratch_operands = 8 : i64, tpu.core_type = #tpu.core_type<sc_vector_subcore>, window_params = [{transform_indices = #map}, {transform_indices = #map}, {transform_indices = #map1}, {transform_indices = #map2}, {transform_indices = #map3}]} {
    %mul3A = arith.constant 2 : i32
    %mul3A_0 = arith.muli %arg1, %mul3A : i32
    %add3A = arith.addi %mul3A_0, %arg0 : i32
    %mul3A_1 = arith.constant 672 : i32
    %mul3A_2 = arith.muli %arg1, %mul3A_1 : i32
    %broadcast_in_dim3A = arith.constant 0.000000e+00 : f32
    %broadcast_in_dim3A_3 = vector.broadcast %broadcast_in_dim3A : f32 to vector<16xf32>
    %scan3A = arith.constant 0 : i32
    %scan3A_4 = arith.constant 0 : i32
    %scan3A_5 = arith.constant 64 : i32
    %scan3A_6 = arith.addi %scan3A_4, %scan3A_5 : i32
    %scan3A_7 = arith.constant 1 : i32
    %scan3A_8 = scf.for %scan3A_180 = %scan3A_4 to %scan3A_6 step %scan3A_7 iter_args(%scan3A_181 = %scan3A) -> (i32)  : i32 {
      %swap3A = arith.constant 0 : i32
      %swap3A_182 = arith.index_cast %swap3A : i32 to index
      %swap3A_183 = arith.index_cast %scan3A_180 : i32 to index
      %swap3A_184 = arith.constant 0 : index
      %swap3A_185 = tpu.vector_load %arg8[%swap3A_182, %swap3A_183, %swap3A_184] {strides = array<i32>} : memref<2x64x128xf32, #tpu.memory_space<vmem>>, vector<1x1x16xf32>,
      %swap3A_186 = vector.shape_cast %swap3A_185 : vector<1x1x16xf32> to vector<16xf32>
      %swap3A_187 = vector.shape_cast %broadcast_in_dim3A_3 : vector<16xf32> to vector<1x1x16xf32>
      tpu.vector_store %arg8[%swap3A_182, %swap3A_183, %swap3A_184], %swap3A_187 {strides = array<i32>} : memref<2x64x128xf32, #tpu.memory_space<vmem>>, vector<1x1x16xf32>,
      %swap3A_188 = arith.index_cast %scan3A_180 : i32 to index
      %swap3A_189 = arith.constant 0 : index
      %swap3A_190 = tpu.vector_load %arg10[%swap3A_188, %swap3A_189] {strides = array<i32>} : memref<64x128xf32, #tpu.memory_space<vmem>>, vector<1x16xf32>,
      %swap3A_191 = vector.shape_cast %swap3A_190 : vector<1x16xf32> to vector<16xf32>
      %swap3A_192 = vector.shape_cast %broadcast_in_dim3A_3 : vector<16xf32> to vector<1x16xf32>
      tpu.vector_store %arg10[%swap3A_188, %swap3A_189], %swap3A_192 {strides = array<i32>} : memref<64x128xf32, #tpu.memory_space<vmem>>, vector<1x16xf32>,
      %swap3A_193 = arith.constant 0 : i32
      %swap3A_194 = arith.index_cast %swap3A_193 : i32 to index
      %swap3A_195 = arith.index_cast %scan3A_180 : i32 to index
      %swap3A_196 = arith.constant 16 : index
      %swap3A_197 = tpu.vector_load %arg8[%swap3A_194, %swap3A_195, %swap3A_196] {strides = array<i32>} : memref<2x64x128xf32, #tpu.memory_space<vmem>>, vector<1x1x16xf32>,
      %swap3A_198 = vector.shape_cast %swap3A_197 : vector<1x1x16xf32> to vector<16xf32>
      %swap3A_199 = vector.shape_cast %broadcast_in_dim3A_3 : vector<16xf32> to vector<1x1x16xf32>
      tpu.vector_store %arg8[%swap3A_194, %swap3A_195, %swap3A_196], %swap3A_199 {strides = array<i32>} : memref<2x64x128xf32, #tpu.memory_space<vmem>>, vector<1x1x16xf32>,
      %swap3A_200 = arith.index_cast %scan3A_180 : i32 to index
      %swap3A_201 = arith.constant 16 : index
      %swap3A_202 = tpu.vector_load %arg10[%swap3A_200, %swap3A_201] {strides = array<i32>} : memref<64x128xf32, #tpu.memory_space<vmem>>, vector<1x16xf32>,
      %swap3A_203 = vector.shape_cast %swap3A_202 : vector<1x16xf32> to vector<16xf32>
      %swap3A_204 = vector.shape_cast %broadcast_in_dim3A_3 : vector<16xf32> to vector<1x16xf32>
      tpu.vector_store %arg10[%swap3A_200, %swap3A_201], %swap3A_204 {strides = array<i32>} : memref<64x128xf32, #tpu.memory_space<vmem>>, vector<1x16xf32>,
      %swap3A_205 = arith.constant 0 : i32
      %swap3A_206 = arith.index_cast %swap3A_205 : i32 to index
      %swap3A_207 = arith.index_cast %scan3A_180 : i32 to index
      %swap3A_208 = arith.constant 32 : index
      %swap3A_209 = tpu.vector_load %arg8[%swap3A_206, %swap3A_207, %swap3A_208] {strides = array<i32>} : memref<2x64x128xf32, #tpu.memory_space<vmem>>, vector<1x1x16xf32>,
      %swap3A_210 = vector.shape_cast %swap3A_209 : vector<1x1x16xf32> to vector<16xf32>
      %swap3A_211 = vector.shape_cast %broadcast_in_dim3A_3 : vector<16xf32> to vector<1x1x16xf32>
      tpu.vector_store %arg8[%swap3A_206, %swap3A_207, %swap3A_208], %swap3A_211 {strides = array<i32>} : memref<2x64x128xf32, #tpu.memory_space<vmem>>, vector<1x1x16xf32>,
      %swap3A_212 = arith.index_cast %scan3A_180 : i32 to index
      %swap3A_213 = arith.constant 32 : index
      %swap3A_214 = tpu.vector_load %arg10[%swap3A_212, %swap3A_213] {strides = array<i32>} : memref<64x128xf32, #tpu.memory_space<vmem>>, vector<1x16xf32>,
      %swap3A_215 = vector.shape_cast %swap3A_214 : vector<1x16xf32> to vector<16xf32>
      %swap3A_216 = vector.shape_cast %broadcast_in_dim3A_3 : vector<16xf32> to vector<1x16xf32>
      tpu.vector_store %arg10[%swap3A_212, %swap3A_213], %swap3A_216 {strides = array<i32>} : memref<64x128xf32, #tpu.memory_space<vmem>>, vector<1x16xf32>,
      %swap3A_217 = arith.constant 0 : i32
      %swap3A_218 = arith.index_cast %swap3A_217 : i32 to index
      %swap3A_219 = arith.index_cast %scan3A_180 : i32 to index
      %swap3A_220 = arith.constant 48 : index
      %swap3A_221 = tpu.vector_load %arg8[%swap3A_218, %swap3A_219, %swap3A_220] {strides = array<i32>} : memref<2x64x128xf32, #tpu.memory_space<vmem>>, vector<1x1x16xf32>,
      %swap3A_222 = vector.shape_cast %swap3A_221 : vector<1x1x16xf32> to vector<16xf32>
      %swap3A_223 = vector.shape_cast %broadcast_in_dim3A_3 : vector<16xf32> to vector<1x1x16xf32>
      tpu.vector_store %arg8[%swap3A_218, %swap3A_219, %swap3A_220], %swap3A_223 {strides = array<i32>} : memref<2x64x128xf32, #tpu.memory_space<vmem>>, vector<1x1x16xf32>,
      %swap3A_224 = arith.index_cast %scan3A_180 : i32 to index
      %swap3A_225 = arith.constant 48 : index
      %swap3A_226 = tpu.vector_load %arg10[%swap3A_224, %swap3A_225] {strides = array<i32>} : memref<64x128xf32, #tpu.memory_space<vmem>>, vector<1x16xf32>,
      %swap3A_227 = vector.shape_cast %swap3A_226 : vector<1x16xf32> to vector<16xf32>
      %swap3A_228 = vector.shape_cast %broadcast_in_dim3A_3 : vector<16xf32> to vector<1x16xf32>
      tpu.vector_store %arg10[%swap3A_224, %swap3A_225], %swap3A_228 {strides = array<i32>} : memref<64x128xf32, #tpu.memory_space<vmem>>, vector<1x16xf32>,
      %swap3A_229 = arith.constant 0 : i32
      %swap3A_230 = arith.index_cast %swap3A_229 : i32 to index
      %swap3A_231 = arith.index_cast %scan3A_180 : i32 to index
      %swap3A_232 = arith.constant 64 : index
      %swap3A_233 = tpu.vector_load %arg8[%swap3A_230, %swap3A_231, %swap3A_232] {strides = array<i32>} : memref<2x64x128xf32, #tpu.memory_space<vmem>>, vector<1x1x16xf32>,
      %swap3A_234 = vector.shape_cast %swap3A_233 : vector<1x1x16xf32> to vector<16xf32>
      %swap3A_235 = vector.shape_cast %broadcast_in_dim3A_3 : vector<16xf32> to vector<1x1x16xf32>
      tpu.vector_store %arg8[%swap3A_230, %swap3A_231, %swap3A_232], %swap3A_235 {strides = array<i32>} : memref<2x64x128xf32, #tpu.memory_space<vmem>>, vector<1x1x16xf32>,
      %swap3A_236 = arith.index_cast %scan3A_180 : i32 to index
      %swap3A_237 = arith.constant 64 : index
      %swap3A_238 = tpu.vector_load %arg10[%swap3A_236, %swap3A_237] {strides = array<i32>} : memref<64x128xf32, #tpu.memory_space<vmem>>, vector<1x16xf32>,
      %swap3A_239 = vector.shape_cast %swap3A_238 : vector<1x16xf32> to vector<16xf32>
      %swap3A_240 = vector.shape_cast %broadcast_in_dim3A_3 : vector<16xf32> to vector<1x16xf32>
      tpu.vector_store %arg10[%swap3A_236, %swap3A_237], %swap3A_240 {strides = array<i32>} : memref<64x128xf32, #tpu.memory_space<vmem>>, vector<1x16xf32>,
      %swap3A_241 = arith.constant 0 : i32
      %swap3A_242 = arith.index_cast %swap3A_241 : i32 to index
      %swap3A_243 = arith.index_cast %scan3A_180 : i32 to index
      %swap3A_244 = arith.constant 80 : index
      %swap3A_245 = tpu.vector_load %arg8[%swap3A_242, %swap3A_243, %swap3A_244] {strides = array<i32>} : memref<2x64x128xf32, #tpu.memory_space<vmem>>, vector<1x1x16xf32>,
      %swap3A_246 = vector.shape_cast %swap3A_245 : vector<1x1x16xf32> to vector<16xf32>
      %swap3A_247 = vector.shape_cast %broadcast_in_dim3A_3 : vector<16xf32> to vector<1x1x16xf32>
      tpu.vector_store %arg8[%swap3A_242, %swap3A_243, %swap3A_244], %swap3A_247 {strides = array<i32>} : memref<2x64x128xf32, #tpu.memory_space<vmem>>, vector<1x1x16xf32>,
      %swap3A_248 = arith.index_cast %scan3A_180 : i32 to index
      %swap3A_249 = arith.constant 80 : index
      %swap3A_250 = tpu.vector_load %arg10[%swap3A_248, %swap3A_249] {strides = array<i32>} : memref<64x128xf32, #tpu.memory_space<vmem>>, vector<1x16xf32>,
      %swap3A_251 = vector.shape_cast %swap3A_250 : vector<1x16xf32> to vector<16xf32>
      %swap3A_252 = vector.shape_cast %broadcast_in_dim3A_3 : vector<16xf32> to vector<1x16xf32>
      tpu.vector_store %arg10[%swap3A_248, %swap3A_249], %swap3A_252 {strides = array<i32>} : memref<64x128xf32, #tpu.memory_space<vmem>>, vector<1x16xf32>,
      %swap3A_253 = arith.constant 0 : i32
      %swap3A_254 = arith.index_cast %swap3A_253 : i32 to index
      %swap3A_255 = arith.index_cast %scan3A_180 : i32 to index
      %swap3A_256 = arith.constant 96 : index
      %swap3A_257 = tpu.vector_load %arg8[%swap3A_254, %swap3A_255, %swap3A_256] {strides = array<i32>} : memref<2x64x128xf32, #tpu.memory_space<vmem>>, vector<1x1x16xf32>,
      %swap3A_258 = vector.shape_cast %swap3A_257 : vector<1x1x16xf32> to vector<16xf32>
      %swap3A_259 = vector.shape_cast %broadcast_in_dim3A_3 : vector<16xf32> to vector<1x1x16xf32>
      tpu.vector_store %arg8[%swap3A_254, %swap3A_255, %swap3A_256], %swap3A_259 {strides = array<i32>} : memref<2x64x128xf32, #tpu.memory_space<vmem>>, vector<1x1x16xf32>,
      %swap3A_260 = arith.index_cast %scan3A_180 : i32 to index
      %swap3A_261 = arith.constant 96 : index
      %swap3A_262 = tpu.vector_load %arg10[%swap3A_260, %swap3A_261] {strides = array<i32>} : memref<64x128xf32, #tpu.memory_space<vmem>>, vector<1x16xf32>,
      %swap3A_263 = vector.shape_cast %swap3A_262 : vector<1x16xf32> to vector<16xf32>
      %swap3A_264 = vector.shape_cast %broadcast_in_dim3A_3 : vector<16xf32> to vector<1x16xf32>
      tpu.vector_store %arg10[%swap3A_260, %swap3A_261], %swap3A_264 {strides = array<i32>} : memref<64x128xf32, #tpu.memory_space<vmem>>, vector<1x16xf32>,
      %swap3A_265 = arith.constant 0 : i32
      %swap3A_266 = arith.index_cast %swap3A_265 : i32 to index
      %swap3A_267 = arith.index_cast %scan3A_180 : i32 to index
      %swap3A_268 = arith.constant 112 : index
      %swap3A_269 = tpu.vector_load %arg8[%swap3A_266, %swap3A_267, %swap3A_268] {strides = array<i32>} : memref<2x64x128xf32, #tpu.memory_space<vmem>>, vector<1x1x16xf32>,
      %swap3A_270 = vector.shape_cast %swap3A_269 : vector<1x1x16xf32> to vector<16xf32>
      %swap3A_271 = vector.shape_cast %broadcast_in_dim3A_3 : vector<16xf32> to vector<1x1x16xf32>
      tpu.vector_store %arg8[%swap3A_266, %swap3A_267, %swap3A_268], %swap3A_271 {strides = array<i32>} : memref<2x64x128xf32, #tpu.memory_space<vmem>>, vector<1x1x16xf32>,
      %swap3A_272 = arith.index_cast %scan3A_180 : i32 to index
      %swap3A_273 = arith.constant 112 : index
      %swap3A_274 = tpu.vector_load %arg10[%swap3A_272, %swap3A_273] {strides = array<i32>} : memref<64x128xf32, #tpu.memory_space<vmem>>, vector<1x16xf32>,
      %swap3A_275 = vector.shape_cast %swap3A_274 : vector<1x16xf32> to vector<16xf32>
      %swap3A_276 = vector.shape_cast %broadcast_in_dim3A_3 : vector<16xf32> to vector<1x16xf32>
      tpu.vector_store %arg10[%swap3A_272, %swap3A_273], %swap3A_276 {strides = array<i32>} : memref<64x128xf32, #tpu.memory_space<vmem>>, vector<1x16xf32>,
      %scan3A_277 = arith.constant 0 : i32
      scf.yield %scan3A_277 : i32
    }
    %scan3A_9 = arith.constant 64 : i32
    %add3A_10 = arith.constant 0 : i32
    %add3A_11 = arith.addi %mul3A_2, %add3A_10 : i32
    %run_scoped3A = arith.constant 0 : i32
    "tpu.region"() ({
      %run_scoped3A_180 = tpu.sem_alloc : memref<!tpu.dma_semaphore, #tpu.memory_space<semaphore_mem>>
      %dma_start3A_181 = arith.constant 0 : i32
      %dma_start3A_182 = arith.constant 0 : i32
      %dma_start3A_183 = tpu.memref_slice %arg8[%run_scoped3A, %dma_start3A_181, %dma_start3A_182] : memref<2x64x128xf32, #tpu.memory_space<vmem>> -> memref<1x64x128xf32, #tpu.memory_space<vmem>>
      %dma_start3A_184 = tpu.memref_squeeze %dma_start3A_183 : memref<1x64x128xf32, #tpu.memory_space<vmem>> -> memref<64x128xf32, #tpu.memory_space<vmem>>
      %dma_start3A_185 = arith.constant 0 : i32
      %dma_start3A_186 = tpu.memref_slice %arg12[%add3A_11, %dma_start3A_185] : memref<10752x128xf32, #tpu.memory_space<vmem_shared>> -> memref<64x128xf32, #tpu.memory_space<vmem_shared>>
      %dma_start3A_187 = arith.constant 0 : i32
      %dma_start3A_188 = tpu.memref_slice %arg12[%add3A_11, %dma_start3A_187] : memref<10752x128xf32, #tpu.memory_space<vmem_shared>> -> memref<64x128xf32, #tpu.memory_space<vmem_shared>>
      %dma_start3A_189 = arith.constant 0 : i32
      %dma_start3A_190 = arith.constant 0 : i32
      %dma_start3A_191 = tpu.memref_slice %arg8[%run_scoped3A, %dma_start3A_189, %dma_start3A_190] : memref<2x64x128xf32, #tpu.memory_space<vmem>> -> memref<1x64x128xf32, #tpu.memory_space<vmem>>
      %dma_start3A_192 = tpu.memref_squeeze %dma_start3A_191 : memref<1x64x128xf32, #tpu.memory_space<vmem>> -> memref<64x128xf32, #tpu.memory_space<vmem>>
      tpu.enqueue_dma source(%dma_start3A_192 : memref<64x128xf32, #tpu.memory_space<vmem>>) target(%dma_start3A_188 : memref<64x128xf32, #tpu.memory_space<vmem_shared>>) target_semaphore(%run_scoped3A_180 : memref<!tpu.dma_semaphore, #tpu.memory_space<semaphore_mem>>)
      %dma_wait3A_193 = arith.constant 0 : i32
      %dma_wait3A_194 = arith.constant 0 : i32
      %dma_wait3A_195 = tpu.memref_slice %arg8[%run_scoped3A, %dma_wait3A_193, %dma_wait3A_194] : memref<2x64x128xf32, #tpu.memory_space<vmem>> -> memref<1x64x128xf32, #tpu.memory_space<vmem>>
      %dma_wait3A_196 = tpu.memref_squeeze %dma_wait3A_195 : memref<1x64x128xf32, #tpu.memory_space<vmem>> -> memref<64x128xf32, #tpu.memory_space<vmem>>
      %dma_wait3A_197 = arith.constant 0 : i32
      %dma_wait3A_198 = tpu.memref_slice %arg12[%add3A_11, %dma_wait3A_197] : memref<10752x128xf32, #tpu.memory_space<vmem_shared>> -> memref<64x128xf32, #tpu.memory_space<vmem_shared>>
      %dma_wait3A_199 = arith.constant 0 : i32
      %dma_wait3A_200 = tpu.memref_slice %arg12[%add3A_11, %dma_wait3A_199] : memref<10752x128xf32, #tpu.memory_space<vmem_shared>> -> memref<64x128xf32, #tpu.memory_space<vmem_shared>>
      %dma_wait3A_201 = arith.constant 0 : i32
      %dma_wait3A_202 = arith.constant 0 : i32
      %dma_wait3A_203 = tpu.memref_slice %arg8[%run_scoped3A, %dma_wait3A_201, %dma_wait3A_202] : memref<2x64x128xf32, #tpu.memory_space<vmem>> -> memref<1x64x128xf32, #tpu.memory_space<vmem>>
      %dma_wait3A_204 = tpu.memref_squeeze %dma_wait3A_203 : memref<1x64x128xf32, #tpu.memory_space<vmem>> -> memref<64x128xf32, #tpu.memory_space<vmem>>
      tpu.wait_dma2 semaphore(%run_scoped3A_180 : memref<!tpu.dma_semaphore, #tpu.memory_space<semaphore_mem>>) src(%dma_wait3A_204 : memref<64x128xf32, #tpu.memory_space<vmem>>) dst(%dma_wait3A_200 : memref<64x128xf32, #tpu.memory_space<vmem_shared>>)
      tpu.yield
    }) : () -> ()
    %add3A_12 = arith.constant 64 : i32
    %add3A_13 = arith.addi %mul3A_2, %add3A_12 : i32
    %run_scoped3A_14 = arith.constant 0 : i32
    "tpu.region"() ({
      %run_scoped3A_180 = tpu.sem_alloc : memref<!tpu.dma_semaphore, #tpu.memory_space<semaphore_mem>>
      %dma_start3A_181 = arith.constant 0 : i32
      %dma_start3A_182 = arith.constant 0 : i32
      %dma_start3A_183 = tpu.memref_slice %arg8[%run_scoped3A_14, %dma_start3A_181, %dma_start3A_182] : memref<2x64x128xf32, #tpu.memory_space<vmem>> -> memref<1x64x128xf32, #tpu.memory_space<vmem>>
      %dma_start3A_184 = tpu.memref_squeeze %dma_start3A_183 : memref<1x64x128xf32, #tpu.memory_space<vmem>> -> memref<64x128xf32, #tpu.memory_space<vmem>>
      %dma_start3A_185 = arith.constant 0 : i32
      %dma_start3A_186 = tpu.memref_slice %arg12[%add3A_13, %dma_start3A_185] : memref<10752x128xf32, #tpu.memory_space<vmem_shared>> -> memref<64x128xf32, #tpu.memory_space<vmem_shared>>
      %dma_start3A_187 = arith.constant 0 : i32
      %dma_start3A_188 = tpu.memref_slice %arg12[%add3A_13, %dma_start3A_187] : memref<10752x128xf32, #tpu.memory_space<vmem_shared>> -> memref<64x128xf32, #tpu.memory_space<vmem_shared>>
      %dma_start3A_189 = arith.constant 0 : i32
      %dma_start3A_190 = arith.constant 0 : i32
      %dma_start3A_191 = tpu.memref_slice %arg8[%run_scoped3A_14, %dma_start3A_189, %dma_start3A_190] : memref<2x64x128xf32, #tpu.memory_space<vmem>> -> memref<1x64x128xf32, #tpu.memory_space<vmem>>
      %dma_start3A_192 = tpu.memref_squeeze %dma_start3A_191 : memref<1x64x128xf32, #tpu.memory_space<vmem>> -> memref<64x128xf32, #tpu.memory_space<vmem>>
      tpu.enqueue_dma source(%dma_start3A_192 : memref<64x128xf32, #tpu.memory_space<vmem>>) target(%dma_start3A_188 : memref<64x128xf32, #tpu.memory_space<vmem_shared>>) target_semaphore(%run_scoped3A_180 : memref<!tpu.dma_semaphore, #tpu.memory_space<semaphore_mem>>)
      %dma_wait3A_193 = arith.constant 0 : i32
      %dma_wait3A_194 = arith.constant 0 : i32
      %dma_wait3A_195 = tpu.memref_slice %arg8[%run_scoped3A_14, %dma_wait3A_193, %dma_wait3A_194] : memref<2x64x128xf32, #tpu.memory_space<vmem>> -> memref<1x64x128xf32, #tpu.memory_space<vmem>>
      %dma_wait3A_196 = tpu.memref_squeeze %dma_wait3A_195 : memref<1x64x128xf32, #tpu.memory_space<vmem>> -> memref<64x128xf32, #tpu.memory_space<vmem>>
      %dma_wait3A_197 = arith.constant 0 : i32
      %dma_wait3A_198 = tpu.memref_slice %arg12[%add3A_13, %dma_wait3A_197] : memref<10752x128xf32, #tpu.memory_space<vmem_shared>> -> memref<64x128xf32, #tpu.memory_space<vmem_shared>>
      %dma_wait3A_199 = arith.constant 0 : i32
      %dma_wait3A_200 = tpu.memref_slice %arg12[%add3A_13, %dma_wait3A_199] : memref<10752x128xf32, #tpu.memory_space<vmem_shared>> -> memref<64x128xf32, #tpu.memory_space<vmem_shared>>
      %dma_wait3A_201 = arith.constant 0 : i32
      %dma_wait3A_202 = arith.constant 0 : i32
      %dma_wait3A_203 = tpu.memref_slice %arg8[%run_scoped3A_14, %dma_wait3A_201, %dma_wait3A_202] : memref<2x64x128xf32, #tpu.memory_space<vmem>> -> memref<1x64x128xf32, #tpu.memory_space<vmem>>
      %dma_wait3A_204 = tpu.memref_squeeze %dma_wait3A_203 : memref<1x64x128xf32, #tpu.memory_space<vmem>> -> memref<64x128xf32, #tpu.memory_space<vmem>>
      tpu.wait_dma2 semaphore(%run_scoped3A_180 : memref<!tpu.dma_semaphore, #tpu.memory_space<semaphore_mem>>) src(%dma_wait3A_204 : memref<64x128xf32, #tpu.memory_space<vmem>>) dst(%dma_wait3A_200 : memref<64x128xf32, #tpu.memory_space<vmem_shared>>)
      tpu.yield
    }) : () -> ()
    %add3A_15 = arith.constant 128 : i32
    %add3A_16 = arith.addi %mul3A_2, %add3A_15 : i32
    %run_scoped3A_17 = arith.constant 0 : i32
    "tpu.region"() ({
      %run_scoped3A_180 = tpu.sem_alloc : memref<!tpu.dma_semaphore, #tpu.memory_space<semaphore_mem>>
      %dma_start3A_181 = arith.constant 0 : i32
      %dma_start3A_182 = arith.constant 0 : i32
      %dma_start3A_183 = tpu.memref_slice %arg8[%run_scoped3A_17, %dma_start3A_181, %dma_start3A_182] : memref<2x64x128xf32, #tpu.memory_space<vmem>> -> memref<1x64x128xf32, #tpu.memory_space<vmem>>
      %dma_start3A_184 = tpu.memref_squeeze %dma_start3A_183 : memref<1x64x128xf32, #tpu.memory_space<vmem>> -> memref<64x128xf32, #tpu.memory_space<vmem>>
      %dma_start3A_185 = arith.constant 0 : i32
      %dma_start3A_186 = tpu.memref_slice %arg12[%add3A_16, %dma_start3A_185] : memref<10752x128xf32, #tpu.memory_space<vmem_shared>> -> memref<64x128xf32, #tpu.memory_space<vmem_shared>>
      %dma_start3A_187 = arith.constant 0 : i32
      %dma_start3A_188 = tpu.memref_slice %arg12[%add3A_16, %dma_start3A_187] : memref<10752x128xf32, #tpu.memory_space<vmem_shared>> -> memref<64x128xf32, #tpu.memory_space<vmem_shared>>
      %dma_start3A_189 = arith.constant 0 : i32
      %dma_start3A_190 = arith.constant 0 : i32
      %dma_start3A_191 = tpu.memref_slice %arg8[%run_scoped3A_17, %dma_start3A_189, %dma_start3A_190] : memref<2x64x128xf32, #tpu.memory_space<vmem>> -> memref<1x64x128xf32, #tpu.memory_space<vmem>>
      %dma_start3A_192 = tpu.memref_squeeze %dma_start3A_191 : memref<1x64x128xf32, #tpu.memory_space<vmem>> -> memref<64x128xf32, #tpu.memory_space<vmem>>
      tpu.enqueue_dma source(%dma_start3A_192 : memref<64x128xf32, #tpu.memory_space<vmem>>) target(%dma_start3A_188 : memref<64x128xf32, #tpu.memory_space<vmem_shared>>) target_semaphore(%run_scoped3A_180 : memref<!tpu.dma_semaphore, #tpu.memory_space<semaphore_mem>>)
      %dma_wait3A_193 = arith.constant 0 : i32
      %dma_wait3A_194 = arith.constant 0 : i32
      %dma_wait3A_195 = tpu.memref_slice %arg8[%run_scoped3A_17, %dma_wait3A_193, %dma_wait3A_194] : memref<2x64x128xf32, #tpu.memory_space<vmem>> -> memref<1x64x128xf32, #tpu.memory_space<vmem>>
      %dma_wait3A_196 = tpu.memref_squeeze %dma_wait3A_195 : memref<1x64x128xf32, #tpu.memory_space<vmem>> -> memref<64x128xf32, #tpu.memory_space<vmem>>
      %dma_wait3A_197 = arith.constant 0 : i32
      %dma_wait3A_198 = tpu.memref_slice %arg12[%add3A_16, %dma_wait3A_197] : memref<10752x128xf32, #tpu.memory_space<vmem_shared>> -> memref<64x128xf32, #tpu.memory_space<vmem_shared>>
      %dma_wait3A_199 = arith.constant 0 : i32
      %dma_wait3A_200 = tpu.memref_slice %arg12[%add3A_16, %dma_wait3A_199] : memref<10752x128xf32, #tpu.memory_space<vmem_shared>> -> memref<64x128xf32, #tpu.memory_space<vmem_shared>>
      %dma_wait3A_201 = arith.constant 0 : i32
      %dma_wait3A_202 = arith.constant 0 : i32
      %dma_wait3A_203 = tpu.memref_slice %arg8[%run_scoped3A_17, %dma_wait3A_201, %dma_wait3A_202] : memref<2x64x128xf32, #tpu.memory_space<vmem>> -> memref<1x64x128xf32, #tpu.memory_space<vmem>>
      %dma_wait3A_204 = tpu.memref_squeeze %dma_wait3A_203 : memref<1x64x128xf32, #tpu.memory_space<vmem>> -> memref<64x128xf32, #tpu.memory_space<vmem>>
      tpu.wait_dma2 semaphore(%run_scoped3A_180 : memref<!tpu.dma_semaphore, #tpu.memory_space<semaphore_mem>>) src(%dma_wait3A_204 : memref<64x128xf32, #tpu.memory_space<vmem>>) dst(%dma_wait3A_200 : memref<64x128xf32, #tpu.memory_space<vmem_shared>>)
      tpu.yield
    }) : () -> ()
    %add3A_18 = arith.constant 192 : i32
    %add3A_19 = arith.addi %mul3A_2, %add3A_18 : i32
    %run_scoped3A_20 = arith.constant 0 : i32
    "tpu.region"() ({
      %run_scoped3A_180 = tpu.sem_alloc : memref<!tpu.dma_semaphore, #tpu.memory_space<semaphore_mem>>
      %dma_start3A_181 = arith.constant 0 : i32
      %dma_start3A_182 = arith.constant 0 : i32
      %dma_start3A_183 = tpu.memref_slice %arg8[%run_scoped3A_20, %dma_start3A_181, %dma_start3A_182] : memref<2x64x128xf32, #tpu.memory_space<vmem>> -> memref<1x64x128xf32, #tpu.memory_space<vmem>>
      %dma_start3A_184 = tpu.memref_squeeze %dma_start3A_183 : memref<1x64x128xf32, #tpu.memory_space<vmem>> -> memref<64x128xf32, #tpu.memory_space<vmem>>
      %dma_start3A_185 = arith.constant 0 : i32
      %dma_start3A_186 = tpu.memref_slice %arg12[%add3A_19, %dma_start3A_185] : memref<10752x128xf32, #tpu.memory_space<vmem_shared>> -> memref<64x128xf32, #tpu.memory_space<vmem_shared>>
      %dma_start3A_187 = arith.constant 0 : i32
      %dma_start3A_188 = tpu.memref_slice %arg12[%add3A_19, %dma_start3A_187] : memref<10752x128xf32, #tpu.memory_space<vmem_shared>> -> memref<64x128xf32, #tpu.memory_space<vmem_shared>>
      %dma_start3A_189 = arith.constant 0 : i32
      %dma_start3A_190 = arith.constant 0 : i32
      %dma_start3A_191 = tpu.memref_slice %arg8[%run_scoped3A_20, %dma_start3A_189, %dma_start3A_190] : memref<2x64x128xf32, #tpu.memory_space<vmem>> -> memref<1x64x128xf32, #tpu.memory_space<vmem>>
      %dma_start3A_192 = tpu.memref_squeeze %dma_start3A_191 : memref<1x64x128xf32, #tpu.memory_space<vmem>> -> memref<64x128xf32, #tpu.memory_space<vmem>>
      tpu.enqueue_dma source(%dma_start3A_192 : memref<64x128xf32, #tpu.memory_space<vmem>>) target(%dma_start3A_188 : memref<64x128xf32, #tpu.memory_space<vmem_shared>>) target_semaphore(%run_scoped3A_180 : memref<!tpu.dma_semaphore, #tpu.memory_space<semaphore_mem>>)
      %dma_wait3A_193 = arith.constant 0 : i32
      %dma_wait3A_194 = arith.constant 0 : i32
      %dma_wait3A_195 = tpu.memref_slice %arg8[%run_scoped3A_20, %dma_wait3A_193, %dma_wait3A_194] : memref<2x64x128xf32, #tpu.memory_space<vmem>> -> memref<1x64x128xf32, #tpu.memory_space<vmem>>
      %dma_wait3A_196 = tpu.memref_squeeze %dma_wait3A_195 : memref<1x64x128xf32, #tpu.memory_space<vmem>> -> memref<64x128xf32, #tpu.memory_space<vmem>>
      %dma_wait3A_197 = arith.constant 0 : i32
      %dma_wait3A_198 = tpu.memref_slice %arg12[%add3A_19, %dma_wait3A_197] : memref<10752x128xf32, #tpu.memory_space<vmem_shared>> -> memref<64x128xf32, #tpu.memory_space<vmem_shared>>
      %dma_wait3A_199 = arith.constant 0 : i32
      %dma_wait3A_200 = tpu.memref_slice %arg12[%add3A_19, %dma_wait3A_199] : memref<10752x128xf32, #tpu.memory_space<vmem_shared>> -> memref<64x128xf32, #tpu.memory_space<vmem_shared>>
      %dma_wait3A_201 = arith.constant 0 : i32
      %dma_wait3A_202 = arith.constant 0 : i32
      %dma_wait3A_203 = tpu.memref_slice %arg8[%run_scoped3A_20, %dma_wait3A_201, %dma_wait3A_202] : memref<2x64x128xf32, #tpu.memory_space<vmem>> -> memref<1x64x128xf32, #tpu.memory_space<vmem>>
      %dma_wait3A_204 = tpu.memref_squeeze %dma_wait3A_203 : memref<1x64x128xf32, #tpu.memory_space<vmem>> -> memref<64x128xf32, #tpu.memory_space<vmem>>
      tpu.wait_dma2 semaphore(%run_scoped3A_180 : memref<!tpu.dma_semaphore, #tpu.memory_space<semaphore_mem>>) src(%dma_wait3A_204 : memref<64x128xf32, #tpu.memory_space<vmem>>) dst(%dma_wait3A_200 : memref<64x128xf32, #tpu.memory_space<vmem_shared>>)
      tpu.yield
    }) : () -> ()
    %add3A_21 = arith.constant 256 : i32
    %add3A_22 = arith.addi %mul3A_2, %add3A_21 : i32
    %run_scoped3A_23 = arith.constant 0 : i32
    "tpu.region"() ({
      %run_scoped3A_180 = tpu.sem_alloc : memref<!tpu.dma_semaphore, #tpu.memory_space<semaphore_mem>>
      %dma_start3A_181 = arith.constant 0 : i32
      %dma_start3A_182 = arith.constant 0 : i32
      %dma_start3A_183 = tpu.memref_slice %arg8[%run_scoped3A_23, %dma_start3A_181, %dma_start3A_182] : memref<2x64x128xf32, #tpu.memory_space<vmem>> -> memref<1x64x128xf32, #tpu.memory_space<vmem>>
      %dma_start3A_184 = tpu.memref_squeeze %dma_start3A_183 : memref<1x64x128xf32, #tpu.memory_space<vmem>> -> memref<64x128xf32, #tpu.memory_space<vmem>>
      %dma_start3A_185 = arith.constant 0 : i32
      %dma_start3A_186 = tpu.memref_slice %arg12[%add3A_22, %dma_start3A_185] : memref<10752x128xf32, #tpu.memory_space<vmem_shared>> -> memref<64x128xf32, #tpu.memory_space<vmem_shared>>
      %dma_start3A_187 = arith.constant 0 : i32
      %dma_start3A_188 = tpu.memref_slice %arg12[%add3A_22, %dma_start3A_187] : memref<10752x128xf32, #tpu.memory_space<vmem_shared>> -> memref<64x128xf32, #tpu.memory_space<vmem_shared>>
      %dma_start3A_189 = arith.constant 0 : i32
      %dma_start3A_190 = arith.constant 0 : i32
      %dma_start3A_191 = tpu.memref_slice %arg8[%run_scoped3A_23, %dma_start3A_189, %dma_start3A_190] : memref<2x64x128xf32, #tpu.memory_space<vmem>> -> memref<1x64x128xf32, #tpu.memory_space<vmem>>
      %dma_start3A_192 = tpu.memref_squeeze %dma_start3A_191 : memref<1x64x128xf32, #tpu.memory_space<vmem>> -> memref<64x128xf32, #tpu.memory_space<vmem>>
      tpu.enqueue_dma source(%dma_start3A_192 : memref<64x128xf32, #tpu.memory_space<vmem>>) target(%dma_start3A_188 : memref<64x128xf32, #tpu.memory_space<vmem_shared>>) target_semaphore(%run_scoped3A_180 : memref<!tpu.dma_semaphore, #tpu.memory_space<semaphore_mem>>)
      %dma_wait3A_193 = arith.constant 0 : i32
      %dma_wait3A_194 = arith.constant 0 : i32
      %dma_wait3A_195 = tpu.memref_slice %arg8[%run_scoped3A_23, %dma_wait3A_193, %dma_wait3A_194] : memref<2x64x128xf32, #tpu.memory_space<vmem>> -> memref<1x64x128xf32, #tpu.memory_space<vmem>>
      %dma_wait3A_196 = tpu.memref_squeeze %dma_wait3A_195 : memref<1x64x128xf32, #tpu.memory_space<vmem>> -> memref<64x128xf32, #tpu.memory_space<vmem>>
      %dma_wait3A_197 = arith.constant 0 : i32
      %dma_wait3A_198 = tpu.memref_slice %arg12[%add3A_22, %dma_wait3A_197] : memref<10752x128xf32, #tpu.memory_space<vmem_shared>> -> memref<64x128xf32, #tpu.memory_space<vmem_shared>>
      %dma_wait3A_199 = arith.constant 0 : i32
      %dma_wait3A_200 = tpu.memref_slice %arg12[%add3A_22, %dma_wait3A_199] : memref<10752x128xf32, #tpu.memory_space<vmem_shared>> -> memref<64x128xf32, #tpu.memory_space<vmem_shared>>
      %dma_wait3A_201 = arith.constant 0 : i32
      %dma_wait3A_202 = arith.constant 0 : i32
      %dma_wait3A_203 = tpu.memref_slice %arg8[%run_scoped3A_23, %dma_wait3A_201, %dma_wait3A_202] : memref<2x64x128xf32, #tpu.memory_space<vmem>> -> memref<1x64x128xf32, #tpu.memory_space<vmem>>
      %dma_wait3A_204 = tpu.memref_squeeze %dma_wait3A_203 : memref<1x64x128xf32, #tpu.memory_space<vmem>> -> memref<64x128xf32, #tpu.memory_space<vmem>>
      tpu.wait_dma2 semaphore(%run_scoped3A_180 : memref<!tpu.dma_semaphore, #tpu.memory_space<semaphore_mem>>) src(%dma_wait3A_204 : memref<64x128xf32, #tpu.memory_space<vmem>>) dst(%dma_wait3A_200 : memref<64x128xf32, #tpu.memory_space<vmem_shared>>)
      tpu.yield
    }) : () -> ()
    %add3A_24 = arith.constant 320 : i32
    %add3A_25 = arith.addi %mul3A_2, %add3A_24 : i32
    %run_scoped3A_26 = arith.constant 0 : i32
    "tpu.region"() ({
      %run_scoped3A_180 = tpu.sem_alloc : memref<!tpu.dma_semaphore, #tpu.memory_space<semaphore_mem>>
      %dma_start3A_181 = arith.constant 0 : i32
      %dma_start3A_182 = arith.constant 0 : i32
      %dma_start3A_183 = tpu.memref_slice %arg8[%run_scoped3A_26, %dma_start3A_181, %dma_start3A_182] : memref<2x64x128xf32, #tpu.memory_space<vmem>> -> memref<1x64x128xf32, #tpu.memory_space<vmem>>
      %dma_start3A_184 = tpu.memref_squeeze %dma_start3A_183 : memref<1x64x128xf32, #tpu.memory_space<vmem>> -> memref<64x128xf32, #tpu.memory_space<vmem>>
      %dma_start3A_185 = arith.constant 0 : i32
      %dma_start3A_186 = tpu.memref_slice %arg12[%add3A_25, %dma_start3A_185] : memref<10752x128xf32, #tpu.memory_space<vmem_shared>> -> memref<64x128xf32, #tpu.memory_space<vmem_shared>>
      %dma_start3A_187 = arith.constant 0 : i32
      %dma_start3A_188 = tpu.memref_slice %arg12[%add3A_25, %dma_start3A_187] : memref<10752x128xf32, #tpu.memory_space<vmem_shared>> -> memref<64x128xf32, #tpu.memory_space<vmem_shared>>
      %dma_start3A_189 = arith.constant 0 : i32
      %dma_start3A_190 = arith.constant 0 : i32
      %dma_start3A_191 = tpu.memref_slice %arg8[%run_scoped3A_26, %dma_start3A_189, %dma_start3A_190] : memref<2x64x128xf32, #tpu.memory_space<vmem>> -> memref<1x64x128xf32, #tpu.memory_space<vmem>>
      %dma_start3A_192 = tpu.memref_squeeze %dma_start3A_191 : memref<1x64x128xf32, #tpu.memory_space<vmem>> -> memref<64x128xf32, #tpu.memory_space<vmem>>
      tpu.enqueue_dma source(%dma_start3A_192 : memref<64x128xf32, #tpu.memory_space<vmem>>) target(%dma_start3A_188 : memref<64x128xf32, #tpu.memory_space<vmem_shared>>) target_semaphore(%run_scoped3A_180 : memref<!tpu.dma_semaphore, #tpu.memory_space<semaphore_mem>>)
      %dma_wait3A_193 = arith.constant 0 : i32
      %dma_wait3A_194 = arith.constant 0 : i32
      %dma_wait3A_195 = tpu.memref_slice %arg8[%run_scoped3A_26, %dma_wait3A_193, %dma_wait3A_194] : memref<2x64x128xf32, #tpu.memory_space<vmem>> -> memref<1x64x128xf32, #tpu.memory_space<vmem>>
      %dma_wait3A_196 = tpu.memref_squeeze %dma_wait3A_195 : memref<1x64x128xf32, #tpu.memory_space<vmem>> -> memref<64x128xf32, #tpu.memory_space<vmem>>
      %dma_wait3A_197 = arith.constant 0 : i32
      %dma_wait3A_198 = tpu.memref_slice %arg12[%add3A_25, %dma_wait3A_197] : memref<10752x128xf32, #tpu.memory_space<vmem_shared>> -> memref<64x128xf32, #tpu.memory_space<vmem_shared>>
      %dma_wait3A_199 = arith.constant 0 : i32
      %dma_wait3A_200 = tpu.memref_slice %arg12[%add3A_25, %dma_wait3A_199] : memref<10752x128xf32, #tpu.memory_space<vmem_shared>> -> memref<64x128xf32, #tpu.memory_space<vmem_shared>>
      %dma_wait3A_201 = arith.constant 0 : i32
      %dma_wait3A_202 = arith.constant 0 : i32
      %dma_wait3A_203 = tpu.memref_slice %arg8[%run_scoped3A_26, %dma_wait3A_201, %dma_wait3A_202] : memref<2x64x128xf32, #tpu.memory_space<vmem>> -> memref<1x64x128xf32, #tpu.memory_space<vmem>>
      %dma_wait3A_204 = tpu.memref_squeeze %dma_wait3A_203 : memref<1x64x128xf32, #tpu.memory_space<vmem>> -> memref<64x128xf32, #tpu.memory_space<vmem>>
      tpu.wait_dma2 semaphore(%run_scoped3A_180 : memref<!tpu.dma_semaphore, #tpu.memory_space<semaphore_mem>>) src(%dma_wait3A_204 : memref<64x128xf32, #tpu.memory_space<vmem>>) dst(%dma_wait3A_200 : memref<64x128xf32, #tpu.memory_space<vmem_shared>>)
      tpu.yield
    }) : () -> ()
    %add3A_27 = arith.constant 384 : i32
    %add3A_28 = arith.addi %mul3A_2, %add3A_27 : i32
    %run_scoped3A_29 = arith.constant 0 : i32
    "tpu.region"() ({
      %run_scoped3A_180 = tpu.sem_alloc : memref<!tpu.dma_semaphore, #tpu.memory_space<semaphore_mem>>
      %dma_start3A_181 = arith.constant 0 : i32
      %dma_start3A_182 = arith.constant 0 : i32
      %dma_start3A_183 = tpu.memref_slice %arg8[%run_scoped3A_29, %dma_start3A_181, %dma_start3A_182] : memref<2x64x128xf32, #tpu.memory_space<vmem>> -> memref<1x64x128xf32, #tpu.memory_space<vmem>>
      %dma_start3A_184 = tpu.memref_squeeze %dma_start3A_183 : memref<1x64x128xf32, #tpu.memory_space<vmem>> -> memref<64x128xf32, #tpu.memory_space<vmem>>
      %dma_start3A_185 = arith.constant 0 : i32
      %dma_start3A_186 = tpu.memref_slice %arg12[%add3A_28, %dma_start3A_185] : memref<10752x128xf32, #tpu.memory_space<vmem_shared>> -> memref<64x128xf32, #tpu.memory_space<vmem_shared>>
      %dma_start3A_187 = arith.constant 0 : i32
      %dma_start3A_188 = tpu.memref_slice %arg12[%add3A_28, %dma_start3A_187] : memref<10752x128xf32, #tpu.memory_space<vmem_shared>> -> memref<64x128xf32, #tpu.memory_space<vmem_shared>>
      %dma_start3A_189 = arith.constant 0 : i32
      %dma_start3A_190 = arith.constant 0 : i32
      %dma_start3A_191 = tpu.memref_slice %arg8[%run_scoped3A_29, %dma_start3A_189, %dma_start3A_190] : memref<2x64x128xf32, #tpu.memory_space<vmem>> -> memref<1x64x128xf32, #tpu.memory_space<vmem>>
      %dma_start3A_192 = tpu.memref_squeeze %dma_start3A_191 : memref<1x64x128xf32, #tpu.memory_space<vmem>> -> memref<64x128xf32, #tpu.memory_space<vmem>>
      tpu.enqueue_dma source(%dma_start3A_192 : memref<64x128xf32, #tpu.memory_space<vmem>>) target(%dma_start3A_188 : memref<64x128xf32, #tpu.memory_space<vmem_shared>>) target_semaphore(%run_scoped3A_180 : memref<!tpu.dma_semaphore, #tpu.memory_space<semaphore_mem>>)
      %dma_wait3A_193 = arith.constant 0 : i32
      %dma_wait3A_194 = arith.constant 0 : i32
      %dma_wait3A_195 = tpu.memref_slice %arg8[%run_scoped3A_29, %dma_wait3A_193, %dma_wait3A_194] : memref<2x64x128xf32, #tpu.memory_space<vmem>> -> memref<1x64x128xf32, #tpu.memory_space<vmem>>
      %dma_wait3A_196 = tpu.memref_squeeze %dma_wait3A_195 : memref<1x64x128xf32, #tpu.memory_space<vmem>> -> memref<64x128xf32, #tpu.memory_space<vmem>>
      %dma_wait3A_197 = arith.constant 0 : i32
      %dma_wait3A_198 = tpu.memref_slice %arg12[%add3A_28, %dma_wait3A_197] : memref<10752x128xf32, #tpu.memory_space<vmem_shared>> -> memref<64x128xf32, #tpu.memory_space<vmem_shared>>
      %dma_wait3A_199 = arith.constant 0 : i32
      %dma_wait3A_200 = tpu.memref_slice %arg12[%add3A_28, %dma_wait3A_199] : memref<10752x128xf32, #tpu.memory_space<vmem_shared>> -> memref<64x128xf32, #tpu.memory_space<vmem_shared>>
      %dma_wait3A_201 = arith.constant 0 : i32
      %dma_wait3A_202 = arith.constant 0 : i32
      %dma_wait3A_203 = tpu.memref_slice %arg8[%run_scoped3A_29, %dma_wait3A_201, %dma_wait3A_202] : memref<2x64x128xf32, #tpu.memory_space<vmem>> -> memref<1x64x128xf32, #tpu.memory_space<vmem>>
      %dma_wait3A_204 = tpu.memref_squeeze %dma_wait3A_203 : memref<1x64x128xf32, #tpu.memory_space<vmem>> -> memref<64x128xf32, #tpu.memory_space<vmem>>
      tpu.wait_dma2 semaphore(%run_scoped3A_180 : memref<!tpu.dma_semaphore, #tpu.memory_space<semaphore_mem>>) src(%dma_wait3A_204 : memref<64x128xf32, #tpu.memory_space<vmem>>) dst(%dma_wait3A_200 : memref<64x128xf32, #tpu.memory_space<vmem_shared>>)
      tpu.yield
    }) : () -> ()
    %add3A_30 = arith.constant 448 : i32
    %add3A_31 = arith.addi %mul3A_2, %add3A_30 : i32
    %run_scoped3A_32 = arith.constant 0 : i32
    "tpu.region"() ({
      %run_scoped3A_180 = tpu.sem_alloc : memref<!tpu.dma_semaphore, #tpu.memory_space<semaphore_mem>>
      %dma_start3A_181 = arith.constant 0 : i32
      %dma_start3A_182 = arith.constant 0 : i32
      %dma_start3A_183 = tpu.memref_slice %arg8[%run_scoped3A_32, %dma_start3A_181, %dma_start3A_182] : memref<2x64x128xf32, #tpu.memory_space<vmem>> -> memref<1x64x128xf32, #tpu.memory_space<vmem>>
      %dma_start3A_184 = tpu.memref_squeeze %dma_start3A_183 : memref<1x64x128xf32, #tpu.memory_space<vmem>> -> memref<64x128xf32, #tpu.memory_space<vmem>>
      %dma_start3A_185 = arith.constant 0 : i32
      %dma_start3A_186 = tpu.memref_slice %arg12[%add3A_31, %dma_start3A_185] : memref<10752x128xf32, #tpu.memory_space<vmem_shared>> -> memref<64x128xf32, #tpu.memory_space<vmem_shared>>
      %dma_start3A_187 = arith.constant 0 : i32
      %dma_start3A_188 = tpu.memref_slice %arg12[%add3A_31, %dma_start3A_187] : memref<10752x128xf32, #tpu.memory_space<vmem_shared>> -> memref<64x128xf32, #tpu.memory_space<vmem_shared>>
      %dma_start3A_189 = arith.constant 0 : i32
      %dma_start3A_190 = arith.constant 0 : i32
      %dma_start3A_191 = tpu.memref_slice %arg8[%run_scoped3A_32, %dma_start3A_189, %dma_start3A_190] : memref<2x64x128xf32, #tpu.memory_space<vmem>> -> memref<1x64x128xf32, #tpu.memory_space<vmem>>
      %dma_start3A_192 = tpu.memref_squeeze %dma_start3A_191 : memref<1x64x128xf32, #tpu.memory_space<vmem>> -> memref<64x128xf32, #tpu.memory_space<vmem>>
      tpu.enqueue_dma source(%dma_start3A_192 : memref<64x128xf32, #tpu.memory_space<vmem>>) target(%dma_start3A_188 : memref<64x128xf32, #tpu.memory_space<vmem_shared>>) target_semaphore(%run_scoped3A_180 : memref<!tpu.dma_semaphore, #tpu.memory_space<semaphore_mem>>)
      %dma_wait3A_193 = arith.constant 0 : i32
      %dma_wait3A_194 = arith.constant 0 : i32
      %dma_wait3A_195 = tpu.memref_slice %arg8[%run_scoped3A_32, %dma_wait3A_193, %dma_wait3A_194] : memref<2x64x128xf32, #tpu.memory_space<vmem>> -> memref<1x64x128xf32, #tpu.memory_space<vmem>>
      %dma_wait3A_196 = tpu.memref_squeeze %dma_wait3A_195 : memref<1x64x128xf32, #tpu.memory_space<vmem>> -> memref<64x128xf32, #tpu.memory_space<vmem>>
      %dma_wait3A_197 = arith.constant 0 : i32
      %dma_wait3A_198 = tpu.memref_slice %arg12[%add3A_31, %dma_wait3A_197] : memref<10752x128xf32, #tpu.memory_space<vmem_shared>> -> memref<64x128xf32, #tpu.memory_space<vmem_shared>>
      %dma_wait3A_199 = arith.constant 0 : i32
      %dma_wait3A_200 = tpu.memref_slice %arg12[%add3A_31, %dma_wait3A_199] : memref<10752x128xf32, #tpu.memory_space<vmem_shared>> -> memref<64x128xf32, #tpu.memory_space<vmem_shared>>
      %dma_wait3A_201 = arith.constant 0 : i32
      %dma_wait3A_202 = arith.constant 0 : i32
      %dma_wait3A_203 = tpu.memref_slice %arg8[%run_scoped3A_32, %dma_wait3A_201, %dma_wait3A_202] : memref<2x64x128xf32, #tpu.memory_space<vmem>> -> memref<1x64x128xf32, #tpu.memory_space<vmem>>
      %dma_wait3A_204 = tpu.memref_squeeze %dma_wait3A_203 : memref<1x64x128xf32, #tpu.memory_space<vmem>> -> memref<64x128xf32, #tpu.memory_space<vmem>>
      tpu.wait_dma2 semaphore(%run_scoped3A_180 : memref<!tpu.dma_semaphore, #tpu.memory_space<semaphore_mem>>) src(%dma_wait3A_204 : memref<64x128xf32, #tpu.memory_space<vmem>>) dst(%dma_wait3A_200 : memref<64x128xf32, #tpu.memory_space<vmem_shared>>)
      tpu.yield
    }) : () -> ()
    %add3A_33 = arith.constant 512 : i32
    %add3A_34 = arith.addi %mul3A_2, %add3A_33 : i32
    %run_scoped3A_35 = arith.constant 0 : i32
    "tpu.region"() ({
      %run_scoped3A_180 = tpu.sem_alloc : memref<!tpu.dma_semaphore, #tpu.memory_space<semaphore_mem>>
      %dma_start3A_181 = arith.constant 0 : i32
      %dma_start3A_182 = arith.constant 0 : i32
      %dma_start3A_183 = tpu.memref_slice %arg8[%run_scoped3A_35, %dma_start3A_181, %dma_start3A_182] : memref<2x64x128xf32, #tpu.memory_space<vmem>> -> memref<1x64x128xf32, #tpu.memory_space<vmem>>
      %dma_start3A_184 = tpu.memref_squeeze %dma_start3A_183 : memref<1x64x128xf32, #tpu.memory_space<vmem>> -> memref<64x128xf32, #tpu.memory_space<vmem>>
      %dma_start3A_185 = arith.constant 0 : i32
      %dma_start3A_186 = tpu.memref_slice %arg12[%add3A_34, %dma_start3A_185] : memref<10752x128xf32, #tpu.memory_space<vmem_shared>> -> memref<64x128xf32, #tpu.memory_space<vmem_shared>>
      %dma_start3A_187 = arith.constant 0 : i32
      %dma_start3A_188 = tpu.memref_slice %arg12[%add3A_34, %dma_start3A_187] : memref<10752x128xf32, #tpu.memory_space<vmem_shared>> -> memref<64x128xf32, #tpu.memory_space<vmem_shared>>
      %dma_start3A_189 = arith.constant 0 : i32
      %dma_start3A_190 = arith.constant 0 : i32
      %dma_start3A_191 = tpu.memref_slice %arg8[%run_scoped3A_35, %dma_start3A_189, %dma_start3A_190] : memref<2x64x128xf32, #tpu.memory_space<vmem>> -> memref<1x64x128xf32, #tpu.memory_space<vmem>>
      %dma_start3A_192 = tpu.memref_squeeze %dma_start3A_191 : memref<1x64x128xf32, #tpu.memory_space<vmem>> -> memref<64x128xf32, #tpu.memory_space<vmem>>
      tpu.enqueue_dma source(%dma_start3A_192 : memref<64x128xf32, #tpu.memory_space<vmem>>) target(%dma_start3A_188 : memref<64x128xf32, #tpu.memory_space<vmem_shared>>) target_semaphore(%run_scoped3A_180 : memref<!tpu.dma_semaphore, #tpu.memory_space<semaphore_mem>>)
      %dma_wait3A_193 = arith.constant 0 : i32
      %dma_wait3A_194 = arith.constant 0 : i32
      %dma_wait3A_195 = tpu.memref_slice %arg8[%run_scoped3A_35, %dma_wait3A_193, %dma_wait3A_194] : memref<2x64x128xf32, #tpu.memory_space<vmem>> -> memref<1x64x128xf32, #tpu.memory_space<vmem>>
      %dma_wait3A_196 = tpu.memref_squeeze %dma_wait3A_195 : memref<1x64x128xf32, #tpu.memory_space<vmem>> -> memref<64x128xf32, #tpu.memory_space<vmem>>
      %dma_wait3A_197 = arith.constant 0 : i32
      %dma_wait3A_198 = tpu.memref_slice %arg12[%add3A_34, %dma_wait3A_197] : memref<10752x128xf32, #tpu.memory_space<vmem_shared>> -> memref<64x128xf32, #tpu.memory_space<vmem_shared>>
      %dma_wait3A_199 = arith.constant 0 : i32
      %dma_wait3A_200 = tpu.memref_slice %arg12[%add3A_34, %dma_wait3A_199] : memref<10752x128xf32, #tpu.memory_space<vmem_shared>> -> memref<64x128xf32, #tpu.memory_space<vmem_shared>>
      %dma_wait3A_201 = arith.constant 0 : i32
      %dma_wait3A_202 = arith.constant 0 : i32
      %dma_wait3A_203 = tpu.memref_slice %arg8[%run_scoped3A_35, %dma_wait3A_201, %dma_wait3A_202] : memref<2x64x128xf32, #tpu.memory_space<vmem>> -> memref<1x64x128xf32, #tpu.memory_space<vmem>>
      %dma_wait3A_204 = tpu.memref_squeeze %dma_wait3A_203 : memref<1x64x128xf32, #tpu.memory_space<vmem>> -> memref<64x128xf32, #tpu.memory_space<vmem>>
      tpu.wait_dma2 semaphore(%run_scoped3A_180 : memref<!tpu.dma_semaphore, #tpu.memory_space<semaphore_mem>>) src(%dma_wait3A_204 : memref<64x128xf32, #tpu.memory_space<vmem>>) dst(%dma_wait3A_200 : memref<64x128xf32, #tpu.memory_space<vmem_shared>>)
      tpu.yield
    }) : () -> ()
    %add3A_36 = arith.constant 576 : i32
    %add3A_37 = arith.addi %mul3A_2, %add3A_36 : i32
    %run_scoped3A_38 = arith.constant 0 : i32
    "tpu.region"() ({
      %run_scoped3A_180 = tpu.sem_alloc : memref<!tpu.dma_semaphore, #tpu.memory_space<semaphore_mem>>
      %dma_start3A_181 = arith.constant 0 : i32
      %dma_start3A_182 = arith.constant 0 : i32
      %dma_start3A_183 = tpu.memref_slice %arg8[%run_scoped3A_38, %dma_start3A_181, %dma_start3A_182] : memref<2x64x128xf32, #tpu.memory_space<vmem>> -> memref<1x64x128xf32, #tpu.memory_space<vmem>>
      %dma_start3A_184 = tpu.memref_squeeze %dma_start3A_183 : memref<1x64x128xf32, #tpu.memory_space<vmem>> -> memref<64x128xf32, #tpu.memory_space<vmem>>
      %dma_start3A_185 = arith.constant 0 : i32
      %dma_start3A_186 = tpu.memref_slice %arg12[%add3A_37, %dma_start3A_185] : memref<10752x128xf32, #tpu.memory_space<vmem_shared>> -> memref<64x128xf32, #tpu.memory_space<vmem_shared>>
      %dma_start3A_187 = arith.constant 0 : i32
      %dma_start3A_188 = tpu.memref_slice %arg12[%add3A_37, %dma_start3A_187] : memref<10752x128xf32, #tpu.memory_space<vmem_shared>> -> memref<64x128xf32, #tpu.memory_space<vmem_shared>>
      %dma_start3A_189 = arith.constant 0 : i32
      %dma_start3A_190 = arith.constant 0 : i32
      %dma_start3A_191 = tpu.memref_slice %arg8[%run_scoped3A_38, %dma_start3A_189, %dma_start3A_190] : memref<2x64x128xf32, #tpu.memory_space<vmem>> -> memref<1x64x128xf32, #tpu.memory_space<vmem>>
      %dma_start3A_192 = tpu.memref_squeeze %dma_start3A_191 : memref<1x64x128xf32, #tpu.memory_space<vmem>> -> memref<64x128xf32, #tpu.memory_space<vmem>>
      tpu.enqueue_dma source(%dma_start3A_192 : memref<64x128xf32, #tpu.memory_space<vmem>>) target(%dma_start3A_188 : memref<64x128xf32, #tpu.memory_space<vmem_shared>>) target_semaphore(%run_scoped3A_180 : memref<!tpu.dma_semaphore, #tpu.memory_space<semaphore_mem>>)
      %dma_wait3A_193 = arith.constant 0 : i32
      %dma_wait3A_194 = arith.constant 0 : i32
      %dma_wait3A_195 = tpu.memref_slice %arg8[%run_scoped3A_38, %dma_wait3A_193, %dma_wait3A_194] : memref<2x64x128xf32, #tpu.memory_space<vmem>> -> memref<1x64x128xf32, #tpu.memory_space<vmem>>
      %dma_wait3A_196 = tpu.memref_squeeze %dma_wait3A_195 : memref<1x64x128xf32, #tpu.memory_space<vmem>> -> memref<64x128xf32, #tpu.memory_space<vmem>>
      %dma_wait3A_197 = arith.constant 0 : i32
      %dma_wait3A_198 = tpu.memref_slice %arg12[%add3A_37, %dma_wait3A_197] : memref<10752x128xf32, #tpu.memory_space<vmem_shared>> -> memref<64x128xf32, #tpu.memory_space<vmem_shared>>
      %dma_wait3A_199 = arith.constant 0 : i32
      %dma_wait3A_200 = tpu.memref_slice %arg12[%add3A_37, %dma_wait3A_199] : memref<10752x128xf32, #tpu.memory_space<vmem_shared>> -> memref<64x128xf32, #tpu.memory_space<vmem_shared>>
      %dma_wait3A_201 = arith.constant 0 : i32
      %dma_wait3A_202 = arith.constant 0 : i32
      %dma_wait3A_203 = tpu.memref_slice %arg8[%run_scoped3A_38, %dma_wait3A_201, %dma_wait3A_202] : memref<2x64x128xf32, #tpu.memory_space<vmem>> -> memref<1x64x128xf32, #tpu.memory_space<vmem>>
      %dma_wait3A_204 = tpu.memref_squeeze %dma_wait3A_203 : memref<1x64x128xf32, #tpu.memory_space<vmem>> -> memref<64x128xf32, #tpu.memory_space<vmem>>
      tpu.wait_dma2 semaphore(%run_scoped3A_180 : memref<!tpu.dma_semaphore, #tpu.memory_space<semaphore_mem>>) src(%dma_wait3A_204 : memref<64x128xf32, #tpu.memory_space<vmem>>) dst(%dma_wait3A_200 : memref<64x128xf32, #tpu.memory_space<vmem_shared>>)
      tpu.yield
    }) : () -> ()
    %add3A_39 = arith.constant 640 : i32
    %add3A_40 = arith.addi %mul3A_2, %add3A_39 : i32
    %run_scoped3A_41 = arith.constant 0 : i32
    "tpu.region"() ({
      %run_scoped3A_180 = tpu.sem_alloc : memref<!tpu.dma_semaphore, #tpu.memory_space<semaphore_mem>>
      %dma_start3A_181 = arith.constant 0 : i32
      %dma_start3A_182 = arith.constant 0 : i32
      %dma_start3A_183 = tpu.memref_slice %arg8[%run_scoped3A_41, %dma_start3A_181, %dma_start3A_182] : memref<2x64x128xf32, #tpu.memory_space<vmem>> -> memref<1x32x128xf32, #tpu.memory_space<vmem>>
      %dma_start3A_184 = tpu.memref_squeeze %dma_start3A_183 : memref<1x32x128xf32, #tpu.memory_space<vmem>> -> memref<32x128xf32, #tpu.memory_space<vmem>>
      %dma_start3A_185 = arith.constant 0 : i32
      %dma_start3A_186 = tpu.memref_slice %arg12[%add3A_40, %dma_start3A_185] : memref<10752x128xf32, #tpu.memory_space<vmem_shared>> -> memref<32x128xf32, #tpu.memory_space<vmem_shared>>
      %dma_start3A_187 = arith.constant 0 : i32
      %dma_start3A_188 = tpu.memref_slice %arg12[%add3A_40, %dma_start3A_187] : memref<10752x128xf32, #tpu.memory_space<vmem_shared>> -> memref<32x128xf32, #tpu.memory_space<vmem_shared>>
      %dma_start3A_189 = arith.constant 0 : i32
      %dma_start3A_190 = arith.constant 0 : i32
      %dma_start3A_191 = tpu.memref_slice %arg8[%run_scoped3A_41, %dma_start3A_189, %dma_start3A_190] : memref<2x64x128xf32, #tpu.memory_space<vmem>> -> memref<1x32x128xf32, #tpu.memory_space<vmem>>
      %dma_start3A_192 = tpu.memref_squeeze %dma_start3A_191 : memref<1x32x128xf32, #tpu.memory_space<vmem>> -> memref<32x128xf32, #tpu.memory_space<vmem>>
      tpu.enqueue_dma source(%dma_start3A_192 : memref<32x128xf32, #tpu.memory_space<vmem>>) target(%dma_start3A_188 : memref<32x128xf32, #tpu.memory_space<vmem_shared>>) target_semaphore(%run_scoped3A_180 : memref<!tpu.dma_semaphore, #tpu.memory_space<semaphore_mem>>)
      %dma_wait3A_193 = arith.constant 0 : i32
      %dma_wait3A_194 = arith.constant 0 : i32
      %dma_wait3A_195 = tpu.memref_slice %arg8[%run_scoped3A_41, %dma_wait3A_193, %dma_wait3A_194] : memref<2x64x128xf32, #tpu.memory_space<vmem>> -> memref<1x32x128xf32, #tpu.memory_space<vmem>>
      %dma_wait3A_196 = tpu.memref_squeeze %dma_wait3A_195 : memref<1x32x128xf32, #tpu.memory_space<vmem>> -> memref<32x128xf32, #tpu.memory_space<vmem>>
      %dma_wait3A_197 = arith.constant 0 : i32
      %dma_wait3A_198 = tpu.memref_slice %arg12[%add3A_40, %dma_wait3A_197] : memref<10752x128xf32, #tpu.memory_space<vmem_shared>> -> memref<32x128xf32, #tpu.memory_space<vmem_shared>>
      %dma_wait3A_199 = arith.constant 0 : i32
      %dma_wait3A_200 = tpu.memref_slice %arg12[%add3A_40, %dma_wait3A_199] : memref<10752x128xf32, #tpu.memory_space<vmem_shared>> -> memref<32x128xf32, #tpu.memory_space<vmem_shared>>
      %dma_wait3A_201 = arith.constant 0 : i32
      %dma_wait3A_202 = arith.constant 0 : i32
      %dma_wait3A_203 = tpu.memref_slice %arg8[%run_scoped3A_41, %dma_wait3A_201, %dma_wait3A_202] : memref<2x64x128xf32, #tpu.memory_space<vmem>> -> memref<1x32x128xf32, #tpu.memory_space<vmem>>
      %dma_wait3A_204 = tpu.memref_squeeze %dma_wait3A_203 : memref<1x32x128xf32, #tpu.memory_space<vmem>> -> memref<32x128xf32, #tpu.memory_space<vmem>>
      tpu.wait_dma2 semaphore(%run_scoped3A_180 : memref<!tpu.dma_semaphore, #tpu.memory_space<semaphore_mem>>) src(%dma_wait3A_204 : memref<32x128xf32, #tpu.memory_space<vmem>>) dst(%dma_wait3A_200 : memref<32x128xf32, #tpu.memory_space<vmem_shared>>)
      tpu.yield
    }) : () -> ()
    "tpu.region"() ({
      %run_scoped3A_180 = tpu.sem_alloc : memref<!tpu.dma_semaphore, #tpu.memory_space<semaphore_mem>>
      tpu.enqueue_dma source(%arg4 : memref<128xf32, #tpu.memory_space<hbm>>) target(%arg11 : memref<128xf32, #tpu.memory_space<vmem>>) target_semaphore(%run_scoped3A_180 : memref<!tpu.dma_semaphore, #tpu.memory_space<semaphore_mem>>)
      tpu.wait_dma2 semaphore(%run_scoped3A_180 : memref<!tpu.dma_semaphore, #tpu.memory_space<semaphore_mem>>) src(%arg4 : memref<128xf32, #tpu.memory_space<hbm>>) dst(%arg11 : memref<128xf32, #tpu.memory_space<vmem>>)
      tpu.yield
    }) : () -> ()
    %get3A = arith.constant 0 : index
    %get3A_42 = tpu.vector_load %arg11[%get3A] {strides = array<i32>} : memref<128xf32, #tpu.memory_space<vmem>>, vector<16xf32>,
    %get3A_43 = vector.shape_cast %get3A_42 : vector<16xf32> to vector<16xf32>
    %get3A_44 = arith.constant 16 : index
    %get3A_45 = tpu.vector_load %arg11[%get3A_44] {strides = array<i32>} : memref<128xf32, #tpu.memory_space<vmem>>, vector<16xf32>,
    %get3A_46 = vector.shape_cast %get3A_45 : vector<16xf32> to vector<16xf32>
    %get3A_47 = arith.constant 32 : index
    %get3A_48 = tpu.vector_load %arg11[%get3A_47] {strides = array<i32>} : memref<128xf32, #tpu.memory_space<vmem>>, vector<16xf32>,
    %get3A_49 = vector.shape_cast %get3A_48 : vector<16xf32> to vector<16xf32>
    %get3A_50 = arith.constant 48 : index
    %get3A_51 = tpu.vector_load %arg11[%get3A_50] {strides = array<i32>} : memref<128xf32, #tpu.memory_space<vmem>>, vector<16xf32>,
    %get3A_52 = vector.shape_cast %get3A_51 : vector<16xf32> to vector<16xf32>
    %get3A_53 = arith.constant 64 : index
    %get3A_54 = tpu.vector_load %arg11[%get3A_53] {strides = array<i32>} : memref<128xf32, #tpu.memory_space<vmem>>, vector<16xf32>,
    %get3A_55 = vector.shape_cast %get3A_54 : vector<16xf32> to vector<16xf32>
    %get3A_56 = arith.constant 80 : index
    %get3A_57 = tpu.vector_load %arg11[%get3A_56] {strides = array<i32>} : memref<128xf32, #tpu.memory_space<vmem>>, vector<16xf32>,
    %get3A_58 = vector.shape_cast %get3A_57 : vector<16xf32> to vector<16xf32>
    %get3A_59 = arith.constant 96 : index
    %get3A_60 = tpu.vector_load %arg11[%get3A_59] {strides = array<i32>} : memref<128xf32, #tpu.memory_space<vmem>>, vector<16xf32>,
    %get3A_61 = vector.shape_cast %get3A_60 : vector<16xf32> to vector<16xf32>
    %get3A_62 = arith.constant 112 : index
    %get3A_63 = tpu.vector_load %arg11[%get3A_62] {strides = array<i32>} : memref<128xf32, #tpu.memory_space<vmem>>, vector<16xf32>,
    %get3A_64 = vector.shape_cast %get3A_63 : vector<16xf32> to vector<16xf32>
    %iota3A = tpu.iota {dimensions = array<i32: 0>} : vector<16xi32>
    %xor3A = arith.constant 1 : i32
    %xor3A_65 = vector.broadcast %xor3A : i32 to vector<16xi32>
    %xor3A_66 = arith.xori %iota3A, %xor3A_65 : vector<16xi32>
    %xor3A_67 = arith.constant 2 : i32
    %xor3A_68 = vector.broadcast %xor3A_67 : i32 to vector<16xi32>
    %xor3A_69 = arith.xori %iota3A, %xor3A_68 : vector<16xi32>
    %xor3A_70 = arith.constant 4 : i32
    %xor3A_71 = vector.broadcast %xor3A_70 : i32 to vector<16xi32>
    %xor3A_72 = arith.xori %iota3A, %xor3A_71 : vector<16xi32>
    %xor3A_73 = arith.constant 8 : i32
    %xor3A_74 = vector.broadcast %xor3A_73 : i32 to vector<16xi32>
    %xor3A_75 = arith.xori %iota3A, %xor3A_74 : vector<16xi32>
    %barrier3A = arith.constant 0 : index
    tpu.barrier barrier_id(%barrier3A)
    %run_scoped3A_76 = arith.constant 0 : i32
    %run_scoped3A_77 = arith.constant 0 : i32
    "tpu.region"() ({
      %run_scoped3A_180 = tpu.sem_alloc : memref<!tpu.dma_semaphore, #tpu.memory_space<semaphore_mem>>
      %dma_start3A_181 = arith.constant 0 : i32
      %dma_start3A_182 = arith.constant 0 : i32
      %dma_start3A_183 = tpu.memref_slice %arg7[%run_scoped3A_77, %dma_start3A_181, %dma_start3A_182] : memref<2x4x64xi32, #tpu.memory_space<vmem>> -> memref<1x4x64xi32, #tpu.memory_space<vmem>>
      %dma_start3A_184 = tpu.memref_squeeze %dma_start3A_183 : memref<1x4x64xi32, #tpu.memory_space<vmem>> -> memref<4x64xi32, #tpu.memory_space<vmem>>
      %dma_start3A_185 = arith.constant 0 : i32
      %dma_start3A_186 = arith.constant 0 : i32
      %dma_start3A_187 = tpu.memref_slice %arg5[%add3A, %run_scoped3A_76, %dma_start3A_185, %dma_start3A_186] : memref<32x163x4x64xi32, #tpu.memory_space<hbm>> -> memref<1x1x4x64xi32, #tpu.memory_space<hbm>>
      %dma_start3A_188 = tpu.memref_squeeze %dma_start3A_187 : memref<1x1x4x64xi32, #tpu.memory_space<hbm>> -> memref<4x64xi32, #tpu.memory_space<hbm>>
      %dma_start3A_189 = arith.constant 0 : i32
      %dma_start3A_190 = arith.constant 0 : i32
      %dma_start3A_191 = tpu.memref_slice %arg7[%run_scoped3A_77, %dma_start3A_189, %dma_start3A_190] : memref<2x4x64xi32, #tpu.memory_space<vmem>> -> memref<1x4x64xi32, #tpu.memory_space<vmem>>
      %dma_start3A_192 = tpu.memref_squeeze %dma_start3A_191 : memref<1x4x64xi32, #tpu.memory_space<vmem>> -> memref<4x64xi32, #tpu.memory_space<vmem>>
      %dma_start3A_193 = arith.constant 0 : i32
      %dma_start3A_194 = arith.constant 0 : i32
      %dma_start3A_195 = tpu.memref_slice %arg5[%add3A, %run_scoped3A_76, %dma_start3A_193, %dma_start3A_194] : memref<32x163x4x64xi32, #tpu.memory_space<hbm>> -> memref<1x1x4x64xi32, #tpu.memory_space<hbm>>
      %dma_start3A_196 = tpu.memref_squeeze %dma_start3A_195 : memref<1x1x4x64xi32, #tpu.memory_space<hbm>> -> memref<4x64xi32, #tpu.memory_space<hbm>>
      tpu.enqueue_dma source(%dma_start3A_196 : memref<4x64xi32, #tpu.memory_space<hbm>>) target(%dma_start3A_192 : memref<4x64xi32, #tpu.memory_space<vmem>>) target_semaphore(%run_scoped3A_180 : memref<!tpu.dma_semaphore, #tpu.memory_space<semaphore_mem>>)
      %dma_wait3A_197 = arith.constant 0 : i32
      %dma_wait3A_198 = arith.constant 0 : i32
      %dma_wait3A_199 = tpu.memref_slice %arg7[%run_scoped3A_77, %dma_wait3A_197, %dma_wait3A_198] : memref<2x4x64xi32, #tpu.memory_space<vmem>> -> memref<1x4x64xi32, #tpu.memory_space<vmem>>
      %dma_wait3A_200 = tpu.memref_squeeze %dma_wait3A_199 : memref<1x4x64xi32, #tpu.memory_space<vmem>> -> memref<4x64xi32, #tpu.memory_space<vmem>>
      %dma_wait3A_201 = arith.constant 0 : i32
      %dma_wait3A_202 = arith.constant 0 : i32
      %dma_wait3A_203 = tpu.memref_slice %arg5[%add3A, %run_scoped3A_76, %dma_wait3A_201, %dma_wait3A_202] : memref<32x163x4x64xi32, #tpu.memory_space<hbm>> -> memref<1x1x4x64xi32, #tpu.memory_space<hbm>>
      %dma_wait3A_204 = tpu.memref_squeeze %dma_wait3A_203 : memref<1x1x4x64xi32, #tpu.memory_space<hbm>> -> memref<4x64xi32, #tpu.memory_space<hbm>>
      %dma_wait3A_205 = arith.constant 0 : i32
      %dma_wait3A_206 = arith.constant 0 : i32
      %dma_wait3A_207 = tpu.memref_slice %arg7[%run_scoped3A_77, %dma_wait3A_205, %dma_wait3A_206] : memref<2x4x64xi32, #tpu.memory_space<vmem>> -> memref<1x4x64xi32, #tpu.memory_space<vmem>>
      %dma_wait3A_208 = tpu.memref_squeeze %dma_wait3A_207 : memref<1x4x64xi32, #tpu.memory_space<vmem>> -> memref<4x64xi32, #tpu.memory_space<vmem>>
      %dma_wait3A_209 = arith.constant 0 : i32
      %dma_wait3A_210 = arith.constant 0 : i32
      %dma_wait3A_211 = tpu.memref_slice %arg5[%add3A, %run_scoped3A_76, %dma_wait3A_209, %dma_wait3A_210] : memref<32x163x4x64xi32, #tpu.memory_space<hbm>> -> memref<1x1x4x64xi32, #tpu.memory_space<hbm>>
      %dma_wait3A_212 = tpu.memref_squeeze %dma_wait3A_211 : memref<1x1x4x64xi32, #tpu.memory_space<hbm>> -> memref<4x64xi32, #tpu.memory_space<hbm>>
      tpu.wait_dma2 semaphore(%run_scoped3A_180 : memref<!tpu.dma_semaphore, #tpu.memory_space<semaphore_mem>>) src(%dma_wait3A_212 : memref<4x64xi32, #tpu.memory_space<hbm>>) dst(%dma_wait3A_208 : memref<4x64xi32, #tpu.memory_space<vmem>>)
      tpu.yield
    }) : () -> ()
    %dma_start3A = arith.constant 0 : i32
    %dma_start3A_78 = arith.constant 0 : i32
    %dma_start3A_79 = arith.constant 0 : i32
    %dma_start3A_80 = arith.constant 0 : i32
    %dma_start3A_81 = arith.constant 0 : i32
    %dma_start3A_82 = tpu.memref_slice %arg8[%dma_start3A_79, %dma_start3A_80, %dma_start3A_81] : memref<2x64x128xf32, #tpu.memory_space<vmem>> -> memref<1x64x128xf32, #tpu.memory_space<vmem>>
    %dma_start3A_83 = tpu.memref_squeeze %dma_start3A_82 : memref<1x64x128xf32, #tpu.memory_space<vmem>> -> memref<64x128xf32, #tpu.memory_space<vmem>>
    %dma_start3A_84 = arith.constant 0 : i32
    %dma_start3A_85 = tpu.memref_slice %arg7[%dma_start3A, %dma_start3A_78, %dma_start3A_84] : memref<2x4x64xi32, #tpu.memory_space<vmem>> -> memref<1x1x64xi32, #tpu.memory_space<vmem>>
    %dma_start3A_86 = tpu.memref_squeeze %dma_start3A_85 : memref<1x1x64xi32, #tpu.memory_space<vmem>> -> memref<64xi32, #tpu.memory_space<vmem>>
    %dma_start3A_87 = arith.constant 0 : i32
    %dma_start3A_88 = arith.constant 0 : i32
    %dma_start3A_89 = tpu.memref_slice %arg2[%dma_start3A_87, %dma_start3A_88] : memref<10000x128xf32, #tpu.memory_space<hbm>> -> memref<10000x128xf32, #tpu.memory_space<hbm>>
    tpu.enqueue_indirect_dma source(%dma_start3A_89 : memref<10000x128xf32, #tpu.memory_space<hbm>>) target(%dma_start3A_83 : memref<64x128xf32, #tpu.memory_space<vmem>>) offsets(%dma_start3A_86 : memref<64xi32, #tpu.memory_space<vmem>>) semaphore(%arg13 : memref<!tpu.dma_semaphore, #tpu.memory_space<semaphore_mem>>)
    %dma_start3A_90 = arith.constant 0 : i32
    %dma_start3A_91 = arith.constant 1 : i32
    %dma_start3A_92 = arith.constant 0 : i32
    %dma_start3A_93 = arith.constant 0 : i32
    %dma_start3A_94 = arith.constant 0 : i32
    %dma_start3A_95 = tpu.memref_slice %arg9[%dma_start3A_92, %dma_start3A_93, %dma_start3A_94] : memref<2x64x128xf32, #tpu.memory_space<vmem>> -> memref<1x64x128xf32, #tpu.memory_space<vmem>>
    %dma_start3A_96 = tpu.memref_squeeze %dma_start3A_95 : memref<1x64x128xf32, #tpu.memory_space<vmem>> -> memref<64x128xf32, #tpu.memory_space<vmem>>
    %dma_start3A_97 = arith.constant 0 : i32
    %dma_start3A_98 = tpu.memref_slice %arg7[%dma_start3A_90, %dma_start3A_91, %dma_start3A_97] : memref<2x4x64xi32, #tpu.memory_space<vmem>> -> memref<1x1x64xi32, #tpu.memory_space<vmem>>
    %dma_start3A_99 = tpu.memref_squeeze %dma_start3A_98 : memref<1x1x64xi32, #tpu.memory_space<vmem>> -> memref<64xi32, #tpu.memory_space<vmem>>
    %dma_start3A_100 = arith.constant 0 : i32
    %dma_start3A_101 = arith.constant 0 : i32
    %dma_start3A_102 = tpu.memref_slice %arg3[%dma_start3A_100, %dma_start3A_101] : memref<10000x128xf32, #tpu.memory_space<hbm>> -> memref<10000x128xf32, #tpu.memory_space<hbm>>
    tpu.enqueue_indirect_dma source(%dma_start3A_102 : memref<10000x128xf32, #tpu.memory_space<hbm>>) target(%dma_start3A_96 : memref<64x128xf32, #tpu.memory_space<vmem>>) offsets(%dma_start3A_99 : memref<64xi32, #tpu.memory_space<vmem>>) semaphore(%arg13 : memref<!tpu.dma_semaphore, #tpu.memory_space<semaphore_mem>>)
    %scan3A_103 = arith.constant 0 : i32
    %scan3A_104 = arith.constant 0 : i32
    %scan3A_105 = arith.constant 81 : i32
    %scan3A_106 = arith.addi %scan3A_104, %scan3A_105 : i32
    %scan3A_107 = arith.constant 1 : i32
    %scan3A_108 = scf.for %scan3A_180 = %scan3A_104 to %scan3A_106 step %scan3A_107 iter_args(%scan3A_181 = %scan3A_103) -> (i32)  : i32 {
      %mul3A_182 = arith.constant 2 : i32
      %mul3A_183 = arith.muli %mul3A_182, %scan3A_180 : i32
      %add3A_184 = arith.constant 0 : i32
      %add3A_185 = arith.addi %mul3A_183, %add3A_184 : i32
      %add3A_186 = arith.constant 1 : i32
      %add3A_187 = arith.addi %add3A_185, %add3A_186 : i32
      %run_scoped3A_188 = arith.constant 1 : i32
      "tpu.region"() ({
        %run_scoped3A_505 = tpu.sem_alloc : memref<!tpu.dma_semaphore, #tpu.memory_space<semaphore_mem>>
        %dma_start3A_506 = arith.constant 0 : i32
        %dma_start3A_507 = arith.constant 0 : i32
        %dma_start3A_508 = tpu.memref_slice %arg7[%run_scoped3A_188, %dma_start3A_506, %dma_start3A_507] : memref<2x4x64xi32, #tpu.memory_space<vmem>> -> memref<1x4x64xi32, #tpu.memory_space<vmem>>
        %dma_start3A_509 = tpu.memref_squeeze %dma_start3A_508 : memref<1x4x64xi32, #tpu.memory_space<vmem>> -> memref<4x64xi32, #tpu.memory_space<vmem>>
        %dma_start3A_510 = arith.constant 0 : i32
        %dma_start3A_511 = arith.constant 0 : i32
        %dma_start3A_512 = tpu.memref_slice %arg5[%add3A, %add3A_187, %dma_start3A_510, %dma_start3A_511] : memref<32x163x4x64xi32, #tpu.memory_space<hbm>> -> memref<1x1x4x64xi32, #tpu.memory_space<hbm>>
        %dma_start3A_513 = tpu.memref_squeeze %dma_start3A_512 : memref<1x1x4x64xi32, #tpu.memory_space<hbm>> -> memref<4x64xi32, #tpu.memory_space<hbm>>
        %dma_start3A_514 = arith.constant 0 : i32
        %dma_start3A_515 = arith.constant 0 : i32
        %dma_start3A_516 = tpu.memref_slice %arg7[%run_scoped3A_188, %dma_start3A_514, %dma_start3A_515] : memref<2x4x64xi32, #tpu.memory_space<vmem>> -> memref<1x4x64xi32, #tpu.memory_space<vmem>>
        %dma_start3A_517 = tpu.memref_squeeze %dma_start3A_516 : memref<1x4x64xi32, #tpu.memory_space<vmem>> -> memref<4x64xi32, #tpu.memory_space<vmem>>
        %dma_start3A_518 = arith.constant 0 : i32
        %dma_start3A_519 = arith.constant 0 : i32
        %dma_start3A_520 = tpu.memref_slice %arg5[%add3A, %add3A_187, %dma_start3A_518, %dma_start3A_519] : memref<32x163x4x64xi32, #tpu.memory_space<hbm>> -> memref<1x1x4x64xi32, #tpu.memory_space<hbm>>
        %dma_start3A_521 = tpu.memref_squeeze %dma_start3A_520 : memref<1x1x4x64xi32, #tpu.memory_space<hbm>> -> memref<4x64xi32, #tpu.memory_space<hbm>>
        tpu.enqueue_dma source(%dma_start3A_521 : memref<4x64xi32, #tpu.memory_space<hbm>>) target(%dma_start3A_517 : memref<4x64xi32, #tpu.memory_space<vmem>>) target_semaphore(%run_scoped3A_505 : memref<!tpu.dma_semaphore, #tpu.memory_space<semaphore_mem>>)
        %dma_wait3A_522 = arith.constant 0 : i32
        %dma_wait3A_523 = arith.constant 0 : i32
        %dma_wait3A_524 = tpu.memref_slice %arg7[%run_scoped3A_188, %dma_wait3A_522, %dma_wait3A_523] : memref<2x4x64xi32, #tpu.memory_space<vmem>> -> memref<1x4x64xi32, #tpu.memory_space<vmem>>
        %dma_wait3A_525 = tpu.memref_squeeze %dma_wait3A_524 : memref<1x4x64xi32, #tpu.memory_space<vmem>> -> memref<4x64xi32, #tpu.memory_space<vmem>>
        %dma_wait3A_526 = arith.constant 0 : i32
        %dma_wait3A_527 = arith.constant 0 : i32
        %dma_wait3A_528 = tpu.memref_slice %arg5[%add3A, %add3A_187, %dma_wait3A_526, %dma_wait3A_527] : memref<32x163x4x64xi32, #tpu.memory_space<hbm>> -> memref<1x1x4x64xi32, #tpu.memory_space<hbm>>
        %dma_wait3A_529 = tpu.memref_squeeze %dma_wait3A_528 : memref<1x1x4x64xi32, #tpu.memory_space<hbm>> -> memref<4x64xi32, #tpu.memory_space<hbm>>
        %dma_wait3A_530 = arith.constant 0 : i32
        %dma_wait3A_531 = arith.constant 0 : i32
        %dma_wait3A_532 = tpu.memref_slice %arg7[%run_scoped3A_188, %dma_wait3A_530, %dma_wait3A_531] : memref<2x4x64xi32, #tpu.memory_space<vmem>> -> memref<1x4x64xi32, #tpu.memory_space<vmem>>
        %dma_wait3A_533 = tpu.memref_squeeze %dma_wait3A_532 : memref<1x4x64xi32, #tpu.memory_space<vmem>> -> memref<4x64xi32, #tpu.memory_space<vmem>>
        %dma_wait3A_534 = arith.constant 0 : i32
        %dma_wait3A_535 = arith.constant 0 : i32
        %dma_wait3A_536 = tpu.memref_slice %arg5[%add3A, %add3A_187, %dma_wait3A_534, %dma_wait3A_535] : memref<32x163x4x64xi32, #tpu.memory_space<hbm>> -> memref<1x1x4x64xi32, #tpu.memory_space<hbm>>
        %dma_wait3A_537 = tpu.memref_squeeze %dma_wait3A_536 : memref<1x1x4x64xi32, #tpu.memory_space<hbm>> -> memref<4x64xi32, #tpu.memory_space<hbm>>
        tpu.wait_dma2 semaphore(%run_scoped3A_505 : memref<!tpu.dma_semaphore, #tpu.memory_space<semaphore_mem>>) src(%dma_wait3A_537 : memref<4x64xi32, #tpu.memory_space<hbm>>) dst(%dma_wait3A_533 : memref<4x64xi32, #tpu.memory_space<vmem>>)
        tpu.yield
      }) : () -> ()
      %dma_start3A_189 = arith.constant 1 : i32
      %dma_start3A_190 = arith.constant 0 : i32
      %dma_start3A_191 = arith.constant 1 : i32
      %dma_start3A_192 = arith.constant 0 : i32
      %dma_start3A_193 = arith.constant 0 : i32
      %dma_start3A_194 = tpu.memref_slice %arg8[%dma_start3A_191, %dma_start3A_192, %dma_start3A_193] : memref<2x64x128xf32, #tpu.memory_space<vmem>> -> memref<1x64x128xf32, #tpu.memory_space<vmem>>
      %dma_start3A_195 = tpu.memref_squeeze %dma_start3A_194 : memref<1x64x128xf32, #tpu.memory_space<vmem>> -> memref<64x128xf32, #tpu.memory_space<vmem>>
      %dma_start3A_196 = arith.constant 0 : i32
      %dma_start3A_197 = tpu.memref_slice %arg7[%dma_start3A_189, %dma_start3A_190, %dma_start3A_196] : memref<2x4x64xi32, #tpu.memory_space<vmem>> -> memref<1x1x64xi32, #tpu.memory_space<vmem>>
      %dma_start3A_198 = tpu.memref_squeeze %dma_start3A_197 : memref<1x1x64xi32, #tpu.memory_space<vmem>> -> memref<64xi32, #tpu.memory_space<vmem>>
      %dma_start3A_199 = arith.constant 0 : i32
      %dma_start3A_200 = arith.constant 0 : i32
      %dma_start3A_201 = tpu.memref_slice %arg2[%dma_start3A_199, %dma_start3A_200] : memref<10000x128xf32, #tpu.memory_space<hbm>> -> memref<10000x128xf32, #tpu.memory_space<hbm>>
      tpu.enqueue_indirect_dma source(%dma_start3A_201 : memref<10000x128xf32, #tpu.memory_space<hbm>>) target(%dma_start3A_195 : memref<64x128xf32, #tpu.memory_space<vmem>>) offsets(%dma_start3A_198 : memref<64xi32, #tpu.memory_space<vmem>>) semaphore(%arg14 : memref<!tpu.dma_semaphore, #tpu.memory_space<semaphore_mem>>)
      %dma_start3A_202 = arith.constant 1 : i32
      %dma_start3A_203 = arith.constant 1 : i32
      %dma_start3A_204 = arith.constant 1 : i32
      %dma_start3A_205 = arith.constant 0 : i32
      %dma_start3A_206 = arith.constant 0 : i32
      %dma_start3A_207 = tpu.memref_slice %arg9[%dma_start3A_204, %dma_start3A_205, %dma_start3A_206] : memref<2x64x128xf32, #tpu.memory_space<vmem>> -> memref<1x64x128xf32, #tpu.memory_space<vmem>>
      %dma_start3A_208 = tpu.memref_squeeze %dma_start3A_207 : memref<1x64x128xf32, #tpu.memory_space<vmem>> -> memref<64x128xf32, #tpu.memory_space<vmem>>
      %dma_start3A_209 = arith.constant 0 : i32
      %dma_start3A_210 = tpu.memref_slice %arg7[%dma_start3A_202, %dma_start3A_203, %dma_start3A_209] : memref<2x4x64xi32, #tpu.memory_space<vmem>> -> memref<1x1x64xi32, #tpu.memory_space<vmem>>
      %dma_start3A_211 = tpu.memref_squeeze %dma_start3A_210 : memref<1x1x64xi32, #tpu.memory_space<vmem>> -> memref<64xi32, #tpu.memory_space<vmem>>
      %dma_start3A_212 = arith.constant 0 : i32
      %dma_start3A_213 = arith.constant 0 : i32
      %dma_start3A_214 = tpu.memref_slice %arg3[%dma_start3A_212, %dma_start3A_213] : memref<10000x128xf32, #tpu.memory_space<hbm>> -> memref<10000x128xf32, #tpu.memory_space<hbm>>
      tpu.enqueue_indirect_dma source(%dma_start3A_214 : memref<10000x128xf32, #tpu.memory_space<hbm>>) target(%dma_start3A_208 : memref<64x128xf32, #tpu.memory_space<vmem>>) offsets(%dma_start3A_211 : memref<64xi32, #tpu.memory_space<vmem>>) semaphore(%arg14 : memref<!tpu.dma_semaphore, #tpu.memory_space<semaphore_mem>>)
      %dma_wait3A_215 = arith.constant 0 : i32
      %dma_wait3A_216 = arith.constant 0 : i32
      %dma_wait3A_217 = arith.constant 0 : i32
      %dma_wait3A_218 = arith.constant 0 : i32
      %dma_wait3A_219 = arith.constant 0 : i32
      %dma_wait3A_220 = tpu.memref_slice %arg8[%dma_wait3A_217, %dma_wait3A_218, %dma_wait3A_219] : memref<2x64x128xf32, #tpu.memory_space<vmem>> -> memref<1x64x128xf32, #tpu.memory_space<vmem>>
      %dma_wait3A_221 = tpu.memref_squeeze %dma_wait3A_220 : memref<1x64x128xf32, #tpu.memory_space<vmem>> -> memref<64x128xf32, #tpu.memory_space<vmem>>
      %dma_wait3A_222 = arith.constant 0 : i32
      %dma_wait3A_223 = tpu.memref_slice %arg7[%dma_wait3A_215, %dma_wait3A_216, %dma_wait3A_222] : memref<2x4x64xi32, #tpu.memory_space<vmem>> -> memref<1x1x64xi32, #tpu.memory_space<vmem>>
      %dma_wait3A_224 = tpu.memref_squeeze %dma_wait3A_223 : memref<1x1x64xi32, #tpu.memory_space<vmem>> -> memref<64xi32, #tpu.memory_space<vmem>>
      %dma_wait3A_225 = arith.constant 0 : i32
      %dma_wait3A_226 = arith.constant 0 : i32
      %dma_wait3A_227 = tpu.memref_slice %arg2[%dma_wait3A_225, %dma_wait3A_226] : memref<10000x128xf32, #tpu.memory_space<hbm>> -> memref<10000x128xf32, #tpu.memory_space<hbm>>
      tpu.wait_indirect_dma semaphore(%arg13 : memref<!tpu.dma_semaphore, #tpu.memory_space<semaphore_mem>>) src(%dma_wait3A_227 : memref<10000x128xf32, #tpu.memory_space<hbm>>) dst(%dma_wait3A_221 : memref<64x128xf32, #tpu.memory_space<vmem>>)
      %dma_wait3A_228 = arith.constant 0 : i32
      %dma_wait3A_229 = arith.constant 1 : i32
      %dma_wait3A_230 = arith.constant 0 : i32
      %dma_wait3A_231 = arith.constant 0 : i32
      %dma_wait3A_232 = arith.constant 0 : i32
      %dma_wait3A_233 = tpu.memref_slice %arg9[%dma_wait3A_230, %dma_wait3A_231, %dma_wait3A_232] : memref<2x64x128xf32, #tpu.memory_space<vmem>> -> memref<1x64x128xf32, #tpu.memory_space<vmem>>
      %dma_wait3A_234 = tpu.memref_squeeze %dma_wait3A_233 : memref<1x64x128xf32, #tpu.memory_space<vmem>> -> memref<64x128xf32, #tpu.memory_space<vmem>>
      %dma_wait3A_235 = arith.constant 0 : i32
      %dma_wait3A_236 = tpu.memref_slice %arg7[%dma_wait3A_228, %dma_wait3A_229, %dma_wait3A_235] : memref<2x4x64xi32, #tpu.memory_space<vmem>> -> memref<1x1x64xi32, #tpu.memory_space<vmem>>
      %dma_wait3A_237 = tpu.memref_squeeze %dma_wait3A_236 : memref<1x1x64xi32, #tpu.memory_space<vmem>> -> memref<64xi32, #tpu.memory_space<vmem>>
      %dma_wait3A_238 = arith.constant 0 : i32
      %dma_wait3A_239 = arith.constant 0 : i32
      %dma_wait3A_240 = tpu.memref_slice %arg3[%dma_wait3A_238, %dma_wait3A_239] : memref<10000x128xf32, #tpu.memory_space<hbm>> -> memref<10000x128xf32, #tpu.memory_space<hbm>>
      tpu.wait_indirect_dma semaphore(%arg13 : memref<!tpu.dma_semaphore, #tpu.memory_space<semaphore_mem>>) src(%dma_wait3A_240 : memref<10000x128xf32, #tpu.memory_space<hbm>>) dst(%dma_wait3A_234 : memref<64x128xf32, #tpu.memory_space<vmem>>)
      %get3A_241 = arith.constant 0 : i32
      %get3A_242 = arith.constant 2 : i32
      %get3A_243 = arith.index_cast %get3A_241 : i32 to index
      %get3A_244 = arith.index_cast %get3A_242 : i32 to index
      %get3A_245 = arith.constant 0 : index
      %get3A_246 = tpu.vector_load %arg7[%get3A_243, %get3A_244, %get3A_245] {strides = array<i32>} : memref<2x4x64xi32, #tpu.memory_space<vmem>>, vector<1x1x16xi32>,
      %get3A_247 = vector.shape_cast %get3A_246 : vector<1x1x16xi32> to vector<16xi32>
      %scan3A_248 = arith.constant 0 : i32
      %scan3A_249 = arith.constant 0 : i32
      %scan3A_250 = arith.constant 16 : i32
      %scan3A_251 = arith.addi %scan3A_249, %scan3A_250 : i32
      %scan3A_252 = arith.constant 1 : i32
      %scan3A_253 = scf.for %scan3A_505 = %scan3A_249 to %scan3A_251 step %scan3A_252 iter_args(%scan3A_506 = %scan3A_248) -> (i32)  : i32 {
        %add3A_507 = arith.constant 0 : i32
        %add3A_508 = arith.addi %add3A_507, %scan3A_505 : i32
        %get3A_509 = arith.constant 0 : i32
        %get3A_510 = arith.index_cast %get3A_509 : i32 to index
        %get3A_511 = arith.index_cast %add3A_508 : i32 to index
        %get3A_512 = arith.constant 0 : index
        %get3A_513 = tpu.vector_load %arg8[%get3A_510, %get3A_511, %get3A_512] {strides = array<i32>} : memref<2x64x128xf32, #tpu.memory_space<vmem>>, vector<1x1x16xf32>,
        %get3A_514 = vector.shape_cast %get3A_513 : vector<1x1x16xf32> to vector<16xf32>
        %get3A_515 = arith.constant 0 : i32
        %get3A_516 = arith.index_cast %get3A_515 : i32 to index
        %get3A_517 = arith.index_cast %add3A_508 : i32 to index
        %get3A_518 = arith.constant 0 : index
        %get3A_519 = tpu.vector_load %arg9[%get3A_516, %get3A_517, %get3A_518] {strides = array<i32>} : memref<2x64x128xf32, #tpu.memory_space<vmem>>, vector<1x1x16xf32>,
        %get3A_520 = vector.shape_cast %get3A_519 : vector<1x1x16xf32> to vector<16xf32>
        %add3A_521 = arith.addf %get3A_514, %get3A_520 : vector<16xf32>
        %mul3A_522 = arith.constant 2.000000e-01 : f32
        %mul3A_523 = vector.broadcast %mul3A_522 : f32 to vector<16xf32>
        %mul3A_524 = arith.mulf %mul3A_523, %add3A_521 : vector<16xf32>
        %max3A = arith.maximumf %add3A_521, %mul3A_524 : vector<16xf32>
        %mul3A_525 = arith.mulf %max3A, %get3A_43 : vector<16xf32>
        %add3A_526 = arith.addf %broadcast_in_dim3A_3, %mul3A_525 : vector<16xf32>
        %get3A_527 = arith.constant 0 : i32
        %get3A_528 = arith.index_cast %get3A_527 : i32 to index
        %get3A_529 = arith.index_cast %add3A_508 : i32 to index
        %get3A_530 = arith.constant 16 : index
        %get3A_531 = tpu.vector_load %arg8[%get3A_528, %get3A_529, %get3A_530] {strides = array<i32>} : memref<2x64x128xf32, #tpu.memory_space<vmem>>, vector<1x1x16xf32>,
        %get3A_532 = vector.shape_cast %get3A_531 : vector<1x1x16xf32> to vector<16xf32>
        %get3A_533 = arith.constant 0 : i32
        %get3A_534 = arith.index_cast %get3A_533 : i32 to index
        %get3A_535 = arith.index_cast %add3A_508 : i32 to index
        %get3A_536 = arith.constant 16 : index
        %get3A_537 = tpu.vector_load %arg9[%get3A_534, %get3A_535, %get3A_536] {strides = array<i32>} : memref<2x64x128xf32, #tpu.memory_space<vmem>>, vector<1x1x16xf32>,
        %get3A_538 = vector.shape_cast %get3A_537 : vector<1x1x16xf32> to vector<16xf32>
        %add3A_539 = arith.addf %get3A_532, %get3A_538 : vector<16xf32>
        %mul3A_540 = arith.constant 2.000000e-01 : f32
        %mul3A_541 = vector.broadcast %mul3A_540 : f32 to vector<16xf32>
        %mul3A_542 = arith.mulf %mul3A_541, %add3A_539 : vector<16xf32>
        %max3A_543 = arith.maximumf %add3A_539, %mul3A_542 : vector<16xf32>
        %mul3A_544 = arith.mulf %max3A_543, %get3A_46 : vector<16xf32>
        %add3A_545 = arith.addf %add3A_526, %mul3A_544 : vector<16xf32>
        %get3A_546 = arith.constant 0 : i32
        %get3A_547 = arith.index_cast %get3A_546 : i32 to index
        %get3A_548 = arith.index_cast %add3A_508 : i32 to index
        %get3A_549 = arith.constant 32 : index
        %get3A_550 = tpu.vector_load %arg8[%get3A_547, %get3A_548, %get3A_549] {strides = array<i32>} : memref<2x64x128xf32, #tpu.memory_space<vmem>>, vector<1x1x16xf32>,
        %get3A_551 = vector.shape_cast %get3A_550 : vector<1x1x16xf32> to vector<16xf32>
        %get3A_552 = arith.constant 0 : i32
        %get3A_553 = arith.index_cast %get3A_552 : i32 to index
        %get3A_554 = arith.index_cast %add3A_508 : i32 to index
        %get3A_555 = arith.constant 32 : index
        %get3A_556 = tpu.vector_load %arg9[%get3A_553, %get3A_554, %get3A_555] {strides = array<i32>} : memref<2x64x128xf32, #tpu.memory_space<vmem>>, vector<1x1x16xf32>,
        %get3A_557 = vector.shape_cast %get3A_556 : vector<1x1x16xf32> to vector<16xf32>
        %add3A_558 = arith.addf %get3A_551, %get3A_557 : vector<16xf32>
        %mul3A_559 = arith.constant 2.000000e-01 : f32
        %mul3A_560 = vector.broadcast %mul3A_559 : f32 to vector<16xf32>
        %mul3A_561 = arith.mulf %mul3A_560, %add3A_558 : vector<16xf32>
        %max3A_562 = arith.maximumf %add3A_558, %mul3A_561 : vector<16xf32>
        %mul3A_563 = arith.mulf %max3A_562, %get3A_49 : vector<16xf32>
        %add3A_564 = arith.addf %add3A_545, %mul3A_563 : vector<16xf32>
        %get3A_565 = arith.constant 0 : i32
        %get3A_566 = arith.index_cast %get3A_565 : i32 to index
        %get3A_567 = arith.index_cast %add3A_508 : i32 to index
        %get3A_568 = arith.constant 48 : index
        %get3A_569 = tpu.vector_load %arg8[%get3A_566, %get3A_567, %get3A_568] {strides = array<i32>} : memref<2x64x128xf32, #tpu.memory_space<vmem>>, vector<1x1x16xf32>,
        %get3A_570 = vector.shape_cast %get3A_569 : vector<1x1x16xf32> to vector<16xf32>
        %get3A_571 = arith.constant 0 : i32
        %get3A_572 = arith.index_cast %get3A_571 : i32 to index
        %get3A_573 = arith.index_cast %add3A_508 : i32 to index
        %get3A_574 = arith.constant 48 : index
        %get3A_575 = tpu.vector_load %arg9[%get3A_572, %get3A_573, %get3A_574] {strides = array<i32>} : memref<2x64x128xf32, #tpu.memory_space<vmem>>, vector<1x1x16xf32>,
        %get3A_576 = vector.shape_cast %get3A_575 : vector<1x1x16xf32> to vector<16xf32>
        %add3A_577 = arith.addf %get3A_570, %get3A_576 : vector<16xf32>
        %mul3A_578 = arith.constant 2.000000e-01 : f32
        %mul3A_579 = vector.broadcast %mul3A_578 : f32 to vector<16xf32>
        %mul3A_580 = arith.mulf %mul3A_579, %add3A_577 : vector<16xf32>
        %max3A_581 = arith.maximumf %add3A_577, %mul3A_580 : vector<16xf32>
        %mul3A_582 = arith.mulf %max3A_581, %get3A_52 : vector<16xf32>
        %add3A_583 = arith.addf %add3A_564, %mul3A_582 : vector<16xf32>
        %get3A_584 = arith.constant 0 : i32
        %get3A_585 = arith.index_cast %get3A_584 : i32 to index
        %get3A_586 = arith.index_cast %add3A_508 : i32 to index
        %get3A_587 = arith.constant 64 : index
        %get3A_588 = tpu.vector_load %arg8[%get3A_585, %get3A_586, %get3A_587] {strides = array<i32>} : memref<2x64x128xf32, #tpu.memory_space<vmem>>, vector<1x1x16xf32>,
        %get3A_589 = vector.shape_cast %get3A_588 : vector<1x1x16xf32> to vector<16xf32>
        %get3A_590 = arith.constant 0 : i32
        %get3A_591 = arith.index_cast %get3A_590 : i32 to index
        %get3A_592 = arith.index_cast %add3A_508 : i32 to index
        %get3A_593 = arith.constant 64 : index
        %get3A_594 = tpu.vector_load %arg9[%get3A_591, %get3A_592, %get3A_593] {strides = array<i32>} : memref<2x64x128xf32, #tpu.memory_space<vmem>>, vector<1x1x16xf32>,
        %get3A_595 = vector.shape_cast %get3A_594 : vector<1x1x16xf32> to vector<16xf32>
        %add3A_596 = arith.addf %get3A_589, %get3A_595 : vector<16xf32>
        %mul3A_597 = arith.constant 2.000000e-01 : f32
        %mul3A_598 = vector.broadcast %mul3A_597 : f32 to vector<16xf32>
        %mul3A_599 = arith.mulf %mul3A_598, %add3A_596 : vector<16xf32>
        %max3A_600 = arith.maximumf %add3A_596, %mul3A_599 : vector<16xf32>
        %mul3A_601 = arith.mulf %max3A_600, %get3A_55 : vector<16xf32>
        %add3A_602 = arith.addf %add3A_583, %mul3A_601 : vector<16xf32>
        %get3A_603 = arith.constant 0 : i32
        %get3A_604 = arith.index_cast %get3A_603 : i32 to index
        %get3A_605 = arith.index_cast %add3A_508 : i32 to index
        %get3A_606 = arith.constant 80 : index
        %get3A_607 = tpu.vector_load %arg8[%get3A_604, %get3A_605, %get3A_606] {strides = array<i32>} : memref<2x64x128xf32, #tpu.memory_space<vmem>>, vector<1x1x16xf32>,
        %get3A_608 = vector.shape_cast %get3A_607 : vector<1x1x16xf32> to vector<16xf32>
        %get3A_609 = arith.constant 0 : i32
        %get3A_610 = arith.index_cast %get3A_609 : i32 to index
        %get3A_611 = arith.index_cast %add3A_508 : i32 to index
        %get3A_612 = arith.constant 80 : index
        %get3A_613 = tpu.vector_load %arg9[%get3A_610, %get3A_611, %get3A_612] {strides = array<i32>} : memref<2x64x128xf32, #tpu.memory_space<vmem>>, vector<1x1x16xf32>,
        %get3A_614 = vector.shape_cast %get3A_613 : vector<1x1x16xf32> to vector<16xf32>
        %add3A_615 = arith.addf %get3A_608, %get3A_614 : vector<16xf32>
        %mul3A_616 = arith.constant 2.000000e-01 : f32
        %mul3A_617 = vector.broadcast %mul3A_616 : f32 to vector<16xf32>
        %mul3A_618 = arith.mulf %mul3A_617, %add3A_615 : vector<16xf32>
        %max3A_619 = arith.maximumf %add3A_615, %mul3A_618 : vector<16xf32>
        %mul3A_620 = arith.mulf %max3A_619, %get3A_58 : vector<16xf32>
        %add3A_621 = arith.addf %add3A_602, %mul3A_620 : vector<16xf32>
        %get3A_622 = arith.constant 0 : i32
        %get3A_623 = arith.index_cast %get3A_622 : i32 to index
        %get3A_624 = arith.index_cast %add3A_508 : i32 to index
        %get3A_625 = arith.constant 96 : index
        %get3A_626 = tpu.vector_load %arg8[%get3A_623, %get3A_624, %get3A_625] {strides = array<i32>} : memref<2x64x128xf32, #tpu.memory_space<vmem>>, vector<1x1x16xf32>,
        %get3A_627 = vector.shape_cast %get3A_626 : vector<1x1x16xf32> to vector<16xf32>
        %get3A_628 = arith.constant 0 : i32
        %get3A_629 = arith.index_cast %get3A_628 : i32 to index
        %get3A_630 = arith.index_cast %add3A_508 : i32 to index
        %get3A_631 = arith.constant 96 : index
        %get3A_632 = tpu.vector_load %arg9[%get3A_629, %get3A_630, %get3A_631] {strides = array<i32>} : memref<2x64x128xf32, #tpu.memory_space<vmem>>, vector<1x1x16xf32>,
        %get3A_633 = vector.shape_cast %get3A_632 : vector<1x1x16xf32> to vector<16xf32>
        %add3A_634 = arith.addf %get3A_627, %get3A_633 : vector<16xf32>
        %mul3A_635 = arith.constant 2.000000e-01 : f32
        %mul3A_636 = vector.broadcast %mul3A_635 : f32 to vector<16xf32>
        %mul3A_637 = arith.mulf %mul3A_636, %add3A_634 : vector<16xf32>
        %max3A_638 = arith.maximumf %add3A_634, %mul3A_637 : vector<16xf32>
        %mul3A_639 = arith.mulf %max3A_638, %get3A_61 : vector<16xf32>
        %add3A_640 = arith.addf %add3A_621, %mul3A_639 : vector<16xf32>
        %get3A_641 = arith.constant 0 : i32
        %get3A_642 = arith.index_cast %get3A_641 : i32 to index
        %get3A_643 = arith.index_cast %add3A_508 : i32 to index
        %get3A_644 = arith.constant 112 : index
        %get3A_645 = tpu.vector_load %arg8[%get3A_642, %get3A_643, %get3A_644] {strides = array<i32>} : memref<2x64x128xf32, #tpu.memory_space<vmem>>, vector<1x1x16xf32>,
        %get3A_646 = vector.shape_cast %get3A_645 : vector<1x1x16xf32> to vector<16xf32>
        %get3A_647 = arith.constant 0 : i32
        %get3A_648 = arith.index_cast %get3A_647 : i32 to index
        %get3A_649 = arith.index_cast %add3A_508 : i32 to index
        %get3A_650 = arith.constant 112 : index
        %get3A_651 = tpu.vector_load %arg9[%get3A_648, %get3A_649, %get3A_650] {strides = array<i32>} : memref<2x64x128xf32, #tpu.memory_space<vmem>>, vector<1x1x16xf32>,
        %get3A_652 = vector.shape_cast %get3A_651 : vector<1x1x16xf32> to vector<16xf32>
        %add3A_653 = arith.addf %get3A_646, %get3A_652 : vector<16xf32>
        %mul3A_654 = arith.constant 2.000000e-01 : f32
        %mul3A_655 = vector.broadcast %mul3A_654 : f32 to vector<16xf32>
        %mul3A_656 = arith.mulf %mul3A_655, %add3A_653 : vector<16xf32>
        %max3A_657 = arith.maximumf %add3A_653, %mul3A_656 : vector<16xf32>
        %mul3A_658 = arith.mulf %max3A_657, %get3A_64 : vector<16xf32>
        %add3A_659 = arith.addf %add3A_640, %mul3A_658 : vector<16xf32>
        %lt3A = arith.constant 0 : i32
        %lt3A_660 = vector.broadcast %lt3A : i32 to vector<16xi32>
        %lt3A_661 = arith.cmpi slt, %xor3A_66, %lt3A_660 : vector<16xi32>
        %add3A_662 = arith.constant 16 : i32
        %add3A_663 = vector.broadcast %add3A_662 : i32 to vector<16xi32>
        %add3A_664 = arith.addi %xor3A_66, %add3A_663 : vector<16xi32>
        %select_n3A = arith.select %lt3A_661, %add3A_664, %xor3A_66 : vector<16xi1>, vector<16xi32>
        %broadcast_in_dim3A_665 = vector.shape_cast %select_n3A : vector<16xi32> to vector<16x1xi32>
        %gather3A = vector.shape_cast %broadcast_in_dim3A_665 : vector<16x1xi32> to vector<16xi32>
        %gather3A_666 = tpu.dynamic_gather %add3A_659[%gather3A] in [0] : vector<16xf32>, vector<16xi32> -> vector<16xf32>
        %add3A_667 = arith.addf %add3A_659, %gather3A_666 : vector<16xf32>
        %lt3A_668 = arith.constant 0 : i32
        %lt3A_669 = vector.broadcast %lt3A_668 : i32 to vector<16xi32>
        %lt3A_670 = arith.cmpi slt, %xor3A_69, %lt3A_669 : vector<16xi32>
        %add3A_671 = arith.constant 16 : i32
        %add3A_672 = vector.broadcast %add3A_671 : i32 to vector<16xi32>
        %add3A_673 = arith.addi %xor3A_69, %add3A_672 : vector<16xi32>
        %select_n3A_674 = arith.select %lt3A_670, %add3A_673, %xor3A_69 : vector<16xi1>, vector<16xi32>
        %broadcast_in_dim3A_675 = vector.shape_cast %select_n3A_674 : vector<16xi32> to vector<16x1xi32>
        %gather3A_676 = vector.shape_cast %broadcast_in_dim3A_675 : vector<16x1xi32> to vector<16xi32>
        %gather3A_677 = tpu.dynamic_gather %add3A_667[%gather3A_676] in [0] : vector<16xf32>, vector<16xi32> -> vector<16xf32>
        %add3A_678 = arith.addf %add3A_667, %gather3A_677 : vector<16xf32>
        %lt3A_679 = arith.constant 0 : i32
        %lt3A_680 = vector.broadcast %lt3A_679 : i32 to vector<16xi32>
        %lt3A_681 = arith.cmpi slt, %xor3A_72, %lt3A_680 : vector<16xi32>
        %add3A_682 = arith.constant 16 : i32
        %add3A_683 = vector.broadcast %add3A_682 : i32 to vector<16xi32>
        %add3A_684 = arith.addi %xor3A_72, %add3A_683 : vector<16xi32>
        %select_n3A_685 = arith.select %lt3A_681, %add3A_684, %xor3A_72 : vector<16xi1>, vector<16xi32>
        %broadcast_in_dim3A_686 = vector.shape_cast %select_n3A_685 : vector<16xi32> to vector<16x1xi32>
        %gather3A_687 = vector.shape_cast %broadcast_in_dim3A_686 : vector<16x1xi32> to vector<16xi32>
        %gather3A_688 = tpu.dynamic_gather %add3A_678[%gather3A_687] in [0] : vector<16xf32>, vector<16xi32> -> vector<16xf32>
        %add3A_689 = arith.addf %add3A_678, %gather3A_688 : vector<16xf32>
        %lt3A_690 = arith.constant 0 : i32
        %lt3A_691 = vector.broadcast %lt3A_690 : i32 to vector<16xi32>
        %lt3A_692 = arith.cmpi slt, %xor3A_75, %lt3A_691 : vector<16xi32>
        %add3A_693 = arith.constant 16 : i32
        %add3A_694 = vector.broadcast %add3A_693 : i32 to vector<16xi32>
        %add3A_695 = arith.addi %xor3A_75, %add3A_694 : vector<16xi32>
        %select_n3A_696 = arith.select %lt3A_692, %add3A_695, %xor3A_75 : vector<16xi1>, vector<16xi32>
        %broadcast_in_dim3A_697 = vector.shape_cast %select_n3A_696 : vector<16xi32> to vector<16x1xi32>
        %gather3A_698 = vector.shape_cast %broadcast_in_dim3A_697 : vector<16x1xi32> to vector<16xi32>
        %gather3A_699 = tpu.dynamic_gather %add3A_689[%gather3A_698] in [0] : vector<16xf32>, vector<16xi32> -> vector<16xf32>
        %add3A_700 = arith.addf %add3A_689, %gather3A_699 : vector<16xf32>
        %exp3A = math.exp %add3A_700 : vector<16xf32>
        %mul3A_701 = arith.mulf %get3A_514, %exp3A : vector<16xf32>
        %swap3A = arith.constant 0 : i32
        %swap3A_702 = arith.index_cast %swap3A : i32 to index
        %swap3A_703 = arith.index_cast %add3A_508 : i32 to index
        %swap3A_704 = arith.constant 0 : index
        %swap3A_705 = tpu.vector_load %arg8[%swap3A_702, %swap3A_703, %swap3A_704] {strides = array<i32>} : memref<2x64x128xf32, #tpu.memory_space<vmem>>, vector<1x1x16xf32>,
        %swap3A_706 = vector.shape_cast %swap3A_705 : vector<1x1x16xf32> to vector<16xf32>
        %swap3A_707 = vector.shape_cast %mul3A_701 : vector<16xf32> to vector<1x1x16xf32>
        tpu.vector_store %arg8[%swap3A_702, %swap3A_703, %swap3A_704], %swap3A_707 {strides = array<i32>} : memref<2x64x128xf32, #tpu.memory_space<vmem>>, vector<1x1x16xf32>,
        %mul3A_708 = arith.mulf %get3A_532, %exp3A : vector<16xf32>
        %swap3A_709 = arith.constant 0 : i32
        %swap3A_710 = arith.index_cast %swap3A_709 : i32 to index
        %swap3A_711 = arith.index_cast %add3A_508 : i32 to index
        %swap3A_712 = arith.constant 16 : index
        %swap3A_713 = tpu.vector_load %arg8[%swap3A_710, %swap3A_711, %swap3A_712] {strides = array<i32>} : memref<2x64x128xf32, #tpu.memory_space<vmem>>, vector<1x1x16xf32>,
        %swap3A_714 = vector.shape_cast %swap3A_713 : vector<1x1x16xf32> to vector<16xf32>
        %swap3A_715 = vector.shape_cast %mul3A_708 : vector<16xf32> to vector<1x1x16xf32>
        tpu.vector_store %arg8[%swap3A_710, %swap3A_711, %swap3A_712], %swap3A_715 {strides = array<i32>} : memref<2x64x128xf32, #tpu.memory_space<vmem>>, vector<1x1x16xf32>,
        %mul3A_716 = arith.mulf %get3A_551, %exp3A : vector<16xf32>
        %swap3A_717 = arith.constant 0 : i32
        %swap3A_718 = arith.index_cast %swap3A_717 : i32 to index
        %swap3A_719 = arith.index_cast %add3A_508 : i32 to index
        %swap3A_720 = arith.constant 32 : index
        %swap3A_721 = tpu.vector_load %arg8[%swap3A_718, %swap3A_719, %swap3A_720] {strides = array<i32>} : memref<2x64x128xf32, #tpu.memory_space<vmem>>, vector<1x1x16xf32>,
        %swap3A_722 = vector.shape_cast %swap3A_721 : vector<1x1x16xf32> to vector<16xf32>
        %swap3A_723 = vector.shape_cast %mul3A_716 : vector<16xf32> to vector<1x1x16xf32>
        tpu.vector_store %arg8[%swap3A_718, %swap3A_719, %swap3A_720], %swap3A_723 {strides = array<i32>} : memref<2x64x128xf32, #tpu.memory_space<vmem>>, vector<1x1x16xf32>,
        %mul3A_724 = arith.mulf %get3A_570, %exp3A : vector<16xf32>
        %swap3A_725 = arith.constant 0 : i32
        %swap3A_726 = arith.index_cast %swap3A_725 : i32 to index
        %swap3A_727 = arith.index_cast %add3A_508 : i32 to index
        %swap3A_728 = arith.constant 48 : index
        %swap3A_729 = tpu.vector_load %arg8[%swap3A_726, %swap3A_727, %swap3A_728] {strides = array<i32>} : memref<2x64x128xf32, #tpu.memory_space<vmem>>, vector<1x1x16xf32>,
        %swap3A_730 = vector.shape_cast %swap3A_729 : vector<1x1x16xf32> to vector<16xf32>
        %swap3A_731 = vector.shape_cast %mul3A_724 : vector<16xf32> to vector<1x1x16xf32>
        tpu.vector_store %arg8[%swap3A_726, %swap3A_727, %swap3A_728], %swap3A_731 {strides = array<i32>} : memref<2x64x128xf32, #tpu.memory_space<vmem>>, vector<1x1x16xf32>,
        %mul3A_732 = arith.mulf %get3A_589, %exp3A : vector<16xf32>
        %swap3A_733 = arith.constant 0 : i32
        %swap3A_734 = arith.index_cast %swap3A_733 : i32 to index
        %swap3A_735 = arith.index_cast %add3A_508 : i32 to index
        %swap3A_736 = arith.constant 64 : index
        %swap3A_737 = tpu.vector_load %arg8[%swap3A_734, %swap3A_735, %swap3A_736] {strides = array<i32>} : memref<2x64x128xf32, #tpu.memory_space<vmem>>, vector<1x1x16xf32>,
        %swap3A_738 = vector.shape_cast %swap3A_737 : vector<1x1x16xf32> to vector<16xf32>
        %swap3A_739 = vector.shape_cast %mul3A_732 : vector<16xf32> to vector<1x1x16xf32>
        tpu.vector_store %arg8[%swap3A_734, %swap3A_735, %swap3A_736], %swap3A_739 {strides = array<i32>} : memref<2x64x128xf32, #tpu.memory_space<vmem>>, vector<1x1x16xf32>,
        %mul3A_740 = arith.mulf %get3A_608, %exp3A : vector<16xf32>
        %swap3A_741 = arith.constant 0 : i32
        %swap3A_742 = arith.index_cast %swap3A_741 : i32 to index
        %swap3A_743 = arith.index_cast %add3A_508 : i32 to index
        %swap3A_744 = arith.constant 80 : index
        %swap3A_745 = tpu.vector_load %arg8[%swap3A_742, %swap3A_743, %swap3A_744] {strides = array<i32>} : memref<2x64x128xf32, #tpu.memory_space<vmem>>, vector<1x1x16xf32>,
        %swap3A_746 = vector.shape_cast %swap3A_745 : vector<1x1x16xf32> to vector<16xf32>
        %swap3A_747 = vector.shape_cast %mul3A_740 : vector<16xf32> to vector<1x1x16xf32>
        tpu.vector_store %arg8[%swap3A_742, %swap3A_743, %swap3A_744], %swap3A_747 {strides = array<i32>} : memref<2x64x128xf32, #tpu.memory_space<vmem>>, vector<1x1x16xf32>,
        %mul3A_748 = arith.mulf %get3A_627, %exp3A : vector<16xf32>
        %swap3A_749 = arith.constant 0 : i32
        %swap3A_750 = arith.index_cast %swap3A_749 : i32 to index
        %swap3A_751 = arith.index_cast %add3A_508 : i32 to index
        %swap3A_752 = arith.constant 96 : index
        %swap3A_753 = tpu.vector_load %arg8[%swap3A_750, %swap3A_751, %swap3A_752] {strides = array<i32>} : memref<2x64x128xf32, #tpu.memory_space<vmem>>, vector<1x1x16xf32>,
        %swap3A_754 = vector.shape_cast %swap3A_753 : vector<1x1x16xf32> to vector<16xf32>
        %swap3A_755 = vector.shape_cast %mul3A_748 : vector<16xf32> to vector<1x1x16xf32>
        tpu.vector_store %arg8[%swap3A_750, %swap3A_751, %swap3A_752], %swap3A_755 {strides = array<i32>} : memref<2x64x128xf32, #tpu.memory_space<vmem>>, vector<1x1x16xf32>,
        %mul3A_756 = arith.mulf %get3A_646, %exp3A : vector<16xf32>
        %swap3A_757 = arith.constant 0 : i32
        %swap3A_758 = arith.index_cast %swap3A_757 : i32 to index
        %swap3A_759 = arith.index_cast %add3A_508 : i32 to index
        %swap3A_760 = arith.constant 112 : index
        %swap3A_761 = tpu.vector_load %arg8[%swap3A_758, %swap3A_759, %swap3A_760] {strides = array<i32>} : memref<2x64x128xf32, #tpu.memory_space<vmem>>, vector<1x1x16xf32>,
        %swap3A_762 = vector.shape_cast %swap3A_761 : vector<1x1x16xf32> to vector<16xf32>
        %swap3A_763 = vector.shape_cast %mul3A_756 : vector<16xf32> to vector<1x1x16xf32>
        tpu.vector_store %arg8[%swap3A_758, %swap3A_759, %swap3A_760], %swap3A_763 {strides = array<i32>} : memref<2x64x128xf32, #tpu.memory_space<vmem>>, vector<1x1x16xf32>,
        %mul3A_764 = arith.constant 0 : i32
        %mul3A_765 = vector.broadcast %mul3A_764 : i32 to vector<16xi32>
        %mul3A_766 = arith.muli %iota3A, %mul3A_765 : vector<16xi32>
        %add3A_767 = vector.broadcast %scan3A_505 : i32 to vector<16xi32>
        %add3A_768 = arith.addi %mul3A_766, %add3A_767 : vector<16xi32>
        %lt3A_769 = arith.constant 0 : i32
        %lt3A_770 = vector.broadcast %lt3A_769 : i32 to vector<16xi32>
        %lt3A_771 = arith.cmpi slt, %add3A_768, %lt3A_770 : vector<16xi32>
        %add3A_772 = arith.constant 16 : i32
        %add3A_773 = vector.broadcast %add3A_772 : i32 to vector<16xi32>
        %add3A_774 = arith.addi %add3A_768, %add3A_773 : vector<16xi32>
        %select_n3A_775 = arith.select %lt3A_771, %add3A_774, %add3A_768 : vector<16xi1>, vector<16xi32>
        %broadcast_in_dim3A_776 = vector.shape_cast %select_n3A_775 : vector<16xi32> to vector<16x1xi32>
        %gather3A_777 = vector.shape_cast %broadcast_in_dim3A_776 : vector<16x1xi32> to vector<16xi32>
        %gather3A_778 = tpu.dynamic_gather %get3A_247[%gather3A_777] in [0] : vector<16xi32>, vector<16xi32> -> vector<16xi32>
        %and3A = arith.constant 15 : i32
        %and3A_779 = vector.broadcast %and3A : i32 to vector<16xi32>
        %and3A_780 = arith.andi %gather3A_778, %and3A_779 : vector<16xi32>
        %eq3A = arith.cmpi eq, %and3A_780, %iota3A : vector<16xi32>
        %select_n3A_781 = arith.select %eq3A, %exp3A, %broadcast_in_dim3A_3 : vector<16xi1>, vector<16xf32>
        %swap3A_782 = arith.index_cast %add3A_508 : i32 to index
        %swap3A_783 = arith.constant 0 : index
        %swap3A_784 = tpu.vector_load %arg10[%swap3A_782, %swap3A_783] {strides = array<i32>} : memref<64x128xf32, #tpu.memory_space<vmem>>, vector<1x16xf32>,
        %swap3A_785 = vector.shape_cast %swap3A_784 : vector<1x16xf32> to vector<16xf32>
        %swap3A_786 = vector.shape_cast %select_n3A_781 : vector<16xf32> to vector<1x16xf32>
        tpu.vector_store %arg10[%swap3A_782, %swap3A_783], %swap3A_786 {strides = array<i32>} : memref<64x128xf32, #tpu.memory_space<vmem>>, vector<1x16xf32>,
        %scan3A_787 = arith.constant 0 : i32
        scf.yield %scan3A_787 : i32
      }
      %scan3A_254 = arith.constant 16 : i32
      %get3A_255 = arith.constant 0 : i32
      %get3A_256 = arith.constant 2 : i32
      %get3A_257 = arith.index_cast %get3A_255 : i32 to index
      %get3A_258 = arith.index_cast %get3A_256 : i32 to index
      %get3A_259 = arith.constant 16 : index
      %get3A_260 = tpu.vector_load %arg7[%get3A_257, %get3A_258, %get3A_259] {strides = array<i32>} : memref<2x4x64xi32, #tpu.memory_space<vmem>>, vector<1x1x16xi32>,
      %get3A_261 = vector.shape_cast %get3A_260 : vector<1x1x16xi32> to vector<16xi32>
      %scan3A_262 = arith.constant 0 : i32
      %scan3A_263 = arith.constant 0 : i32
      %scan3A_264 = arith.constant 16 : i32
      %scan3A_265 = arith.addi %scan3A_263, %scan3A_264 : i32
      %scan3A_266 = arith.constant 1 : i32
      %scan3A_267 = scf.for %scan3A_505 = %scan3A_263 to %scan3A_265 step %scan3A_266 iter_args(%scan3A_506 = %scan3A_262) -> (i32)  : i32 {
        %add3A_507 = arith.constant 16 : i32
        %add3A_508 = arith.addi %add3A_507, %scan3A_505 : i32
        %get3A_509 = arith.constant 0 : i32
        %get3A_510 = arith.index_cast %get3A_509 : i32 to index
        %get3A_511 = arith.index_cast %add3A_508 : i32 to index
        %get3A_512 = arith.constant 0 : index
        %get3A_513 = tpu.vector_load %arg8[%get3A_510, %get3A_511, %get3A_512] {strides = array<i32>} : memref<2x64x128xf32, #tpu.memory_space<vmem>>, vector<1x1x16xf32>,
        %get3A_514 = vector.shape_cast %get3A_513 : vector<1x1x16xf32> to vector<16xf32>
        %get3A_515 = arith.constant 0 : i32
        %get3A_516 = arith.index_cast %get3A_515 : i32 to index
        %get3A_517 = arith.index_cast %add3A_508 : i32 to index
        %get3A_518 = arith.constant 0 : index
        %get3A_519 = tpu.vector_load %arg9[%get3A_516, %get3A_517, %get3A_518] {strides = array<i32>} : memref<2x64x128xf32, #tpu.memory_space<vmem>>, vector<1x1x16xf32>,
        %get3A_520 = vector.shape_cast %get3A_519 : vector<1x1x16xf32> to vector<16xf32>
        %add3A_521 = arith.addf %get3A_514, %get3A_520 : vector<16xf32>
        %mul3A_522 = arith.constant 2.000000e-01 : f32
        %mul3A_523 = vector.broadcast %mul3A_522 : f32 to vector<16xf32>
        %mul3A_524 = arith.mulf %mul3A_523, %add3A_521 : vector<16xf32>
        %max3A = arith.maximumf %add3A_521, %mul3A_524 : vector<16xf32>
        %mul3A_525 = arith.mulf %max3A, %get3A_43 : vector<16xf32>
        %add3A_526 = arith.addf %broadcast_in_dim3A_3, %mul3A_525 : vector<16xf32>
        %get3A_527 = arith.constant 0 : i32
        %get3A_528 = arith.index_cast %get3A_527 : i32 to index
        %get3A_529 = arith.index_cast %add3A_508 : i32 to index
        %get3A_530 = arith.constant 16 : index
        %get3A_531 = tpu.vector_load %arg8[%get3A_528, %get3A_529, %get3A_530] {strides = array<i32>} : memref<2x64x128xf32, #tpu.memory_space<vmem>>, vector<1x1x16xf32>,
        %get3A_532 = vector.shape_cast %get3A_531 : vector<1x1x16xf32> to vector<16xf32>
        %get3A_533 = arith.constant 0 : i32
        %get3A_534 = arith.index_cast %get3A_533 : i32 to index
        %get3A_535 = arith.index_cast %add3A_508 : i32 to index
        %get3A_536 = arith.constant 16 : index
        %get3A_537 = tpu.vector_load %arg9[%get3A_534, %get3A_535, %get3A_536] {strides = array<i32>} : memref<2x64x128xf32, #tpu.memory_space<vmem>>, vector<1x1x16xf32>,
        %get3A_538 = vector.shape_cast %get3A_537 : vector<1x1x16xf32> to vector<16xf32>
        %add3A_539 = arith.addf %get3A_532, %get3A_538 : vector<16xf32>
        %mul3A_540 = arith.constant 2.000000e-01 : f32
        %mul3A_541 = vector.broadcast %mul3A_540 : f32 to vector<16xf32>
        %mul3A_542 = arith.mulf %mul3A_541, %add3A_539 : vector<16xf32>
        %max3A_543 = arith.maximumf %add3A_539, %mul3A_542 : vector<16xf32>
        %mul3A_544 = arith.mulf %max3A_543, %get3A_46 : vector<16xf32>
        %add3A_545 = arith.addf %add3A_526, %mul3A_544 : vector<16xf32>
        %get3A_546 = arith.constant 0 : i32
        %get3A_547 = arith.index_cast %get3A_546 : i32 to index
        %get3A_548 = arith.index_cast %add3A_508 : i32 to index
        %get3A_549 = arith.constant 32 : index
        %get3A_550 = tpu.vector_load %arg8[%get3A_547, %get3A_548, %get3A_549] {strides = array<i32>} : memref<2x64x128xf32, #tpu.memory_space<vmem>>, vector<1x1x16xf32>,
        %get3A_551 = vector.shape_cast %get3A_550 : vector<1x1x16xf32> to vector<16xf32>
        %get3A_552 = arith.constant 0 : i32
        %get3A_553 = arith.index_cast %get3A_552 : i32 to index
        %get3A_554 = arith.index_cast %add3A_508 : i32 to index
        %get3A_555 = arith.constant 32 : index
        %get3A_556 = tpu.vector_load %arg9[%get3A_553, %get3A_554, %get3A_555] {strides = array<i32>} : memref<2x64x128xf32, #tpu.memory_space<vmem>>, vector<1x1x16xf32>,
        %get3A_557 = vector.shape_cast %get3A_556 : vector<1x1x16xf32> to vector<16xf32>
        %add3A_558 = arith.addf %get3A_551, %get3A_557 : vector<16xf32>
        %mul3A_559 = arith.constant 2.000000e-01 : f32
        %mul3A_560 = vector.broadcast %mul3A_559 : f32 to vector<16xf32>
        %mul3A_561 = arith.mulf %mul3A_560, %add3A_558 : vector<16xf32>
        %max3A_562 = arith.maximumf %add3A_558, %mul3A_561 : vector<16xf32>
        %mul3A_563 = arith.mulf %max3A_562, %get3A_49 : vector<16xf32>
        %add3A_564 = arith.addf %add3A_545, %mul3A_563 : vector<16xf32>
        %get3A_565 = arith.constant 0 : i32
        %get3A_566 = arith.index_cast %get3A_565 : i32 to index
        %get3A_567 = arith.index_cast %add3A_508 : i32 to index
        %get3A_568 = arith.constant 48 : index
        %get3A_569 = tpu.vector_load %arg8[%get3A_566, %get3A_567, %get3A_568] {strides = array<i32>} : memref<2x64x128xf32, #tpu.memory_space<vmem>>, vector<1x1x16xf32>,
        %get3A_570 = vector.shape_cast %get3A_569 : vector<1x1x16xf32> to vector<16xf32>
        %get3A_571 = arith.constant 0 : i32
        %get3A_572 = arith.index_cast %get3A_571 : i32 to index
        %get3A_573 = arith.index_cast %add3A_508 : i32 to index
        %get3A_574 = arith.constant 48 : index
        %get3A_575 = tpu.vector_load %arg9[%get3A_572, %get3A_573, %get3A_574] {strides = array<i32>} : memref<2x64x128xf32, #tpu.memory_space<vmem>>, vector<1x1x16xf32>,
        %get3A_576 = vector.shape_cast %get3A_575 : vector<1x1x16xf32> to vector<16xf32>
        %add3A_577 = arith.addf %get3A_570, %get3A_576 : vector<16xf32>
        %mul3A_578 = arith.constant 2.000000e-01 : f32
        %mul3A_579 = vector.broadcast %mul3A_578 : f32 to vector<16xf32>
        %mul3A_580 = arith.mulf %mul3A_579, %add3A_577 : vector<16xf32>
        %max3A_581 = arith.maximumf %add3A_577, %mul3A_580 : vector<16xf32>
        %mul3A_582 = arith.mulf %max3A_581, %get3A_52 : vector<16xf32>
        %add3A_583 = arith.addf %add3A_564, %mul3A_582 : vector<16xf32>
        %get3A_584 = arith.constant 0 : i32
        %get3A_585 = arith.index_cast %get3A_584 : i32 to index
        %get3A_586 = arith.index_cast %add3A_508 : i32 to index
        %get3A_587 = arith.constant 64 : index
        %get3A_588 = tpu.vector_load %arg8[%get3A_585, %get3A_586, %get3A_587] {strides = array<i32>} : memref<2x64x128xf32, #tpu.memory_space<vmem>>, vector<1x1x16xf32>,
        %get3A_589 = vector.shape_cast %get3A_588 : vector<1x1x16xf32> to vector<16xf32>
        %get3A_590 = arith.constant 0 : i32
        %get3A_591 = arith.index_cast %get3A_590 : i32 to index
        %get3A_592 = arith.index_cast %add3A_508 : i32 to index
        %get3A_593 = arith.constant 64 : index
        %get3A_594 = tpu.vector_load %arg9[%get3A_591, %get3A_592, %get3A_593] {strides = array<i32>} : memref<2x64x128xf32, #tpu.memory_space<vmem>>, vector<1x1x16xf32>,
        %get3A_595 = vector.shape_cast %get3A_594 : vector<1x1x16xf32> to vector<16xf32>
        %add3A_596 = arith.addf %get3A_589, %get3A_595 : vector<16xf32>
        %mul3A_597 = arith.constant 2.000000e-01 : f32
        %mul3A_598 = vector.broadcast %mul3A_597 : f32 to vector<16xf32>
        %mul3A_599 = arith.mulf %mul3A_598, %add3A_596 : vector<16xf32>
        %max3A_600 = arith.maximumf %add3A_596, %mul3A_599 : vector<16xf32>
        %mul3A_601 = arith.mulf %max3A_600, %get3A_55 : vector<16xf32>
        %add3A_602 = arith.addf %add3A_583, %mul3A_601 : vector<16xf32>
        %get3A_603 = arith.constant 0 : i32
        %get3A_604 = arith.index_cast %get3A_603 : i32 to index
        %get3A_605 = arith.index_cast %add3A_508 : i32 to index
        %get3A_606 = arith.constant 80 : index
        %get3A_607 = tpu.vector_load %arg8[%get3A_604, %get3A_605, %get3A_606] {strides = array<i32>} : memref<2x64x128xf32, #tpu.memory_space<vmem>>, vector<1x1x16xf32>,
        %get3A_608 = vector.shape_cast %get3A_607 : vector<1x1x16xf32> to vector<16xf32>
        %get3A_609 = arith.constant 0 : i32
        %get3A_610 = arith.index_cast %get3A_609 : i32 to index
        %get3A_611 = arith.index_cast %add3A_508 : i32 to index
        %get3A_612 = arith.constant 80 : index
        %get3A_613 = tpu.vector_load %arg9[%get3A_610, %get3A_611, %get3A_612] {strides = array<i32>} : memref<2x64x128xf32, #tpu.memory_space<vmem>>, vector<1x1x16xf32>,
        %get3A_614 = vector.shape_cast %get3A_613 : vector<1x1x16xf32> to vector<16xf32>
        %add3A_615 = arith.addf %get3A_608, %get3A_614 : vector<16xf32>
        %mul3A_616 = arith.constant 2.000000e-01 : f32
        %mul3A_617 = vector.broadcast %mul3A_616 : f32 to vector<16xf32>
        %mul3A_618 = arith.mulf %mul3A_617, %add3A_615 : vector<16xf32>
        %max3A_619 = arith.maximumf %add3A_615, %mul3A_618 : vector<16xf32>
        %mul3A_620 = arith.mulf %max3A_619, %get3A_58 : vector<16xf32>
        %add3A_621 = arith.addf %add3A_602, %mul3A_620 : vector<16xf32>
        %get3A_622 = arith.constant 0 : i32
        %get3A_623 = arith.index_cast %get3A_622 : i32 to index
        %get3A_624 = arith.index_cast %add3A_508 : i32 to index
        %get3A_625 = arith.constant 96 : index
        %get3A_626 = tpu.vector_load %arg8[%get3A_623, %get3A_624, %get3A_625] {strides = array<i32>} : memref<2x64x128xf32, #tpu.memory_space<vmem>>, vector<1x1x16xf32>,
        %get3A_627 = vector.shape_cast %get3A_626 : vector<1x1x16xf32> to vector<16xf32>
        %get3A_628 = arith.constant 0 : i32
        %get3A_629 = arith.index_cast %get3A_628 : i32 to index
        %get3A_630 = arith.index_cast %add3A_508 : i32 to index
        %get3A_631 = arith.constant 96 : index
        %get3A_632 = tpu.vector_load %arg9[%get3A_629, %get3A_630, %get3A_631] {strides = array<i32>} : memref<2x64x128xf32, #tpu.memory_space<vmem>>, vector<1x1x16xf32>,
        %get3A_633 = vector.shape_cast %get3A_632 : vector<1x1x16xf32> to vector<16xf32>
        %add3A_634 = arith.addf %get3A_627, %get3A_633 : vector<16xf32>
        %mul3A_635 = arith.constant 2.000000e-01 : f32
        %mul3A_636 = vector.broadcast %mul3A_635 : f32 to vector<16xf32>
        %mul3A_637 = arith.mulf %mul3A_636, %add3A_634 : vector<16xf32>
        %max3A_638 = arith.maximumf %add3A_634, %mul3A_637 : vector<16xf32>
        %mul3A_639 = arith.mulf %max3A_638, %get3A_61 : vector<16xf32>
        %add3A_640 = arith.addf %add3A_621, %mul3A_639 : vector<16xf32>
        %get3A_641 = arith.constant 0 : i32
        %get3A_642 = arith.index_cast %get3A_641 : i32 to index
        %get3A_643 = arith.index_cast %add3A_508 : i32 to index
        %get3A_644 = arith.constant 112 : index
        %get3A_645 = tpu.vector_load %arg8[%get3A_642, %get3A_643, %get3A_644] {strides = array<i32>} : memref<2x64x128xf32, #tpu.memory_space<vmem>>, vector<1x1x16xf32>,
        %get3A_646 = vector.shape_cast %get3A_645 : vector<1x1x16xf32> to vector<16xf32>
        %get3A_647 = arith.constant 0 : i32
        %get3A_648 = arith.index_cast %get3A_647 : i32 to index
        %get3A_649 = arith.index_cast %add3A_508 : i32 to index
        %get3A_650 = arith.constant 112 : index
        %get3A_651 = tpu.vector_load %arg9[%get3A_648, %get3A_649, %get3A_650] {strides = array<i32>} : memref<2x64x128xf32, #tpu.memory_space<vmem>>, vector<1x1x16xf32>,
        %get3A_652 = vector.shape_cast %get3A_651 : vector<1x1x16xf32> to vector<16xf32>
        %add3A_653 = arith.addf %get3A_646, %get3A_652 : vector<16xf32>
        %mul3A_654 = arith.constant 2.000000e-01 : f32
        %mul3A_655 = vector.broadcast %mul3A_654 : f32 to vector<16xf32>
        %mul3A_656 = arith.mulf %mul3A_655, %add3A_653 : vector<16xf32>
        %max3A_657 = arith.maximumf %add3A_653, %mul3A_656 : vector<16xf32>
        %mul3A_658 = arith.mulf %max3A_657, %get3A_64 : vector<16xf32>
        %add3A_659 = arith.addf %add3A_640, %mul3A_658 : vector<16xf32>
        %lt3A = arith.constant 0 : i32
        %lt3A_660 = vector.broadcast %lt3A : i32 to vector<16xi32>
        %lt3A_661 = arith.cmpi slt, %xor3A_66, %lt3A_660 : vector<16xi32>
        %add3A_662 = arith.constant 16 : i32
        %add3A_663 = vector.broadcast %add3A_662 : i32 to vector<16xi32>
        %add3A_664 = arith.addi %xor3A_66, %add3A_663 : vector<16xi32>
        %select_n3A = arith.select %lt3A_661, %add3A_664, %xor3A_66 : vector<16xi1>, vector<16xi32>
        %broadcast_in_dim3A_665 = vector.shape_cast %select_n3A : vector<16xi32> to vector<16x1xi32>
        %gather3A = vector.shape_cast %broadcast_in_dim3A_665 : vector<16x1xi32> to vector<16xi32>
        %gather3A_666 = tpu.dynamic_gather %add3A_659[%gather3A] in [0] : vector<16xf32>, vector<16xi32> -> vector<16xf32>
        %add3A_667 = arith.addf %add3A_659, %gather3A_666 : vector<16xf32>
        %lt3A_668 = arith.constant 0 : i32
        %lt3A_669 = vector.broadcast %lt3A_668 : i32 to vector<16xi32>
        %lt3A_670 = arith.cmpi slt, %xor3A_69, %lt3A_669 : vector<16xi32>
        %add3A_671 = arith.constant 16 : i32
        %add3A_672 = vector.broadcast %add3A_671 : i32 to vector<16xi32>
        %add3A_673 = arith.addi %xor3A_69, %add3A_672 : vector<16xi32>
        %select_n3A_674 = arith.select %lt3A_670, %add3A_673, %xor3A_69 : vector<16xi1>, vector<16xi32>
        %broadcast_in_dim3A_675 = vector.shape_cast %select_n3A_674 : vector<16xi32> to vector<16x1xi32>
        %gather3A_676 = vector.shape_cast %broadcast_in_dim3A_675 : vector<16x1xi32> to vector<16xi32>
        %gather3A_677 = tpu.dynamic_gather %add3A_667[%gather3A_676] in [0] : vector<16xf32>, vector<16xi32> -> vector<16xf32>
        %add3A_678 = arith.addf %add3A_667, %gather3A_677 : vector<16xf32>
        %lt3A_679 = arith.constant 0 : i32
        %lt3A_680 = vector.broadcast %lt3A_679 : i32 to vector<16xi32>
        %lt3A_681 = arith.cmpi slt, %xor3A_72, %lt3A_680 : vector<16xi32>
        %add3A_682 = arith.constant 16 : i32
        %add3A_683 = vector.broadcast %add3A_682 : i32 to vector<16xi32>
        %add3A_684 = arith.addi %xor3A_72, %add3A_683 : vector<16xi32>
        %select_n3A_685 = arith.select %lt3A_681, %add3A_684, %xor3A_72 : vector<16xi1>, vector<16xi32>
        %broadcast_in_dim3A_686 = vector.shape_cast %select_n3A_685 : vector<16xi32> to vector<16x1xi32>
        %gather3A_687 = vector.shape_cast %broadcast_in_dim3A_686 : vector<16x1xi32> to vector<16xi32>
        %gather3A_688 = tpu.dynamic_gather %add3A_678[%gather3A_687] in [0] : vector<16xf32>, vector<16xi32> -> vector<16xf32>
        %add3A_689 = arith.addf %add3A_678, %gather3A_688 : vector<16xf32>
        %lt3A_690 = arith.constant 0 : i32
        %lt3A_691 = vector.broadcast %lt3A_690 : i32 to vector<16xi32>
        %lt3A_692 = arith.cmpi slt, %xor3A_75, %lt3A_691 : vector<16xi32>
        %add3A_693 = arith.constant 16 : i32
        %add3A_694 = vector.broadcast %add3A_693 : i32 to vector<16xi32>
        %add3A_695 = arith.addi %xor3A_75, %add3A_694 : vector<16xi32>
        %select_n3A_696 = arith.select %lt3A_692, %add3A_695, %xor3A_75 : vector<16xi1>, vector<16xi32>
        %broadcast_in_dim3A_697 = vector.shape_cast %select_n3A_696 : vector<16xi32> to vector<16x1xi32>
        %gather3A_698 = vector.shape_cast %broadcast_in_dim3A_697 : vector<16x1xi32> to vector<16xi32>
        %gather3A_699 = tpu.dynamic_gather %add3A_689[%gather3A_698] in [0] : vector<16xf32>, vector<16xi32> -> vector<16xf32>
        %add3A_700 = arith.addf %add3A_689, %gather3A_699 : vector<16xf32>
        %exp3A = math.exp %add3A_700 : vector<16xf32>
        %mul3A_701 = arith.mulf %get3A_514, %exp3A : vector<16xf32>
        %swap3A = arith.constant 0 : i32
        %swap3A_702 = arith.index_cast %swap3A : i32 to index
        %swap3A_703 = arith.index_cast %add3A_508 : i32 to index
        %swap3A_704 = arith.constant 0 : index
        %swap3A_705 = tpu.vector_load %arg8[%swap3A_702, %swap3A_703, %swap3A_704] {strides = array<i32>} : memref<2x64x128xf32, #tpu.memory_space<vmem>>, vector<1x1x16xf32>,
        %swap3A_706 = vector.shape_cast %swap3A_705 : vector<1x1x16xf32> to vector<16xf32>
        %swap3A_707 = vector.shape_cast %mul3A_701 : vector<16xf32> to vector<1x1x16xf32>
        tpu.vector_store %arg8[%swap3A_702, %swap3A_703, %swap3A_704], %swap3A_707 {strides = array<i32>} : memref<2x64x128xf32, #tpu.memory_space<vmem>>, vector<1x1x16xf32>,
        %mul3A_708 = arith.mulf %get3A_532, %exp3A : vector<16xf32>
        %swap3A_709 = arith.constant 0 : i32
        %swap3A_710 = arith.index_cast %swap3A_709 : i32 to index
        %swap3A_711 = arith.index_cast %add3A_508 : i32 to index
        %swap3A_712 = arith.constant 16 : index
        %swap3A_713 = tpu.vector_load %arg8[%swap3A_710, %swap3A_711, %swap3A_712] {strides = array<i32>} : memref<2x64x128xf32, #tpu.memory_space<vmem>>, vector<1x1x16xf32>,
        %swap3A_714 = vector.shape_cast %swap3A_713 : vector<1x1x16xf32> to vector<16xf32>
        %swap3A_715 = vector.shape_cast %mul3A_708 : vector<16xf32> to vector<1x1x16xf32>
        tpu.vector_store %arg8[%swap3A_710, %swap3A_711, %swap3A_712], %swap3A_715 {strides = array<i32>} : memref<2x64x128xf32, #tpu.memory_space<vmem>>, vector<1x1x16xf32>,
        %mul3A_716 = arith.mulf %get3A_551, %exp3A : vector<16xf32>
        %swap3A_717 = arith.constant 0 : i32
        %swap3A_718 = arith.index_cast %swap3A_717 : i32 to index
        %swap3A_719 = arith.index_cast %add3A_508 : i32 to index
        %swap3A_720 = arith.constant 32 : index
        %swap3A_721 = tpu.vector_load %arg8[%swap3A_718, %swap3A_719, %swap3A_720] {strides = array<i32>} : memref<2x64x128xf32, #tpu.memory_space<vmem>>, vector<1x1x16xf32>,
        %swap3A_722 = vector.shape_cast %swap3A_721 : vector<1x1x16xf32> to vector<16xf32>
        %swap3A_723 = vector.shape_cast %mul3A_716 : vector<16xf32> to vector<1x1x16xf32>
        tpu.vector_store %arg8[%swap3A_718, %swap3A_719, %swap3A_720], %swap3A_723 {strides = array<i32>} : memref<2x64x128xf32, #tpu.memory_space<vmem>>, vector<1x1x16xf32>,
        %mul3A_724 = arith.mulf %get3A_570, %exp3A : vector<16xf32>
        %swap3A_725 = arith.constant 0 : i32
        %swap3A_726 = arith.index_cast %swap3A_725 : i32 to index
        %swap3A_727 = arith.index_cast %add3A_508 : i32 to index
        %swap3A_728 = arith.constant 48 : index
        %swap3A_729 = tpu.vector_load %arg8[%swap3A_726, %swap3A_727, %swap3A_728] {strides = array<i32>} : memref<2x64x128xf32, #tpu.memory_space<vmem>>, vector<1x1x16xf32>,
        %swap3A_730 = vector.shape_cast %swap3A_729 : vector<1x1x16xf32> to vector<16xf32>
        %swap3A_731 = vector.shape_cast %mul3A_724 : vector<16xf32> to vector<1x1x16xf32>
        tpu.vector_store %arg8[%swap3A_726, %swap3A_727, %swap3A_728], %swap3A_731 {strides = array<i32>} : memref<2x64x128xf32, #tpu.memory_space<vmem>>, vector<1x1x16xf32>,
        %mul3A_732 = arith.mulf %get3A_589, %exp3A : vector<16xf32>
        %swap3A_733 = arith.constant 0 : i32
        %swap3A_734 = arith.index_cast %swap3A_733 : i32 to index
        %swap3A_735 = arith.index_cast %add3A_508 : i32 to index
        %swap3A_736 = arith.constant 64 : index
        %swap3A_737 = tpu.vector_load %arg8[%swap3A_734, %swap3A_735, %swap3A_736] {strides = array<i32>} : memref<2x64x128xf32, #tpu.memory_space<vmem>>, vector<1x1x16xf32>,
        %swap3A_738 = vector.shape_cast %swap3A_737 : vector<1x1x16xf32> to vector<16xf32>
        %swap3A_739 = vector.shape_cast %mul3A_732 : vector<16xf32> to vector<1x1x16xf32>
        tpu.vector_store %arg8[%swap3A_734, %swap3A_735, %swap3A_736], %swap3A_739 {strides = array<i32>} : memref<2x64x128xf32, #tpu.memory_space<vmem>>, vector<1x1x16xf32>,
        %mul3A_740 = arith.mulf %get3A_608, %exp3A : vector<16xf32>
        %swap3A_741 = arith.constant 0 : i32
        %swap3A_742 = arith.index_cast %swap3A_741 : i32 to index
        %swap3A_743 = arith.index_cast %add3A_508 : i32 to index
        %swap3A_744 = arith.constant 80 : index
        %swap3A_745 = tpu.vector_load %arg8[%swap3A_742, %swap3A_743, %swap3A_744] {strides = array<i32>} : memref<2x64x128xf32, #tpu.memory_space<vmem>>, vector<1x1x16xf32>,
        %swap3A_746 = vector.shape_cast %swap3A_745 : vector<1x1x16xf32> to vector<16xf32>
        %swap3A_747 = vector.shape_cast %mul3A_740 : vector<16xf32> to vector<1x1x16xf32>
        tpu.vector_store %arg8[%swap3A_742, %swap3A_743, %swap3A_744], %swap3A_747 {strides = array<i32>} : memref<2x64x128xf32, #tpu.memory_space<vmem>>, vector<1x1x16xf32>,
        %mul3A_748 = arith.mulf %get3A_627, %exp3A : vector<16xf32>
        %swap3A_749 = arith.constant 0 : i32
        %swap3A_750 = arith.index_cast %swap3A_749 : i32 to index
        %swap3A_751 = arith.index_cast %add3A_508 : i32 to index
        %swap3A_752 = arith.constant 96 : index
        %swap3A_753 = tpu.vector_load %arg8[%swap3A_750, %swap3A_751, %swap3A_752] {strides = array<i32>} : memref<2x64x128xf32, #tpu.memory_space<vmem>>, vector<1x1x16xf32>,
        %swap3A_754 = vector.shape_cast %swap3A_753 : vector<1x1x16xf32> to vector<16xf32>
        %swap3A_755 = vector.shape_cast %mul3A_748 : vector<16xf32> to vector<1x1x16xf32>
        tpu.vector_store %arg8[%swap3A_750, %swap3A_751, %swap3A_752], %swap3A_755 {strides = array<i32>} : memref<2x64x128xf32, #tpu.memory_space<vmem>>, vector<1x1x16xf32>,
        %mul3A_756 = arith.mulf %get3A_646, %exp3A : vector<16xf32>
        %swap3A_757 = arith.constant 0 : i32
        %swap3A_758 = arith.index_cast %swap3A_757 : i32 to index
        %swap3A_759 = arith.index_cast %add3A_508 : i32 to index
        %swap3A_760 = arith.constant 112 : index
        %swap3A_761 = tpu.vector_load %arg8[%swap3A_758, %swap3A_759, %swap3A_760] {strides = array<i32>} : memref<2x64x128xf32, #tpu.memory_space<vmem>>, vector<1x1x16xf32>,
        %swap3A_762 = vector.shape_cast %swap3A_761 : vector<1x1x16xf32> to vector<16xf32>
        %swap3A_763 = vector.shape_cast %mul3A_756 : vector<16xf32> to vector<1x1x16xf32>
        tpu.vector_store %arg8[%swap3A_758, %swap3A_759, %swap3A_760], %swap3A_763 {strides = array<i32>} : memref<2x64x128xf32, #tpu.memory_space<vmem>>, vector<1x1x16xf32>,
        %mul3A_764 = arith.constant 0 : i32
        %mul3A_765 = vector.broadcast %mul3A_764 : i32 to vector<16xi32>
        %mul3A_766 = arith.muli %iota3A, %mul3A_765 : vector<16xi32>
        %add3A_767 = vector.broadcast %scan3A_505 : i32 to vector<16xi32>
        %add3A_768 = arith.addi %mul3A_766, %add3A_767 : vector<16xi32>
        %lt3A_769 = arith.constant 0 : i32
        %lt3A_770 = vector.broadcast %lt3A_769 : i32 to vector<16xi32>
        %lt3A_771 = arith.cmpi slt, %add3A_768, %lt3A_770 : vector<16xi32>
        %add3A_772 = arith.constant 16 : i32
        %add3A_773 = vector.broadcast %add3A_772 : i32 to vector<16xi32>
        %add3A_774 = arith.addi %add3A_768, %add3A_773 : vector<16xi32>
        %select_n3A_775 = arith.select %lt3A_771, %add3A_774, %add3A_768 : vector<16xi1>, vector<16xi32>
        %broadcast_in_dim3A_776 = vector.shape_cast %select_n3A_775 : vector<16xi32> to vector<16x1xi32>
        %gather3A_777 = vector.shape_cast %broadcast_in_dim3A_776 : vector<16x1xi32> to vector<16xi32>
        %gather3A_778 = tpu.dynamic_gather %get3A_261[%gather3A_777] in [0] : vector<16xi32>, vector<16xi32> -> vector<16xi32>
        %and3A = arith.constant 15 : i32
        %and3A_779 = vector.broadcast %and3A : i32 to vector<16xi32>
        %and3A_780 = arith.andi %gather3A_778, %and3A_779 : vector<16xi32>
        %eq3A = arith.cmpi eq, %and3A_780, %iota3A : vector<16xi32>
        %select_n3A_781 = arith.select %eq3A, %exp3A, %broadcast_in_dim3A_3 : vector<16xi1>, vector<16xf32>
        %swap3A_782 = arith.index_cast %add3A_508 : i32 to index
        %swap3A_783 = arith.constant 0 : index
        %swap3A_784 = tpu.vector_load %arg10[%swap3A_782, %swap3A_783] {strides = array<i32>} : memref<64x128xf32, #tpu.memory_space<vmem>>, vector<1x16xf32>,
        %swap3A_785 = vector.shape_cast %swap3A_784 : vector<1x16xf32> to vector<16xf32>
        %swap3A_786 = vector.shape_cast %select_n3A_781 : vector<16xf32> to vector<1x16xf32>
        tpu.vector_store %arg10[%swap3A_782, %swap3A_783], %swap3A_786 {strides = array<i32>} : memref<64x128xf32, #tpu.memory_space<vmem>>, vector<1x16xf32>,
        %scan3A_787 = arith.constant 0 : i32
        scf.yield %scan3A_787 : i32
      }
      %scan3A_268 = arith.constant 16 : i32
      %get3A_269 = arith.constant 0 : i32
      %get3A_270 = arith.constant 2 : i32
      %get3A_271 = arith.index_cast %get3A_269 : i32 to index
      %get3A_272 = arith.index_cast %get3A_270 : i32 to index
      %get3A_273 = arith.constant 32 : index
      %get3A_274 = tpu.vector_load %arg7[%get3A_271, %get3A_272, %get3A_273] {strides = array<i32>} : memref<2x4x64xi32, #tpu.memory_space<vmem>>, vector<1x1x16xi32>,
      %get3A_275 = vector.shape_cast %get3A_274 : vector<1x1x16xi32> to vector<16xi32>
      %scan3A_276 = arith.constant 0 : i32
      %scan3A_277 = arith.constant 0 : i32
      %scan3A_278 = arith.constant 16 : i32
      %scan3A_279 = arith.addi %scan3A_277, %scan3A_278 : i32
      %scan3A_280 = arith.constant 1 : i32
      %scan3A_281 = scf.for %scan3A_505 = %scan3A_277 to %scan3A_279 step %scan3A_280 iter_args(%scan3A_506 = %scan3A_276) -> (i32)  : i32 {
        %add3A_507 = arith.constant 32 : i32
        %add3A_508 = arith.addi %add3A_507, %scan3A_505 : i32
        %get3A_509 = arith.constant 0 : i32
        %get3A_510 = arith.index_cast %get3A_509 : i32 to index
        %get3A_511 = arith.index_cast %add3A_508 : i32 to index
        %get3A_512 = arith.constant 0 : index
        %get3A_513 = tpu.vector_load %arg8[%get3A_510, %get3A_511, %get3A_512] {strides = array<i32>} : memref<2x64x128xf32, #tpu.memory_space<vmem>>, vector<1x1x16xf32>,
        %get3A_514 = vector.shape_cast %get3A_513 : vector<1x1x16xf32> to vector<16xf32>
        %get3A_515 = arith.constant 0 : i32
        %get3A_516 = arith.index_cast %get3A_515 : i32 to index
        %get3A_517 = arith.index_cast %add3A_508 : i32 to index
        %get3A_518 = arith.constant 0 : index
        %get3A_519 = tpu.vector_load %arg9[%get3A_516, %get3A_517, %get3A_518] {strides = array<i32>} : memref<2x64x128xf32, #tpu.memory_space<vmem>>, vector<1x1x16xf32>,
        %get3A_520 = vector.shape_cast %get3A_519 : vector<1x1x16xf32> to vector<16xf32>
        %add3A_521 = arith.addf %get3A_514, %get3A_520 : vector<16xf32>
        %mul3A_522 = arith.constant 2.000000e-01 : f32
        %mul3A_523 = vector.broadcast %mul3A_522 : f32 to vector<16xf32>
        %mul3A_524 = arith.mulf %mul3A_523, %add3A_521 : vector<16xf32>
        %max3A = arith.maximumf %add3A_521, %mul3A_524 : vector<16xf32>
        %mul3A_525 = arith.mulf %max3A, %get3A_43 : vector<16xf32>
        %add3A_526 = arith.addf %broadcast_in_dim3A_3, %mul3A_525 : vector<16xf32>
        %get3A_527 = arith.constant 0 : i32
        %get3A_528 = arith.index_cast %get3A_527 : i32 to index
        %get3A_529 = arith.index_cast %add3A_508 : i32 to index
        %get3A_530 = arith.constant 16 : index
        %get3A_531 = tpu.vector_load %arg8[%get3A_528, %get3A_529, %get3A_530] {strides = array<i32>} : memref<2x64x128xf32, #tpu.memory_space<vmem>>, vector<1x1x16xf32>,
        %get3A_532 = vector.shape_cast %get3A_531 : vector<1x1x16xf32> to vector<16xf32>
        %get3A_533 = arith.constant 0 : i32
        %get3A_534 = arith.index_cast %get3A_533 : i32 to index
        %get3A_535 = arith.index_cast %add3A_508 : i32 to index
        %get3A_536 = arith.constant 16 : index
        %get3A_537 = tpu.vector_load %arg9[%get3A_534, %get3A_535, %get3A_536] {strides = array<i32>} : memref<2x64x128xf32, #tpu.memory_space<vmem>>, vector<1x1x16xf32>,
        %get3A_538 = vector.shape_cast %get3A_537 : vector<1x1x16xf32> to vector<16xf32>
        %add3A_539 = arith.addf %get3A_532, %get3A_538 : vector<16xf32>
        %mul3A_540 = arith.constant 2.000000e-01 : f32
        %mul3A_541 = vector.broadcast %mul3A_540 : f32 to vector<16xf32>
        %mul3A_542 = arith.mulf %mul3A_541, %add3A_539 : vector<16xf32>
        %max3A_543 = arith.maximumf %add3A_539, %mul3A_542 : vector<16xf32>
        %mul3A_544 = arith.mulf %max3A_543, %get3A_46 : vector<16xf32>
        %add3A_545 = arith.addf %add3A_526, %mul3A_544 : vector<16xf32>
        %get3A_546 = arith.constant 0 : i32
        %get3A_547 = arith.index_cast %get3A_546 : i32 to index
        %get3A_548 = arith.index_cast %add3A_508 : i32 to index
        %get3A_549 = arith.constant 32 : index
        %get3A_550 = tpu.vector_load %arg8[%get3A_547, %get3A_548, %get3A_549] {strides = array<i32>} : memref<2x64x128xf32, #tpu.memory_space<vmem>>, vector<1x1x16xf32>,
        %get3A_551 = vector.shape_cast %get3A_550 : vector<1x1x16xf32> to vector<16xf32>
        %get3A_552 = arith.constant 0 : i32
        %get3A_553 = arith.index_cast %get3A_552 : i32 to index
        %get3A_554 = arith.index_cast %add3A_508 : i32 to index
        %get3A_555 = arith.constant 32 : index
        %get3A_556 = tpu.vector_load %arg9[%get3A_553, %get3A_554, %get3A_555] {strides = array<i32>} : memref<2x64x128xf32, #tpu.memory_space<vmem>>, vector<1x1x16xf32>,
        %get3A_557 = vector.shape_cast %get3A_556 : vector<1x1x16xf32> to vector<16xf32>
        %add3A_558 = arith.addf %get3A_551, %get3A_557 : vector<16xf32>
        %mul3A_559 = arith.constant 2.000000e-01 : f32
        %mul3A_560 = vector.broadcast %mul3A_559 : f32 to vector<16xf32>
        %mul3A_561 = arith.mulf %mul3A_560, %add3A_558 : vector<16xf32>
        %max3A_562 = arith.maximumf %add3A_558, %mul3A_561 : vector<16xf32>
        %mul3A_563 = arith.mulf %max3A_562, %get3A_49 : vector<16xf32>
        %add3A_564 = arith.addf %add3A_545, %mul3A_563 : vector<16xf32>
        %get3A_565 = arith.constant 0 : i32
        %get3A_566 = arith.index_cast %get3A_565 : i32 to index
        %get3A_567 = arith.index_cast %add3A_508 : i32 to index
        %get3A_568 = arith.constant 48 : index
        %get3A_569 = tpu.vector_load %arg8[%get3A_566, %get3A_567, %get3A_568] {strides = array<i32>} : memref<2x64x128xf32, #tpu.memory_space<vmem>>, vector<1x1x16xf32>,
        %get3A_570 = vector.shape_cast %get3A_569 : vector<1x1x16xf32> to vector<16xf32>
        %get3A_571 = arith.constant 0 : i32
        %get3A_572 = arith.index_cast %get3A_571 : i32 to index
        %get3A_573 = arith.index_cast %add3A_508 : i32 to index
        %get3A_574 = arith.constant 48 : index
        %get3A_575 = tpu.vector_load %arg9[%get3A_572, %get3A_573, %get3A_574] {strides = array<i32>} : memref<2x64x128xf32, #tpu.memory_space<vmem>>, vector<1x1x16xf32>,
        %get3A_576 = vector.shape_cast %get3A_575 : vector<1x1x16xf32> to vector<16xf32>
        %add3A_577 = arith.addf %get3A_570, %get3A_576 : vector<16xf32>
        %mul3A_578 = arith.constant 2.000000e-01 : f32
        %mul3A_579 = vector.broadcast %mul3A_578 : f32 to vector<16xf32>
        %mul3A_580 = arith.mulf %mul3A_579, %add3A_577 : vector<16xf32>
        %max3A_581 = arith.maximumf %add3A_577, %mul3A_580 : vector<16xf32>
        %mul3A_582 = arith.mulf %max3A_581, %get3A_52 : vector<16xf32>
        %add3A_583 = arith.addf %add3A_564, %mul3A_582 : vector<16xf32>
        %get3A_584 = arith.constant 0 : i32
        %get3A_585 = arith.index_cast %get3A_584 : i32 to index
        %get3A_586 = arith.index_cast %add3A_508 : i32 to index
        %get3A_587 = arith.constant 64 : index
        %get3A_588 = tpu.vector_load %arg8[%get3A_585, %get3A_586, %get3A_587] {strides = array<i32>} : memref<2x64x128xf32, #tpu.memory_space<vmem>>, vector<1x1x16xf32>,
        %get3A_589 = vector.shape_cast %get3A_588 : vector<1x1x16xf32> to vector<16xf32>
        %get3A_590 = arith.constant 0 : i32
        %get3A_591 = arith.index_cast %get3A_590 : i32 to index
        %get3A_592 = arith.index_cast %add3A_508 : i32 to index
        %get3A_593 = arith.constant 64 : index
        %get3A_594 = tpu.vector_load %arg9[%get3A_591, %get3A_592, %get3A_593] {strides = array<i32>} : memref<2x64x128xf32, #tpu.memory_space<vmem>>, vector<1x1x16xf32>,
        %get3A_595 = vector.shape_cast %get3A_594 : vector<1x1x16xf32> to vector<16xf32>
        %add3A_596 = arith.addf %get3A_589, %get3A_595 : vector<16xf32>
        %mul3A_597 = arith.constant 2.000000e-01 : f32
        %mul3A_598 = vector.broadcast %mul3A_597 : f32 to vector<16xf32>
        %mul3A_599 = arith.mulf %mul3A_598, %add3A_596 : vector<16xf32>
        %max3A_600 = arith.maximumf %add3A_596, %mul3A_599 : vector<16xf32>
        %mul3A_601 = arith.mulf %max3A_600, %get3A_55 : vector<16xf32>
        %add3A_602 = arith.addf %add3A_583, %mul3A_601 : vector<16xf32>
        %get3A_603 = arith.constant 0 : i32
        %get3A_604 = arith.index_cast %get3A_603 : i32 to index
        %get3A_605 = arith.index_cast %add3A_508 : i32 to index
        %get3A_606 = arith.constant 80 : index
        %get3A_607 = tpu.vector_load %arg8[%get3A_604, %get3A_605, %get3A_606] {strides = array<i32>} : memref<2x64x128xf32, #tpu.memory_space<vmem>>, vector<1x1x16xf32>,
        %get3A_608 = vector.shape_cast %get3A_607 : vector<1x1x16xf32> to vector<16xf32>
        %get3A_609 = arith.constant 0 : i32
        %get3A_610 = arith.index_cast %get3A_609 : i32 to index
        %get3A_611 = arith.index_cast %add3A_508 : i32 to index
        %get3A_612 = arith.constant 80 : index
        %get3A_613 = tpu.vector_load %arg9[%get3A_610, %get3A_611, %get3A_612] {strides = array<i32>} : memref<2x64x128xf32, #tpu.memory_space<vmem>>, vector<1x1x16xf32>,
        %get3A_614 = vector.shape_cast %get3A_613 : vector<1x1x16xf32> to vector<16xf32>
        %add3A_615 = arith.addf %get3A_608, %get3A_614 : vector<16xf32>
        %mul3A_616 = arith.constant 2.000000e-01 : f32
        %mul3A_617 = vector.broadcast %mul3A_616 : f32 to vector<16xf32>
        %mul3A_618 = arith.mulf %mul3A_617, %add3A_615 : vector<16xf32>
        %max3A_619 = arith.maximumf %add3A_615, %mul3A_618 : vector<16xf32>
        %mul3A_620 = arith.mulf %max3A_619, %get3A_58 : vector<16xf32>
        %add3A_621 = arith.addf %add3A_602, %mul3A_620 : vector<16xf32>
        %get3A_622 = arith.constant 0 : i32
        %get3A_623 = arith.index_cast %get3A_622 : i32 to index
        %get3A_624 = arith.index_cast %add3A_508 : i32 to index
        %get3A_625 = arith.constant 96 : index
        %get3A_626 = tpu.vector_load %arg8[%get3A_623, %get3A_624, %get3A_625] {strides = array<i32>} : memref<2x64x128xf32, #tpu.memory_space<vmem>>, vector<1x1x16xf32>,
        %get3A_627 = vector.shape_cast %get3A_626 : vector<1x1x16xf32> to vector<16xf32>
        %get3A_628 = arith.constant 0 : i32
        %get3A_629 = arith.index_cast %get3A_628 : i32 to index
        %get3A_630 = arith.index_cast %add3A_508 : i32 to index
        %get3A_631 = arith.constant 96 : index
        %get3A_632 = tpu.vector_load %arg9[%get3A_629, %get3A_630, %get3A_631] {strides = array<i32>} : memref<2x64x128xf32, #tpu.memory_space<vmem>>, vector<1x1x16xf32>,
        %get3A_633 = vector.shape_cast %get3A_632 : vector<1x1x16xf32> to vector<16xf32>
        %add3A_634 = arith.addf %get3A_627, %get3A_633 : vector<16xf32>
        %mul3A_635 = arith.constant 2.000000e-01 : f32
        %mul3A_636 = vector.broadcast %mul3A_635 : f32 to vector<16xf32>
        %mul3A_637 = arith.mulf %mul3A_636, %add3A_634 : vector<16xf32>
        %max3A_638 = arith.maximumf %add3A_634, %mul3A_637 : vector<16xf32>
        %mul3A_639 = arith.mulf %max3A_638, %get3A_61 : vector<16xf32>
        %add3A_640 = arith.addf %add3A_621, %mul3A_639 : vector<16xf32>
        %get3A_641 = arith.constant 0 : i32
        %get3A_642 = arith.index_cast %get3A_641 : i32 to index
        %get3A_643 = arith.index_cast %add3A_508 : i32 to index
        %get3A_644 = arith.constant 112 : index
        %get3A_645 = tpu.vector_load %arg8[%get3A_642, %get3A_643, %get3A_644] {strides = array<i32>} : memref<2x64x128xf32, #tpu.memory_space<vmem>>, vector<1x1x16xf32>,
        %get3A_646 = vector.shape_cast %get3A_645 : vector<1x1x16xf32> to vector<16xf32>
        %get3A_647 = arith.constant 0 : i32
        %get3A_648 = arith.index_cast %get3A_647 : i32 to index
        %get3A_649 = arith.index_cast %add3A_508 : i32 to index
        %get3A_650 = arith.constant 112 : index
        %get3A_651 = tpu.vector_load %arg9[%get3A_648, %get3A_649, %get3A_650] {strides = array<i32>} : memref<2x64x128xf32, #tpu.memory_space<vmem>>, vector<1x1x16xf32>,
        %get3A_652 = vector.shape_cast %get3A_651 : vector<1x1x16xf32> to vector<16xf32>
        %add3A_653 = arith.addf %get3A_646, %get3A_652 : vector<16xf32>
        %mul3A_654 = arith.constant 2.000000e-01 : f32
        %mul3A_655 = vector.broadcast %mul3A_654 : f32 to vector<16xf32>
        %mul3A_656 = arith.mulf %mul3A_655, %add3A_653 : vector<16xf32>
        %max3A_657 = arith.maximumf %add3A_653, %mul3A_656 : vector<16xf32>
        %mul3A_658 = arith.mulf %max3A_657, %get3A_64 : vector<16xf32>
        %add3A_659 = arith.addf %add3A_640, %mul3A_658 : vector<16xf32>
        %lt3A = arith.constant 0 : i32
        %lt3A_660 = vector.broadcast %lt3A : i32 to vector<16xi32>
        %lt3A_661 = arith.cmpi slt, %xor3A_66, %lt3A_660 : vector<16xi32>
        %add3A_662 = arith.constant 16 : i32
        %add3A_663 = vector.broadcast %add3A_662 : i32 to vector<16xi32>
        %add3A_664 = arith.addi %xor3A_66, %add3A_663 : vector<16xi32>
        %select_n3A = arith.select %lt3A_661, %add3A_664, %xor3A_66 : vector<16xi1>, vector<16xi32>
        %broadcast_in_dim3A_665 = vector.shape_cast %select_n3A : vector<16xi32> to vector<16x1xi32>
        %gather3A = vector.shape_cast %broadcast_in_dim3A_665 : vector<16x1xi32> to vector<16xi32>
        %gather3A_666 = tpu.dynamic_gather %add3A_659[%gather3A] in [0] : vector<16xf32>, vector<16xi32> -> vector<16xf32>
        %add3A_667 = arith.addf %add3A_659, %gather3A_666 : vector<16xf32>
        %lt3A_668 = arith.constant 0 : i32
        %lt3A_669 = vector.broadcast %lt3A_668 : i32 to vector<16xi32>
        %lt3A_670 = arith.cmpi slt, %xor3A_69, %lt3A_669 : vector<16xi32>
        %add3A_671 = arith.constant 16 : i32
        %add3A_672 = vector.broadcast %add3A_671 : i32 to vector<16xi32>
        %add3A_673 = arith.addi %xor3A_69, %add3A_672 : vector<16xi32>
        %select_n3A_674 = arith.select %lt3A_670, %add3A_673, %xor3A_69 : vector<16xi1>, vector<16xi32>
        %broadcast_in_dim3A_675 = vector.shape_cast %select_n3A_674 : vector<16xi32> to vector<16x1xi32>
        %gather3A_676 = vector.shape_cast %broadcast_in_dim3A_675 : vector<16x1xi32> to vector<16xi32>
        %gather3A_677 = tpu.dynamic_gather %add3A_667[%gather3A_676] in [0] : vector<16xf32>, vector<16xi32> -> vector<16xf32>
        %add3A_678 = arith.addf %add3A_667, %gather3A_677 : vector<16xf32>
        %lt3A_679 = arith.constant 0 : i32
        %lt3A_680 = vector.broadcast %lt3A_679 : i32 to vector<16xi32>
        %lt3A_681 = arith.cmpi slt, %xor3A_72, %lt3A_680 : vector<16xi32>
        %add3A_682 = arith.constant 16 : i32
        %add3A_683 = vector.broadcast %add3A_682 : i32 to vector<16xi32>
        %add3A_684 = arith.addi %xor3A_72, %add3A_683 : vector<16xi32>
        %select_n3A_685 = arith.select %lt3A_681, %add3A_684, %xor3A_72 : vector<16xi1>, vector<16xi32>
        %broadcast_in_dim3A_686 = vector.shape_cast %select_n3A_685 : vector<16xi32> to vector<16x1xi32>
        %gather3A_687 = vector.shape_cast %broadcast_in_dim3A_686 : vector<16x1xi32> to vector<16xi32>
        %gather3A_688 = tpu.dynamic_gather %add3A_678[%gather3A_687] in [0] : vector<16xf32>, vector<16xi32> -> vector<16xf32>
        %add3A_689 = arith.addf %add3A_678, %gather3A_688 : vector<16xf32>
        %lt3A_690 = arith.constant 0 : i32
        %lt3A_691 = vector.broadcast %lt3A_690 : i32 to vector<16xi32>
        %lt3A_692 = arith.cmpi slt, %xor3A_75, %lt3A_691 : vector<16xi32>
        %add3A_693 = arith.constant 16 : i32
        %add3A_694 = vector.broadcast %add3A_693 : i32 to vector<16xi32>
        %add3A_695 = arith.addi %xor3A_75, %add3A_694 : vector<16xi32>
        %select_n3A_696 = arith.select %lt3A_692, %add3A_695, %xor3A_75 : vector<16xi1>, vector<16xi32>
        %broadcast_in_dim3A_697 = vector.shape_cast %select_n3A_696 : vector<16xi32> to vector<16x1xi32>
        %gather3A_698 = vector.shape_cast %broadcast_in_dim3A_697 : vector<16x1xi32> to vector<16xi32>
        %gather3A_699 = tpu.dynamic_gather %add3A_689[%gather3A_698] in [0] : vector<16xf32>, vector<16xi32> -> vector<16xf32>
        %add3A_700 = arith.addf %add3A_689, %gather3A_699 : vector<16xf32>
        %exp3A = math.exp %add3A_700 : vector<16xf32>
        %mul3A_701 = arith.mulf %get3A_514, %exp3A : vector<16xf32>
        %swap3A = arith.constant 0 : i32
        %swap3A_702 = arith.index_cast %swap3A : i32 to index
        %swap3A_703 = arith.index_cast %add3A_508 : i32 to index
        %swap3A_704 = arith.constant 0 : index
        %swap3A_705 = tpu.vector_load %arg8[%swap3A_702, %swap3A_703, %swap3A_704] {strides = array<i32>} : memref<2x64x128xf32, #tpu.memory_space<vmem>>, vector<1x1x16xf32>,
        %swap3A_706 = vector.shape_cast %swap3A_705 : vector<1x1x16xf32> to vector<16xf32>
        %swap3A_707 = vector.shape_cast %mul3A_701 : vector<16xf32> to vector<1x1x16xf32>
        tpu.vector_store %arg8[%swap3A_702, %swap3A_703, %swap3A_704], %swap3A_707 {strides = array<i32>} : memref<2x64x128xf32, #tpu.memory_space<vmem>>, vector<1x1x16xf32>,
        %mul3A_708 = arith.mulf %get3A_532, %exp3A : vector<16xf32>
        %swap3A_709 = arith.constant 0 : i32
        %swap3A_710 = arith.index_cast %swap3A_709 : i32 to index
        %swap3A_711 = arith.index_cast %add3A_508 : i32 to index
        %swap3A_712 = arith.constant 16 : index
        %swap3A_713 = tpu.vector_load %arg8[%swap3A_710, %swap3A_711, %swap3A_712] {strides = array<i32>} : memref<2x64x128xf32, #tpu.memory_space<vmem>>, vector<1x1x16xf32>,
        %swap3A_714 = vector.shape_cast %swap3A_713 : vector<1x1x16xf32> to vector<16xf32>
        %swap3A_715 = vector.shape_cast %mul3A_708 : vector<16xf32> to vector<1x1x16xf32>
        tpu.vector_store %arg8[%swap3A_710, %swap3A_711, %swap3A_712], %swap3A_715 {strides = array<i32>} : memref<2x64x128xf32, #tpu.memory_space<vmem>>, vector<1x1x16xf32>,
        %mul3A_716 = arith.mulf %get3A_551, %exp3A : vector<16xf32>
        %swap3A_717 = arith.constant 0 : i32
        %swap3A_718 = arith.index_cast %swap3A_717 : i32 to index
        %swap3A_719 = arith.index_cast %add3A_508 : i32 to index
        %swap3A_720 = arith.constant 32 : index
        %swap3A_721 = tpu.vector_load %arg8[%swap3A_718, %swap3A_719, %swap3A_720] {strides = array<i32>} : memref<2x64x128xf32, #tpu.memory_space<vmem>>, vector<1x1x16xf32>,
        %swap3A_722 = vector.shape_cast %swap3A_721 : vector<1x1x16xf32> to vector<16xf32>
        %swap3A_723 = vector.shape_cast %mul3A_716 : vector<16xf32> to vector<1x1x16xf32>
        tpu.vector_store %arg8[%swap3A_718, %swap3A_719, %swap3A_720], %swap3A_723 {strides = array<i32>} : memref<2x64x128xf32, #tpu.memory_space<vmem>>, vector<1x1x16xf32>,
        %mul3A_724 = arith.mulf %get3A_570, %exp3A : vector<16xf32>
        %swap3A_725 = arith.constant 0 : i32
        %swap3A_726 = arith.index_cast %swap3A_725 : i32 to index
        %swap3A_727 = arith.index_cast %add3A_508 : i32 to index
        %swap3A_728 = arith.constant 48 : index
        %swap3A_729 = tpu.vector_load %arg8[%swap3A_726, %swap3A_727, %swap3A_728] {strides = array<i32>} : memref<2x64x128xf32, #tpu.memory_space<vmem>>, vector<1x1x16xf32>,
        %swap3A_730 = vector.shape_cast %swap3A_729 : vector<1x1x16xf32> to vector<16xf32>
        %swap3A_731 = vector.shape_cast %mul3A_724 : vector<16xf32> to vector<1x1x16xf32>
        tpu.vector_store %arg8[%swap3A_726, %swap3A_727, %swap3A_728], %swap3A_731 {strides = array<i32>} : memref<2x64x128xf32, #tpu.memory_space<vmem>>, vector<1x1x16xf32>,
        %mul3A_732 = arith.mulf %get3A_589, %exp3A : vector<16xf32>
        %swap3A_733 = arith.constant 0 : i32
        %swap3A_734 = arith.index_cast %swap3A_733 : i32 to index
        %swap3A_735 = arith.index_cast %add3A_508 : i32 to index
        %swap3A_736 = arith.constant 64 : index
        %swap3A_737 = tpu.vector_load %arg8[%swap3A_734, %swap3A_735, %swap3A_736] {strides = array<i32>} : memref<2x64x128xf32, #tpu.memory_space<vmem>>, vector<1x1x16xf32>,
        %swap3A_738 = vector.shape_cast %swap3A_737 : vector<1x1x16xf32> to vector<16xf32>
        %swap3A_739 = vector.shape_cast %mul3A_732 : vector<16xf32> to vector<1x1x16xf32>
        tpu.vector_store %arg8[%swap3A_734, %swap3A_735, %swap3A_736], %swap3A_739 {strides = array<i32>} : memref<2x64x128xf32, #tpu.memory_space<vmem>>, vector<1x1x16xf32>,
        %mul3A_740 = arith.mulf %get3A_608, %exp3A : vector<16xf32>
        %swap3A_741 = arith.constant 0 : i32
        %swap3A_742 = arith.index_cast %swap3A_741 : i32 to index
        %swap3A_743 = arith.index_cast %add3A_508 : i32 to index
        %swap3A_744 = arith.constant 80 : index
        %swap3A_745 = tpu.vector_load %arg8[%swap3A_742, %swap3A_743, %swap3A_744] {strides = array<i32>} : memref<2x64x128xf32, #tpu.memory_space<vmem>>, vector<1x1x16xf32>,
        %swap3A_746 = vector.shape_cast %swap3A_745 : vector<1x1x16xf32> to vector<16xf32>
        %swap3A_747 = vector.shape_cast %mul3A_740 : vector<16xf32> to vector<1x1x16xf32>
        tpu.vector_store %arg8[%swap3A_742, %swap3A_743, %swap3A_744], %swap3A_747 {strides = array<i32>} : memref<2x64x128xf32, #tpu.memory_space<vmem>>, vector<1x1x16xf32>,
        %mul3A_748 = arith.mulf %get3A_627, %exp3A : vector<16xf32>
        %swap3A_749 = arith.constant 0 : i32
        %swap3A_750 = arith.index_cast %swap3A_749 : i32 to index
        %swap3A_751 = arith.index_cast %add3A_508 : i32 to index
        %swap3A_752 = arith.constant 96 : index
        %swap3A_753 = tpu.vector_load %arg8[%swap3A_750, %swap3A_751, %swap3A_752] {strides = array<i32>} : memref<2x64x128xf32, #tpu.memory_space<vmem>>, vector<1x1x16xf32>,
        %swap3A_754 = vector.shape_cast %swap3A_753 : vector<1x1x16xf32> to vector<16xf32>
        %swap3A_755 = vector.shape_cast %mul3A_748 : vector<16xf32> to vector<1x1x16xf32>
        tpu.vector_store %arg8[%swap3A_750, %swap3A_751, %swap3A_752], %swap3A_755 {strides = array<i32>} : memref<2x64x128xf32, #tpu.memory_space<vmem>>, vector<1x1x16xf32>,
        %mul3A_756 = arith.mulf %get3A_646, %exp3A : vector<16xf32>
        %swap3A_757 = arith.constant 0 : i32
        %swap3A_758 = arith.index_cast %swap3A_757 : i32 to index
        %swap3A_759 = arith.index_cast %add3A_508 : i32 to index
        %swap3A_760 = arith.constant 112 : index
        %swap3A_761 = tpu.vector_load %arg8[%swap3A_758, %swap3A_759, %swap3A_760] {strides = array<i32>} : memref<2x64x128xf32, #tpu.memory_space<vmem>>, vector<1x1x16xf32>,
        %swap3A_762 = vector.shape_cast %swap3A_761 : vector<1x1x16xf32> to vector<16xf32>
        %swap3A_763 = vector.shape_cast %mul3A_756 : vector<16xf32> to vector<1x1x16xf32>
        tpu.vector_store %arg8[%swap3A_758, %swap3A_759, %swap3A_760], %swap3A_763 {strides = array<i32>} : memref<2x64x128xf32, #tpu.memory_space<vmem>>, vector<1x1x16xf32>,
        %mul3A_764 = arith.constant 0 : i32
        %mul3A_765 = vector.broadcast %mul3A_764 : i32 to vector<16xi32>
        %mul3A_766 = arith.muli %iota3A, %mul3A_765 : vector<16xi32>
        %add3A_767 = vector.broadcast %scan3A_505 : i32 to vector<16xi32>
        %add3A_768 = arith.addi %mul3A_766, %add3A_767 : vector<16xi32>
        %lt3A_769 = arith.constant 0 : i32
        %lt3A_770 = vector.broadcast %lt3A_769 : i32 to vector<16xi32>
        %lt3A_771 = arith.cmpi slt, %add3A_768, %lt3A_770 : vector<16xi32>
        %add3A_772 = arith.constant 16 : i32
        %add3A_773 = vector.broadcast %add3A_772 : i32 to vector<16xi32>
        %add3A_774 = arith.addi %add3A_768, %add3A_773 : vector<16xi32>
        %select_n3A_775 = arith.select %lt3A_771, %add3A_774, %add3A_768 : vector<16xi1>, vector<16xi32>
        %broadcast_in_dim3A_776 = vector.shape_cast %select_n3A_775 : vector<16xi32> to vector<16x1xi32>
        %gather3A_777 = vector.shape_cast %broadcast_in_dim3A_776 : vector<16x1xi32> to vector<16xi32>
        %gather3A_778 = tpu.dynamic_gather %get3A_275[%gather3A_777] in [0] : vector<16xi32>, vector<16xi32> -> vector<16xi32>
        %and3A = arith.constant 15 : i32
        %and3A_779 = vector.broadcast %and3A : i32 to vector<16xi32>
        %and3A_780 = arith.andi %gather3A_778, %and3A_779 : vector<16xi32>
        %eq3A = arith.cmpi eq, %and3A_780, %iota3A : vector<16xi32>
        %select_n3A_781 = arith.select %eq3A, %exp3A, %broadcast_in_dim3A_3 : vector<16xi1>, vector<16xf32>
        %swap3A_782 = arith.index_cast %add3A_508 : i32 to index
        %swap3A_783 = arith.constant 0 : index
        %swap3A_784 = tpu.vector_load %arg10[%swap3A_782, %swap3A_783] {strides = array<i32>} : memref<64x128xf32, #tpu.memory_space<vmem>>, vector<1x16xf32>,
        %swap3A_785 = vector.shape_cast %swap3A_784 : vector<1x16xf32> to vector<16xf32>
        %swap3A_786 = vector.shape_cast %select_n3A_781 : vector<16xf32> to vector<1x16xf32>
        tpu.vector_store %arg10[%swap3A_782, %swap3A_783], %swap3A_786 {strides = array<i32>} : memref<64x128xf32, #tpu.memory_space<vmem>>, vector<1x16xf32>,
        %scan3A_787 = arith.constant 0 : i32
        scf.yield %scan3A_787 : i32
      }
      %scan3A_282 = arith.constant 16 : i32
      %get3A_283 = arith.constant 0 : i32
      %get3A_284 = arith.constant 2 : i32
      %get3A_285 = arith.index_cast %get3A_283 : i32 to index
      %get3A_286 = arith.index_cast %get3A_284 : i32 to index
      %get3A_287 = arith.constant 48 : index
      %get3A_288 = tpu.vector_load %arg7[%get3A_285, %get3A_286, %get3A_287] {strides = array<i32>} : memref<2x4x64xi32, #tpu.memory_space<vmem>>, vector<1x1x16xi32>,
      %get3A_289 = vector.shape_cast %get3A_288 : vector<1x1x16xi32> to vector<16xi32>
      %scan3A_290 = arith.constant 0 : i32
      %scan3A_291 = arith.constant 0 : i32
      %scan3A_292 = arith.constant 16 : i32
      %scan3A_293 = arith.addi %scan3A_291, %scan3A_292 : i32
      %scan3A_294 = arith.constant 1 : i32
      %scan3A_295 = scf.for %scan3A_505 = %scan3A_291 to %scan3A_293 step %scan3A_294 iter_args(%scan3A_506 = %scan3A_290) -> (i32)  : i32 {
        %add3A_507 = arith.constant 48 : i32
        %add3A_508 = arith.addi %add3A_507, %scan3A_505 : i32
        %get3A_509 = arith.constant 0 : i32
        %get3A_510 = arith.index_cast %get3A_509 : i32 to index
        %get3A_511 = arith.index_cast %add3A_508 : i32 to index
        %get3A_512 = arith.constant 0 : index
        %get3A_513 = tpu.vector_load %arg8[%get3A_510, %get3A_511, %get3A_512] {strides = array<i32>} : memref<2x64x128xf32, #tpu.memory_space<vmem>>, vector<1x1x16xf32>,
        %get3A_514 = vector.shape_cast %get3A_513 : vector<1x1x16xf32> to vector<16xf32>
        %get3A_515 = arith.constant 0 : i32
        %get3A_516 = arith.index_cast %get3A_515 : i32 to index
        %get3A_517 = arith.index_cast %add3A_508 : i32 to index
        %get3A_518 = arith.constant 0 : index
        %get3A_519 = tpu.vector_load %arg9[%get3A_516, %get3A_517, %get3A_518] {strides = array<i32>} : memref<2x64x128xf32, #tpu.memory_space<vmem>>, vector<1x1x16xf32>,
        %get3A_520 = vector.shape_cast %get3A_519 : vector<1x1x16xf32> to vector<16xf32>
        %add3A_521 = arith.addf %get3A_514, %get3A_520 : vector<16xf32>
        %mul3A_522 = arith.constant 2.000000e-01 : f32
        %mul3A_523 = vector.broadcast %mul3A_522 : f32 to vector<16xf32>
        %mul3A_524 = arith.mulf %mul3A_523, %add3A_521 : vector<16xf32>
        %max3A = arith.maximumf %add3A_521, %mul3A_524 : vector<16xf32>
        %mul3A_525 = arith.mulf %max3A, %get3A_43 : vector<16xf32>
        %add3A_526 = arith.addf %broadcast_in_dim3A_3, %mul3A_525 : vector<16xf32>
        %get3A_527 = arith.constant 0 : i32
        %get3A_528 = arith.index_cast %get3A_527 : i32 to index
        %get3A_529 = arith.index_cast %add3A_508 : i32 to index
        %get3A_530 = arith.constant 16 : index
        %get3A_531 = tpu.vector_load %arg8[%get3A_528, %get3A_529, %get3A_530] {strides = array<i32>} : memref<2x64x128xf32, #tpu.memory_space<vmem>>, vector<1x1x16xf32>,
        %get3A_532 = vector.shape_cast %get3A_531 : vector<1x1x16xf32> to vector<16xf32>
        %get3A_533 = arith.constant 0 : i32
        %get3A_534 = arith.index_cast %get3A_533 : i32 to index
        %get3A_535 = arith.index_cast %add3A_508 : i32 to index
        %get3A_536 = arith.constant 16 : index
        %get3A_537 = tpu.vector_load %arg9[%get3A_534, %get3A_535, %get3A_536] {strides = array<i32>} : memref<2x64x128xf32, #tpu.memory_space<vmem>>, vector<1x1x16xf32>,
        %get3A_538 = vector.shape_cast %get3A_537 : vector<1x1x16xf32> to vector<16xf32>
        %add3A_539 = arith.addf %get3A_532, %get3A_538 : vector<16xf32>
        %mul3A_540 = arith.constant 2.000000e-01 : f32
        %mul3A_541 = vector.broadcast %mul3A_540 : f32 to vector<16xf32>
        %mul3A_542 = arith.mulf %mul3A_541, %add3A_539 : vector<16xf32>
        %max3A_543 = arith.maximumf %add3A_539, %mul3A_542 : vector<16xf32>
        %mul3A_544 = arith.mulf %max3A_543, %get3A_46 : vector<16xf32>
        %add3A_545 = arith.addf %add3A_526, %mul3A_544 : vector<16xf32>
        %get3A_546 = arith.constant 0 : i32
        %get3A_547 = arith.index_cast %get3A_546 : i32 to index
        %get3A_548 = arith.index_cast %add3A_508 : i32 to index
        %get3A_549 = arith.constant 32 : index
        %get3A_550 = tpu.vector_load %arg8[%get3A_547, %get3A_548, %get3A_549] {strides = array<i32>} : memref<2x64x128xf32, #tpu.memory_space<vmem>>, vector<1x1x16xf32>,
        %get3A_551 = vector.shape_cast %get3A_550 : vector<1x1x16xf32> to vector<16xf32>
        %get3A_552 = arith.constant 0 : i32
        %get3A_553 = arith.index_cast %get3A_552 : i32 to index
        %get3A_554 = arith.index_cast %add3A_508 : i32 to index
        %get3A_555 = arith.constant 32 : index
        %get3A_556 = tpu.vector_load %arg9[%get3A_553, %get3A_554, %get3A_555] {strides = array<i32>} : memref<2x64x128xf32, #tpu.memory_space<vmem>>, vector<1x1x16xf32>,
        %get3A_557 = vector.shape_cast %get3A_556 : vector<1x1x16xf32> to vector<16xf32>
        %add3A_558 = arith.addf %get3A_551, %get3A_557 : vector<16xf32>
        %mul3A_559 = arith.constant 2.000000e-01 : f32
        %mul3A_560 = vector.broadcast %mul3A_559 : f32 to vector<16xf32>
        %mul3A_561 = arith.mulf %mul3A_560, %add3A_558 : vector<16xf32>
        %max3A_562 = arith.maximumf %add3A_558, %mul3A_561 : vector<16xf32>
        %mul3A_563 = arith.mulf %max3A_562, %get3A_49 : vector<16xf32>
        %add3A_564 = arith.addf %add3A_545, %mul3A_563 : vector<16xf32>
        %get3A_565 = arith.constant 0 : i32
        %get3A_566 = arith.index_cast %get3A_565 : i32 to index
        %get3A_567 = arith.index_cast %add3A_508 : i32 to index
        %get3A_568 = arith.constant 48 : index
        %get3A_569 = tpu.vector_load %arg8[%get3A_566, %get3A_567, %get3A_568] {strides = array<i32>} : memref<2x64x128xf32, #tpu.memory_space<vmem>>, vector<1x1x16xf32>,
        %get3A_570 = vector.shape_cast %get3A_569 : vector<1x1x16xf32> to vector<16xf32>
        %get3A_571 = arith.constant 0 : i32
        %get3A_572 = arith.index_cast %get3A_571 : i32 to index
        %get3A_573 = arith.index_cast %add3A_508 : i32 to index
        %get3A_574 = arith.constant 48 : index
        %get3A_575 = tpu.vector_load %arg9[%get3A_572, %get3A_573, %get3A_574] {strides = array<i32>} : memref<2x64x128xf32, #tpu.memory_space<vmem>>, vector<1x1x16xf32>,
        %get3A_576 = vector.shape_cast %get3A_575 : vector<1x1x16xf32> to vector<16xf32>
        %add3A_577 = arith.addf %get3A_570, %get3A_576 : vector<16xf32>
        %mul3A_578 = arith.constant 2.000000e-01 : f32
        %mul3A_579 = vector.broadcast %mul3A_578 : f32 to vector<16xf32>
        %mul3A_580 = arith.mulf %mul3A_579, %add3A_577 : vector<16xf32>
        %max3A_581 = arith.maximumf %add3A_577, %mul3A_580 : vector<16xf32>
        %mul3A_582 = arith.mulf %max3A_581, %get3A_52 : vector<16xf32>
        %add3A_583 = arith.addf %add3A_564, %mul3A_582 : vector<16xf32>
        %get3A_584 = arith.constant 0 : i32
        %get3A_585 = arith.index_cast %get3A_584 : i32 to index
        %get3A_586 = arith.index_cast %add3A_508 : i32 to index
        %get3A_587 = arith.constant 64 : index
        %get3A_588 = tpu.vector_load %arg8[%get3A_585, %get3A_586, %get3A_587] {strides = array<i32>} : memref<2x64x128xf32, #tpu.memory_space<vmem>>, vector<1x1x16xf32>,
        %get3A_589 = vector.shape_cast %get3A_588 : vector<1x1x16xf32> to vector<16xf32>
        %get3A_590 = arith.constant 0 : i32
        %get3A_591 = arith.index_cast %get3A_590 : i32 to index
        %get3A_592 = arith.index_cast %add3A_508 : i32 to index
        %get3A_593 = arith.constant 64 : index
        %get3A_594 = tpu.vector_load %arg9[%get3A_591, %get3A_592, %get3A_593] {strides = array<i32>} : memref<2x64x128xf32, #tpu.memory_space<vmem>>, vector<1x1x16xf32>,
        %get3A_595 = vector.shape_cast %get3A_594 : vector<1x1x16xf32> to vector<16xf32>
        %add3A_596 = arith.addf %get3A_589, %get3A_595 : vector<16xf32>
        %mul3A_597 = arith.constant 2.000000e-01 : f32
        %mul3A_598 = vector.broadcast %mul3A_597 : f32 to vector<16xf32>
        %mul3A_599 = arith.mulf %mul3A_598, %add3A_596 : vector<16xf32>
        %max3A_600 = arith.maximumf %add3A_596, %mul3A_599 : vector<16xf32>
        %mul3A_601 = arith.mulf %max3A_600, %get3A_55 : vector<16xf32>
        %add3A_602 = arith.addf %add3A_583, %mul3A_601 : vector<16xf32>
        %get3A_603 = arith.constant 0 : i32
        %get3A_604 = arith.index_cast %get3A_603 : i32 to index
        %get3A_605 = arith.index_cast %add3A_508 : i32 to index
        %get3A_606 = arith.constant 80 : index
        %get3A_607 = tpu.vector_load %arg8[%get3A_604, %get3A_605, %get3A_606] {strides = array<i32>} : memref<2x64x128xf32, #tpu.memory_space<vmem>>, vector<1x1x16xf32>,
        %get3A_608 = vector.shape_cast %get3A_607 : vector<1x1x16xf32> to vector<16xf32>
        %get3A_609 = arith.constant 0 : i32
        %get3A_610 = arith.index_cast %get3A_609 : i32 to index
        %get3A_611 = arith.index_cast %add3A_508 : i32 to index
        %get3A_612 = arith.constant 80 : index
        %get3A_613 = tpu.vector_load %arg9[%get3A_610, %get3A_611, %get3A_612] {strides = array<i32>} : memref<2x64x128xf32, #tpu.memory_space<vmem>>, vector<1x1x16xf32>,
        %get3A_614 = vector.shape_cast %get3A_613 : vector<1x1x16xf32> to vector<16xf32>
        %add3A_615 = arith.addf %get3A_608, %get3A_614 : vector<16xf32>
        %mul3A_616 = arith.constant 2.000000e-01 : f32
        %mul3A_617 = vector.broadcast %mul3A_616 : f32 to vector<16xf32>
        %mul3A_618 = arith.mulf %mul3A_617, %add3A_615 : vector<16xf32>
        %max3A_619 = arith.maximumf %add3A_615, %mul3A_618 : vector<16xf32>
        %mul3A_620 = arith.mulf %max3A_619, %get3A_58 : vector<16xf32>
        %add3A_621 = arith.addf %add3A_602, %mul3A_620 : vector<16xf32>
        %get3A_622 = arith.constant 0 : i32
        %get3A_623 = arith.index_cast %get3A_622 : i32 to index
        %get3A_624 = arith.index_cast %add3A_508 : i32 to index
        %get3A_625 = arith.constant 96 : index
        %get3A_626 = tpu.vector_load %arg8[%get3A_623, %get3A_624, %get3A_625] {strides = array<i32>} : memref<2x64x128xf32, #tpu.memory_space<vmem>>, vector<1x1x16xf32>,
        %get3A_627 = vector.shape_cast %get3A_626 : vector<1x1x16xf32> to vector<16xf32>
        %get3A_628 = arith.constant 0 : i32
        %get3A_629 = arith.index_cast %get3A_628 : i32 to index
        %get3A_630 = arith.index_cast %add3A_508 : i32 to index
        %get3A_631 = arith.constant 96 : index
        %get3A_632 = tpu.vector_load %arg9[%get3A_629, %get3A_630, %get3A_631] {strides = array<i32>} : memref<2x64x128xf32, #tpu.memory_space<vmem>>, vector<1x1x16xf32>,
        %get3A_633 = vector.shape_cast %get3A_632 : vector<1x1x16xf32> to vector<16xf32>
        %add3A_634 = arith.addf %get3A_627, %get3A_633 : vector<16xf32>
        %mul3A_635 = arith.constant 2.000000e-01 : f32
        %mul3A_636 = vector.broadcast %mul3A_635 : f32 to vector<16xf32>
        %mul3A_637 = arith.mulf %mul3A_636, %add3A_634 : vector<16xf32>
        %max3A_638 = arith.maximumf %add3A_634, %mul3A_637 : vector<16xf32>
        %mul3A_639 = arith.mulf %max3A_638, %get3A_61 : vector<16xf32>
        %add3A_640 = arith.addf %add3A_621, %mul3A_639 : vector<16xf32>
        %get3A_641 = arith.constant 0 : i32
        %get3A_642 = arith.index_cast %get3A_641 : i32 to index
        %get3A_643 = arith.index_cast %add3A_508 : i32 to index
        %get3A_644 = arith.constant 112 : index
        %get3A_645 = tpu.vector_load %arg8[%get3A_642, %get3A_643, %get3A_644] {strides = array<i32>} : memref<2x64x128xf32, #tpu.memory_space<vmem>>, vector<1x1x16xf32>,
        %get3A_646 = vector.shape_cast %get3A_645 : vector<1x1x16xf32> to vector<16xf32>
        %get3A_647 = arith.constant 0 : i32
        %get3A_648 = arith.index_cast %get3A_647 : i32 to index
        %get3A_649 = arith.index_cast %add3A_508 : i32 to index
        %get3A_650 = arith.constant 112 : index
        %get3A_651 = tpu.vector_load %arg9[%get3A_648, %get3A_649, %get3A_650] {strides = array<i32>} : memref<2x64x128xf32, #tpu.memory_space<vmem>>, vector<1x1x16xf32>,
        %get3A_652 = vector.shape_cast %get3A_651 : vector<1x1x16xf32> to vector<16xf32>
        %add3A_653 = arith.addf %get3A_646, %get3A_652 : vector<16xf32>
        %mul3A_654 = arith.constant 2.000000e-01 : f32
        %mul3A_655 = vector.broadcast %mul3A_654 : f32 to vector<16xf32>
        %mul3A_656 = arith.mulf %mul3A_655, %add3A_653 : vector<16xf32>
        %max3A_657 = arith.maximumf %add3A_653, %mul3A_656 : vector<16xf32>
        %mul3A_658 = arith.mulf %max3A_657, %get3A_64 : vector<16xf32>
        %add3A_659 = arith.addf %add3A_640, %mul3A_658 : vector<16xf32>
        %lt3A = arith.constant 0 : i32
        %lt3A_660 = vector.broadcast %lt3A : i32 to vector<16xi32>
        %lt3A_661 = arith.cmpi slt, %xor3A_66, %lt3A_660 : vector<16xi32>
        %add3A_662 = arith.constant 16 : i32
        %add3A_663 = vector.broadcast %add3A_662 : i32 to vector<16xi32>
        %add3A_664 = arith.addi %xor3A_66, %add3A_663 : vector<16xi32>
        %select_n3A = arith.select %lt3A_661, %add3A_664, %xor3A_66 : vector<16xi1>, vector<16xi32>
        %broadcast_in_dim3A_665 = vector.shape_cast %select_n3A : vector<16xi32> to vector<16x1xi32>
        %gather3A = vector.shape_cast %broadcast_in_dim3A_665 : vector<16x1xi32> to vector<16xi32>
        %gather3A_666 = tpu.dynamic_gather %add3A_659[%gather3A] in [0] : vector<16xf32>, vector<16xi32> -> vector<16xf32>
        %add3A_667 = arith.addf %add3A_659, %gather3A_666 : vector<16xf32>
        %lt3A_668 = arith.constant 0 : i32
        %lt3A_669 = vector.broadcast %lt3A_668 : i32 to vector<16xi32>
        %lt3A_670 = arith.cmpi slt, %xor3A_69, %lt3A_669 : vector<16xi32>
        %add3A_671 = arith.constant 16 : i32
        %add3A_672 = vector.broadcast %add3A_671 : i32 to vector<16xi32>
        %add3A_673 = arith.addi %xor3A_69, %add3A_672 : vector<16xi32>
        %select_n3A_674 = arith.select %lt3A_670, %add3A_673, %xor3A_69 : vector<16xi1>, vector<16xi32>
        %broadcast_in_dim3A_675 = vector.shape_cast %select_n3A_674 : vector<16xi32> to vector<16x1xi32>
        %gather3A_676 = vector.shape_cast %broadcast_in_dim3A_675 : vector<16x1xi32> to vector<16xi32>
        %gather3A_677 = tpu.dynamic_gather %add3A_667[%gather3A_676] in [0] : vector<16xf32>, vector<16xi32> -> vector<16xf32>
        %add3A_678 = arith.addf %add3A_667, %gather3A_677 : vector<16xf32>
        %lt3A_679 = arith.constant 0 : i32
        %lt3A_680 = vector.broadcast %lt3A_679 : i32 to vector<16xi32>
        %lt3A_681 = arith.cmpi slt, %xor3A_72, %lt3A_680 : vector<16xi32>
        %add3A_682 = arith.constant 16 : i32
        %add3A_683 = vector.broadcast %add3A_682 : i32 to vector<16xi32>
        %add3A_684 = arith.addi %xor3A_72, %add3A_683 : vector<16xi32>
        %select_n3A_685 = arith.select %lt3A_681, %add3A_684, %xor3A_72 : vector<16xi1>, vector<16xi32>
        %broadcast_in_dim3A_686 = vector.shape_cast %select_n3A_685 : vector<16xi32> to vector<16x1xi32>
        %gather3A_687 = vector.shape_cast %broadcast_in_dim3A_686 : vector<16x1xi32> to vector<16xi32>
        %gather3A_688 = tpu.dynamic_gather %add3A_678[%gather3A_687] in [0] : vector<16xf32>, vector<16xi32> -> vector<16xf32>
        %add3A_689 = arith.addf %add3A_678, %gather3A_688 : vector<16xf32>
        %lt3A_690 = arith.constant 0 : i32
        %lt3A_691 = vector.broadcast %lt3A_690 : i32 to vector<16xi32>
        %lt3A_692 = arith.cmpi slt, %xor3A_75, %lt3A_691 : vector<16xi32>
        %add3A_693 = arith.constant 16 : i32
        %add3A_694 = vector.broadcast %add3A_693 : i32 to vector<16xi32>
        %add3A_695 = arith.addi %xor3A_75, %add3A_694 : vector<16xi32>
        %select_n3A_696 = arith.select %lt3A_692, %add3A_695, %xor3A_75 : vector<16xi1>, vector<16xi32>
        %broadcast_in_dim3A_697 = vector.shape_cast %select_n3A_696 : vector<16xi32> to vector<16x1xi32>
        %gather3A_698 = vector.shape_cast %broadcast_in_dim3A_697 : vector<16x1xi32> to vector<16xi32>
        %gather3A_699 = tpu.dynamic_gather %add3A_689[%gather3A_698] in [0] : vector<16xf32>, vector<16xi32> -> vector<16xf32>
        %add3A_700 = arith.addf %add3A_689, %gather3A_699 : vector<16xf32>
        %exp3A = math.exp %add3A_700 : vector<16xf32>
        %mul3A_701 = arith.mulf %get3A_514, %exp3A : vector<16xf32>
        %swap3A = arith.constant 0 : i32
        %swap3A_702 = arith.index_cast %swap3A : i32 to index
        %swap3A_703 = arith.index_cast %add3A_508 : i32 to index
        %swap3A_704 = arith.constant 0 : index
        %swap3A_705 = tpu.vector_load %arg8[%swap3A_702, %swap3A_703, %swap3A_704] {strides = array<i32>} : memref<2x64x128xf32, #tpu.memory_space<vmem>>, vector<1x1x16xf32>,
        %swap3A_706 = vector.shape_cast %swap3A_705 : vector<1x1x16xf32> to vector<16xf32>
        %swap3A_707 = vector.shape_cast %mul3A_701 : vector<16xf32> to vector<1x1x16xf32>
        tpu.vector_store %arg8[%swap3A_702, %swap3A_703, %swap3A_704], %swap3A_707 {strides = array<i32>} : memref<2x64x128xf32, #tpu.memory_space<vmem>>, vector<1x1x16xf32>,
        %mul3A_708 = arith.mulf %get3A_532, %exp3A : vector<16xf32>
        %swap3A_709 = arith.constant 0 : i32
        %swap3A_710 = arith.index_cast %swap3A_709 : i32 to index
        %swap3A_711 = arith.index_cast %add3A_508 : i32 to index
        %swap3A_712 = arith.constant 16 : index
        %swap3A_713 = tpu.vector_load %arg8[%swap3A_710, %swap3A_711, %swap3A_712] {strides = array<i32>} : memref<2x64x128xf32, #tpu.memory_space<vmem>>, vector<1x1x16xf32>,
        %swap3A_714 = vector.shape_cast %swap3A_713 : vector<1x1x16xf32> to vector<16xf32>
        %swap3A_715 = vector.shape_cast %mul3A_708 : vector<16xf32> to vector<1x1x16xf32>
        tpu.vector_store %arg8[%swap3A_710, %swap3A_711, %swap3A_712], %swap3A_715 {strides = array<i32>} : memref<2x64x128xf32, #tpu.memory_space<vmem>>, vector<1x1x16xf32>,
        %mul3A_716 = arith.mulf %get3A_551, %exp3A : vector<16xf32>
        %swap3A_717 = arith.constant 0 : i32
        %swap3A_718 = arith.index_cast %swap3A_717 : i32 to index
        %swap3A_719 = arith.index_cast %add3A_508 : i32 to index
        %swap3A_720 = arith.constant 32 : index
        %swap3A_721 = tpu.vector_load %arg8[%swap3A_718, %swap3A_719, %swap3A_720] {strides = array<i32>} : memref<2x64x128xf32, #tpu.memory_space<vmem>>, vector<1x1x16xf32>,
        %swap3A_722 = vector.shape_cast %swap3A_721 : vector<1x1x16xf32> to vector<16xf32>
        %swap3A_723 = vector.shape_cast %mul3A_716 : vector<16xf32> to vector<1x1x16xf32>
        tpu.vector_store %arg8[%swap3A_718, %swap3A_719, %swap3A_720], %swap3A_723 {strides = array<i32>} : memref<2x64x128xf32, #tpu.memory_space<vmem>>, vector<1x1x16xf32>,
        %mul3A_724 = arith.mulf %get3A_570, %exp3A : vector<16xf32>
        %swap3A_725 = arith.constant 0 : i32
        %swap3A_726 = arith.index_cast %swap3A_725 : i32 to index
        %swap3A_727 = arith.index_cast %add3A_508 : i32 to index
        %swap3A_728 = arith.constant 48 : index
        %swap3A_729 = tpu.vector_load %arg8[%swap3A_726, %swap3A_727, %swap3A_728] {strides = array<i32>} : memref<2x64x128xf32, #tpu.memory_space<vmem>>, vector<1x1x16xf32>,
        %swap3A_730 = vector.shape_cast %swap3A_729 : vector<1x1x16xf32> to vector<16xf32>
        %swap3A_731 = vector.shape_cast %mul3A_724 : vector<16xf32> to vector<1x1x16xf32>
        tpu.vector_store %arg8[%swap3A_726, %swap3A_727, %swap3A_728], %swap3A_731 {strides = array<i32>} : memref<2x64x128xf32, #tpu.memory_space<vmem>>, vector<1x1x16xf32>,
        %mul3A_732 = arith.mulf %get3A_589, %exp3A : vector<16xf32>
        %swap3A_733 = arith.constant 0 : i32
        %swap3A_734 = arith.index_cast %swap3A_733 : i32 to index
        %swap3A_735 = arith.index_cast %add3A_508 : i32 to index
        %swap3A_736 = arith.constant 64 : index
        %swap3A_737 = tpu.vector_load %arg8[%swap3A_734, %swap3A_735, %swap3A_736] {strides = array<i32>} : memref<2x64x128xf32, #tpu.memory_space<vmem>>, vector<1x1x16xf32>,
        %swap3A_738 = vector.shape_cast %swap3A_737 : vector<1x1x16xf32> to vector<16xf32>
        %swap3A_739 = vector.shape_cast %mul3A_732 : vector<16xf32> to vector<1x1x16xf32>
        tpu.vector_store %arg8[%swap3A_734, %swap3A_735, %swap3A_736], %swap3A_739 {strides = array<i32>} : memref<2x64x128xf32, #tpu.memory_space<vmem>>, vector<1x1x16xf32>,
        %mul3A_740 = arith.mulf %get3A_608, %exp3A : vector<16xf32>
        %swap3A_741 = arith.constant 0 : i32
        %swap3A_742 = arith.index_cast %swap3A_741 : i32 to index
        %swap3A_743 = arith.index_cast %add3A_508 : i32 to index
        %swap3A_744 = arith.constant 80 : index
        %swap3A_745 = tpu.vector_load %arg8[%swap3A_742, %swap3A_743, %swap3A_744] {strides = array<i32>} : memref<2x64x128xf32, #tpu.memory_space<vmem>>, vector<1x1x16xf32>,
        %swap3A_746 = vector.shape_cast %swap3A_745 : vector<1x1x16xf32> to vector<16xf32>
        %swap3A_747 = vector.shape_cast %mul3A_740 : vector<16xf32> to vector<1x1x16xf32>
        tpu.vector_store %arg8[%swap3A_742, %swap3A_743, %swap3A_744], %swap3A_747 {strides = array<i32>} : memref<2x64x128xf32, #tpu.memory_space<vmem>>, vector<1x1x16xf32>,
        %mul3A_748 = arith.mulf %get3A_627, %exp3A : vector<16xf32>
        %swap3A_749 = arith.constant 0 : i32
        %swap3A_750 = arith.index_cast %swap3A_749 : i32 to index
        %swap3A_751 = arith.index_cast %add3A_508 : i32 to index
        %swap3A_752 = arith.constant 96 : index
        %swap3A_753 = tpu.vector_load %arg8[%swap3A_750, %swap3A_751, %swap3A_752] {strides = array<i32>} : memref<2x64x128xf32, #tpu.memory_space<vmem>>, vector<1x1x16xf32>,
        %swap3A_754 = vector.shape_cast %swap3A_753 : vector<1x1x16xf32> to vector<16xf32>
        %swap3A_755 = vector.shape_cast %mul3A_748 : vector<16xf32> to vector<1x1x16xf32>
        tpu.vector_store %arg8[%swap3A_750, %swap3A_751, %swap3A_752], %swap3A_755 {strides = array<i32>} : memref<2x64x128xf32, #tpu.memory_space<vmem>>, vector<1x1x16xf32>,
        %mul3A_756 = arith.mulf %get3A_646, %exp3A : vector<16xf32>
        %swap3A_757 = arith.constant 0 : i32
        %swap3A_758 = arith.index_cast %swap3A_757 : i32 to index
        %swap3A_759 = arith.index_cast %add3A_508 : i32 to index
        %swap3A_760 = arith.constant 112 : index
        %swap3A_761 = tpu.vector_load %arg8[%swap3A_758, %swap3A_759, %swap3A_760] {strides = array<i32>} : memref<2x64x128xf32, #tpu.memory_space<vmem>>, vector<1x1x16xf32>,
        %swap3A_762 = vector.shape_cast %swap3A_761 : vector<1x1x16xf32> to vector<16xf32>
        %swap3A_763 = vector.shape_cast %mul3A_756 : vector<16xf32> to vector<1x1x16xf32>
        tpu.vector_store %arg8[%swap3A_758, %swap3A_759, %swap3A_760], %swap3A_763 {strides = array<i32>} : memref<2x64x128xf32, #tpu.memory_space<vmem>>, vector<1x1x16xf32>,
        %mul3A_764 = arith.constant 0 : i32
        %mul3A_765 = vector.broadcast %mul3A_764 : i32 to vector<16xi32>
        %mul3A_766 = arith.muli %iota3A, %mul3A_765 : vector<16xi32>
        %add3A_767 = vector.broadcast %scan3A_505 : i32 to vector<16xi32>
        %add3A_768 = arith.addi %mul3A_766, %add3A_767 : vector<16xi32>
        %lt3A_769 = arith.constant 0 : i32
        %lt3A_770 = vector.broadcast %lt3A_769 : i32 to vector<16xi32>
        %lt3A_771 = arith.cmpi slt, %add3A_768, %lt3A_770 : vector<16xi32>
        %add3A_772 = arith.constant 16 : i32
        %add3A_773 = vector.broadcast %add3A_772 : i32 to vector<16xi32>
        %add3A_774 = arith.addi %add3A_768, %add3A_773 : vector<16xi32>
        %select_n3A_775 = arith.select %lt3A_771, %add3A_774, %add3A_768 : vector<16xi1>, vector<16xi32>
        %broadcast_in_dim3A_776 = vector.shape_cast %select_n3A_775 : vector<16xi32> to vector<16x1xi32>
        %gather3A_777 = vector.shape_cast %broadcast_in_dim3A_776 : vector<16x1xi32> to vector<16xi32>
        %gather3A_778 = tpu.dynamic_gather %get3A_289[%gather3A_777] in [0] : vector<16xi32>, vector<16xi32> -> vector<16xi32>
        %and3A = arith.constant 15 : i32
        %and3A_779 = vector.broadcast %and3A : i32 to vector<16xi32>
        %and3A_780 = arith.andi %gather3A_778, %and3A_779 : vector<16xi32>
        %eq3A = arith.cmpi eq, %and3A_780, %iota3A : vector<16xi32>
        %select_n3A_781 = arith.select %eq3A, %exp3A, %broadcast_in_dim3A_3 : vector<16xi1>, vector<16xf32>
        %swap3A_782 = arith.index_cast %add3A_508 : i32 to index
        %swap3A_783 = arith.constant 0 : index
        %swap3A_784 = tpu.vector_load %arg10[%swap3A_782, %swap3A_783] {strides = array<i32>} : memref<64x128xf32, #tpu.memory_space<vmem>>, vector<1x16xf32>,
        %swap3A_785 = vector.shape_cast %swap3A_784 : vector<1x16xf32> to vector<16xf32>
        %swap3A_786 = vector.shape_cast %select_n3A_781 : vector<16xf32> to vector<1x16xf32>
        tpu.vector_store %arg10[%swap3A_782, %swap3A_783], %swap3A_786 {strides = array<i32>} : memref<64x128xf32, #tpu.memory_space<vmem>>, vector<1x16xf32>,
        %scan3A_787 = arith.constant 0 : i32
        scf.yield %scan3A_787 : i32
      }
      %scan3A_296 = arith.constant 16 : i32
      %dma_start3A_297 = arith.constant 0 : i32
      %dma_start3A_298 = arith.constant 0 : i32
      %dma_start3A_299 = arith.constant 2 : i32
      %dma_start3A_300 = arith.constant 0 : i32
      %dma_start3A_301 = arith.constant 0 : i32
      %dma_start3A_302 = tpu.memref_slice %arg8[%dma_start3A_297, %dma_start3A_300, %dma_start3A_301] : memref<2x64x128xf32, #tpu.memory_space<vmem>> -> memref<1x64x128xf32, #tpu.memory_space<vmem>>
      %dma_start3A_303 = tpu.memref_squeeze %dma_start3A_302 : memref<1x64x128xf32, #tpu.memory_space<vmem>> -> memref<64x128xf32, #tpu.memory_space<vmem>>
      %dma_start3A_304 = arith.constant 0 : i32
      %dma_start3A_305 = tpu.memref_slice %arg7[%dma_start3A_298, %dma_start3A_299, %dma_start3A_304] : memref<2x4x64xi32, #tpu.memory_space<vmem>> -> memref<1x1x64xi32, #tpu.memory_space<vmem>>
      %dma_start3A_306 = tpu.memref_squeeze %dma_start3A_305 : memref<1x1x64xi32, #tpu.memory_space<vmem>> -> memref<64xi32, #tpu.memory_space<vmem>>
      %dma_start3A_307 = arith.constant 0 : i32
      %dma_start3A_308 = arith.constant 0 : i32
      %dma_start3A_309 = tpu.memref_slice %arg12[%dma_start3A_307, %dma_start3A_308] : memref<10752x128xf32, #tpu.memory_space<vmem_shared>> -> memref<10752x128xf32, #tpu.memory_space<vmem_shared>>
      tpu.enqueue_indirect_dma source(%dma_start3A_303 : memref<64x128xf32, #tpu.memory_space<vmem>>) target(%dma_start3A_309 : memref<10752x128xf32, #tpu.memory_space<vmem_shared>>) offsets(%dma_start3A_306 : memref<64xi32, #tpu.memory_space<vmem>>) semaphore(%arg13 : memref<!tpu.dma_semaphore, #tpu.memory_space<semaphore_mem>>) {add = true}
      %dma_start3A_310 = arith.constant 0 : i32
      %dma_start3A_311 = arith.constant 3 : i32
      %dma_start3A_312 = arith.constant 0 : i32
      %dma_start3A_313 = tpu.memref_slice %arg7[%dma_start3A_310, %dma_start3A_311, %dma_start3A_312] : memref<2x4x64xi32, #tpu.memory_space<vmem>> -> memref<1x1x64xi32, #tpu.memory_space<vmem>>
      %dma_start3A_314 = tpu.memref_squeeze %dma_start3A_313 : memref<1x1x64xi32, #tpu.memory_space<vmem>> -> memref<64xi32, #tpu.memory_space<vmem>>
      %dma_start3A_315 = arith.constant 0 : i32
      %dma_start3A_316 = arith.constant 0 : i32
      %dma_start3A_317 = tpu.memref_slice %arg12[%dma_start3A_315, %dma_start3A_316] : memref<10752x128xf32, #tpu.memory_space<vmem_shared>> -> memref<10752x128xf32, #tpu.memory_space<vmem_shared>>
      tpu.enqueue_indirect_dma source(%arg10 : memref<64x128xf32, #tpu.memory_space<vmem>>) target(%dma_start3A_317 : memref<10752x128xf32, #tpu.memory_space<vmem_shared>>) offsets(%dma_start3A_314 : memref<64xi32, #tpu.memory_space<vmem>>) semaphore(%arg13 : memref<!tpu.dma_semaphore, #tpu.memory_space<semaphore_mem>>) {add = true}
      %dma_wait3A_318 = arith.constant 0 : i32
      %dma_wait3A_319 = arith.constant 0 : i32
      %dma_wait3A_320 = arith.constant 0 : i32
      %dma_wait3A_321 = arith.constant 0 : i32
      %dma_wait3A_322 = arith.constant 0 : i32
      %dma_wait3A_323 = tpu.memref_slice %arg8[%dma_wait3A_320, %dma_wait3A_321, %dma_wait3A_322] : memref<2x64x128xf32, #tpu.memory_space<vmem>> -> memref<1x64x128xf32, #tpu.memory_space<vmem>>
      %dma_wait3A_324 = tpu.memref_squeeze %dma_wait3A_323 : memref<1x64x128xf32, #tpu.memory_space<vmem>> -> memref<64x128xf32, #tpu.memory_space<vmem>>
      %dma_wait3A_325 = arith.constant 0 : i32
      %dma_wait3A_326 = tpu.memref_slice %arg7[%dma_wait3A_318, %dma_wait3A_319, %dma_wait3A_325] : memref<2x4x64xi32, #tpu.memory_space<vmem>> -> memref<1x1x64xi32, #tpu.memory_space<vmem>>
      %dma_wait3A_327 = tpu.memref_squeeze %dma_wait3A_326 : memref<1x1x64xi32, #tpu.memory_space<vmem>> -> memref<64xi32, #tpu.memory_space<vmem>>
      %dma_wait3A_328 = arith.constant 0 : i32
      %dma_wait3A_329 = arith.constant 0 : i32
      %dma_wait3A_330 = tpu.memref_slice %arg2[%dma_wait3A_328, %dma_wait3A_329] : memref<10000x128xf32, #tpu.memory_space<hbm>> -> memref<10000x128xf32, #tpu.memory_space<hbm>>
      tpu.wait_indirect_dma semaphore(%arg13 : memref<!tpu.dma_semaphore, #tpu.memory_space<semaphore_mem>>) src(%dma_wait3A_330 : memref<10000x128xf32, #tpu.memory_space<hbm>>) dst(%dma_wait3A_324 : memref<64x128xf32, #tpu.memory_space<vmem>>)
      %dma_wait3A_331 = arith.constant 0 : i32
      %dma_wait3A_332 = arith.constant 1 : i32
      %dma_wait3A_333 = arith.constant 0 : i32
      %dma_wait3A_334 = arith.constant 0 : i32
      %dma_wait3A_335 = arith.constant 0 : i32
      %dma_wait3A_336 = tpu.memref_slice %arg9[%dma_wait3A_333, %dma_wait3A_334, %dma_wait3A_335] : memref<2x64x128xf32, #tpu.memory_space<vmem>> -> memref<1x64x128xf32, #tpu.memory_space<vmem>>
      %dma_wait3A_337 = tpu.memref_squeeze %dma_wait3A_336 : memref<1x64x128xf32, #tpu.memory_space<vmem>> -> memref<64x128xf32, #tpu.memory_space<vmem>>
      %dma_wait3A_338 = arith.constant 0 : i32
      %dma_wait3A_339 = tpu.memref_slice %arg7[%dma_wait3A_331, %dma_wait3A_332, %dma_wait3A_338] : memref<2x4x64xi32, #tpu.memory_space<vmem>> -> memref<1x1x64xi32, #tpu.memory_space<vmem>>
      %dma_wait3A_340 = tpu.memref_squeeze %dma_wait3A_339 : memref<1x1x64xi32, #tpu.memory_space<vmem>> -> memref<64xi32, #tpu.memory_space<vmem>>
      %dma_wait3A_341 = arith.constant 0 : i32
      %dma_wait3A_342 = arith.constant 0 : i32
      %dma_wait3A_343 = tpu.memref_slice %arg3[%dma_wait3A_341, %dma_wait3A_342] : memref<10000x128xf32, #tpu.memory_space<hbm>> -> memref<10000x128xf32, #tpu.memory_space<hbm>>
      tpu.wait_indirect_dma semaphore(%arg13 : memref<!tpu.dma_semaphore, #tpu.memory_space<semaphore_mem>>) src(%dma_wait3A_343 : memref<10000x128xf32, #tpu.memory_space<hbm>>) dst(%dma_wait3A_337 : memref<64x128xf32, #tpu.memory_space<vmem>>)
      %add3A_344 = arith.constant 1 : i32
      %add3A_345 = arith.addi %mul3A_183, %add3A_344 : i32
      %add3A_346 = arith.constant 1 : i32
      %add3A_347 = arith.addi %add3A_345, %add3A_346 : i32
      %run_scoped3A_348 = arith.constant 0 : i32
      "tpu.region"() ({
        %run_scoped3A_505 = tpu.sem_alloc : memref<!tpu.dma_semaphore, #tpu.memory_space<semaphore_mem>>
        %dma_start3A_506 = arith.constant 0 : i32
        %dma_start3A_507 = arith.constant 0 : i32
        %dma_start3A_508 = tpu.memref_slice %arg7[%run_scoped3A_348, %dma_start3A_506, %dma_start3A_507] : memref<2x4x64xi32, #tpu.memory_space<vmem>> -> memref<1x4x64xi32, #tpu.memory_space<vmem>>
        %dma_start3A_509 = tpu.memref_squeeze %dma_start3A_508 : memref<1x4x64xi32, #tpu.memory_space<vmem>> -> memref<4x64xi32, #tpu.memory_space<vmem>>
        %dma_start3A_510 = arith.constant 0 : i32
        %dma_start3A_511 = arith.constant 0 : i32
        %dma_start3A_512 = tpu.memref_slice %arg5[%add3A, %add3A_347, %dma_start3A_510, %dma_start3A_511] : memref<32x163x4x64xi32, #tpu.memory_space<hbm>> -> memref<1x1x4x64xi32, #tpu.memory_space<hbm>>
        %dma_start3A_513 = tpu.memref_squeeze %dma_start3A_512 : memref<1x1x4x64xi32, #tpu.memory_space<hbm>> -> memref<4x64xi32, #tpu.memory_space<hbm>>
        %dma_start3A_514 = arith.constant 0 : i32
        %dma_start3A_515 = arith.constant 0 : i32
        %dma_start3A_516 = tpu.memref_slice %arg7[%run_scoped3A_348, %dma_start3A_514, %dma_start3A_515] : memref<2x4x64xi32, #tpu.memory_space<vmem>> -> memref<1x4x64xi32, #tpu.memory_space<vmem>>
        %dma_start3A_517 = tpu.memref_squeeze %dma_start3A_516 : memref<1x4x64xi32, #tpu.memory_space<vmem>> -> memref<4x64xi32, #tpu.memory_space<vmem>>
        %dma_start3A_518 = arith.constant 0 : i32
        %dma_start3A_519 = arith.constant 0 : i32
        %dma_start3A_520 = tpu.memref_slice %arg5[%add3A, %add3A_347, %dma_start3A_518, %dma_start3A_519] : memref<32x163x4x64xi32, #tpu.memory_space<hbm>> -> memref<1x1x4x64xi32, #tpu.memory_space<hbm>>
        %dma_start3A_521 = tpu.memref_squeeze %dma_start3A_520 : memref<1x1x4x64xi32, #tpu.memory_space<hbm>> -> memref<4x64xi32, #tpu.memory_space<hbm>>
        tpu.enqueue_dma source(%dma_start3A_521 : memref<4x64xi32, #tpu.memory_space<hbm>>) target(%dma_start3A_517 : memref<4x64xi32, #tpu.memory_space<vmem>>) target_semaphore(%run_scoped3A_505 : memref<!tpu.dma_semaphore, #tpu.memory_space<semaphore_mem>>)
        %dma_wait3A_522 = arith.constant 0 : i32
        %dma_wait3A_523 = arith.constant 0 : i32
        %dma_wait3A_524 = tpu.memref_slice %arg7[%run_scoped3A_348, %dma_wait3A_522, %dma_wait3A_523] : memref<2x4x64xi32, #tpu.memory_space<vmem>> -> memref<1x4x64xi32, #tpu.memory_space<vmem>>
        %dma_wait3A_525 = tpu.memref_squeeze %dma_wait3A_524 : memref<1x4x64xi32, #tpu.memory_space<vmem>> -> memref<4x64xi32, #tpu.memory_space<vmem>>
        %dma_wait3A_526 = arith.constant 0 : i32
        %dma_wait3A_527 = arith.constant 0 : i32
        %dma_wait3A_528 = tpu.memref_slice %arg5[%add3A, %add3A_347, %dma_wait3A_526, %dma_wait3A_527] : memref<32x163x4x64xi32, #tpu.memory_space<hbm>> -> memref<1x1x4x64xi32, #tpu.memory_space<hbm>>
        %dma_wait3A_529 = tpu.memref_squeeze %dma_wait3A_528 : memref<1x1x4x64xi32, #tpu.memory_space<hbm>> -> memref<4x64xi32, #tpu.memory_space<hbm>>
        %dma_wait3A_530 = arith.constant 0 : i32
        %dma_wait3A_531 = arith.constant 0 : i32
        %dma_wait3A_532 = tpu.memref_slice %arg7[%run_scoped3A_348, %dma_wait3A_530, %dma_wait3A_531] : memref<2x4x64xi32, #tpu.memory_space<vmem>> -> memref<1x4x64xi32, #tpu.memory_space<vmem>>
        %dma_wait3A_533 = tpu.memref_squeeze %dma_wait3A_532 : memref<1x4x64xi32, #tpu.memory_space<vmem>> -> memref<4x64xi32, #tpu.memory_space<vmem>>
        %dma_wait3A_534 = arith.constant 0 : i32
        %dma_wait3A_535 = arith.constant 0 : i32
        %dma_wait3A_536 = tpu.memref_slice %arg5[%add3A, %add3A_347, %dma_wait3A_534, %dma_wait3A_535] : memref<32x163x4x64xi32, #tpu.memory_space<hbm>> -> memref<1x1x4x64xi32, #tpu.memory_space<hbm>>
        %dma_wait3A_537 = tpu.memref_squeeze %dma_wait3A_536 : memref<1x1x4x64xi32, #tpu.memory_space<hbm>> -> memref<4x64xi32, #tpu.memory_space<hbm>>
        tpu.wait_dma2 semaphore(%run_scoped3A_505 : memref<!tpu.dma_semaphore, #tpu.memory_space<semaphore_mem>>) src(%dma_wait3A_537 : memref<4x64xi32, #tpu.memory_space<hbm>>) dst(%dma_wait3A_533 : memref<4x64xi32, #tpu.memory_space<vmem>>)
        tpu.yield
      }) : () -> ()
      %dma_start3A_349 = arith.constant 0 : i32
      %dma_start3A_350 = arith.constant 0 : i32
      %dma_start3A_351 = arith.constant 0 : i32
      %dma_start3A_352 = arith.constant 0 : i32
      %dma_start3A_353 = arith.constant 0 : i32
      %dma_start3A_354 = tpu.memref_slice %arg8[%dma_start3A_351, %dma_start3A_352, %dma_start3A_353] : memref<2x64x128xf32, #tpu.memory_space<vmem>> -> memref<1x64x128xf32, #tpu.memory_space<vmem>>
      %dma_start3A_355 = tpu.memref_squeeze %dma_start3A_354 : memref<1x64x128xf32, #tpu.memory_space<vmem>> -> memref<64x128xf32, #tpu.memory_space<vmem>>
      %dma_start3A_356 = arith.constant 0 : i32
      %dma_start3A_357 = tpu.memref_slice %arg7[%dma_start3A_349, %dma_start3A_350, %dma_start3A_356] : memref<2x4x64xi32, #tpu.memory_space<vmem>> -> memref<1x1x64xi32, #tpu.memory_space<vmem>>
      %dma_start3A_358 = tpu.memref_squeeze %dma_start3A_357 : memref<1x1x64xi32, #tpu.memory_space<vmem>> -> memref<64xi32, #tpu.memory_space<vmem>>
      %dma_start3A_359 = arith.constant 0 : i32
      %dma_start3A_360 = arith.constant 0 : i32
      %dma_start3A_361 = tpu.memref_slice %arg2[%dma_start3A_359, %dma_start3A_360] : memref<10000x128xf32, #tpu.memory_space<hbm>> -> memref<10000x128xf32, #tpu.memory_space<hbm>>
      tpu.enqueue_indirect_dma source(%dma_start3A_361 : memref<10000x128xf32, #tpu.memory_space<hbm>>) target(%dma_start3A_355 : memref<64x128xf32, #tpu.memory_space<vmem>>) offsets(%dma_start3A_358 : memref<64xi32, #tpu.memory_space<vmem>>) semaphore(%arg13 : memref<!tpu.dma_semaphore, #tpu.memory_space<semaphore_mem>>)
      %dma_start3A_362 = arith.constant 0 : i32
      %dma_start3A_363 = arith.constant 1 : i32
      %dma_start3A_364 = arith.constant 0 : i32
      %dma_start3A_365 = arith.constant 0 : i32
      %dma_start3A_366 = arith.constant 0 : i32
      %dma_start3A_367 = tpu.memref_slice %arg9[%dma_start3A_364, %dma_start3A_365, %dma_start3A_366] : memref<2x64x128xf32, #tpu.memory_space<vmem>> -> memref<1x64x128xf32, #tpu.memory_space<vmem>>
      %dma_start3A_368 = tpu.memref_squeeze %dma_start3A_367 : memref<1x64x128xf32, #tpu.memory_space<vmem>> -> memref<64x128xf32, #tpu.memory_space<vmem>>
      %dma_start3A_369 = arith.constant 0 : i32
      %dma_start3A_370 = tpu.memref_slice %arg7[%dma_start3A_362, %dma_start3A_363, %dma_start3A_369] : memref<2x4x64xi32, #tpu.memory_space<vmem>> -> memref<1x1x64xi32, #tpu.memory_space<vmem>>
      %dma_start3A_371 = tpu.memref_squeeze %dma_start3A_370 : memref<1x1x64xi32, #tpu.memory_space<vmem>> -> memref<64xi32, #tpu.memory_space<vmem>>
      %dma_start3A_372 = arith.constant 0 : i32
      %dma_start3A_373 = arith.constant 0 : i32
      %dma_start3A_374 = tpu.memref_slice %arg3[%dma_start3A_372, %dma_start3A_373] : memref<10000x128xf32, #tpu.memory_space<hbm>> -> memref<10000x128xf32, #tpu.memory_space<hbm>>
      tpu.enqueue_indirect_dma source(%dma_start3A_374 : memref<10000x128xf32, #tpu.memory_space<hbm>>) target(%dma_start3A_368 : memref<64x128xf32, #tpu.memory_space<vmem>>) offsets(%dma_start3A_371 : memref<64xi32, #tpu.memory_space<vmem>>) semaphore(%arg13 : memref<!tpu.dma_semaphore, #tpu.memory_space<semaphore_mem>>)
      %dma_wait3A_375 = arith.constant 1 : i32
      %dma_wait3A_376 = arith.constant 0 : i32
      %dma_wait3A_377 = arith.constant 1 : i32
      %dma_wait3A_378 = arith.constant 0 : i32
      %dma_wait3A_379 = arith.constant 0 : i32
      %dma_wait3A_380 = tpu.memref_slice %arg8[%dma_wait3A_377, %dma_wait3A_378, %dma_wait3A_379] : memref<2x64x128xf32, #tpu.memory_space<vmem>> -> memref<1x64x128xf32, #tpu.memory_space<vmem>>
      %dma_wait3A_381 = tpu.memref_squeeze %dma_wait3A_380 : memref<1x64x128xf32, #tpu.memory_space<vmem>> -> memref<64x128xf32, #tpu.memory_space<vmem>>
      %dma_wait3A_382 = arith.constant 0 : i32
      %dma_wait3A_383 = tpu.memref_slice %arg7[%dma_wait3A_375, %dma_wait3A_376, %dma_wait3A_382] : memref<2x4x64xi32, #tpu.memory_space<vmem>> -> memref<1x1x64xi32, #tpu.memory_space<vmem>>
      %dma_wait3A_384 = tpu.memref_squeeze %dma_wait3A_383 : memref<1x1x64xi32, #tpu.memory_space<vmem>> -> memref<64xi32, #tpu.memory_space<vmem>>
      %dma_wait3A_385 = arith.constant 0 : i32
      %dma_wait3A_386 = arith.constant 0 : i32
      %dma_wait3A_387 = tpu.memref_slice %arg2[%dma_wait3A_385, %dma_wait3A_386] : memref<10000x128xf32, #tpu.memory_space<hbm>> -> memref<10000x128xf32, #tpu.memory_space<hbm>>
      tpu.wait_indirect_dma semaphore(%arg14 : memref<!tpu.dma_semaphore, #tpu.memory_space<semaphore_mem>>) src(%dma_wait3A_387 : memref<10000x128xf32, #tpu.memory_space<hbm>>) dst(%dma_wait3A_381 : memref<64x128xf32, #tpu.memory_space<vmem>>)
      %dma_wait3A_388 = arith.constant 1 : i32
      %dma_wait3A_389 = arith.constant 1 : i32
      %dma_wait3A_390 = arith.constant 1 : i32
      %dma_wait3A_391 = arith.constant 0 : i32
      %dma_wait3A_392 = arith.constant 0 : i32
      %dma_wait3A_393 = tpu.memref_slice %arg9[%dma_wait3A_390, %dma_wait3A_391, %dma_wait3A_392] : memref<2x64x128xf32, #tpu.memory_space<vmem>> -> memref<1x64x128xf32, #tpu.memory_space<vmem>>
      %dma_wait3A_394 = tpu.memref_squeeze %dma_wait3A_393 : memref<1x64x128xf32, #tpu.memory_space<vmem>> -> memref<64x128xf32, #tpu.memory_space<vmem>>
      %dma_wait3A_395 = arith.constant 0 : i32
      %dma_wait3A_396 = tpu.memref_slice %arg7[%dma_wait3A_388, %dma_wait3A_389, %dma_wait3A_395] : memref<2x4x64xi32, #tpu.memory_space<vmem>> -> memref<1x1x64xi32, #tpu.memory_space<vmem>>
      %dma_wait3A_397 = tpu.memref_squeeze %dma_wait3A_396 : memref<1x1x64xi32, #tpu.memory_space<vmem>> -> memref<64xi32, #tpu.memory_space<vmem>>
      %dma_wait3A_398 = arith.constant 0 : i32
      %dma_wait3A_399 = arith.constant 0 : i32
      %dma_wait3A_400 = tpu.memref_slice %arg3[%dma_wait3A_398, %dma_wait3A_399] : memref<10000x128xf32, #tpu.memory_space<hbm>> -> memref<10000x128xf32, #tpu.memory_space<hbm>>
      tpu.wait_indirect_dma semaphore(%arg14 : memref<!tpu.dma_semaphore, #tpu.memory_space<semaphore_mem>>) src(%dma_wait3A_400 : memref<10000x128xf32, #tpu.memory_space<hbm>>) dst(%dma_wait3A_394 : memref<64x128xf32, #tpu.memory_space<vmem>>)
      %get3A_401 = arith.constant 1 : i32
      %get3A_402 = arith.constant 2 : i32
      %get3A_403 = arith.index_cast %get3A_401 : i32 to index
      %get3A_404 = arith.index_cast %get3A_402 : i32 to index
      %get3A_405 = arith.constant 0 : index
      %get3A_406 = tpu.vector_load %arg7[%get3A_403, %get3A_404, %get3A_405] {strides = array<i32>} : memref<2x4x64xi32, #tpu.memory_space<vmem>>, vector<1x1x16xi32>,
      %get3A_407 = vector.shape_cast %get3A_406 : vector<1x1x16xi32> to vector<16xi32>
      %scan3A_408 = arith.constant 0 : i32
      %scan3A_409 = arith.constant 0 : i32
      %scan3A_410 = arith.constant 16 : i32
      %scan3A_411 = arith.addi %scan3A_409, %scan3A_410 : i32
      %scan3A_412 = arith.constant 1 : i32
      %scan3A_413 = scf.for %scan3A_505 = %scan3A_409 to %scan3A_411 step %scan3A_412 iter_args(%scan3A_506 = %scan3A_408) -> (i32)  : i32 {
        %add3A_507 = arith.constant 0 : i32
        %add3A_508 = arith.addi %add3A_507, %scan3A_505 : i32
        %get3A_509 = arith.constant 1 : i32
        %get3A_510 = arith.index_cast %get3A_509 : i32 to index
        %get3A_511 = arith.index_cast %add3A_508 : i32 to index
        %get3A_512 = arith.constant 0 : index
        %get3A_513 = tpu.vector_load %arg8[%get3A_510, %get3A_511, %get3A_512] {strides = array<i32>} : memref<2x64x128xf32, #tpu.memory_space<vmem>>, vector<1x1x16xf32>,
        %get3A_514 = vector.shape_cast %get3A_513 : vector<1x1x16xf32> to vector<16xf32>
        %get3A_515 = arith.constant 1 : i32
        %get3A_516 = arith.index_cast %get3A_515 : i32 to index
        %get3A_517 = arith.index_cast %add3A_508 : i32 to index
        %get3A_518 = arith.constant 0 : index
        %get3A_519 = tpu.vector_load %arg9[%get3A_516, %get3A_517, %get3A_518] {strides = array<i32>} : memref<2x64x128xf32, #tpu.memory_space<vmem>>, vector<1x1x16xf32>,
        %get3A_520 = vector.shape_cast %get3A_519 : vector<1x1x16xf32> to vector<16xf32>
        %add3A_521 = arith.addf %get3A_514, %get3A_520 : vector<16xf32>
        %mul3A_522 = arith.constant 2.000000e-01 : f32
        %mul3A_523 = vector.broadcast %mul3A_522 : f32 to vector<16xf32>
        %mul3A_524 = arith.mulf %mul3A_523, %add3A_521 : vector<16xf32>
        %max3A = arith.maximumf %add3A_521, %mul3A_524 : vector<16xf32>
        %mul3A_525 = arith.mulf %max3A, %get3A_43 : vector<16xf32>
        %add3A_526 = arith.addf %broadcast_in_dim3A_3, %mul3A_525 : vector<16xf32>
        %get3A_527 = arith.constant 1 : i32
        %get3A_528 = arith.index_cast %get3A_527 : i32 to index
        %get3A_529 = arith.index_cast %add3A_508 : i32 to index
        %get3A_530 = arith.constant 16 : index
        %get3A_531 = tpu.vector_load %arg8[%get3A_528, %get3A_529, %get3A_530] {strides = array<i32>} : memref<2x64x128xf32, #tpu.memory_space<vmem>>, vector<1x1x16xf32>,
        %get3A_532 = vector.shape_cast %get3A_531 : vector<1x1x16xf32> to vector<16xf32>
        %get3A_533 = arith.constant 1 : i32
        %get3A_534 = arith.index_cast %get3A_533 : i32 to index
        %get3A_535 = arith.index_cast %add3A_508 : i32 to index
        %get3A_536 = arith.constant 16 : index
        %get3A_537 = tpu.vector_load %arg9[%get3A_534, %get3A_535, %get3A_536] {strides = array<i32>} : memref<2x64x128xf32, #tpu.memory_space<vmem>>, vector<1x1x16xf32>,
        %get3A_538 = vector.shape_cast %get3A_537 : vector<1x1x16xf32> to vector<16xf32>
        %add3A_539 = arith.addf %get3A_532, %get3A_538 : vector<16xf32>
        %mul3A_540 = arith.constant 2.000000e-01 : f32
        %mul3A_541 = vector.broadcast %mul3A_540 : f32 to vector<16xf32>
        %mul3A_542 = arith.mulf %mul3A_541, %add3A_539 : vector<16xf32>
        %max3A_543 = arith.maximumf %add3A_539, %mul3A_542 : vector<16xf32>
        %mul3A_544 = arith.mulf %max3A_543, %get3A_46 : vector<16xf32>
        %add3A_545 = arith.addf %add3A_526, %mul3A_544 : vector<16xf32>
        %get3A_546 = arith.constant 1 : i32
        %get3A_547 = arith.index_cast %get3A_546 : i32 to index
        %get3A_548 = arith.index_cast %add3A_508 : i32 to index
        %get3A_549 = arith.constant 32 : index
        %get3A_550 = tpu.vector_load %arg8[%get3A_547, %get3A_548, %get3A_549] {strides = array<i32>} : memref<2x64x128xf32, #tpu.memory_space<vmem>>, vector<1x1x16xf32>,
        %get3A_551 = vector.shape_cast %get3A_550 : vector<1x1x16xf32> to vector<16xf32>
        %get3A_552 = arith.constant 1 : i32
        %get3A_553 = arith.index_cast %get3A_552 : i32 to index
        %get3A_554 = arith.index_cast %add3A_508 : i32 to index
        %get3A_555 = arith.constant 32 : index
        %get3A_556 = tpu.vector_load %arg9[%get3A_553, %get3A_554, %get3A_555] {strides = array<i32>} : memref<2x64x128xf32, #tpu.memory_space<vmem>>, vector<1x1x16xf32>,
        %get3A_557 = vector.shape_cast %get3A_556 : vector<1x1x16xf32> to vector<16xf32>
        %add3A_558 = arith.addf %get3A_551, %get3A_557 : vector<16xf32>
        %mul3A_559 = arith.constant 2.000000e-01 : f32
        %mul3A_560 = vector.broadcast %mul3A_559 : f32 to vector<16xf32>
        %mul3A_561 = arith.mulf %mul3A_560, %add3A_558 : vector<16xf32>
        %max3A_562 = arith.maximumf %add3A_558, %mul3A_561 : vector<16xf32>
        %mul3A_563 = arith.mulf %max3A_562, %get3A_49 : vector<16xf32>
        %add3A_564 = arith.addf %add3A_545, %mul3A_563 : vector<16xf32>
        %get3A_565 = arith.constant 1 : i32
        %get3A_566 = arith.index_cast %get3A_565 : i32 to index
        %get3A_567 = arith.index_cast %add3A_508 : i32 to index
        %get3A_568 = arith.constant 48 : index
        %get3A_569 = tpu.vector_load %arg8[%get3A_566, %get3A_567, %get3A_568] {strides = array<i32>} : memref<2x64x128xf32, #tpu.memory_space<vmem>>, vector<1x1x16xf32>,
        %get3A_570 = vector.shape_cast %get3A_569 : vector<1x1x16xf32> to vector<16xf32>
        %get3A_571 = arith.constant 1 : i32
        %get3A_572 = arith.index_cast %get3A_571 : i32 to index
        %get3A_573 = arith.index_cast %add3A_508 : i32 to index
        %get3A_574 = arith.constant 48 : index
        %get3A_575 = tpu.vector_load %arg9[%get3A_572, %get3A_573, %get3A_574] {strides = array<i32>} : memref<2x64x128xf32, #tpu.memory_space<vmem>>, vector<1x1x16xf32>,
        %get3A_576 = vector.shape_cast %get3A_575 : vector<1x1x16xf32> to vector<16xf32>
        %add3A_577 = arith.addf %get3A_570, %get3A_576 : vector<16xf32>
        %mul3A_578 = arith.constant 2.000000e-01 : f32
        %mul3A_579 = vector.broadcast %mul3A_578 : f32 to vector<16xf32>
        %mul3A_580 = arith.mulf %mul3A_579, %add3A_577 : vector<16xf32>
        %max3A_581 = arith.maximumf %add3A_577, %mul3A_580 : vector<16xf32>
        %mul3A_582 = arith.mulf %max3A_581, %get3A_52 : vector<16xf32>
        %add3A_583 = arith.addf %add3A_564, %mul3A_582 : vector<16xf32>
        %get3A_584 = arith.constant 1 : i32
        %get3A_585 = arith.index_cast %get3A_584 : i32 to index
        %get3A_586 = arith.index_cast %add3A_508 : i32 to index
        %get3A_587 = arith.constant 64 : index
        %get3A_588 = tpu.vector_load %arg8[%get3A_585, %get3A_586, %get3A_587] {strides = array<i32>} : memref<2x64x128xf32, #tpu.memory_space<vmem>>, vector<1x1x16xf32>,
        %get3A_589 = vector.shape_cast %get3A_588 : vector<1x1x16xf32> to vector<16xf32>
        %get3A_590 = arith.constant 1 : i32
        %get3A_591 = arith.index_cast %get3A_590 : i32 to index
        %get3A_592 = arith.index_cast %add3A_508 : i32 to index
        %get3A_593 = arith.constant 64 : index
        %get3A_594 = tpu.vector_load %arg9[%get3A_591, %get3A_592, %get3A_593] {strides = array<i32>} : memref<2x64x128xf32, #tpu.memory_space<vmem>>, vector<1x1x16xf32>,
        %get3A_595 = vector.shape_cast %get3A_594 : vector<1x1x16xf32> to vector<16xf32>
        %add3A_596 = arith.addf %get3A_589, %get3A_595 : vector<16xf32>
        %mul3A_597 = arith.constant 2.000000e-01 : f32
        %mul3A_598 = vector.broadcast %mul3A_597 : f32 to vector<16xf32>
        %mul3A_599 = arith.mulf %mul3A_598, %add3A_596 : vector<16xf32>
        %max3A_600 = arith.maximumf %add3A_596, %mul3A_599 : vector<16xf32>
        %mul3A_601 = arith.mulf %max3A_600, %get3A_55 : vector<16xf32>
        %add3A_602 = arith.addf %add3A_583, %mul3A_601 : vector<16xf32>
        %get3A_603 = arith.constant 1 : i32
        %get3A_604 = arith.index_cast %get3A_603 : i32 to index
        %get3A_605 = arith.index_cast %add3A_508 : i32 to index
        %get3A_606 = arith.constant 80 : index
        %get3A_607 = tpu.vector_load %arg8[%get3A_604, %get3A_605, %get3A_606] {strides = array<i32>} : memref<2x64x128xf32, #tpu.memory_space<vmem>>, vector<1x1x16xf32>,
        %get3A_608 = vector.shape_cast %get3A_607 : vector<1x1x16xf32> to vector<16xf32>
        %get3A_609 = arith.constant 1 : i32
        %get3A_610 = arith.index_cast %get3A_609 : i32 to index
        %get3A_611 = arith.index_cast %add3A_508 : i32 to index
        %get3A_612 = arith.constant 80 : index
        %get3A_613 = tpu.vector_load %arg9[%get3A_610, %get3A_611, %get3A_612] {strides = array<i32>} : memref<2x64x128xf32, #tpu.memory_space<vmem>>, vector<1x1x16xf32>,
        %get3A_614 = vector.shape_cast %get3A_613 : vector<1x1x16xf32> to vector<16xf32>
        %add3A_615 = arith.addf %get3A_608, %get3A_614 : vector<16xf32>
        %mul3A_616 = arith.constant 2.000000e-01 : f32
        %mul3A_617 = vector.broadcast %mul3A_616 : f32 to vector<16xf32>
        %mul3A_618 = arith.mulf %mul3A_617, %add3A_615 : vector<16xf32>
        %max3A_619 = arith.maximumf %add3A_615, %mul3A_618 : vector<16xf32>
        %mul3A_620 = arith.mulf %max3A_619, %get3A_58 : vector<16xf32>
        %add3A_621 = arith.addf %add3A_602, %mul3A_620 : vector<16xf32>
        %get3A_622 = arith.constant 1 : i32
        %get3A_623 = arith.index_cast %get3A_622 : i32 to index
        %get3A_624 = arith.index_cast %add3A_508 : i32 to index
        %get3A_625 = arith.constant 96 : index
        %get3A_626 = tpu.vector_load %arg8[%get3A_623, %get3A_624, %get3A_625] {strides = array<i32>} : memref<2x64x128xf32, #tpu.memory_space<vmem>>, vector<1x1x16xf32>,
        %get3A_627 = vector.shape_cast %get3A_626 : vector<1x1x16xf32> to vector<16xf32>
        %get3A_628 = arith.constant 1 : i32
        %get3A_629 = arith.index_cast %get3A_628 : i32 to index
        %get3A_630 = arith.index_cast %add3A_508 : i32 to index
        %get3A_631 = arith.constant 96 : index
        %get3A_632 = tpu.vector_load %arg9[%get3A_629, %get3A_630, %get3A_631] {strides = array<i32>} : memref<2x64x128xf32, #tpu.memory_space<vmem>>, vector<1x1x16xf32>,
        %get3A_633 = vector.shape_cast %get3A_632 : vector<1x1x16xf32> to vector<16xf32>
        %add3A_634 = arith.addf %get3A_627, %get3A_633 : vector<16xf32>
        %mul3A_635 = arith.constant 2.000000e-01 : f32
        %mul3A_636 = vector.broadcast %mul3A_635 : f32 to vector<16xf32>
        %mul3A_637 = arith.mulf %mul3A_636, %add3A_634 : vector<16xf32>
        %max3A_638 = arith.maximumf %add3A_634, %mul3A_637 : vector<16xf32>
        %mul3A_639 = arith.mulf %max3A_638, %get3A_61 : vector<16xf32>
        %add3A_640 = arith.addf %add3A_621, %mul3A_639 : vector<16xf32>
        %get3A_641 = arith.constant 1 : i32
        %get3A_642 = arith.index_cast %get3A_641 : i32 to index
        %get3A_643 = arith.index_cast %add3A_508 : i32 to index
        %get3A_644 = arith.constant 112 : index
        %get3A_645 = tpu.vector_load %arg8[%get3A_642, %get3A_643, %get3A_644] {strides = array<i32>} : memref<2x64x128xf32, #tpu.memory_space<vmem>>, vector<1x1x16xf32>,
        %get3A_646 = vector.shape_cast %get3A_645 : vector<1x1x16xf32> to vector<16xf32>
        %get3A_647 = arith.constant 1 : i32
        %get3A_648 = arith.index_cast %get3A_647 : i32 to index
        %get3A_649 = arith.index_cast %add3A_508 : i32 to index
        %get3A_650 = arith.constant 112 : index
        %get3A_651 = tpu.vector_load %arg9[%get3A_648, %get3A_649, %get3A_650] {strides = array<i32>} : memref<2x64x128xf32, #tpu.memory_space<vmem>>, vector<1x1x16xf32>,
        %get3A_652 = vector.shape_cast %get3A_651 : vector<1x1x16xf32> to vector<16xf32>
        %add3A_653 = arith.addf %get3A_646, %get3A_652 : vector<16xf32>
        %mul3A_654 = arith.constant 2.000000e-01 : f32
        %mul3A_655 = vector.broadcast %mul3A_654 : f32 to vector<16xf32>
        %mul3A_656 = arith.mulf %mul3A_655, %add3A_653 : vector<16xf32>
        %max3A_657 = arith.maximumf %add3A_653, %mul3A_656 : vector<16xf32>
        %mul3A_658 = arith.mulf %max3A_657, %get3A_64 : vector<16xf32>
        %add3A_659 = arith.addf %add3A_640, %mul3A_658 : vector<16xf32>
        %lt3A = arith.constant 0 : i32
        %lt3A_660 = vector.broadcast %lt3A : i32 to vector<16xi32>
        %lt3A_661 = arith.cmpi slt, %xor3A_66, %lt3A_660 : vector<16xi32>
        %add3A_662 = arith.constant 16 : i32
        %add3A_663 = vector.broadcast %add3A_662 : i32 to vector<16xi32>
        %add3A_664 = arith.addi %xor3A_66, %add3A_663 : vector<16xi32>
        %select_n3A = arith.select %lt3A_661, %add3A_664, %xor3A_66 : vector<16xi1>, vector<16xi32>
        %broadcast_in_dim3A_665 = vector.shape_cast %select_n3A : vector<16xi32> to vector<16x1xi32>
        %gather3A = vector.shape_cast %broadcast_in_dim3A_665 : vector<16x1xi32> to vector<16xi32>
        %gather3A_666 = tpu.dynamic_gather %add3A_659[%gather3A] in [0] : vector<16xf32>, vector<16xi32> -> vector<16xf32>
        %add3A_667 = arith.addf %add3A_659, %gather3A_666 : vector<16xf32>
        %lt3A_668 = arith.constant 0 : i32
        %lt3A_669 = vector.broadcast %lt3A_668 : i32 to vector<16xi32>
        %lt3A_670 = arith.cmpi slt, %xor3A_69, %lt3A_669 : vector<16xi32>
        %add3A_671 = arith.constant 16 : i32
        %add3A_672 = vector.broadcast %add3A_671 : i32 to vector<16xi32>
        %add3A_673 = arith.addi %xor3A_69, %add3A_672 : vector<16xi32>
        %select_n3A_674 = arith.select %lt3A_670, %add3A_673, %xor3A_69 : vector<16xi1>, vector<16xi32>
        %broadcast_in_dim3A_675 = vector.shape_cast %select_n3A_674 : vector<16xi32> to vector<16x1xi32>
        %gather3A_676 = vector.shape_cast %broadcast_in_dim3A_675 : vector<16x1xi32> to vector<16xi32>
        %gather3A_677 = tpu.dynamic_gather %add3A_667[%gather3A_676] in [0] : vector<16xf32>, vector<16xi32> -> vector<16xf32>
        %add3A_678 = arith.addf %add3A_667, %gather3A_677 : vector<16xf32>
        %lt3A_679 = arith.constant 0 : i32
        %lt3A_680 = vector.broadcast %lt3A_679 : i32 to vector<16xi32>
        %lt3A_681 = arith.cmpi slt, %xor3A_72, %lt3A_680 : vector<16xi32>
        %add3A_682 = arith.constant 16 : i32
        %add3A_683 = vector.broadcast %add3A_682 : i32 to vector<16xi32>
        %add3A_684 = arith.addi %xor3A_72, %add3A_683 : vector<16xi32>
        %select_n3A_685 = arith.select %lt3A_681, %add3A_684, %xor3A_72 : vector<16xi1>, vector<16xi32>
        %broadcast_in_dim3A_686 = vector.shape_cast %select_n3A_685 : vector<16xi32> to vector<16x1xi32>
        %gather3A_687 = vector.shape_cast %broadcast_in_dim3A_686 : vector<16x1xi32> to vector<16xi32>
        %gather3A_688 = tpu.dynamic_gather %add3A_678[%gather3A_687] in [0] : vector<16xf32>, vector<16xi32> -> vector<16xf32>
        %add3A_689 = arith.addf %add3A_678, %gather3A_688 : vector<16xf32>
        %lt3A_690 = arith.constant 0 : i32
        %lt3A_691 = vector.broadcast %lt3A_690 : i32 to vector<16xi32>
        %lt3A_692 = arith.cmpi slt, %xor3A_75, %lt3A_691 : vector<16xi32>
        %add3A_693 = arith.constant 16 : i32
        %add3A_694 = vector.broadcast %add3A_693 : i32 to vector<16xi32>
        %add3A_695 = arith.addi %xor3A_75, %add3A_694 : vector<16xi32>
        %select_n3A_696 = arith.select %lt3A_692, %add3A_695, %xor3A_75 : vector<16xi1>, vector<16xi32>
        %broadcast_in_dim3A_697 = vector.shape_cast %select_n3A_696 : vector<16xi32> to vector<16x1xi32>
        %gather3A_698 = vector.shape_cast %broadcast_in_dim3A_697 : vector<16x1xi32> to vector<16xi32>
        %gather3A_699 = tpu.dynamic_gather %add3A_689[%gather3A_698] in [0] : vector<16xf32>, vector<16xi32> -> vector<16xf32>
        %add3A_700 = arith.addf %add3A_689, %gather3A_699 : vector<16xf32>
        %exp3A = math.exp %add3A_700 : vector<16xf32>
        %mul3A_701 = arith.mulf %get3A_514, %exp3A : vector<16xf32>
        %swap3A = arith.constant 1 : i32
        %swap3A_702 = arith.index_cast %swap3A : i32 to index
        %swap3A_703 = arith.index_cast %add3A_508 : i32 to index
        %swap3A_704 = arith.constant 0 : index
        %swap3A_705 = tpu.vector_load %arg8[%swap3A_702, %swap3A_703, %swap3A_704] {strides = array<i32>} : memref<2x64x128xf32, #tpu.memory_space<vmem>>, vector<1x1x16xf32>,
        %swap3A_706 = vector.shape_cast %swap3A_705 : vector<1x1x16xf32> to vector<16xf32>
        %swap3A_707 = vector.shape_cast %mul3A_701 : vector<16xf32> to vector<1x1x16xf32>
        tpu.vector_store %arg8[%swap3A_702, %swap3A_703, %swap3A_704], %swap3A_707 {strides = array<i32>} : memref<2x64x128xf32, #tpu.memory_space<vmem>>, vector<1x1x16xf32>,
        %mul3A_708 = arith.mulf %get3A_532, %exp3A : vector<16xf32>
        %swap3A_709 = arith.constant 1 : i32
        %swap3A_710 = arith.index_cast %swap3A_709 : i32 to index
        %swap3A_711 = arith.index_cast %add3A_508 : i32 to index
        %swap3A_712 = arith.constant 16 : index
        %swap3A_713 = tpu.vector_load %arg8[%swap3A_710, %swap3A_711, %swap3A_712] {strides = array<i32>} : memref<2x64x128xf32, #tpu.memory_space<vmem>>, vector<1x1x16xf32>,
        %swap3A_714 = vector.shape_cast %swap3A_713 : vector<1x1x16xf32> to vector<16xf32>
        %swap3A_715 = vector.shape_cast %mul3A_708 : vector<16xf32> to vector<1x1x16xf32>
        tpu.vector_store %arg8[%swap3A_710, %swap3A_711, %swap3A_712], %swap3A_715 {strides = array<i32>} : memref<2x64x128xf32, #tpu.memory_space<vmem>>, vector<1x1x16xf32>,
        %mul3A_716 = arith.mulf %get3A_551, %exp3A : vector<16xf32>
        %swap3A_717 = arith.constant 1 : i32
        %swap3A_718 = arith.index_cast %swap3A_717 : i32 to index
        %swap3A_719 = arith.index_cast %add3A_508 : i32 to index
        %swap3A_720 = arith.constant 32 : index
        %swap3A_721 = tpu.vector_load %arg8[%swap3A_718, %swap3A_719, %swap3A_720] {strides = array<i32>} : memref<2x64x128xf32, #tpu.memory_space<vmem>>, vector<1x1x16xf32>,
        %swap3A_722 = vector.shape_cast %swap3A_721 : vector<1x1x16xf32> to vector<16xf32>
        %swap3A_723 = vector.shape_cast %mul3A_716 : vector<16xf32> to vector<1x1x16xf32>
        tpu.vector_store %arg8[%swap3A_718, %swap3A_719, %swap3A_720], %swap3A_723 {strides = array<i32>} : memref<2x64x128xf32, #tpu.memory_space<vmem>>, vector<1x1x16xf32>,
        %mul3A_724 = arith.mulf %get3A_570, %exp3A : vector<16xf32>
        %swap3A_725 = arith.constant 1 : i32
        %swap3A_726 = arith.index_cast %swap3A_725 : i32 to index
        %swap3A_727 = arith.index_cast %add3A_508 : i32 to index
        %swap3A_728 = arith.constant 48 : index
        %swap3A_729 = tpu.vector_load %arg8[%swap3A_726, %swap3A_727, %swap3A_728] {strides = array<i32>} : memref<2x64x128xf32, #tpu.memory_space<vmem>>, vector<1x1x16xf32>,
        %swap3A_730 = vector.shape_cast %swap3A_729 : vector<1x1x16xf32> to vector<16xf32>
        %swap3A_731 = vector.shape_cast %mul3A_724 : vector<16xf32> to vector<1x1x16xf32>
        tpu.vector_store %arg8[%swap3A_726, %swap3A_727, %swap3A_728], %swap3A_731 {strides = array<i32>} : memref<2x64x128xf32, #tpu.memory_space<vmem>>, vector<1x1x16xf32>,
        %mul3A_732 = arith.mulf %get3A_589, %exp3A : vector<16xf32>
        %swap3A_733 = arith.constant 1 : i32
        %swap3A_734 = arith.index_cast %swap3A_733 : i32 to index
        %swap3A_735 = arith.index_cast %add3A_508 : i32 to index
        %swap3A_736 = arith.constant 64 : index
        %swap3A_737 = tpu.vector_load %arg8[%swap3A_734, %swap3A_735, %swap3A_736] {strides = array<i32>} : memref<2x64x128xf32, #tpu.memory_space<vmem>>, vector<1x1x16xf32>,
        %swap3A_738 = vector.shape_cast %swap3A_737 : vector<1x1x16xf32> to vector<16xf32>
        %swap3A_739 = vector.shape_cast %mul3A_732 : vector<16xf32> to vector<1x1x16xf32>
        tpu.vector_store %arg8[%swap3A_734, %swap3A_735, %swap3A_736], %swap3A_739 {strides = array<i32>} : memref<2x64x128xf32, #tpu.memory_space<vmem>>, vector<1x1x16xf32>,
        %mul3A_740 = arith.mulf %get3A_608, %exp3A : vector<16xf32>
        %swap3A_741 = arith.constant 1 : i32
        %swap3A_742 = arith.index_cast %swap3A_741 : i32 to index
        %swap3A_743 = arith.index_cast %add3A_508 : i32 to index
        %swap3A_744 = arith.constant 80 : index
        %swap3A_745 = tpu.vector_load %arg8[%swap3A_742, %swap3A_743, %swap3A_744] {strides = array<i32>} : memref<2x64x128xf32, #tpu.memory_space<vmem>>, vector<1x1x16xf32>,
        %swap3A_746 = vector.shape_cast %swap3A_745 : vector<1x1x16xf32> to vector<16xf32>
        %swap3A_747 = vector.shape_cast %mul3A_740 : vector<16xf32> to vector<1x1x16xf32>
        tpu.vector_store %arg8[%swap3A_742, %swap3A_743, %swap3A_744], %swap3A_747 {strides = array<i32>} : memref<2x64x128xf32, #tpu.memory_space<vmem>>, vector<1x1x16xf32>,
        %mul3A_748 = arith.mulf %get3A_627, %exp3A : vector<16xf32>
        %swap3A_749 = arith.constant 1 : i32
        %swap3A_750 = arith.index_cast %swap3A_749 : i32 to index
        %swap3A_751 = arith.index_cast %add3A_508 : i32 to index
        %swap3A_752 = arith.constant 96 : index
        %swap3A_753 = tpu.vector_load %arg8[%swap3A_750, %swap3A_751, %swap3A_752] {strides = array<i32>} : memref<2x64x128xf32, #tpu.memory_space<vmem>>, vector<1x1x16xf32>,
        %swap3A_754 = vector.shape_cast %swap3A_753 : vector<1x1x16xf32> to vector<16xf32>
        %swap3A_755 = vector.shape_cast %mul3A_748 : vector<16xf32> to vector<1x1x16xf32>
        tpu.vector_store %arg8[%swap3A_750, %swap3A_751, %swap3A_752], %swap3A_755 {strides = array<i32>} : memref<2x64x128xf32, #tpu.memory_space<vmem>>, vector<1x1x16xf32>,
        %mul3A_756 = arith.mulf %get3A_646, %exp3A : vector<16xf32>
        %swap3A_757 = arith.constant 1 : i32
        %swap3A_758 = arith.index_cast %swap3A_757 : i32 to index
        %swap3A_759 = arith.index_cast %add3A_508 : i32 to index
        %swap3A_760 = arith.constant 112 : index
        %swap3A_761 = tpu.vector_load %arg8[%swap3A_758, %swap3A_759, %swap3A_760] {strides = array<i32>} : memref<2x64x128xf32, #tpu.memory_space<vmem>>, vector<1x1x16xf32>,
        %swap3A_762 = vector.shape_cast %swap3A_761 : vector<1x1x16xf32> to vector<16xf32>
        %swap3A_763 = vector.shape_cast %mul3A_756 : vector<16xf32> to vector<1x1x16xf32>
        tpu.vector_store %arg8[%swap3A_758, %swap3A_759, %swap3A_760], %swap3A_763 {strides = array<i32>} : memref<2x64x128xf32, #tpu.memory_space<vmem>>, vector<1x1x16xf32>,
        %mul3A_764 = arith.constant 0 : i32
        %mul3A_765 = vector.broadcast %mul3A_764 : i32 to vector<16xi32>
        %mul3A_766 = arith.muli %iota3A, %mul3A_765 : vector<16xi32>
        %add3A_767 = vector.broadcast %scan3A_505 : i32 to vector<16xi32>
        %add3A_768 = arith.addi %mul3A_766, %add3A_767 : vector<16xi32>
        %lt3A_769 = arith.constant 0 : i32
        %lt3A_770 = vector.broadcast %lt3A_769 : i32 to vector<16xi32>
        %lt3A_771 = arith.cmpi slt, %add3A_768, %lt3A_770 : vector<16xi32>
        %add3A_772 = arith.constant 16 : i32
        %add3A_773 = vector.broadcast %add3A_772 : i32 to vector<16xi32>
        %add3A_774 = arith.addi %add3A_768, %add3A_773 : vector<16xi32>
        %select_n3A_775 = arith.select %lt3A_771, %add3A_774, %add3A_768 : vector<16xi1>, vector<16xi32>
        %broadcast_in_dim3A_776 = vector.shape_cast %select_n3A_775 : vector<16xi32> to vector<16x1xi32>
        %gather3A_777 = vector.shape_cast %broadcast_in_dim3A_776 : vector<16x1xi32> to vector<16xi32>
        %gather3A_778 = tpu.dynamic_gather %get3A_407[%gather3A_777] in [0] : vector<16xi32>, vector<16xi32> -> vector<16xi32>
        %and3A = arith.constant 15 : i32
        %and3A_779 = vector.broadcast %and3A : i32 to vector<16xi32>
        %and3A_780 = arith.andi %gather3A_778, %and3A_779 : vector<16xi32>
        %eq3A = arith.cmpi eq, %and3A_780, %iota3A : vector<16xi32>
        %select_n3A_781 = arith.select %eq3A, %exp3A, %broadcast_in_dim3A_3 : vector<16xi1>, vector<16xf32>
        %swap3A_782 = arith.index_cast %add3A_508 : i32 to index
        %swap3A_783 = arith.constant 0 : index
        %swap3A_784 = tpu.vector_load %arg10[%swap3A_782, %swap3A_783] {strides = array<i32>} : memref<64x128xf32, #tpu.memory_space<vmem>>, vector<1x16xf32>,
        %swap3A_785 = vector.shape_cast %swap3A_784 : vector<1x16xf32> to vector<16xf32>
        %swap3A_786 = vector.shape_cast %select_n3A_781 : vector<16xf32> to vector<1x16xf32>
        tpu.vector_store %arg10[%swap3A_782, %swap3A_783], %swap3A_786 {strides = array<i32>} : memref<64x128xf32, #tpu.memory_space<vmem>>, vector<1x16xf32>,
        %scan3A_787 = arith.constant 0 : i32
        scf.yield %scan3A_787 : i32
      }
      %scan3A_414 = arith.constant 16 : i32
      %get3A_415 = arith.constant 1 : i32
      %get3A_416 = arith.constant 2 : i32
      %get3A_417 = arith.index_cast %get3A_415 : i32 to index
      %get3A_418 = arith.index_cast %get3A_416 : i32 to index
      %get3A_419 = arith.constant 16 : index
      %get3A_420 = tpu.vector_load %arg7[%get3A_417, %get3A_418, %get3A_419] {strides = array<i32>} : memref<2x4x64xi32, #tpu.memory_space<vmem>>, vector<1x1x16xi32>,
      %get3A_421 = vector.shape_cast %get3A_420 : vector<1x1x16xi32> to vector<16xi32>
      %scan3A_422 = arith.constant 0 : i32
      %scan3A_423 = arith.constant 0 : i32
      %scan3A_424 = arith.constant 16 : i32
      %scan3A_425 = arith.addi %scan3A_423, %scan3A_424 : i32
      %scan3A_426 = arith.constant 1 : i32
      %scan3A_427 = scf.for %scan3A_505 = %scan3A_423 to %scan3A_425 step %scan3A_426 iter_args(%scan3A_506 = %scan3A_422) -> (i32)  : i32 {
        %add3A_507 = arith.constant 16 : i32
        %add3A_508 = arith.addi %add3A_507, %scan3A_505 : i32
        %get3A_509 = arith.constant 1 : i32
        %get3A_510 = arith.index_cast %get3A_509 : i32 to index
        %get3A_511 = arith.index_cast %add3A_508 : i32 to index
        %get3A_512 = arith.constant 0 : index
        %get3A_513 = tpu.vector_load %arg8[%get3A_510, %get3A_511, %get3A_512] {strides = array<i32>} : memref<2x64x128xf32, #tpu.memory_space<vmem>>, vector<1x1x16xf32>,
        %get3A_514 = vector.shape_cast %get3A_513 : vector<1x1x16xf32> to vector<16xf32>
        %get3A_515 = arith.constant 1 : i32
        %get3A_516 = arith.index_cast %get3A_515 : i32 to index
        %get3A_517 = arith.index_cast %add3A_508 : i32 to index
        %get3A_518 = arith.constant 0 : index
        %get3A_519 = tpu.vector_load %arg9[%get3A_516, %get3A_517, %get3A_518] {strides = array<i32>} : memref<2x64x128xf32, #tpu.memory_space<vmem>>, vector<1x1x16xf32>,
        %get3A_520 = vector.shape_cast %get3A_519 : vector<1x1x16xf32> to vector<16xf32>
        %add3A_521 = arith.addf %get3A_514, %get3A_520 : vector<16xf32>
        %mul3A_522 = arith.constant 2.000000e-01 : f32
        %mul3A_523 = vector.broadcast %mul3A_522 : f32 to vector<16xf32>
        %mul3A_524 = arith.mulf %mul3A_523, %add3A_521 : vector<16xf32>
        %max3A = arith.maximumf %add3A_521, %mul3A_524 : vector<16xf32>
        %mul3A_525 = arith.mulf %max3A, %get3A_43 : vector<16xf32>
        %add3A_526 = arith.addf %broadcast_in_dim3A_3, %mul3A_525 : vector<16xf32>
        %get3A_527 = arith.constant 1 : i32
        %get3A_528 = arith.index_cast %get3A_527 : i32 to index
        %get3A_529 = arith.index_cast %add3A_508 : i32 to index
        %get3A_530 = arith.constant 16 : index
        %get3A_531 = tpu.vector_load %arg8[%get3A_528, %get3A_529, %get3A_530] {strides = array<i32>} : memref<2x64x128xf32, #tpu.memory_space<vmem>>, vector<1x1x16xf32>,
        %get3A_532 = vector.shape_cast %get3A_531 : vector<1x1x16xf32> to vector<16xf32>
        %get3A_533 = arith.constant 1 : i32
        %get3A_534 = arith.index_cast %get3A_533 : i32 to index
        %get3A_535 = arith.index_cast %add3A_508 : i32 to index
        %get3A_536 = arith.constant 16 : index
        %get3A_537 = tpu.vector_load %arg9[%get3A_534, %get3A_535, %get3A_536] {strides = array<i32>} : memref<2x64x128xf32, #tpu.memory_space<vmem>>, vector<1x1x16xf32>,
        %get3A_538 = vector.shape_cast %get3A_537 : vector<1x1x16xf32> to vector<16xf32>
        %add3A_539 = arith.addf %get3A_532, %get3A_538 : vector<16xf32>
        %mul3A_540 = arith.constant 2.000000e-01 : f32
        %mul3A_541 = vector.broadcast %mul3A_540 : f32 to vector<16xf32>
        %mul3A_542 = arith.mulf %mul3A_541, %add3A_539 : vector<16xf32>
        %max3A_543 = arith.maximumf %add3A_539, %mul3A_542 : vector<16xf32>
        %mul3A_544 = arith.mulf %max3A_543, %get3A_46 : vector<16xf32>
        %add3A_545 = arith.addf %add3A_526, %mul3A_544 : vector<16xf32>
        %get3A_546 = arith.constant 1 : i32
        %get3A_547 = arith.index_cast %get3A_546 : i32 to index
        %get3A_548 = arith.index_cast %add3A_508 : i32 to index
        %get3A_549 = arith.constant 32 : index
        %get3A_550 = tpu.vector_load %arg8[%get3A_547, %get3A_548, %get3A_549] {strides = array<i32>} : memref<2x64x128xf32, #tpu.memory_space<vmem>>, vector<1x1x16xf32>,
        %get3A_551 = vector.shape_cast %get3A_550 : vector<1x1x16xf32> to vector<16xf32>
        %get3A_552 = arith.constant 1 : i32
        %get3A_553 = arith.index_cast %get3A_552 : i32 to index
        %get3A_554 = arith.index_cast %add3A_508 : i32 to index
        %get3A_555 = arith.constant 32 : index
        %get3A_556 = tpu.vector_load %arg9[%get3A_553, %get3A_554, %get3A_555] {strides = array<i32>} : memref<2x64x128xf32, #tpu.memory_space<vmem>>, vector<1x1x16xf32>,
        %get3A_557 = vector.shape_cast %get3A_556 : vector<1x1x16xf32> to vector<16xf32>
        %add3A_558 = arith.addf %get3A_551, %get3A_557 : vector<16xf32>
        %mul3A_559 = arith.constant 2.000000e-01 : f32
        %mul3A_560 = vector.broadcast %mul3A_559 : f32 to vector<16xf32>
        %mul3A_561 = arith.mulf %mul3A_560, %add3A_558 : vector<16xf32>
        %max3A_562 = arith.maximumf %add3A_558, %mul3A_561 : vector<16xf32>
        %mul3A_563 = arith.mulf %max3A_562, %get3A_49 : vector<16xf32>
        %add3A_564 = arith.addf %add3A_545, %mul3A_563 : vector<16xf32>
        %get3A_565 = arith.constant 1 : i32
        %get3A_566 = arith.index_cast %get3A_565 : i32 to index
        %get3A_567 = arith.index_cast %add3A_508 : i32 to index
        %get3A_568 = arith.constant 48 : index
        %get3A_569 = tpu.vector_load %arg8[%get3A_566, %get3A_567, %get3A_568] {strides = array<i32>} : memref<2x64x128xf32, #tpu.memory_space<vmem>>, vector<1x1x16xf32>,
        %get3A_570 = vector.shape_cast %get3A_569 : vector<1x1x16xf32> to vector<16xf32>
        %get3A_571 = arith.constant 1 : i32
        %get3A_572 = arith.index_cast %get3A_571 : i32 to index
        %get3A_573 = arith.index_cast %add3A_508 : i32 to index
        %get3A_574 = arith.constant 48 : index
        %get3A_575 = tpu.vector_load %arg9[%get3A_572, %get3A_573, %get3A_574] {strides = array<i32>} : memref<2x64x128xf32, #tpu.memory_space<vmem>>, vector<1x1x16xf32>,
        %get3A_576 = vector.shape_cast %get3A_575 : vector<1x1x16xf32> to vector<16xf32>
        %add3A_577 = arith.addf %get3A_570, %get3A_576 : vector<16xf32>
        %mul3A_578 = arith.constant 2.000000e-01 : f32
        %mul3A_579 = vector.broadcast %mul3A_578 : f32 to vector<16xf32>
        %mul3A_580 = arith.mulf %mul3A_579, %add3A_577 : vector<16xf32>
        %max3A_581 = arith.maximumf %add3A_577, %mul3A_580 : vector<16xf32>
        %mul3A_582 = arith.mulf %max3A_581, %get3A_52 : vector<16xf32>
        %add3A_583 = arith.addf %add3A_564, %mul3A_582 : vector<16xf32>
        %get3A_584 = arith.constant 1 : i32
        %get3A_585 = arith.index_cast %get3A_584 : i32 to index
        %get3A_586 = arith.index_cast %add3A_508 : i32 to index
        %get3A_587 = arith.constant 64 : index
        %get3A_588 = tpu.vector_load %arg8[%get3A_585, %get3A_586, %get3A_587] {strides = array<i32>} : memref<2x64x128xf32, #tpu.memory_space<vmem>>, vector<1x1x16xf32>,
        %get3A_589 = vector.shape_cast %get3A_588 : vector<1x1x16xf32> to vector<16xf32>
        %get3A_590 = arith.constant 1 : i32
        %get3A_591 = arith.index_cast %get3A_590 : i32 to index
        %get3A_592 = arith.index_cast %add3A_508 : i32 to index
        %get3A_593 = arith.constant 64 : index
        %get3A_594 = tpu.vector_load %arg9[%get3A_591, %get3A_592, %get3A_593] {strides = array<i32>} : memref<2x64x128xf32, #tpu.memory_space<vmem>>, vector<1x1x16xf32>,
        %get3A_595 = vector.shape_cast %get3A_594 : vector<1x1x16xf32> to vector<16xf32>
        %add3A_596 = arith.addf %get3A_589, %get3A_595 : vector<16xf32>
        %mul3A_597 = arith.constant 2.000000e-01 : f32
        %mul3A_598 = vector.broadcast %mul3A_597 : f32 to vector<16xf32>
        %mul3A_599 = arith.mulf %mul3A_598, %add3A_596 : vector<16xf32>
        %max3A_600 = arith.maximumf %add3A_596, %mul3A_599 : vector<16xf32>
        %mul3A_601 = arith.mulf %max3A_600, %get3A_55 : vector<16xf32>
        %add3A_602 = arith.addf %add3A_583, %mul3A_601 : vector<16xf32>
        %get3A_603 = arith.constant 1 : i32
        %get3A_604 = arith.index_cast %get3A_603 : i32 to index
        %get3A_605 = arith.index_cast %add3A_508 : i32 to index
        %get3A_606 = arith.constant 80 : index
        %get3A_607 = tpu.vector_load %arg8[%get3A_604, %get3A_605, %get3A_606] {strides = array<i32>} : memref<2x64x128xf32, #tpu.memory_space<vmem>>, vector<1x1x16xf32>,
        %get3A_608 = vector.shape_cast %get3A_607 : vector<1x1x16xf32> to vector<16xf32>
        %get3A_609 = arith.constant 1 : i32
        %get3A_610 = arith.index_cast %get3A_609 : i32 to index
        %get3A_611 = arith.index_cast %add3A_508 : i32 to index
        %get3A_612 = arith.constant 80 : index
        %get3A_613 = tpu.vector_load %arg9[%get3A_610, %get3A_611, %get3A_612] {strides = array<i32>} : memref<2x64x128xf32, #tpu.memory_space<vmem>>, vector<1x1x16xf32>,
        %get3A_614 = vector.shape_cast %get3A_613 : vector<1x1x16xf32> to vector<16xf32>
        %add3A_615 = arith.addf %get3A_608, %get3A_614 : vector<16xf32>
        %mul3A_616 = arith.constant 2.000000e-01 : f32
        %mul3A_617 = vector.broadcast %mul3A_616 : f32 to vector<16xf32>
        %mul3A_618 = arith.mulf %mul3A_617, %add3A_615 : vector<16xf32>
        %max3A_619 = arith.maximumf %add3A_615, %mul3A_618 : vector<16xf32>
        %mul3A_620 = arith.mulf %max3A_619, %get3A_58 : vector<16xf32>
        %add3A_621 = arith.addf %add3A_602, %mul3A_620 : vector<16xf32>
        %get3A_622 = arith.constant 1 : i32
        %get3A_623 = arith.index_cast %get3A_622 : i32 to index
        %get3A_624 = arith.index_cast %add3A_508 : i32 to index
        %get3A_625 = arith.constant 96 : index
        %get3A_626 = tpu.vector_load %arg8[%get3A_623, %get3A_624, %get3A_625] {strides = array<i32>} : memref<2x64x128xf32, #tpu.memory_space<vmem>>, vector<1x1x16xf32>,
        %get3A_627 = vector.shape_cast %get3A_626 : vector<1x1x16xf32> to vector<16xf32>
        %get3A_628 = arith.constant 1 : i32
        %get3A_629 = arith.index_cast %get3A_628 : i32 to index
        %get3A_630 = arith.index_cast %add3A_508 : i32 to index
        %get3A_631 = arith.constant 96 : index
        %get3A_632 = tpu.vector_load %arg9[%get3A_629, %get3A_630, %get3A_631] {strides = array<i32>} : memref<2x64x128xf32, #tpu.memory_space<vmem>>, vector<1x1x16xf32>,
        %get3A_633 = vector.shape_cast %get3A_632 : vector<1x1x16xf32> to vector<16xf32>
        %add3A_634 = arith.addf %get3A_627, %get3A_633 : vector<16xf32>
        %mul3A_635 = arith.constant 2.000000e-01 : f32
        %mul3A_636 = vector.broadcast %mul3A_635 : f32 to vector<16xf32>
        %mul3A_637 = arith.mulf %mul3A_636, %add3A_634 : vector<16xf32>
        %max3A_638 = arith.maximumf %add3A_634, %mul3A_637 : vector<16xf32>
        %mul3A_639 = arith.mulf %max3A_638, %get3A_61 : vector<16xf32>
        %add3A_640 = arith.addf %add3A_621, %mul3A_639 : vector<16xf32>
        %get3A_641 = arith.constant 1 : i32
        %get3A_642 = arith.index_cast %get3A_641 : i32 to index
        %get3A_643 = arith.index_cast %add3A_508 : i32 to index
        %get3A_644 = arith.constant 112 : index
        %get3A_645 = tpu.vector_load %arg8[%get3A_642, %get3A_643, %get3A_644] {strides = array<i32>} : memref<2x64x128xf32, #tpu.memory_space<vmem>>, vector<1x1x16xf32>,
        %get3A_646 = vector.shape_cast %get3A_645 : vector<1x1x16xf32> to vector<16xf32>
        %get3A_647 = arith.constant 1 : i32
        %get3A_648 = arith.index_cast %get3A_647 : i32 to index
        %get3A_649 = arith.index_cast %add3A_508 : i32 to index
        %get3A_650 = arith.constant 112 : index
        %get3A_651 = tpu.vector_load %arg9[%get3A_648, %get3A_649, %get3A_650] {strides = array<i32>} : memref<2x64x128xf32, #tpu.memory_space<vmem>>, vector<1x1x16xf32>,
        %get3A_652 = vector.shape_cast %get3A_651 : vector<1x1x16xf32> to vector<16xf32>
        %add3A_653 = arith.addf %get3A_646, %get3A_652 : vector<16xf32>
        %mul3A_654 = arith.constant 2.000000e-01 : f32
        %mul3A_655 = vector.broadcast %mul3A_654 : f32 to vector<16xf32>
        %mul3A_656 = arith.mulf %mul3A_655, %add3A_653 : vector<16xf32>
        %max3A_657 = arith.maximumf %add3A_653, %mul3A_656 : vector<16xf32>
        %mul3A_658 = arith.mulf %max3A_657, %get3A_64 : vector<16xf32>
        %add3A_659 = arith.addf %add3A_640, %mul3A_658 : vector<16xf32>
        %lt3A = arith.constant 0 : i32
        %lt3A_660 = vector.broadcast %lt3A : i32 to vector<16xi32>
        %lt3A_661 = arith.cmpi slt, %xor3A_66, %lt3A_660 : vector<16xi32>
        %add3A_662 = arith.constant 16 : i32
        %add3A_663 = vector.broadcast %add3A_662 : i32 to vector<16xi32>
        %add3A_664 = arith.addi %xor3A_66, %add3A_663 : vector<16xi32>
        %select_n3A = arith.select %lt3A_661, %add3A_664, %xor3A_66 : vector<16xi1>, vector<16xi32>
        %broadcast_in_dim3A_665 = vector.shape_cast %select_n3A : vector<16xi32> to vector<16x1xi32>
        %gather3A = vector.shape_cast %broadcast_in_dim3A_665 : vector<16x1xi32> to vector<16xi32>
        %gather3A_666 = tpu.dynamic_gather %add3A_659[%gather3A] in [0] : vector<16xf32>, vector<16xi32> -> vector<16xf32>
        %add3A_667 = arith.addf %add3A_659, %gather3A_666 : vector<16xf32>
        %lt3A_668 = arith.constant 0 : i32
        %lt3A_669 = vector.broadcast %lt3A_668 : i32 to vector<16xi32>
        %lt3A_670 = arith.cmpi slt, %xor3A_69, %lt3A_669 : vector<16xi32>
        %add3A_671 = arith.constant 16 : i32
        %add3A_672 = vector.broadcast %add3A_671 : i32 to vector<16xi32>
        %add3A_673 = arith.addi %xor3A_69, %add3A_672 : vector<16xi32>
        %select_n3A_674 = arith.select %lt3A_670, %add3A_673, %xor3A_69 : vector<16xi1>, vector<16xi32>
        %broadcast_in_dim3A_675 = vector.shape_cast %select_n3A_674 : vector<16xi32> to vector<16x1xi32>
        %gather3A_676 = vector.shape_cast %broadcast_in_dim3A_675 : vector<16x1xi32> to vector<16xi32>
        %gather3A_677 = tpu.dynamic_gather %add3A_667[%gather3A_676] in [0] : vector<16xf32>, vector<16xi32> -> vector<16xf32>
        %add3A_678 = arith.addf %add3A_667, %gather3A_677 : vector<16xf32>
        %lt3A_679 = arith.constant 0 : i32
        %lt3A_680 = vector.broadcast %lt3A_679 : i32 to vector<16xi32>
        %lt3A_681 = arith.cmpi slt, %xor3A_72, %lt3A_680 : vector<16xi32>
        %add3A_682 = arith.constant 16 : i32
        %add3A_683 = vector.broadcast %add3A_682 : i32 to vector<16xi32>
        %add3A_684 = arith.addi %xor3A_72, %add3A_683 : vector<16xi32>
        %select_n3A_685 = arith.select %lt3A_681, %add3A_684, %xor3A_72 : vector<16xi1>, vector<16xi32>
        %broadcast_in_dim3A_686 = vector.shape_cast %select_n3A_685 : vector<16xi32> to vector<16x1xi32>
        %gather3A_687 = vector.shape_cast %broadcast_in_dim3A_686 : vector<16x1xi32> to vector<16xi32>
        %gather3A_688 = tpu.dynamic_gather %add3A_678[%gather3A_687] in [0] : vector<16xf32>, vector<16xi32> -> vector<16xf32>
        %add3A_689 = arith.addf %add3A_678, %gather3A_688 : vector<16xf32>
        %lt3A_690 = arith.constant 0 : i32
        %lt3A_691 = vector.broadcast %lt3A_690 : i32 to vector<16xi32>
        %lt3A_692 = arith.cmpi slt, %xor3A_75, %lt3A_691 : vector<16xi32>
        %add3A_693 = arith.constant 16 : i32
        %add3A_694 = vector.broadcast %add3A_693 : i32 to vector<16xi32>
        %add3A_695 = arith.addi %xor3A_75, %add3A_694 : vector<16xi32>
        %select_n3A_696 = arith.select %lt3A_692, %add3A_695, %xor3A_75 : vector<16xi1>, vector<16xi32>
        %broadcast_in_dim3A_697 = vector.shape_cast %select_n3A_696 : vector<16xi32> to vector<16x1xi32>
        %gather3A_698 = vector.shape_cast %broadcast_in_dim3A_697 : vector<16x1xi32> to vector<16xi32>
        %gather3A_699 = tpu.dynamic_gather %add3A_689[%gather3A_698] in [0] : vector<16xf32>, vector<16xi32> -> vector<16xf32>
        %add3A_700 = arith.addf %add3A_689, %gather3A_699 : vector<16xf32>
        %exp3A = math.exp %add3A_700 : vector<16xf32>
        %mul3A_701 = arith.mulf %get3A_514, %exp3A : vector<16xf32>
        %swap3A = arith.constant 1 : i32
        %swap3A_702 = arith.index_cast %swap3A : i32 to index
        %swap3A_703 = arith.index_cast %add3A_508 : i32 to index
        %swap3A_704 = arith.constant 0 : index
        %swap3A_705 = tpu.vector_load %arg8[%swap3A_702, %swap3A_703, %swap3A_704] {strides = array<i32>} : memref<2x64x128xf32, #tpu.memory_space<vmem>>, vector<1x1x16xf32>,
        %swap3A_706 = vector.shape_cast %swap3A_705 : vector<1x1x16xf32> to vector<16xf32>
        %swap3A_707 = vector.shape_cast %mul3A_701 : vector<16xf32> to vector<1x1x16xf32>
        tpu.vector_store %arg8[%swap3A_702, %swap3A_703, %swap3A_704], %swap3A_707 {strides = array<i32>} : memref<2x64x128xf32, #tpu.memory_space<vmem>>, vector<1x1x16xf32>,
        %mul3A_708 = arith.mulf %get3A_532, %exp3A : vector<16xf32>
        %swap3A_709 = arith.constant 1 : i32
        %swap3A_710 = arith.index_cast %swap3A_709 : i32 to index
        %swap3A_711 = arith.index_cast %add3A_508 : i32 to index
        %swap3A_712 = arith.constant 16 : index
        %swap3A_713 = tpu.vector_load %arg8[%swap3A_710, %swap3A_711, %swap3A_712] {strides = array<i32>} : memref<2x64x128xf32, #tpu.memory_space<vmem>>, vector<1x1x16xf32>,
        %swap3A_714 = vector.shape_cast %swap3A_713 : vector<1x1x16xf32> to vector<16xf32>
        %swap3A_715 = vector.shape_cast %mul3A_708 : vector<16xf32> to vector<1x1x16xf32>
        tpu.vector_store %arg8[%swap3A_710, %swap3A_711, %swap3A_712], %swap3A_715 {strides = array<i32>} : memref<2x64x128xf32, #tpu.memory_space<vmem>>, vector<1x1x16xf32>,
        %mul3A_716 = arith.mulf %get3A_551, %exp3A : vector<16xf32>
        %swap3A_717 = arith.constant 1 : i32
        %swap3A_718 = arith.index_cast %swap3A_717 : i32 to index
        %swap3A_719 = arith.index_cast %add3A_508 : i32 to index
        %swap3A_720 = arith.constant 32 : index
        %swap3A_721 = tpu.vector_load %arg8[%swap3A_718, %swap3A_719, %swap3A_720] {strides = array<i32>} : memref<2x64x128xf32, #tpu.memory_space<vmem>>, vector<1x1x16xf32>,
        %swap3A_722 = vector.shape_cast %swap3A_721 : vector<1x1x16xf32> to vector<16xf32>
        %swap3A_723 = vector.shape_cast %mul3A_716 : vector<16xf32> to vector<1x1x16xf32>
        tpu.vector_store %arg8[%swap3A_718, %swap3A_719, %swap3A_720], %swap3A_723 {strides = array<i32>} : memref<2x64x128xf32, #tpu.memory_space<vmem>>, vector<1x1x16xf32>,
        %mul3A_724 = arith.mulf %get3A_570, %exp3A : vector<16xf32>
        %swap3A_725 = arith.constant 1 : i32
        %swap3A_726 = arith.index_cast %swap3A_725 : i32 to index
        %swap3A_727 = arith.index_cast %add3A_508 : i32 to index
        %swap3A_728 = arith.constant 48 : index
        %swap3A_729 = tpu.vector_load %arg8[%swap3A_726, %swap3A_727, %swap3A_728] {strides = array<i32>} : memref<2x64x128xf32, #tpu.memory_space<vmem>>, vector<1x1x16xf32>,
        %swap3A_730 = vector.shape_cast %swap3A_729 : vector<1x1x16xf32> to vector<16xf32>
        %swap3A_731 = vector.shape_cast %mul3A_724 : vector<16xf32> to vector<1x1x16xf32>
        tpu.vector_store %arg8[%swap3A_726, %swap3A_727, %swap3A_728], %swap3A_731 {strides = array<i32>} : memref<2x64x128xf32, #tpu.memory_space<vmem>>, vector<1x1x16xf32>,
        %mul3A_732 = arith.mulf %get3A_589, %exp3A : vector<16xf32>
        %swap3A_733 = arith.constant 1 : i32
        %swap3A_734 = arith.index_cast %swap3A_733 : i32 to index
        %swap3A_735 = arith.index_cast %add3A_508 : i32 to index
        %swap3A_736 = arith.constant 64 : index
        %swap3A_737 = tpu.vector_load %arg8[%swap3A_734, %swap3A_735, %swap3A_736] {strides = array<i32>} : memref<2x64x128xf32, #tpu.memory_space<vmem>>, vector<1x1x16xf32>,
        %swap3A_738 = vector.shape_cast %swap3A_737 : vector<1x1x16xf32> to vector<16xf32>
        %swap3A_739 = vector.shape_cast %mul3A_732 : vector<16xf32> to vector<1x1x16xf32>
        tpu.vector_store %arg8[%swap3A_734, %swap3A_735, %swap3A_736], %swap3A_739 {strides = array<i32>} : memref<2x64x128xf32, #tpu.memory_space<vmem>>, vector<1x1x16xf32>,
        %mul3A_740 = arith.mulf %get3A_608, %exp3A : vector<16xf32>
        %swap3A_741 = arith.constant 1 : i32
        %swap3A_742 = arith.index_cast %swap3A_741 : i32 to index
        %swap3A_743 = arith.index_cast %add3A_508 : i32 to index
        %swap3A_744 = arith.constant 80 : index
        %swap3A_745 = tpu.vector_load %arg8[%swap3A_742, %swap3A_743, %swap3A_744] {strides = array<i32>} : memref<2x64x128xf32, #tpu.memory_space<vmem>>, vector<1x1x16xf32>,
        %swap3A_746 = vector.shape_cast %swap3A_745 : vector<1x1x16xf32> to vector<16xf32>
        %swap3A_747 = vector.shape_cast %mul3A_740 : vector<16xf32> to vector<1x1x16xf32>
        tpu.vector_store %arg8[%swap3A_742, %swap3A_743, %swap3A_744], %swap3A_747 {strides = array<i32>} : memref<2x64x128xf32, #tpu.memory_space<vmem>>, vector<1x1x16xf32>,
        %mul3A_748 = arith.mulf %get3A_627, %exp3A : vector<16xf32>
        %swap3A_749 = arith.constant 1 : i32
        %swap3A_750 = arith.index_cast %swap3A_749 : i32 to index
        %swap3A_751 = arith.index_cast %add3A_508 : i32 to index
        %swap3A_752 = arith.constant 96 : index
        %swap3A_753 = tpu.vector_load %arg8[%swap3A_750, %swap3A_751, %swap3A_752] {strides = array<i32>} : memref<2x64x128xf32, #tpu.memory_space<vmem>>, vector<1x1x16xf32>,
        %swap3A_754 = vector.shape_cast %swap3A_753 : vector<1x1x16xf32> to vector<16xf32>
        %swap3A_755 = vector.shape_cast %mul3A_748 : vector<16xf32> to vector<1x1x16xf32>
        tpu.vector_store %arg8[%swap3A_750, %swap3A_751, %swap3A_752], %swap3A_755 {strides = array<i32>} : memref<2x64x128xf32, #tpu.memory_space<vmem>>, vector<1x1x16xf32>,
        %mul3A_756 = arith.mulf %get3A_646, %exp3A : vector<16xf32>
        %swap3A_757 = arith.constant 1 : i32
        %swap3A_758 = arith.index_cast %swap3A_757 : i32 to index
        %swap3A_759 = arith.index_cast %add3A_508 : i32 to index
        %swap3A_760 = arith.constant 112 : index
        %swap3A_761 = tpu.vector_load %arg8[%swap3A_758, %swap3A_759, %swap3A_760] {strides = array<i32>} : memref<2x64x128xf32, #tpu.memory_space<vmem>>, vector<1x1x16xf32>,
        %swap3A_762 = vector.shape_cast %swap3A_761 : vector<1x1x16xf32> to vector<16xf32>
        %swap3A_763 = vector.shape_cast %mul3A_756 : vector<16xf32> to vector<1x1x16xf32>
        tpu.vector_store %arg8[%swap3A_758, %swap3A_759, %swap3A_760], %swap3A_763 {strides = array<i32>} : memref<2x64x128xf32, #tpu.memory_space<vmem>>, vector<1x1x16xf32>,
        %mul3A_764 = arith.constant 0 : i32
        %mul3A_765 = vector.broadcast %mul3A_764 : i32 to vector<16xi32>
        %mul3A_766 = arith.muli %iota3A, %mul3A_765 : vector<16xi32>
        %add3A_767 = vector.broadcast %scan3A_505 : i32 to vector<16xi32>
        %add3A_768 = arith.addi %mul3A_766, %add3A_767 : vector<16xi32>
        %lt3A_769 = arith.constant 0 : i32
        %lt3A_770 = vector.broadcast %lt3A_769 : i32 to vector<16xi32>
        %lt3A_771 = arith.cmpi slt, %add3A_768, %lt3A_770 : vector<16xi32>
        %add3A_772 = arith.constant 16 : i32
        %add3A_773 = vector.broadcast %add3A_772 : i32 to vector<16xi32>
        %add3A_774 = arith.addi %add3A_768, %add3A_773 : vector<16xi32>
        %select_n3A_775 = arith.select %lt3A_771, %add3A_774, %add3A_768 : vector<16xi1>, vector<16xi32>
        %broadcast_in_dim3A_776 = vector.shape_cast %select_n3A_775 : vector<16xi32> to vector<16x1xi32>
        %gather3A_777 = vector.shape_cast %broadcast_in_dim3A_776 : vector<16x1xi32> to vector<16xi32>
        %gather3A_778 = tpu.dynamic_gather %get3A_421[%gather3A_777] in [0] : vector<16xi32>, vector<16xi32> -> vector<16xi32>
        %and3A = arith.constant 15 : i32
        %and3A_779 = vector.broadcast %and3A : i32 to vector<16xi32>
        %and3A_780 = arith.andi %gather3A_778, %and3A_779 : vector<16xi32>
        %eq3A = arith.cmpi eq, %and3A_780, %iota3A : vector<16xi32>
        %select_n3A_781 = arith.select %eq3A, %exp3A, %broadcast_in_dim3A_3 : vector<16xi1>, vector<16xf32>
        %swap3A_782 = arith.index_cast %add3A_508 : i32 to index
        %swap3A_783 = arith.constant 0 : index
        %swap3A_784 = tpu.vector_load %arg10[%swap3A_782, %swap3A_783] {strides = array<i32>} : memref<64x128xf32, #tpu.memory_space<vmem>>, vector<1x16xf32>,
        %swap3A_785 = vector.shape_cast %swap3A_784 : vector<1x16xf32> to vector<16xf32>
        %swap3A_786 = vector.shape_cast %select_n3A_781 : vector<16xf32> to vector<1x16xf32>
        tpu.vector_store %arg10[%swap3A_782, %swap3A_783], %swap3A_786 {strides = array<i32>} : memref<64x128xf32, #tpu.memory_space<vmem>>, vector<1x16xf32>,
        %scan3A_787 = arith.constant 0 : i32
        scf.yield %scan3A_787 : i32
      }
      %scan3A_428 = arith.constant 16 : i32
      %get3A_429 = arith.constant 1 : i32
      %get3A_430 = arith.constant 2 : i32
      %get3A_431 = arith.index_cast %get3A_429 : i32 to index
      %get3A_432 = arith.index_cast %get3A_430 : i32 to index
      %get3A_433 = arith.constant 32 : index
      %get3A_434 = tpu.vector_load %arg7[%get3A_431, %get3A_432, %get3A_433] {strides = array<i32>} : memref<2x4x64xi32, #tpu.memory_space<vmem>>, vector<1x1x16xi32>,
      %get3A_435 = vector.shape_cast %get3A_434 : vector<1x1x16xi32> to vector<16xi32>
      %scan3A_436 = arith.constant 0 : i32
      %scan3A_437 = arith.constant 0 : i32
      %scan3A_438 = arith.constant 16 : i32
      %scan3A_439 = arith.addi %scan3A_437, %scan3A_438 : i32
      %scan3A_440 = arith.constant 1 : i32
      %scan3A_441 = scf.for %scan3A_505 = %scan3A_437 to %scan3A_439 step %scan3A_440 iter_args(%scan3A_506 = %scan3A_436) -> (i32)  : i32 {
        %add3A_507 = arith.constant 32 : i32
        %add3A_508 = arith.addi %add3A_507, %scan3A_505 : i32
        %get3A_509 = arith.constant 1 : i32
        %get3A_510 = arith.index_cast %get3A_509 : i32 to index
        %get3A_511 = arith.index_cast %add3A_508 : i32 to index
        %get3A_512 = arith.constant 0 : index
        %get3A_513 = tpu.vector_load %arg8[%get3A_510, %get3A_511, %get3A_512] {strides = array<i32>} : memref<2x64x128xf32, #tpu.memory_space<vmem>>, vector<1x1x16xf32>,
        %get3A_514 = vector.shape_cast %get3A_513 : vector<1x1x16xf32> to vector<16xf32>
        %get3A_515 = arith.constant 1 : i32
        %get3A_516 = arith.index_cast %get3A_515 : i32 to index
        %get3A_517 = arith.index_cast %add3A_508 : i32 to index
        %get3A_518 = arith.constant 0 : index
        %get3A_519 = tpu.vector_load %arg9[%get3A_516, %get3A_517, %get3A_518] {strides = array<i32>} : memref<2x64x128xf32, #tpu.memory_space<vmem>>, vector<1x1x16xf32>,
        %get3A_520 = vector.shape_cast %get3A_519 : vector<1x1x16xf32> to vector<16xf32>
        %add3A_521 = arith.addf %get3A_514, %get3A_520 : vector<16xf32>
        %mul3A_522 = arith.constant 2.000000e-01 : f32
        %mul3A_523 = vector.broadcast %mul3A_522 : f32 to vector<16xf32>
        %mul3A_524 = arith.mulf %mul3A_523, %add3A_521 : vector<16xf32>
        %max3A = arith.maximumf %add3A_521, %mul3A_524 : vector<16xf32>
        %mul3A_525 = arith.mulf %max3A, %get3A_43 : vector<16xf32>
        %add3A_526 = arith.addf %broadcast_in_dim3A_3, %mul3A_525 : vector<16xf32>
        %get3A_527 = arith.constant 1 : i32
        %get3A_528 = arith.index_cast %get3A_527 : i32 to index
        %get3A_529 = arith.index_cast %add3A_508 : i32 to index
        %get3A_530 = arith.constant 16 : index
        %get3A_531 = tpu.vector_load %arg8[%get3A_528, %get3A_529, %get3A_530] {strides = array<i32>} : memref<2x64x128xf32, #tpu.memory_space<vmem>>, vector<1x1x16xf32>,
        %get3A_532 = vector.shape_cast %get3A_531 : vector<1x1x16xf32> to vector<16xf32>
        %get3A_533 = arith.constant 1 : i32
        %get3A_534 = arith.index_cast %get3A_533 : i32 to index
        %get3A_535 = arith.index_cast %add3A_508 : i32 to index
        %get3A_536 = arith.constant 16 : index
        %get3A_537 = tpu.vector_load %arg9[%get3A_534, %get3A_535, %get3A_536] {strides = array<i32>} : memref<2x64x128xf32, #tpu.memory_space<vmem>>, vector<1x1x16xf32>,
        %get3A_538 = vector.shape_cast %get3A_537 : vector<1x1x16xf32> to vector<16xf32>
        %add3A_539 = arith.addf %get3A_532, %get3A_538 : vector<16xf32>
        %mul3A_540 = arith.constant 2.000000e-01 : f32
        %mul3A_541 = vector.broadcast %mul3A_540 : f32 to vector<16xf32>
        %mul3A_542 = arith.mulf %mul3A_541, %add3A_539 : vector<16xf32>
        %max3A_543 = arith.maximumf %add3A_539, %mul3A_542 : vector<16xf32>
        %mul3A_544 = arith.mulf %max3A_543, %get3A_46 : vector<16xf32>
        %add3A_545 = arith.addf %add3A_526, %mul3A_544 : vector<16xf32>
        %get3A_546 = arith.constant 1 : i32
        %get3A_547 = arith.index_cast %get3A_546 : i32 to index
        %get3A_548 = arith.index_cast %add3A_508 : i32 to index
        %get3A_549 = arith.constant 32 : index
        %get3A_550 = tpu.vector_load %arg8[%get3A_547, %get3A_548, %get3A_549] {strides = array<i32>} : memref<2x64x128xf32, #tpu.memory_space<vmem>>, vector<1x1x16xf32>,
        %get3A_551 = vector.shape_cast %get3A_550 : vector<1x1x16xf32> to vector<16xf32>
        %get3A_552 = arith.constant 1 : i32
        %get3A_553 = arith.index_cast %get3A_552 : i32 to index
        %get3A_554 = arith.index_cast %add3A_508 : i32 to index
        %get3A_555 = arith.constant 32 : index
        %get3A_556 = tpu.vector_load %arg9[%get3A_553, %get3A_554, %get3A_555] {strides = array<i32>} : memref<2x64x128xf32, #tpu.memory_space<vmem>>, vector<1x1x16xf32>,
        %get3A_557 = vector.shape_cast %get3A_556 : vector<1x1x16xf32> to vector<16xf32>
        %add3A_558 = arith.addf %get3A_551, %get3A_557 : vector<16xf32>
        %mul3A_559 = arith.constant 2.000000e-01 : f32
        %mul3A_560 = vector.broadcast %mul3A_559 : f32 to vector<16xf32>
        %mul3A_561 = arith.mulf %mul3A_560, %add3A_558 : vector<16xf32>
        %max3A_562 = arith.maximumf %add3A_558, %mul3A_561 : vector<16xf32>
        %mul3A_563 = arith.mulf %max3A_562, %get3A_49 : vector<16xf32>
        %add3A_564 = arith.addf %add3A_545, %mul3A_563 : vector<16xf32>
        %get3A_565 = arith.constant 1 : i32
        %get3A_566 = arith.index_cast %get3A_565 : i32 to index
        %get3A_567 = arith.index_cast %add3A_508 : i32 to index
        %get3A_568 = arith.constant 48 : index
        %get3A_569 = tpu.vector_load %arg8[%get3A_566, %get3A_567, %get3A_568] {strides = array<i32>} : memref<2x64x128xf32, #tpu.memory_space<vmem>>, vector<1x1x16xf32>,
        %get3A_570 = vector.shape_cast %get3A_569 : vector<1x1x16xf32> to vector<16xf32>
        %get3A_571 = arith.constant 1 : i32
        %get3A_572 = arith.index_cast %get3A_571 : i32 to index
        %get3A_573 = arith.index_cast %add3A_508 : i32 to index
        %get3A_574 = arith.constant 48 : index
        %get3A_575 = tpu.vector_load %arg9[%get3A_572, %get3A_573, %get3A_574] {strides = array<i32>} : memref<2x64x128xf32, #tpu.memory_space<vmem>>, vector<1x1x16xf32>,
        %get3A_576 = vector.shape_cast %get3A_575 : vector<1x1x16xf32> to vector<16xf32>
        %add3A_577 = arith.addf %get3A_570, %get3A_576 : vector<16xf32>
        %mul3A_578 = arith.constant 2.000000e-01 : f32
        %mul3A_579 = vector.broadcast %mul3A_578 : f32 to vector<16xf32>
        %mul3A_580 = arith.mulf %mul3A_579, %add3A_577 : vector<16xf32>
        %max3A_581 = arith.maximumf %add3A_577, %mul3A_580 : vector<16xf32>
        %mul3A_582 = arith.mulf %max3A_581, %get3A_52 : vector<16xf32>
        %add3A_583 = arith.addf %add3A_564, %mul3A_582 : vector<16xf32>
        %get3A_584 = arith.constant 1 : i32
        %get3A_585 = arith.index_cast %get3A_584 : i32 to index
        %get3A_586 = arith.index_cast %add3A_508 : i32 to index
        %get3A_587 = arith.constant 64 : index
        %get3A_588 = tpu.vector_load %arg8[%get3A_585, %get3A_586, %get3A_587] {strides = array<i32>} : memref<2x64x128xf32, #tpu.memory_space<vmem>>, vector<1x1x16xf32>,
        %get3A_589 = vector.shape_cast %get3A_588 : vector<1x1x16xf32> to vector<16xf32>
        %get3A_590 = arith.constant 1 : i32
        %get3A_591 = arith.index_cast %get3A_590 : i32 to index
        %get3A_592 = arith.index_cast %add3A_508 : i32 to index
        %get3A_593 = arith.constant 64 : index
        %get3A_594 = tpu.vector_load %arg9[%get3A_591, %get3A_592, %get3A_593] {strides = array<i32>} : memref<2x64x128xf32, #tpu.memory_space<vmem>>, vector<1x1x16xf32>,
        %get3A_595 = vector.shape_cast %get3A_594 : vector<1x1x16xf32> to vector<16xf32>
        %add3A_596 = arith.addf %get3A_589, %get3A_595 : vector<16xf32>
        %mul3A_597 = arith.constant 2.000000e-01 : f32
        %mul3A_598 = vector.broadcast %mul3A_597 : f32 to vector<16xf32>
        %mul3A_599 = arith.mulf %mul3A_598, %add3A_596 : vector<16xf32>
        %max3A_600 = arith.maximumf %add3A_596, %mul3A_599 : vector<16xf32>
        %mul3A_601 = arith.mulf %max3A_600, %get3A_55 : vector<16xf32>
        %add3A_602 = arith.addf %add3A_583, %mul3A_601 : vector<16xf32>
        %get3A_603 = arith.constant 1 : i32
        %get3A_604 = arith.index_cast %get3A_603 : i32 to index
        %get3A_605 = arith.index_cast %add3A_508 : i32 to index
        %get3A_606 = arith.constant 80 : index
        %get3A_607 = tpu.vector_load %arg8[%get3A_604, %get3A_605, %get3A_606] {strides = array<i32>} : memref<2x64x128xf32, #tpu.memory_space<vmem>>, vector<1x1x16xf32>,
        %get3A_608 = vector.shape_cast %get3A_607 : vector<1x1x16xf32> to vector<16xf32>
        %get3A_609 = arith.constant 1 : i32
        %get3A_610 = arith.index_cast %get3A_609 : i32 to index
        %get3A_611 = arith.index_cast %add3A_508 : i32 to index
        %get3A_612 = arith.constant 80 : index
        %get3A_613 = tpu.vector_load %arg9[%get3A_610, %get3A_611, %get3A_612] {strides = array<i32>} : memref<2x64x128xf32, #tpu.memory_space<vmem>>, vector<1x1x16xf32>,
        %get3A_614 = vector.shape_cast %get3A_613 : vector<1x1x16xf32> to vector<16xf32>
        %add3A_615 = arith.addf %get3A_608, %get3A_614 : vector<16xf32>
        %mul3A_616 = arith.constant 2.000000e-01 : f32
        %mul3A_617 = vector.broadcast %mul3A_616 : f32 to vector<16xf32>
        %mul3A_618 = arith.mulf %mul3A_617, %add3A_615 : vector<16xf32>
        %max3A_619 = arith.maximumf %add3A_615, %mul3A_618 : vector<16xf32>
        %mul3A_620 = arith.mulf %max3A_619, %get3A_58 : vector<16xf32>
        %add3A_621 = arith.addf %add3A_602, %mul3A_620 : vector<16xf32>
        %get3A_622 = arith.constant 1 : i32
        %get3A_623 = arith.index_cast %get3A_622 : i32 to index
        %get3A_624 = arith.index_cast %add3A_508 : i32 to index
        %get3A_625 = arith.constant 96 : index
        %get3A_626 = tpu.vector_load %arg8[%get3A_623, %get3A_624, %get3A_625] {strides = array<i32>} : memref<2x64x128xf32, #tpu.memory_space<vmem>>, vector<1x1x16xf32>,
        %get3A_627 = vector.shape_cast %get3A_626 : vector<1x1x16xf32> to vector<16xf32>
        %get3A_628 = arith.constant 1 : i32
        %get3A_629 = arith.index_cast %get3A_628 : i32 to index
        %get3A_630 = arith.index_cast %add3A_508 : i32 to index
        %get3A_631 = arith.constant 96 : index
        %get3A_632 = tpu.vector_load %arg9[%get3A_629, %get3A_630, %get3A_631] {strides = array<i32>} : memref<2x64x128xf32, #tpu.memory_space<vmem>>, vector<1x1x16xf32>,
        %get3A_633 = vector.shape_cast %get3A_632 : vector<1x1x16xf32> to vector<16xf32>
        %add3A_634 = arith.addf %get3A_627, %get3A_633 : vector<16xf32>
        %mul3A_635 = arith.constant 2.000000e-01 : f32
        %mul3A_636 = vector.broadcast %mul3A_635 : f32 to vector<16xf32>
        %mul3A_637 = arith.mulf %mul3A_636, %add3A_634 : vector<16xf32>
        %max3A_638 = arith.maximumf %add3A_634, %mul3A_637 : vector<16xf32>
        %mul3A_639 = arith.mulf %max3A_638, %get3A_61 : vector<16xf32>
        %add3A_640 = arith.addf %add3A_621, %mul3A_639 : vector<16xf32>
        %get3A_641 = arith.constant 1 : i32
        %get3A_642 = arith.index_cast %get3A_641 : i32 to index
        %get3A_643 = arith.index_cast %add3A_508 : i32 to index
        %get3A_644 = arith.constant 112 : index
        %get3A_645 = tpu.vector_load %arg8[%get3A_642, %get3A_643, %get3A_644] {strides = array<i32>} : memref<2x64x128xf32, #tpu.memory_space<vmem>>, vector<1x1x16xf32>,
        %get3A_646 = vector.shape_cast %get3A_645 : vector<1x1x16xf32> to vector<16xf32>
        %get3A_647 = arith.constant 1 : i32
        %get3A_648 = arith.index_cast %get3A_647 : i32 to index
        %get3A_649 = arith.index_cast %add3A_508 : i32 to index
        %get3A_650 = arith.constant 112 : index
        %get3A_651 = tpu.vector_load %arg9[%get3A_648, %get3A_649, %get3A_650] {strides = array<i32>} : memref<2x64x128xf32, #tpu.memory_space<vmem>>, vector<1x1x16xf32>,
        %get3A_652 = vector.shape_cast %get3A_651 : vector<1x1x16xf32> to vector<16xf32>
        %add3A_653 = arith.addf %get3A_646, %get3A_652 : vector<16xf32>
        %mul3A_654 = arith.constant 2.000000e-01 : f32
        %mul3A_655 = vector.broadcast %mul3A_654 : f32 to vector<16xf32>
        %mul3A_656 = arith.mulf %mul3A_655, %add3A_653 : vector<16xf32>
        %max3A_657 = arith.maximumf %add3A_653, %mul3A_656 : vector<16xf32>
        %mul3A_658 = arith.mulf %max3A_657, %get3A_64 : vector<16xf32>
        %add3A_659 = arith.addf %add3A_640, %mul3A_658 : vector<16xf32>
        %lt3A = arith.constant 0 : i32
        %lt3A_660 = vector.broadcast %lt3A : i32 to vector<16xi32>
        %lt3A_661 = arith.cmpi slt, %xor3A_66, %lt3A_660 : vector<16xi32>
        %add3A_662 = arith.constant 16 : i32
        %add3A_663 = vector.broadcast %add3A_662 : i32 to vector<16xi32>
        %add3A_664 = arith.addi %xor3A_66, %add3A_663 : vector<16xi32>
        %select_n3A = arith.select %lt3A_661, %add3A_664, %xor3A_66 : vector<16xi1>, vector<16xi32>
        %broadcast_in_dim3A_665 = vector.shape_cast %select_n3A : vector<16xi32> to vector<16x1xi32>
        %gather3A = vector.shape_cast %broadcast_in_dim3A_665 : vector<16x1xi32> to vector<16xi32>
        %gather3A_666 = tpu.dynamic_gather %add3A_659[%gather3A] in [0] : vector<16xf32>, vector<16xi32> -> vector<16xf32>
        %add3A_667 = arith.addf %add3A_659, %gather3A_666 : vector<16xf32>
        %lt3A_668 = arith.constant 0 : i32
        %lt3A_669 = vector.broadcast %lt3A_668 : i32 to vector<16xi32>
        %lt3A_670 = arith.cmpi slt, %xor3A_69, %lt3A_669 : vector<16xi32>
        %add3A_671 = arith.constant 16 : i32
        %add3A_672 = vector.broadcast %add3A_671 : i32 to vector<16xi32>
        %add3A_673 = arith.addi %xor3A_69, %add3A_672 : vector<16xi32>
        %select_n3A_674 = arith.select %lt3A_670, %add3A_673, %xor3A_69 : vector<16xi1>, vector<16xi32>
        %broadcast_in_dim3A_675 = vector.shape_cast %select_n3A_674 : vector<16xi32> to vector<16x1xi32>
        %gather3A_676 = vector.shape_cast %broadcast_in_dim3A_675 : vector<16x1xi32> to vector<16xi32>
        %gather3A_677 = tpu.dynamic_gather %add3A_667[%gather3A_676] in [0] : vector<16xf32>, vector<16xi32> -> vector<16xf32>
        %add3A_678 = arith.addf %add3A_667, %gather3A_677 : vector<16xf32>
        %lt3A_679 = arith.constant 0 : i32
        %lt3A_680 = vector.broadcast %lt3A_679 : i32 to vector<16xi32>
        %lt3A_681 = arith.cmpi slt, %xor3A_72, %lt3A_680 : vector<16xi32>
        %add3A_682 = arith.constant 16 : i32
        %add3A_683 = vector.broadcast %add3A_682 : i32 to vector<16xi32>
        %add3A_684 = arith.addi %xor3A_72, %add3A_683 : vector<16xi32>
        %select_n3A_685 = arith.select %lt3A_681, %add3A_684, %xor3A_72 : vector<16xi1>, vector<16xi32>
        %broadcast_in_dim3A_686 = vector.shape_cast %select_n3A_685 : vector<16xi32> to vector<16x1xi32>
        %gather3A_687 = vector.shape_cast %broadcast_in_dim3A_686 : vector<16x1xi32> to vector<16xi32>
        %gather3A_688 = tpu.dynamic_gather %add3A_678[%gather3A_687] in [0] : vector<16xf32>, vector<16xi32> -> vector<16xf32>
        %add3A_689 = arith.addf %add3A_678, %gather3A_688 : vector<16xf32>
        %lt3A_690 = arith.constant 0 : i32
        %lt3A_691 = vector.broadcast %lt3A_690 : i32 to vector<16xi32>
        %lt3A_692 = arith.cmpi slt, %xor3A_75, %lt3A_691 : vector<16xi32>
        %add3A_693 = arith.constant 16 : i32
        %add3A_694 = vector.broadcast %add3A_693 : i32 to vector<16xi32>
        %add3A_695 = arith.addi %xor3A_75, %add3A_694 : vector<16xi32>
        %select_n3A_696 = arith.select %lt3A_692, %add3A_695, %xor3A_75 : vector<16xi1>, vector<16xi32>
        %broadcast_in_dim3A_697 = vector.shape_cast %select_n3A_696 : vector<16xi32> to vector<16x1xi32>
        %gather3A_698 = vector.shape_cast %broadcast_in_dim3A_697 : vector<16x1xi32> to vector<16xi32>
        %gather3A_699 = tpu.dynamic_gather %add3A_689[%gather3A_698] in [0] : vector<16xf32>, vector<16xi32> -> vector<16xf32>
        %add3A_700 = arith.addf %add3A_689, %gather3A_699 : vector<16xf32>
        %exp3A = math.exp %add3A_700 : vector<16xf32>
        %mul3A_701 = arith.mulf %get3A_514, %exp3A : vector<16xf32>
        %swap3A = arith.constant 1 : i32
        %swap3A_702 = arith.index_cast %swap3A : i32 to index
        %swap3A_703 = arith.index_cast %add3A_508 : i32 to index
        %swap3A_704 = arith.constant 0 : index
        %swap3A_705 = tpu.vector_load %arg8[%swap3A_702, %swap3A_703, %swap3A_704] {strides = array<i32>} : memref<2x64x128xf32, #tpu.memory_space<vmem>>, vector<1x1x16xf32>,
        %swap3A_706 = vector.shape_cast %swap3A_705 : vector<1x1x16xf32> to vector<16xf32>
        %swap3A_707 = vector.shape_cast %mul3A_701 : vector<16xf32> to vector<1x1x16xf32>
        tpu.vector_store %arg8[%swap3A_702, %swap3A_703, %swap3A_704], %swap3A_707 {strides = array<i32>} : memref<2x64x128xf32, #tpu.memory_space<vmem>>, vector<1x1x16xf32>,
        %mul3A_708 = arith.mulf %get3A_532, %exp3A : vector<16xf32>
        %swap3A_709 = arith.constant 1 : i32
        %swap3A_710 = arith.index_cast %swap3A_709 : i32 to index
        %swap3A_711 = arith.index_cast %add3A_508 : i32 to index
        %swap3A_712 = arith.constant 16 : index
        %swap3A_713 = tpu.vector_load %arg8[%swap3A_710, %swap3A_711, %swap3A_712] {strides = array<i32>} : memref<2x64x128xf32, #tpu.memory_space<vmem>>, vector<1x1x16xf32>,
        %swap3A_714 = vector.shape_cast %swap3A_713 : vector<1x1x16xf32> to vector<16xf32>
        %swap3A_715 = vector.shape_cast %mul3A_708 : vector<16xf32> to vector<1x1x16xf32>
        tpu.vector_store %arg8[%swap3A_710, %swap3A_711, %swap3A_712], %swap3A_715 {strides = array<i32>} : memref<2x64x128xf32, #tpu.memory_space<vmem>>, vector<1x1x16xf32>,
        %mul3A_716 = arith.mulf %get3A_551, %exp3A : vector<16xf32>
        %swap3A_717 = arith.constant 1 : i32
        %swap3A_718 = arith.index_cast %swap3A_717 : i32 to index
        %swap3A_719 = arith.index_cast %add3A_508 : i32 to index
        %swap3A_720 = arith.constant 32 : index
        %swap3A_721 = tpu.vector_load %arg8[%swap3A_718, %swap3A_719, %swap3A_720] {strides = array<i32>} : memref<2x64x128xf32, #tpu.memory_space<vmem>>, vector<1x1x16xf32>,
        %swap3A_722 = vector.shape_cast %swap3A_721 : vector<1x1x16xf32> to vector<16xf32>
        %swap3A_723 = vector.shape_cast %mul3A_716 : vector<16xf32> to vector<1x1x16xf32>
        tpu.vector_store %arg8[%swap3A_718, %swap3A_719, %swap3A_720], %swap3A_723 {strides = array<i32>} : memref<2x64x128xf32, #tpu.memory_space<vmem>>, vector<1x1x16xf32>,
        %mul3A_724 = arith.mulf %get3A_570, %exp3A : vector<16xf32>
        %swap3A_725 = arith.constant 1 : i32
        %swap3A_726 = arith.index_cast %swap3A_725 : i32 to index
        %swap3A_727 = arith.index_cast %add3A_508 : i32 to index
        %swap3A_728 = arith.constant 48 : index
        %swap3A_729 = tpu.vector_load %arg8[%swap3A_726, %swap3A_727, %swap3A_728] {strides = array<i32>} : memref<2x64x128xf32, #tpu.memory_space<vmem>>, vector<1x1x16xf32>,
        %swap3A_730 = vector.shape_cast %swap3A_729 : vector<1x1x16xf32> to vector<16xf32>
        %swap3A_731 = vector.shape_cast %mul3A_724 : vector<16xf32> to vector<1x1x16xf32>
        tpu.vector_store %arg8[%swap3A_726, %swap3A_727, %swap3A_728], %swap3A_731 {strides = array<i32>} : memref<2x64x128xf32, #tpu.memory_space<vmem>>, vector<1x1x16xf32>,
        %mul3A_732 = arith.mulf %get3A_589, %exp3A : vector<16xf32>
        %swap3A_733 = arith.constant 1 : i32
        %swap3A_734 = arith.index_cast %swap3A_733 : i32 to index
        %swap3A_735 = arith.index_cast %add3A_508 : i32 to index
        %swap3A_736 = arith.constant 64 : index
        %swap3A_737 = tpu.vector_load %arg8[%swap3A_734, %swap3A_735, %swap3A_736] {strides = array<i32>} : memref<2x64x128xf32, #tpu.memory_space<vmem>>, vector<1x1x16xf32>,
        %swap3A_738 = vector.shape_cast %swap3A_737 : vector<1x1x16xf32> to vector<16xf32>
        %swap3A_739 = vector.shape_cast %mul3A_732 : vector<16xf32> to vector<1x1x16xf32>
        tpu.vector_store %arg8[%swap3A_734, %swap3A_735, %swap3A_736], %swap3A_739 {strides = array<i32>} : memref<2x64x128xf32, #tpu.memory_space<vmem>>, vector<1x1x16xf32>,
        %mul3A_740 = arith.mulf %get3A_608, %exp3A : vector<16xf32>
        %swap3A_741 = arith.constant 1 : i32
        %swap3A_742 = arith.index_cast %swap3A_741 : i32 to index
        %swap3A_743 = arith.index_cast %add3A_508 : i32 to index
        %swap3A_744 = arith.constant 80 : index
        %swap3A_745 = tpu.vector_load %arg8[%swap3A_742, %swap3A_743, %swap3A_744] {strides = array<i32>} : memref<2x64x128xf32, #tpu.memory_space<vmem>>, vector<1x1x16xf32>,
        %swap3A_746 = vector.shape_cast %swap3A_745 : vector<1x1x16xf32> to vector<16xf32>
        %swap3A_747 = vector.shape_cast %mul3A_740 : vector<16xf32> to vector<1x1x16xf32>
        tpu.vector_store %arg8[%swap3A_742, %swap3A_743, %swap3A_744], %swap3A_747 {strides = array<i32>} : memref<2x64x128xf32, #tpu.memory_space<vmem>>, vector<1x1x16xf32>,
        %mul3A_748 = arith.mulf %get3A_627, %exp3A : vector<16xf32>
        %swap3A_749 = arith.constant 1 : i32
        %swap3A_750 = arith.index_cast %swap3A_749 : i32 to index
        %swap3A_751 = arith.index_cast %add3A_508 : i32 to index
        %swap3A_752 = arith.constant 96 : index
        %swap3A_753 = tpu.vector_load %arg8[%swap3A_750, %swap3A_751, %swap3A_752] {strides = array<i32>} : memref<2x64x128xf32, #tpu.memory_space<vmem>>, vector<1x1x16xf32>,
        %swap3A_754 = vector.shape_cast %swap3A_753 : vector<1x1x16xf32> to vector<16xf32>
        %swap3A_755 = vector.shape_cast %mul3A_748 : vector<16xf32> to vector<1x1x16xf32>
        tpu.vector_store %arg8[%swap3A_750, %swap3A_751, %swap3A_752], %swap3A_755 {strides = array<i32>} : memref<2x64x128xf32, #tpu.memory_space<vmem>>, vector<1x1x16xf32>,
        %mul3A_756 = arith.mulf %get3A_646, %exp3A : vector<16xf32>
        %swap3A_757 = arith.constant 1 : i32
        %swap3A_758 = arith.index_cast %swap3A_757 : i32 to index
        %swap3A_759 = arith.index_cast %add3A_508 : i32 to index
        %swap3A_760 = arith.constant 112 : index
        %swap3A_761 = tpu.vector_load %arg8[%swap3A_758, %swap3A_759, %swap3A_760] {strides = array<i32>} : memref<2x64x128xf32, #tpu.memory_space<vmem>>, vector<1x1x16xf32>,
        %swap3A_762 = vector.shape_cast %swap3A_761 : vector<1x1x16xf32> to vector<16xf32>
        %swap3A_763 = vector.shape_cast %mul3A_756 : vector<16xf32> to vector<1x1x16xf32>
        tpu.vector_store %arg8[%swap3A_758, %swap3A_759, %swap3A_760], %swap3A_763 {strides = array<i32>} : memref<2x64x128xf32, #tpu.memory_space<vmem>>, vector<1x1x16xf32>,
        %mul3A_764 = arith.constant 0 : i32
        %mul3A_765 = vector.broadcast %mul3A_764 : i32 to vector<16xi32>
        %mul3A_766 = arith.muli %iota3A, %mul3A_765 : vector<16xi32>
        %add3A_767 = vector.broadcast %scan3A_505 : i32 to vector<16xi32>
        %add3A_768 = arith.addi %mul3A_766, %add3A_767 : vector<16xi32>
        %lt3A_769 = arith.constant 0 : i32
        %lt3A_770 = vector.broadcast %lt3A_769 : i32 to vector<16xi32>
        %lt3A_771 = arith.cmpi slt, %add3A_768, %lt3A_770 : vector<16xi32>
        %add3A_772 = arith.constant 16 : i32
        %add3A_773 = vector.broadcast %add3A_772 : i32 to vector<16xi32>
        %add3A_774 = arith.addi %add3A_768, %add3A_773 : vector<16xi32>
        %select_n3A_775 = arith.select %lt3A_771, %add3A_774, %add3A_768 : vector<16xi1>, vector<16xi32>
        %broadcast_in_dim3A_776 = vector.shape_cast %select_n3A_775 : vector<16xi32> to vector<16x1xi32>
        %gather3A_777 = vector.shape_cast %broadcast_in_dim3A_776 : vector<16x1xi32> to vector<16xi32>
        %gather3A_778 = tpu.dynamic_gather %get3A_435[%gather3A_777] in [0] : vector<16xi32>, vector<16xi32> -> vector<16xi32>
        %and3A = arith.constant 15 : i32
        %and3A_779 = vector.broadcast %and3A : i32 to vector<16xi32>
        %and3A_780 = arith.andi %gather3A_778, %and3A_779 : vector<16xi32>
        %eq3A = arith.cmpi eq, %and3A_780, %iota3A : vector<16xi32>
        %select_n3A_781 = arith.select %eq3A, %exp3A, %broadcast_in_dim3A_3 : vector<16xi1>, vector<16xf32>
        %swap3A_782 = arith.index_cast %add3A_508 : i32 to index
        %swap3A_783 = arith.constant 0 : index
        %swap3A_784 = tpu.vector_load %arg10[%swap3A_782, %swap3A_783] {strides = array<i32>} : memref<64x128xf32, #tpu.memory_space<vmem>>, vector<1x16xf32>,
        %swap3A_785 = vector.shape_cast %swap3A_784 : vector<1x16xf32> to vector<16xf32>
        %swap3A_786 = vector.shape_cast %select_n3A_781 : vector<16xf32> to vector<1x16xf32>
        tpu.vector_store %arg10[%swap3A_782, %swap3A_783], %swap3A_786 {strides = array<i32>} : memref<64x128xf32, #tpu.memory_space<vmem>>, vector<1x16xf32>,
        %scan3A_787 = arith.constant 0 : i32
        scf.yield %scan3A_787 : i32
      }
      %scan3A_442 = arith.constant 16 : i32
      %get3A_443 = arith.constant 1 : i32
      %get3A_444 = arith.constant 2 : i32
      %get3A_445 = arith.index_cast %get3A_443 : i32 to index
      %get3A_446 = arith.index_cast %get3A_444 : i32 to index
      %get3A_447 = arith.constant 48 : index
      %get3A_448 = tpu.vector_load %arg7[%get3A_445, %get3A_446, %get3A_447] {strides = array<i32>} : memref<2x4x64xi32, #tpu.memory_space<vmem>>, vector<1x1x16xi32>,
      %get3A_449 = vector.shape_cast %get3A_448 : vector<1x1x16xi32> to vector<16xi32>
      %scan3A_450 = arith.constant 0 : i32
      %scan3A_451 = arith.constant 0 : i32
      %scan3A_452 = arith.constant 16 : i32
      %scan3A_453 = arith.addi %scan3A_451, %scan3A_452 : i32
      %scan3A_454 = arith.constant 1 : i32
      %scan3A_455 = scf.for %scan3A_505 = %scan3A_451 to %scan3A_453 step %scan3A_454 iter_args(%scan3A_506 = %scan3A_450) -> (i32)  : i32 {
        %add3A_507 = arith.constant 48 : i32
        %add3A_508 = arith.addi %add3A_507, %scan3A_505 : i32
        %get3A_509 = arith.constant 1 : i32
        %get3A_510 = arith.index_cast %get3A_509 : i32 to index
        %get3A_511 = arith.index_cast %add3A_508 : i32 to index
        %get3A_512 = arith.constant 0 : index
        %get3A_513 = tpu.vector_load %arg8[%get3A_510, %get3A_511, %get3A_512] {strides = array<i32>} : memref<2x64x128xf32, #tpu.memory_space<vmem>>, vector<1x1x16xf32>,
        %get3A_514 = vector.shape_cast %get3A_513 : vector<1x1x16xf32> to vector<16xf32>
        %get3A_515 = arith.constant 1 : i32
        %get3A_516 = arith.index_cast %get3A_515 : i32 to index
        %get3A_517 = arith.index_cast %add3A_508 : i32 to index
        %get3A_518 = arith.constant 0 : index
        %get3A_519 = tpu.vector_load %arg9[%get3A_516, %get3A_517, %get3A_518] {strides = array<i32>} : memref<2x64x128xf32, #tpu.memory_space<vmem>>, vector<1x1x16xf32>,
        %get3A_520 = vector.shape_cast %get3A_519 : vector<1x1x16xf32> to vector<16xf32>
        %add3A_521 = arith.addf %get3A_514, %get3A_520 : vector<16xf32>
        %mul3A_522 = arith.constant 2.000000e-01 : f32
        %mul3A_523 = vector.broadcast %mul3A_522 : f32 to vector<16xf32>
        %mul3A_524 = arith.mulf %mul3A_523, %add3A_521 : vector<16xf32>
        %max3A = arith.maximumf %add3A_521, %mul3A_524 : vector<16xf32>
        %mul3A_525 = arith.mulf %max3A, %get3A_43 : vector<16xf32>
        %add3A_526 = arith.addf %broadcast_in_dim3A_3, %mul3A_525 : vector<16xf32>
        %get3A_527 = arith.constant 1 : i32
        %get3A_528 = arith.index_cast %get3A_527 : i32 to index
        %get3A_529 = arith.index_cast %add3A_508 : i32 to index
        %get3A_530 = arith.constant 16 : index
        %get3A_531 = tpu.vector_load %arg8[%get3A_528, %get3A_529, %get3A_530] {strides = array<i32>} : memref<2x64x128xf32, #tpu.memory_space<vmem>>, vector<1x1x16xf32>,
        %get3A_532 = vector.shape_cast %get3A_531 : vector<1x1x16xf32> to vector<16xf32>
        %get3A_533 = arith.constant 1 : i32
        %get3A_534 = arith.index_cast %get3A_533 : i32 to index
        %get3A_535 = arith.index_cast %add3A_508 : i32 to index
        %get3A_536 = arith.constant 16 : index
        %get3A_537 = tpu.vector_load %arg9[%get3A_534, %get3A_535, %get3A_536] {strides = array<i32>} : memref<2x64x128xf32, #tpu.memory_space<vmem>>, vector<1x1x16xf32>,
        %get3A_538 = vector.shape_cast %get3A_537 : vector<1x1x16xf32> to vector<16xf32>
        %add3A_539 = arith.addf %get3A_532, %get3A_538 : vector<16xf32>
        %mul3A_540 = arith.constant 2.000000e-01 : f32
        %mul3A_541 = vector.broadcast %mul3A_540 : f32 to vector<16xf32>
        %mul3A_542 = arith.mulf %mul3A_541, %add3A_539 : vector<16xf32>
        %max3A_543 = arith.maximumf %add3A_539, %mul3A_542 : vector<16xf32>
        %mul3A_544 = arith.mulf %max3A_543, %get3A_46 : vector<16xf32>
        %add3A_545 = arith.addf %add3A_526, %mul3A_544 : vector<16xf32>
        %get3A_546 = arith.constant 1 : i32
        %get3A_547 = arith.index_cast %get3A_546 : i32 to index
        %get3A_548 = arith.index_cast %add3A_508 : i32 to index
        %get3A_549 = arith.constant 32 : index
        %get3A_550 = tpu.vector_load %arg8[%get3A_547, %get3A_548, %get3A_549] {strides = array<i32>} : memref<2x64x128xf32, #tpu.memory_space<vmem>>, vector<1x1x16xf32>,
        %get3A_551 = vector.shape_cast %get3A_550 : vector<1x1x16xf32> to vector<16xf32>
        %get3A_552 = arith.constant 1 : i32
        %get3A_553 = arith.index_cast %get3A_552 : i32 to index
        %get3A_554 = arith.index_cast %add3A_508 : i32 to index
        %get3A_555 = arith.constant 32 : index
        %get3A_556 = tpu.vector_load %arg9[%get3A_553, %get3A_554, %get3A_555] {strides = array<i32>} : memref<2x64x128xf32, #tpu.memory_space<vmem>>, vector<1x1x16xf32>,
        %get3A_557 = vector.shape_cast %get3A_556 : vector<1x1x16xf32> to vector<16xf32>
        %add3A_558 = arith.addf %get3A_551, %get3A_557 : vector<16xf32>
        %mul3A_559 = arith.constant 2.000000e-01 : f32
        %mul3A_560 = vector.broadcast %mul3A_559 : f32 to vector<16xf32>
        %mul3A_561 = arith.mulf %mul3A_560, %add3A_558 : vector<16xf32>
        %max3A_562 = arith.maximumf %add3A_558, %mul3A_561 : vector<16xf32>
        %mul3A_563 = arith.mulf %max3A_562, %get3A_49 : vector<16xf32>
        %add3A_564 = arith.addf %add3A_545, %mul3A_563 : vector<16xf32>
        %get3A_565 = arith.constant 1 : i32
        %get3A_566 = arith.index_cast %get3A_565 : i32 to index
        %get3A_567 = arith.index_cast %add3A_508 : i32 to index
        %get3A_568 = arith.constant 48 : index
        %get3A_569 = tpu.vector_load %arg8[%get3A_566, %get3A_567, %get3A_568] {strides = array<i32>} : memref<2x64x128xf32, #tpu.memory_space<vmem>>, vector<1x1x16xf32>,
        %get3A_570 = vector.shape_cast %get3A_569 : vector<1x1x16xf32> to vector<16xf32>
        %get3A_571 = arith.constant 1 : i32
        %get3A_572 = arith.index_cast %get3A_571 : i32 to index
        %get3A_573 = arith.index_cast %add3A_508 : i32 to index
        %get3A_574 = arith.constant 48 : index
        %get3A_575 = tpu.vector_load %arg9[%get3A_572, %get3A_573, %get3A_574] {strides = array<i32>} : memref<2x64x128xf32, #tpu.memory_space<vmem>>, vector<1x1x16xf32>,
        %get3A_576 = vector.shape_cast %get3A_575 : vector<1x1x16xf32> to vector<16xf32>
        %add3A_577 = arith.addf %get3A_570, %get3A_576 : vector<16xf32>
        %mul3A_578 = arith.constant 2.000000e-01 : f32
        %mul3A_579 = vector.broadcast %mul3A_578 : f32 to vector<16xf32>
        %mul3A_580 = arith.mulf %mul3A_579, %add3A_577 : vector<16xf32>
        %max3A_581 = arith.maximumf %add3A_577, %mul3A_580 : vector<16xf32>
        %mul3A_582 = arith.mulf %max3A_581, %get3A_52 : vector<16xf32>
        %add3A_583 = arith.addf %add3A_564, %mul3A_582 : vector<16xf32>
        %get3A_584 = arith.constant 1 : i32
        %get3A_585 = arith.index_cast %get3A_584 : i32 to index
        %get3A_586 = arith.index_cast %add3A_508 : i32 to index
        %get3A_587 = arith.constant 64 : index
        %get3A_588 = tpu.vector_load %arg8[%get3A_585, %get3A_586, %get3A_587] {strides = array<i32>} : memref<2x64x128xf32, #tpu.memory_space<vmem>>, vector<1x1x16xf32>,
        %get3A_589 = vector.shape_cast %get3A_588 : vector<1x1x16xf32> to vector<16xf32>
        %get3A_590 = arith.constant 1 : i32
        %get3A_591 = arith.index_cast %get3A_590 : i32 to index
        %get3A_592 = arith.index_cast %add3A_508 : i32 to index
        %get3A_593 = arith.constant 64 : index
        %get3A_594 = tpu.vector_load %arg9[%get3A_591, %get3A_592, %get3A_593] {strides = array<i32>} : memref<2x64x128xf32, #tpu.memory_space<vmem>>, vector<1x1x16xf32>,
        %get3A_595 = vector.shape_cast %get3A_594 : vector<1x1x16xf32> to vector<16xf32>
        %add3A_596 = arith.addf %get3A_589, %get3A_595 : vector<16xf32>
        %mul3A_597 = arith.constant 2.000000e-01 : f32
        %mul3A_598 = vector.broadcast %mul3A_597 : f32 to vector<16xf32>
        %mul3A_599 = arith.mulf %mul3A_598, %add3A_596 : vector<16xf32>
        %max3A_600 = arith.maximumf %add3A_596, %mul3A_599 : vector<16xf32>
        %mul3A_601 = arith.mulf %max3A_600, %get3A_55 : vector<16xf32>
        %add3A_602 = arith.addf %add3A_583, %mul3A_601 : vector<16xf32>
        %get3A_603 = arith.constant 1 : i32
        %get3A_604 = arith.index_cast %get3A_603 : i32 to index
        %get3A_605 = arith.index_cast %add3A_508 : i32 to index
        %get3A_606 = arith.constant 80 : index
        %get3A_607 = tpu.vector_load %arg8[%get3A_604, %get3A_605, %get3A_606] {strides = array<i32>} : memref<2x64x128xf32, #tpu.memory_space<vmem>>, vector<1x1x16xf32>,
        %get3A_608 = vector.shape_cast %get3A_607 : vector<1x1x16xf32> to vector<16xf32>
        %get3A_609 = arith.constant 1 : i32
        %get3A_610 = arith.index_cast %get3A_609 : i32 to index
        %get3A_611 = arith.index_cast %add3A_508 : i32 to index
        %get3A_612 = arith.constant 80 : index
        %get3A_613 = tpu.vector_load %arg9[%get3A_610, %get3A_611, %get3A_612] {strides = array<i32>} : memref<2x64x128xf32, #tpu.memory_space<vmem>>, vector<1x1x16xf32>,
        %get3A_614 = vector.shape_cast %get3A_613 : vector<1x1x16xf32> to vector<16xf32>
        %add3A_615 = arith.addf %get3A_608, %get3A_614 : vector<16xf32>
        %mul3A_616 = arith.constant 2.000000e-01 : f32
        %mul3A_617 = vector.broadcast %mul3A_616 : f32 to vector<16xf32>
        %mul3A_618 = arith.mulf %mul3A_617, %add3A_615 : vector<16xf32>
        %max3A_619 = arith.maximumf %add3A_615, %mul3A_618 : vector<16xf32>
        %mul3A_620 = arith.mulf %max3A_619, %get3A_58 : vector<16xf32>
        %add3A_621 = arith.addf %add3A_602, %mul3A_620 : vector<16xf32>
        %get3A_622 = arith.constant 1 : i32
        %get3A_623 = arith.index_cast %get3A_622 : i32 to index
        %get3A_624 = arith.index_cast %add3A_508 : i32 to index
        %get3A_625 = arith.constant 96 : index
        %get3A_626 = tpu.vector_load %arg8[%get3A_623, %get3A_624, %get3A_625] {strides = array<i32>} : memref<2x64x128xf32, #tpu.memory_space<vmem>>, vector<1x1x16xf32>,
        %get3A_627 = vector.shape_cast %get3A_626 : vector<1x1x16xf32> to vector<16xf32>
        %get3A_628 = arith.constant 1 : i32
        %get3A_629 = arith.index_cast %get3A_628 : i32 to index
        %get3A_630 = arith.index_cast %add3A_508 : i32 to index
        %get3A_631 = arith.constant 96 : index
        %get3A_632 = tpu.vector_load %arg9[%get3A_629, %get3A_630, %get3A_631] {strides = array<i32>} : memref<2x64x128xf32, #tpu.memory_space<vmem>>, vector<1x1x16xf32>,
        %get3A_633 = vector.shape_cast %get3A_632 : vector<1x1x16xf32> to vector<16xf32>
        %add3A_634 = arith.addf %get3A_627, %get3A_633 : vector<16xf32>
        %mul3A_635 = arith.constant 2.000000e-01 : f32
        %mul3A_636 = vector.broadcast %mul3A_635 : f32 to vector<16xf32>
        %mul3A_637 = arith.mulf %mul3A_636, %add3A_634 : vector<16xf32>
        %max3A_638 = arith.maximumf %add3A_634, %mul3A_637 : vector<16xf32>
        %mul3A_639 = arith.mulf %max3A_638, %get3A_61 : vector<16xf32>
        %add3A_640 = arith.addf %add3A_621, %mul3A_639 : vector<16xf32>
        %get3A_641 = arith.constant 1 : i32
        %get3A_642 = arith.index_cast %get3A_641 : i32 to index
        %get3A_643 = arith.index_cast %add3A_508 : i32 to index
        %get3A_644 = arith.constant 112 : index
        %get3A_645 = tpu.vector_load %arg8[%get3A_642, %get3A_643, %get3A_644] {strides = array<i32>} : memref<2x64x128xf32, #tpu.memory_space<vmem>>, vector<1x1x16xf32>,
        %get3A_646 = vector.shape_cast %get3A_645 : vector<1x1x16xf32> to vector<16xf32>
        %get3A_647 = arith.constant 1 : i32
        %get3A_648 = arith.index_cast %get3A_647 : i32 to index
        %get3A_649 = arith.index_cast %add3A_508 : i32 to index
        %get3A_650 = arith.constant 112 : index
        %get3A_651 = tpu.vector_load %arg9[%get3A_648, %get3A_649, %get3A_650] {strides = array<i32>} : memref<2x64x128xf32, #tpu.memory_space<vmem>>, vector<1x1x16xf32>,
        %get3A_652 = vector.shape_cast %get3A_651 : vector<1x1x16xf32> to vector<16xf32>
        %add3A_653 = arith.addf %get3A_646, %get3A_652 : vector<16xf32>
        %mul3A_654 = arith.constant 2.000000e-01 : f32
        %mul3A_655 = vector.broadcast %mul3A_654 : f32 to vector<16xf32>
        %mul3A_656 = arith.mulf %mul3A_655, %add3A_653 : vector<16xf32>
        %max3A_657 = arith.maximumf %add3A_653, %mul3A_656 : vector<16xf32>
        %mul3A_658 = arith.mulf %max3A_657, %get3A_64 : vector<16xf32>
        %add3A_659 = arith.addf %add3A_640, %mul3A_658 : vector<16xf32>
        %lt3A = arith.constant 0 : i32
        %lt3A_660 = vector.broadcast %lt3A : i32 to vector<16xi32>
        %lt3A_661 = arith.cmpi slt, %xor3A_66, %lt3A_660 : vector<16xi32>
        %add3A_662 = arith.constant 16 : i32
        %add3A_663 = vector.broadcast %add3A_662 : i32 to vector<16xi32>
        %add3A_664 = arith.addi %xor3A_66, %add3A_663 : vector<16xi32>
        %select_n3A = arith.select %lt3A_661, %add3A_664, %xor3A_66 : vector<16xi1>, vector<16xi32>
        %broadcast_in_dim3A_665 = vector.shape_cast %select_n3A : vector<16xi32> to vector<16x1xi32>
        %gather3A = vector.shape_cast %broadcast_in_dim3A_665 : vector<16x1xi32> to vector<16xi32>
        %gather3A_666 = tpu.dynamic_gather %add3A_659[%gather3A] in [0] : vector<16xf32>, vector<16xi32> -> vector<16xf32>
        %add3A_667 = arith.addf %add3A_659, %gather3A_666 : vector<16xf32>
        %lt3A_668 = arith.constant 0 : i32
        %lt3A_669 = vector.broadcast %lt3A_668 : i32 to vector<16xi32>
        %lt3A_670 = arith.cmpi slt, %xor3A_69, %lt3A_669 : vector<16xi32>
        %add3A_671 = arith.constant 16 : i32
        %add3A_672 = vector.broadcast %add3A_671 : i32 to vector<16xi32>
        %add3A_673 = arith.addi %xor3A_69, %add3A_672 : vector<16xi32>
        %select_n3A_674 = arith.select %lt3A_670, %add3A_673, %xor3A_69 : vector<16xi1>, vector<16xi32>
        %broadcast_in_dim3A_675 = vector.shape_cast %select_n3A_674 : vector<16xi32> to vector<16x1xi32>
        %gather3A_676 = vector.shape_cast %broadcast_in_dim3A_675 : vector<16x1xi32> to vector<16xi32>
        %gather3A_677 = tpu.dynamic_gather %add3A_667[%gather3A_676] in [0] : vector<16xf32>, vector<16xi32> -> vector<16xf32>
        %add3A_678 = arith.addf %add3A_667, %gather3A_677 : vector<16xf32>
        %lt3A_679 = arith.constant 0 : i32
        %lt3A_680 = vector.broadcast %lt3A_679 : i32 to vector<16xi32>
        %lt3A_681 = arith.cmpi slt, %xor3A_72, %lt3A_680 : vector<16xi32>
        %add3A_682 = arith.constant 16 : i32
        %add3A_683 = vector.broadcast %add3A_682 : i32 to vector<16xi32>
        %add3A_684 = arith.addi %xor3A_72, %add3A_683 : vector<16xi32>
        %select_n3A_685 = arith.select %lt3A_681, %add3A_684, %xor3A_72 : vector<16xi1>, vector<16xi32>
        %broadcast_in_dim3A_686 = vector.shape_cast %select_n3A_685 : vector<16xi32> to vector<16x1xi32>
        %gather3A_687 = vector.shape_cast %broadcast_in_dim3A_686 : vector<16x1xi32> to vector<16xi32>
        %gather3A_688 = tpu.dynamic_gather %add3A_678[%gather3A_687] in [0] : vector<16xf32>, vector<16xi32> -> vector<16xf32>
        %add3A_689 = arith.addf %add3A_678, %gather3A_688 : vector<16xf32>
        %lt3A_690 = arith.constant 0 : i32
        %lt3A_691 = vector.broadcast %lt3A_690 : i32 to vector<16xi32>
        %lt3A_692 = arith.cmpi slt, %xor3A_75, %lt3A_691 : vector<16xi32>
        %add3A_693 = arith.constant 16 : i32
        %add3A_694 = vector.broadcast %add3A_693 : i32 to vector<16xi32>
        %add3A_695 = arith.addi %xor3A_75, %add3A_694 : vector<16xi32>
        %select_n3A_696 = arith.select %lt3A_692, %add3A_695, %xor3A_75 : vector<16xi1>, vector<16xi32>
        %broadcast_in_dim3A_697 = vector.shape_cast %select_n3A_696 : vector<16xi32> to vector<16x1xi32>
        %gather3A_698 = vector.shape_cast %broadcast_in_dim3A_697 : vector<16x1xi32> to vector<16xi32>
        %gather3A_699 = tpu.dynamic_gather %add3A_689[%gather3A_698] in [0] : vector<16xf32>, vector<16xi32> -> vector<16xf32>
        %add3A_700 = arith.addf %add3A_689, %gather3A_699 : vector<16xf32>
        %exp3A = math.exp %add3A_700 : vector<16xf32>
        %mul3A_701 = arith.mulf %get3A_514, %exp3A : vector<16xf32>
        %swap3A = arith.constant 1 : i32
        %swap3A_702 = arith.index_cast %swap3A : i32 to index
        %swap3A_703 = arith.index_cast %add3A_508 : i32 to index
        %swap3A_704 = arith.constant 0 : index
        %swap3A_705 = tpu.vector_load %arg8[%swap3A_702, %swap3A_703, %swap3A_704] {strides = array<i32>} : memref<2x64x128xf32, #tpu.memory_space<vmem>>, vector<1x1x16xf32>,
        %swap3A_706 = vector.shape_cast %swap3A_705 : vector<1x1x16xf32> to vector<16xf32>
        %swap3A_707 = vector.shape_cast %mul3A_701 : vector<16xf32> to vector<1x1x16xf32>
        tpu.vector_store %arg8[%swap3A_702, %swap3A_703, %swap3A_704], %swap3A_707 {strides = array<i32>} : memref<2x64x128xf32, #tpu.memory_space<vmem>>, vector<1x1x16xf32>,
        %mul3A_708 = arith.mulf %get3A_532, %exp3A : vector<16xf32>
        %swap3A_709 = arith.constant 1 : i32
        %swap3A_710 = arith.index_cast %swap3A_709 : i32 to index
        %swap3A_711 = arith.index_cast %add3A_508 : i32 to index
        %swap3A_712 = arith.constant 16 : index
        %swap3A_713 = tpu.vector_load %arg8[%swap3A_710, %swap3A_711, %swap3A_712] {strides = array<i32>} : memref<2x64x128xf32, #tpu.memory_space<vmem>>, vector<1x1x16xf32>,
        %swap3A_714 = vector.shape_cast %swap3A_713 : vector<1x1x16xf32> to vector<16xf32>
        %swap3A_715 = vector.shape_cast %mul3A_708 : vector<16xf32> to vector<1x1x16xf32>
        tpu.vector_store %arg8[%swap3A_710, %swap3A_711, %swap3A_712], %swap3A_715 {strides = array<i32>} : memref<2x64x128xf32, #tpu.memory_space<vmem>>, vector<1x1x16xf32>,
        %mul3A_716 = arith.mulf %get3A_551, %exp3A : vector<16xf32>
        %swap3A_717 = arith.constant 1 : i32
        %swap3A_718 = arith.index_cast %swap3A_717 : i32 to index
        %swap3A_719 = arith.index_cast %add3A_508 : i32 to index
        %swap3A_720 = arith.constant 32 : index
        %swap3A_721 = tpu.vector_load %arg8[%swap3A_718, %swap3A_719, %swap3A_720] {strides = array<i32>} : memref<2x64x128xf32, #tpu.memory_space<vmem>>, vector<1x1x16xf32>,
        %swap3A_722 = vector.shape_cast %swap3A_721 : vector<1x1x16xf32> to vector<16xf32>
        %swap3A_723 = vector.shape_cast %mul3A_716 : vector<16xf32> to vector<1x1x16xf32>
        tpu.vector_store %arg8[%swap3A_718, %swap3A_719, %swap3A_720], %swap3A_723 {strides = array<i32>} : memref<2x64x128xf32, #tpu.memory_space<vmem>>, vector<1x1x16xf32>,
        %mul3A_724 = arith.mulf %get3A_570, %exp3A : vector<16xf32>
        %swap3A_725 = arith.constant 1 : i32
        %swap3A_726 = arith.index_cast %swap3A_725 : i32 to index
        %swap3A_727 = arith.index_cast %add3A_508 : i32 to index
        %swap3A_728 = arith.constant 48 : index
        %swap3A_729 = tpu.vector_load %arg8[%swap3A_726, %swap3A_727, %swap3A_728] {strides = array<i32>} : memref<2x64x128xf32, #tpu.memory_space<vmem>>, vector<1x1x16xf32>,
        %swap3A_730 = vector.shape_cast %swap3A_729 : vector<1x1x16xf32> to vector<16xf32>
        %swap3A_731 = vector.shape_cast %mul3A_724 : vector<16xf32> to vector<1x1x16xf32>
        tpu.vector_store %arg8[%swap3A_726, %swap3A_727, %swap3A_728], %swap3A_731 {strides = array<i32>} : memref<2x64x128xf32, #tpu.memory_space<vmem>>, vector<1x1x16xf32>,
        %mul3A_732 = arith.mulf %get3A_589, %exp3A : vector<16xf32>
        %swap3A_733 = arith.constant 1 : i32
        %swap3A_734 = arith.index_cast %swap3A_733 : i32 to index
        %swap3A_735 = arith.index_cast %add3A_508 : i32 to index
        %swap3A_736 = arith.constant 64 : index
        %swap3A_737 = tpu.vector_load %arg8[%swap3A_734, %swap3A_735, %swap3A_736] {strides = array<i32>} : memref<2x64x128xf32, #tpu.memory_space<vmem>>, vector<1x1x16xf32>,
        %swap3A_738 = vector.shape_cast %swap3A_737 : vector<1x1x16xf32> to vector<16xf32>
        %swap3A_739 = vector.shape_cast %mul3A_732 : vector<16xf32> to vector<1x1x16xf32>
        tpu.vector_store %arg8[%swap3A_734, %swap3A_735, %swap3A_736], %swap3A_739 {strides = array<i32>} : memref<2x64x128xf32, #tpu.memory_space<vmem>>, vector<1x1x16xf32>,
        %mul3A_740 = arith.mulf %get3A_608, %exp3A : vector<16xf32>
        %swap3A_741 = arith.constant 1 : i32
        %swap3A_742 = arith.index_cast %swap3A_741 : i32 to index
        %swap3A_743 = arith.index_cast %add3A_508 : i32 to index
        %swap3A_744 = arith.constant 80 : index
        %swap3A_745 = tpu.vector_load %arg8[%swap3A_742, %swap3A_743, %swap3A_744] {strides = array<i32>} : memref<2x64x128xf32, #tpu.memory_space<vmem>>, vector<1x1x16xf32>,
        %swap3A_746 = vector.shape_cast %swap3A_745 : vector<1x1x16xf32> to vector<16xf32>
        %swap3A_747 = vector.shape_cast %mul3A_740 : vector<16xf32> to vector<1x1x16xf32>
        tpu.vector_store %arg8[%swap3A_742, %swap3A_743, %swap3A_744], %swap3A_747 {strides = array<i32>} : memref<2x64x128xf32, #tpu.memory_space<vmem>>, vector<1x1x16xf32>,
        %mul3A_748 = arith.mulf %get3A_627, %exp3A : vector<16xf32>
        %swap3A_749 = arith.constant 1 : i32
        %swap3A_750 = arith.index_cast %swap3A_749 : i32 to index
        %swap3A_751 = arith.index_cast %add3A_508 : i32 to index
        %swap3A_752 = arith.constant 96 : index
        %swap3A_753 = tpu.vector_load %arg8[%swap3A_750, %swap3A_751, %swap3A_752] {strides = array<i32>} : memref<2x64x128xf32, #tpu.memory_space<vmem>>, vector<1x1x16xf32>,
        %swap3A_754 = vector.shape_cast %swap3A_753 : vector<1x1x16xf32> to vector<16xf32>
        %swap3A_755 = vector.shape_cast %mul3A_748 : vector<16xf32> to vector<1x1x16xf32>
        tpu.vector_store %arg8[%swap3A_750, %swap3A_751, %swap3A_752], %swap3A_755 {strides = array<i32>} : memref<2x64x128xf32, #tpu.memory_space<vmem>>, vector<1x1x16xf32>,
        %mul3A_756 = arith.mulf %get3A_646, %exp3A : vector<16xf32>
        %swap3A_757 = arith.constant 1 : i32
        %swap3A_758 = arith.index_cast %swap3A_757 : i32 to index
        %swap3A_759 = arith.index_cast %add3A_508 : i32 to index
        %swap3A_760 = arith.constant 112 : index
        %swap3A_761 = tpu.vector_load %arg8[%swap3A_758, %swap3A_759, %swap3A_760] {strides = array<i32>} : memref<2x64x128xf32, #tpu.memory_space<vmem>>, vector<1x1x16xf32>,
        %swap3A_762 = vector.shape_cast %swap3A_761 : vector<1x1x16xf32> to vector<16xf32>
        %swap3A_763 = vector.shape_cast %mul3A_756 : vector<16xf32> to vector<1x1x16xf32>
        tpu.vector_store %arg8[%swap3A_758, %swap3A_759, %swap3A_760], %swap3A_763 {strides = array<i32>} : memref<2x64x128xf32, #tpu.memory_space<vmem>>, vector<1x1x16xf32>,
        %mul3A_764 = arith.constant 0 : i32
        %mul3A_765 = vector.broadcast %mul3A_764 : i32 to vector<16xi32>
        %mul3A_766 = arith.muli %iota3A, %mul3A_765 : vector<16xi32>
        %add3A_767 = vector.broadcast %scan3A_505 : i32 to vector<16xi32>
        %add3A_768 = arith.addi %mul3A_766, %add3A_767 : vector<16xi32>
        %lt3A_769 = arith.constant 0 : i32
        %lt3A_770 = vector.broadcast %lt3A_769 : i32 to vector<16xi32>
        %lt3A_771 = arith.cmpi slt, %add3A_768, %lt3A_770 : vector<16xi32>
        %add3A_772 = arith.constant 16 : i32
        %add3A_773 = vector.broadcast %add3A_772 : i32 to vector<16xi32>
        %add3A_774 = arith.addi %add3A_768, %add3A_773 : vector<16xi32>
        %select_n3A_775 = arith.select %lt3A_771, %add3A_774, %add3A_768 : vector<16xi1>, vector<16xi32>
        %broadcast_in_dim3A_776 = vector.shape_cast %select_n3A_775 : vector<16xi32> to vector<16x1xi32>
        %gather3A_777 = vector.shape_cast %broadcast_in_dim3A_776 : vector<16x1xi32> to vector<16xi32>
        %gather3A_778 = tpu.dynamic_gather %get3A_449[%gather3A_777] in [0] : vector<16xi32>, vector<16xi32> -> vector<16xi32>
        %and3A = arith.constant 15 : i32
        %and3A_779 = vector.broadcast %and3A : i32 to vector<16xi32>
        %and3A_780 = arith.andi %gather3A_778, %and3A_779 : vector<16xi32>
        %eq3A = arith.cmpi eq, %and3A_780, %iota3A : vector<16xi32>
        %select_n3A_781 = arith.select %eq3A, %exp3A, %broadcast_in_dim3A_3 : vector<16xi1>, vector<16xf32>
        %swap3A_782 = arith.index_cast %add3A_508 : i32 to index
        %swap3A_783 = arith.constant 0 : index
        %swap3A_784 = tpu.vector_load %arg10[%swap3A_782, %swap3A_783] {strides = array<i32>} : memref<64x128xf32, #tpu.memory_space<vmem>>, vector<1x16xf32>,
        %swap3A_785 = vector.shape_cast %swap3A_784 : vector<1x16xf32> to vector<16xf32>
        %swap3A_786 = vector.shape_cast %select_n3A_781 : vector<16xf32> to vector<1x16xf32>
        tpu.vector_store %arg10[%swap3A_782, %swap3A_783], %swap3A_786 {strides = array<i32>} : memref<64x128xf32, #tpu.memory_space<vmem>>, vector<1x16xf32>,
        %scan3A_787 = arith.constant 0 : i32
        scf.yield %scan3A_787 : i32
      }
      %scan3A_456 = arith.constant 16 : i32
      %dma_start3A_457 = arith.constant 1 : i32
      %dma_start3A_458 = arith.constant 1 : i32
      %dma_start3A_459 = arith.constant 2 : i32
      %dma_start3A_460 = arith.constant 0 : i32
      %dma_start3A_461 = arith.constant 0 : i32
      %dma_start3A_462 = tpu.memref_slice %arg8[%dma_start3A_457, %dma_start3A_460, %dma_start3A_461] : memref<2x64x128xf32, #tpu.memory_space<vmem>> -> memref<1x64x128xf32, #tpu.memory_space<vmem>>
      %dma_start3A_463 = tpu.memref_squeeze %dma_start3A_462 : memref<1x64x128xf32, #tpu.memory_space<vmem>> -> memref<64x128xf32, #tpu.memory_space<vmem>>
      %dma_start3A_464 = arith.constant 0 : i32
      %dma_start3A_465 = tpu.memref_slice %arg7[%dma_start3A_458, %dma_start3A_459, %dma_start3A_464] : memref<2x4x64xi32, #tpu.memory_space<vmem>> -> memref<1x1x64xi32, #tpu.memory_space<vmem>>
      %dma_start3A_466 = tpu.memref_squeeze %dma_start3A_465 : memref<1x1x64xi32, #tpu.memory_space<vmem>> -> memref<64xi32, #tpu.memory_space<vmem>>
      %dma_start3A_467 = arith.constant 0 : i32
      %dma_start3A_468 = arith.constant 0 : i32
      %dma_start3A_469 = tpu.memref_slice %arg12[%dma_start3A_467, %dma_start3A_468] : memref<10752x128xf32, #tpu.memory_space<vmem_shared>> -> memref<10752x128xf32, #tpu.memory_space<vmem_shared>>
      tpu.enqueue_indirect_dma source(%dma_start3A_463 : memref<64x128xf32, #tpu.memory_space<vmem>>) target(%dma_start3A_469 : memref<10752x128xf32, #tpu.memory_space<vmem_shared>>) offsets(%dma_start3A_466 : memref<64xi32, #tpu.memory_space<vmem>>) semaphore(%arg14 : memref<!tpu.dma_semaphore, #tpu.memory_space<semaphore_mem>>) {add = true}
      %dma_start3A_470 = arith.constant 1 : i32
      %dma_start3A_471 = arith.constant 3 : i32
      %dma_start3A_472 = arith.constant 0 : i32
      %dma_start3A_473 = tpu.memref_slice %arg7[%dma_start3A_470, %dma_start3A_471, %dma_start3A_472] : memref<2x4x64xi32, #tpu.memory_space<vmem>> -> memref<1x1x64xi32, #tpu.memory_space<vmem>>
      %dma_start3A_474 = tpu.memref_squeeze %dma_start3A_473 : memref<1x1x64xi32, #tpu.memory_space<vmem>> -> memref<64xi32, #tpu.memory_space<vmem>>
      %dma_start3A_475 = arith.constant 0 : i32
      %dma_start3A_476 = arith.constant 0 : i32
      %dma_start3A_477 = tpu.memref_slice %arg12[%dma_start3A_475, %dma_start3A_476] : memref<10752x128xf32, #tpu.memory_space<vmem_shared>> -> memref<10752x128xf32, #tpu.memory_space<vmem_shared>>
      tpu.enqueue_indirect_dma source(%arg10 : memref<64x128xf32, #tpu.memory_space<vmem>>) target(%dma_start3A_477 : memref<10752x128xf32, #tpu.memory_space<vmem_shared>>) offsets(%dma_start3A_474 : memref<64xi32, #tpu.memory_space<vmem>>) semaphore(%arg14 : memref<!tpu.dma_semaphore, #tpu.memory_space<semaphore_mem>>) {add = true}
      %dma_wait3A_478 = arith.constant 1 : i32
      %dma_wait3A_479 = arith.constant 0 : i32
      %dma_wait3A_480 = arith.constant 1 : i32
      %dma_wait3A_481 = arith.constant 0 : i32
      %dma_wait3A_482 = arith.constant 0 : i32
      %dma_wait3A_483 = tpu.memref_slice %arg8[%dma_wait3A_480, %dma_wait3A_481, %dma_wait3A_482] : memref<2x64x128xf32, #tpu.memory_space<vmem>> -> memref<1x64x128xf32, #tpu.memory_space<vmem>>
      %dma_wait3A_484 = tpu.memref_squeeze %dma_wait3A_483 : memref<1x64x128xf32, #tpu.memory_space<vmem>> -> memref<64x128xf32, #tpu.memory_space<vmem>>
      %dma_wait3A_485 = arith.constant 0 : i32
      %dma_wait3A_486 = tpu.memref_slice %arg7[%dma_wait3A_478, %dma_wait3A_479, %dma_wait3A_485] : memref<2x4x64xi32, #tpu.memory_space<vmem>> -> memref<1x1x64xi32, #tpu.memory_space<vmem>>
      %dma_wait3A_487 = tpu.memref_squeeze %dma_wait3A_486 : memref<1x1x64xi32, #tpu.memory_space<vmem>> -> memref<64xi32, #tpu.memory_space<vmem>>
      %dma_wait3A_488 = arith.constant 0 : i32
      %dma_wait3A_489 = arith.constant 0 : i32
      %dma_wait3A_490 = tpu.memref_slice %arg2[%dma_wait3A_488, %dma_wait3A_489] : memref<10000x128xf32, #tpu.memory_space<hbm>> -> memref<10000x128xf32, #tpu.memory_space<hbm>>
      tpu.wait_indirect_dma semaphore(%arg14 : memref<!tpu.dma_semaphore, #tpu.memory_space<semaphore_mem>>) src(%dma_wait3A_490 : memref<10000x128xf32, #tpu.memory_space<hbm>>) dst(%dma_wait3A_484 : memref<64x128xf32, #tpu.memory_space<vmem>>)
      %dma_wait3A_491 = arith.constant 1 : i32
      %dma_wait3A_492 = arith.constant 1 : i32
      %dma_wait3A_493 = arith.constant 1 : i32
      %dma_wait3A_494 = arith.constant 0 : i32
      %dma_wait3A_495 = arith.constant 0 : i32
      %dma_wait3A_496 = tpu.memref_slice %arg9[%dma_wait3A_493, %dma_wait3A_494, %dma_wait3A_495] : memref<2x64x128xf32, #tpu.memory_space<vmem>> -> memref<1x64x128xf32, #tpu.memory_space<vmem>>
      %dma_wait3A_497 = tpu.memref_squeeze %dma_wait3A_496 : memref<1x64x128xf32, #tpu.memory_space<vmem>> -> memref<64x128xf32, #tpu.memory_space<vmem>>
      %dma_wait3A_498 = arith.constant 0 : i32
      %dma_wait3A_499 = tpu.memref_slice %arg7[%dma_wait3A_491, %dma_wait3A_492, %dma_wait3A_498] : memref<2x4x64xi32, #tpu.memory_space<vmem>> -> memref<1x1x64xi32, #tpu.memory_space<vmem>>
      %dma_wait3A_500 = tpu.memref_squeeze %dma_wait3A_499 : memref<1x1x64xi32, #tpu.memory_space<vmem>> -> memref<64xi32, #tpu.memory_space<vmem>>
      %dma_wait3A_501 = arith.constant 0 : i32
      %dma_wait3A_502 = arith.constant 0 : i32
      %dma_wait3A_503 = tpu.memref_slice %arg3[%dma_wait3A_501, %dma_wait3A_502] : memref<10000x128xf32, #tpu.memory_space<hbm>> -> memref<10000x128xf32, #tpu.memory_space<hbm>>
      tpu.wait_indirect_dma semaphore(%arg14 : memref<!tpu.dma_semaphore, #tpu.memory_space<semaphore_mem>>) src(%dma_wait3A_503 : memref<10000x128xf32, #tpu.memory_space<hbm>>) dst(%dma_wait3A_497 : memref<64x128xf32, #tpu.memory_space<vmem>>)
      %scan3A_504 = arith.constant 0 : i32
      scf.yield %scan3A_504 : i32
    }
    %scan3A_109 = arith.constant 81 : i32
    %dma_wait3A = arith.constant 0 : i32
    %dma_wait3A_110 = arith.constant 0 : i32
    %dma_wait3A_111 = arith.constant 0 : i32
    %dma_wait3A_112 = arith.constant 0 : i32
    %dma_wait3A_113 = arith.constant 0 : i32
    %dma_wait3A_114 = tpu.memref_slice %arg8[%dma_wait3A_111, %dma_wait3A_112, %dma_wait3A_113] : memref<2x64x128xf32, #tpu.memory_space<vmem>> -> memref<1x64x128xf32, #tpu.memory_space<vmem>>
    %dma_wait3A_115 = tpu.memref_squeeze %dma_wait3A_114 : memref<1x64x128xf32, #tpu.memory_space<vmem>> -> memref<64x128xf32, #tpu.memory_space<vmem>>
    %dma_wait3A_116 = arith.constant 0 : i32
    %dma_wait3A_117 = tpu.memref_slice %arg7[%dma_wait3A, %dma_wait3A_110, %dma_wait3A_116] : memref<2x4x64xi32, #tpu.memory_space<vmem>> -> memref<1x1x64xi32, #tpu.memory_space<vmem>>
    %dma_wait3A_118 = tpu.memref_squeeze %dma_wait3A_117 : memref<1x1x64xi32, #tpu.memory_space<vmem>> -> memref<64xi32, #tpu.memory_space<vmem>>
    %dma_wait3A_119 = arith.constant 0 : i32
    %dma_wait3A_120 = arith.constant 0 : i32
    %dma_wait3A_121 = tpu.memref_slice %arg2[%dma_wait3A_119, %dma_wait3A_120] : memref<10000x128xf32, #tpu.memory_space<hbm>> -> memref<10000x128xf32, #tpu.memory_space<hbm>>
    tpu.wait_indirect_dma semaphore(%arg13 : memref<!tpu.dma_semaphore, #tpu.memory_space<semaphore_mem>>) src(%dma_wait3A_121 : memref<10000x128xf32, #tpu.memory_space<hbm>>) dst(%dma_wait3A_115 : memref<64x128xf32, #tpu.memory_space<vmem>>)
    %dma_wait3A_122 = arith.constant 0 : i32
    %dma_wait3A_123 = arith.constant 1 : i32
    %dma_wait3A_124 = arith.constant 0 : i32
    %dma_wait3A_125 = arith.constant 0 : i32
    %dma_wait3A_126 = arith.constant 0 : i32
    %dma_wait3A_127 = tpu.memref_slice %arg9[%dma_wait3A_124, %dma_wait3A_125, %dma_wait3A_126] : memref<2x64x128xf32, #tpu.memory_space<vmem>> -> memref<1x64x128xf32, #tpu.memory_space<vmem>>
    %dma_wait3A_128 = tpu.memref_squeeze %dma_wait3A_127 : memref<1x64x128xf32, #tpu.memory_space<vmem>> -> memref<64x128xf32, #tpu.memory_space<vmem>>
    %dma_wait3A_129 = arith.constant 0 : i32
    %dma_wait3A_130 = tpu.memref_slice %arg7[%dma_wait3A_122, %dma_wait3A_123, %dma_wait3A_129] : memref<2x4x64xi32, #tpu.memory_space<vmem>> -> memref<1x1x64xi32, #tpu.memory_space<vmem>>
    %dma_wait3A_131 = tpu.memref_squeeze %dma_wait3A_130 : memref<1x1x64xi32, #tpu.memory_space<vmem>> -> memref<64xi32, #tpu.memory_space<vmem>>
    %dma_wait3A_132 = arith.constant 0 : i32
    %dma_wait3A_133 = arith.constant 0 : i32
    %dma_wait3A_134 = tpu.memref_slice %arg3[%dma_wait3A_132, %dma_wait3A_133] : memref<10000x128xf32, #tpu.memory_space<hbm>> -> memref<10000x128xf32, #tpu.memory_space<hbm>>
    tpu.wait_indirect_dma semaphore(%arg13 : memref<!tpu.dma_semaphore, #tpu.memory_space<semaphore_mem>>) src(%dma_wait3A_134 : memref<10000x128xf32, #tpu.memory_space<hbm>>) dst(%dma_wait3A_128 : memref<64x128xf32, #tpu.memory_space<vmem>>)
    %barrier3A_135 = arith.constant 0 : index
    tpu.barrier barrier_id(%barrier3A_135)
    %add3A_136 = arith.constant 0 : i32
    %add3A_137 = arith.addi %mul3A_2, %add3A_136 : i32
    %add3A_138 = arith.constant 0 : i32
    %add3A_139 = arith.addi %mul3A_2, %add3A_138 : i32
    "tpu.region"() ({
      %run_scoped3A_180 = tpu.sem_alloc : memref<!tpu.dma_semaphore, #tpu.memory_space<semaphore_mem>>
      %dma_start3A_181 = arith.constant 0 : i32
      %dma_start3A_182 = tpu.memref_slice %arg6[%arg0, %add3A_139, %dma_start3A_181] : memref<2x10752x128xf32, #tpu.memory_space<hbm>> -> memref<1x64x128xf32, #tpu.memory_space<hbm>>
      %dma_start3A_183 = tpu.memref_squeeze %dma_start3A_182 : memref<1x64x128xf32, #tpu.memory_space<hbm>> -> memref<64x128xf32, #tpu.memory_space<hbm>>
      %dma_start3A_184 = arith.constant 0 : i32
      %dma_start3A_185 = tpu.memref_slice %arg12[%add3A_137, %dma_start3A_184] : memref<10752x128xf32, #tpu.memory_space<vmem_shared>> -> memref<64x128xf32, #tpu.memory_space<vmem_shared>>
      tpu.enqueue_dma source(%dma_start3A_185 : memref<64x128xf32, #tpu.memory_space<vmem_shared>>) target(%dma_start3A_183 : memref<64x128xf32, #tpu.memory_space<hbm>>) target_semaphore(%run_scoped3A_180 : memref<!tpu.dma_semaphore, #tpu.memory_space<semaphore_mem>>)
      %dma_wait3A_186 = arith.constant 0 : i32
      %dma_wait3A_187 = tpu.memref_slice %arg6[%arg0, %add3A_139, %dma_wait3A_186] : memref<2x10752x128xf32, #tpu.memory_space<hbm>> -> memref<1x64x128xf32, #tpu.memory_space<hbm>>
      %dma_wait3A_188 = tpu.memref_squeeze %dma_wait3A_187 : memref<1x64x128xf32, #tpu.memory_space<hbm>> -> memref<64x128xf32, #tpu.memory_space<hbm>>
      %dma_wait3A_189 = arith.constant 0 : i32
      %dma_wait3A_190 = tpu.memref_slice %arg12[%add3A_137, %dma_wait3A_189] : memref<10752x128xf32, #tpu.memory_space<vmem_shared>> -> memref<64x128xf32, #tpu.memory_space<vmem_shared>>
      tpu.wait_dma2 semaphore(%run_scoped3A_180 : memref<!tpu.dma_semaphore, #tpu.memory_space<semaphore_mem>>) src(%dma_wait3A_190 : memref<64x128xf32, #tpu.memory_space<vmem_shared>>) dst(%dma_wait3A_188 : memref<64x128xf32, #tpu.memory_space<hbm>>)
      tpu.yield
    }) : () -> ()
    %add3A_140 = arith.constant 64 : i32
    %add3A_141 = arith.addi %mul3A_2, %add3A_140 : i32
    %add3A_142 = arith.constant 64 : i32
    %add3A_143 = arith.addi %mul3A_2, %add3A_142 : i32
    "tpu.region"() ({
      %run_scoped3A_180 = tpu.sem_alloc : memref<!tpu.dma_semaphore, #tpu.memory_space<semaphore_mem>>
      %dma_start3A_181 = arith.constant 0 : i32
      %dma_start3A_182 = tpu.memref_slice %arg6[%arg0, %add3A_143, %dma_start3A_181] : memref<2x10752x128xf32, #tpu.memory_space<hbm>> -> memref<1x64x128xf32, #tpu.memory_space<hbm>>
      %dma_start3A_183 = tpu.memref_squeeze %dma_start3A_182 : memref<1x64x128xf32, #tpu.memory_space<hbm>> -> memref<64x128xf32, #tpu.memory_space<hbm>>
      %dma_start3A_184 = arith.constant 0 : i32
      %dma_start3A_185 = tpu.memref_slice %arg12[%add3A_141, %dma_start3A_184] : memref<10752x128xf32, #tpu.memory_space<vmem_shared>> -> memref<64x128xf32, #tpu.memory_space<vmem_shared>>
      tpu.enqueue_dma source(%dma_start3A_185 : memref<64x128xf32, #tpu.memory_space<vmem_shared>>) target(%dma_start3A_183 : memref<64x128xf32, #tpu.memory_space<hbm>>) target_semaphore(%run_scoped3A_180 : memref<!tpu.dma_semaphore, #tpu.memory_space<semaphore_mem>>)
      %dma_wait3A_186 = arith.constant 0 : i32
      %dma_wait3A_187 = tpu.memref_slice %arg6[%arg0, %add3A_143, %dma_wait3A_186] : memref<2x10752x128xf32, #tpu.memory_space<hbm>> -> memref<1x64x128xf32, #tpu.memory_space<hbm>>
      %dma_wait3A_188 = tpu.memref_squeeze %dma_wait3A_187 : memref<1x64x128xf32, #tpu.memory_space<hbm>> -> memref<64x128xf32, #tpu.memory_space<hbm>>
      %dma_wait3A_189 = arith.constant 0 : i32
      %dma_wait3A_190 = tpu.memref_slice %arg12[%add3A_141, %dma_wait3A_189] : memref<10752x128xf32, #tpu.memory_space<vmem_shared>> -> memref<64x128xf32, #tpu.memory_space<vmem_shared>>
      tpu.wait_dma2 semaphore(%run_scoped3A_180 : memref<!tpu.dma_semaphore, #tpu.memory_space<semaphore_mem>>) src(%dma_wait3A_190 : memref<64x128xf32, #tpu.memory_space<vmem_shared>>) dst(%dma_wait3A_188 : memref<64x128xf32, #tpu.memory_space<hbm>>)
      tpu.yield
    }) : () -> ()
    %add3A_144 = arith.constant 128 : i32
    %add3A_145 = arith.addi %mul3A_2, %add3A_144 : i32
    %add3A_146 = arith.constant 128 : i32
    %add3A_147 = arith.addi %mul3A_2, %add3A_146 : i32
    "tpu.region"() ({
      %run_scoped3A_180 = tpu.sem_alloc : memref<!tpu.dma_semaphore, #tpu.memory_space<semaphore_mem>>
      %dma_start3A_181 = arith.constant 0 : i32
      %dma_start3A_182 = tpu.memref_slice %arg6[%arg0, %add3A_147, %dma_start3A_181] : memref<2x10752x128xf32, #tpu.memory_space<hbm>> -> memref<1x64x128xf32, #tpu.memory_space<hbm>>
      %dma_start3A_183 = tpu.memref_squeeze %dma_start3A_182 : memref<1x64x128xf32, #tpu.memory_space<hbm>> -> memref<64x128xf32, #tpu.memory_space<hbm>>
      %dma_start3A_184 = arith.constant 0 : i32
      %dma_start3A_185 = tpu.memref_slice %arg12[%add3A_145, %dma_start3A_184] : memref<10752x128xf32, #tpu.memory_space<vmem_shared>> -> memref<64x128xf32, #tpu.memory_space<vmem_shared>>
      tpu.enqueue_dma source(%dma_start3A_185 : memref<64x128xf32, #tpu.memory_space<vmem_shared>>) target(%dma_start3A_183 : memref<64x128xf32, #tpu.memory_space<hbm>>) target_semaphore(%run_scoped3A_180 : memref<!tpu.dma_semaphore, #tpu.memory_space<semaphore_mem>>)
      %dma_wait3A_186 = arith.constant 0 : i32
      %dma_wait3A_187 = tpu.memref_slice %arg6[%arg0, %add3A_147, %dma_wait3A_186] : memref<2x10752x128xf32, #tpu.memory_space<hbm>> -> memref<1x64x128xf32, #tpu.memory_space<hbm>>
      %dma_wait3A_188 = tpu.memref_squeeze %dma_wait3A_187 : memref<1x64x128xf32, #tpu.memory_space<hbm>> -> memref<64x128xf32, #tpu.memory_space<hbm>>
      %dma_wait3A_189 = arith.constant 0 : i32
      %dma_wait3A_190 = tpu.memref_slice %arg12[%add3A_145, %dma_wait3A_189] : memref<10752x128xf32, #tpu.memory_space<vmem_shared>> -> memref<64x128xf32, #tpu.memory_space<vmem_shared>>
      tpu.wait_dma2 semaphore(%run_scoped3A_180 : memref<!tpu.dma_semaphore, #tpu.memory_space<semaphore_mem>>) src(%dma_wait3A_190 : memref<64x128xf32, #tpu.memory_space<vmem_shared>>) dst(%dma_wait3A_188 : memref<64x128xf32, #tpu.memory_space<hbm>>)
      tpu.yield
    }) : () -> ()
    %add3A_148 = arith.constant 192 : i32
    %add3A_149 = arith.addi %mul3A_2, %add3A_148 : i32
    %add3A_150 = arith.constant 192 : i32
    %add3A_151 = arith.addi %mul3A_2, %add3A_150 : i32
    "tpu.region"() ({
      %run_scoped3A_180 = tpu.sem_alloc : memref<!tpu.dma_semaphore, #tpu.memory_space<semaphore_mem>>
      %dma_start3A_181 = arith.constant 0 : i32
      %dma_start3A_182 = tpu.memref_slice %arg6[%arg0, %add3A_151, %dma_start3A_181] : memref<2x10752x128xf32, #tpu.memory_space<hbm>> -> memref<1x64x128xf32, #tpu.memory_space<hbm>>
      %dma_start3A_183 = tpu.memref_squeeze %dma_start3A_182 : memref<1x64x128xf32, #tpu.memory_space<hbm>> -> memref<64x128xf32, #tpu.memory_space<hbm>>
      %dma_start3A_184 = arith.constant 0 : i32
      %dma_start3A_185 = tpu.memref_slice %arg12[%add3A_149, %dma_start3A_184] : memref<10752x128xf32, #tpu.memory_space<vmem_shared>> -> memref<64x128xf32, #tpu.memory_space<vmem_shared>>
      tpu.enqueue_dma source(%dma_start3A_185 : memref<64x128xf32, #tpu.memory_space<vmem_shared>>) target(%dma_start3A_183 : memref<64x128xf32, #tpu.memory_space<hbm>>) target_semaphore(%run_scoped3A_180 : memref<!tpu.dma_semaphore, #tpu.memory_space<semaphore_mem>>)
      %dma_wait3A_186 = arith.constant 0 : i32
      %dma_wait3A_187 = tpu.memref_slice %arg6[%arg0, %add3A_151, %dma_wait3A_186] : memref<2x10752x128xf32, #tpu.memory_space<hbm>> -> memref<1x64x128xf32, #tpu.memory_space<hbm>>
      %dma_wait3A_188 = tpu.memref_squeeze %dma_wait3A_187 : memref<1x64x128xf32, #tpu.memory_space<hbm>> -> memref<64x128xf32, #tpu.memory_space<hbm>>
      %dma_wait3A_189 = arith.constant 0 : i32
      %dma_wait3A_190 = tpu.memref_slice %arg12[%add3A_149, %dma_wait3A_189] : memref<10752x128xf32, #tpu.memory_space<vmem_shared>> -> memref<64x128xf32, #tpu.memory_space<vmem_shared>>
      tpu.wait_dma2 semaphore(%run_scoped3A_180 : memref<!tpu.dma_semaphore, #tpu.memory_space<semaphore_mem>>) src(%dma_wait3A_190 : memref<64x128xf32, #tpu.memory_space<vmem_shared>>) dst(%dma_wait3A_188 : memref<64x128xf32, #tpu.memory_space<hbm>>)
      tpu.yield
    }) : () -> ()
    %add3A_152 = arith.constant 256 : i32
    %add3A_153 = arith.addi %mul3A_2, %add3A_152 : i32
    %add3A_154 = arith.constant 256 : i32
    %add3A_155 = arith.addi %mul3A_2, %add3A_154 : i32
    "tpu.region"() ({
      %run_scoped3A_180 = tpu.sem_alloc : memref<!tpu.dma_semaphore, #tpu.memory_space<semaphore_mem>>
      %dma_start3A_181 = arith.constant 0 : i32
      %dma_start3A_182 = tpu.memref_slice %arg6[%arg0, %add3A_155, %dma_start3A_181] : memref<2x10752x128xf32, #tpu.memory_space<hbm>> -> memref<1x64x128xf32, #tpu.memory_space<hbm>>
      %dma_start3A_183 = tpu.memref_squeeze %dma_start3A_182 : memref<1x64x128xf32, #tpu.memory_space<hbm>> -> memref<64x128xf32, #tpu.memory_space<hbm>>
      %dma_start3A_184 = arith.constant 0 : i32
      %dma_start3A_185 = tpu.memref_slice %arg12[%add3A_153, %dma_start3A_184] : memref<10752x128xf32, #tpu.memory_space<vmem_shared>> -> memref<64x128xf32, #tpu.memory_space<vmem_shared>>
      tpu.enqueue_dma source(%dma_start3A_185 : memref<64x128xf32, #tpu.memory_space<vmem_shared>>) target(%dma_start3A_183 : memref<64x128xf32, #tpu.memory_space<hbm>>) target_semaphore(%run_scoped3A_180 : memref<!tpu.dma_semaphore, #tpu.memory_space<semaphore_mem>>)
      %dma_wait3A_186 = arith.constant 0 : i32
      %dma_wait3A_187 = tpu.memref_slice %arg6[%arg0, %add3A_155, %dma_wait3A_186] : memref<2x10752x128xf32, #tpu.memory_space<hbm>> -> memref<1x64x128xf32, #tpu.memory_space<hbm>>
      %dma_wait3A_188 = tpu.memref_squeeze %dma_wait3A_187 : memref<1x64x128xf32, #tpu.memory_space<hbm>> -> memref<64x128xf32, #tpu.memory_space<hbm>>
      %dma_wait3A_189 = arith.constant 0 : i32
      %dma_wait3A_190 = tpu.memref_slice %arg12[%add3A_153, %dma_wait3A_189] : memref<10752x128xf32, #tpu.memory_space<vmem_shared>> -> memref<64x128xf32, #tpu.memory_space<vmem_shared>>
      tpu.wait_dma2 semaphore(%run_scoped3A_180 : memref<!tpu.dma_semaphore, #tpu.memory_space<semaphore_mem>>) src(%dma_wait3A_190 : memref<64x128xf32, #tpu.memory_space<vmem_shared>>) dst(%dma_wait3A_188 : memref<64x128xf32, #tpu.memory_space<hbm>>)
      tpu.yield
    }) : () -> ()
    %add3A_156 = arith.constant 320 : i32
    %add3A_157 = arith.addi %mul3A_2, %add3A_156 : i32
    %add3A_158 = arith.constant 320 : i32
    %add3A_159 = arith.addi %mul3A_2, %add3A_158 : i32
    "tpu.region"() ({
      %run_scoped3A_180 = tpu.sem_alloc : memref<!tpu.dma_semaphore, #tpu.memory_space<semaphore_mem>>
      %dma_start3A_181 = arith.constant 0 : i32
      %dma_start3A_182 = tpu.memref_slice %arg6[%arg0, %add3A_159, %dma_start3A_181] : memref<2x10752x128xf32, #tpu.memory_space<hbm>> -> memref<1x64x128xf32, #tpu.memory_space<hbm>>
      %dma_start3A_183 = tpu.memref_squeeze %dma_start3A_182 : memref<1x64x128xf32, #tpu.memory_space<hbm>> -> memref<64x128xf32, #tpu.memory_space<hbm>>
      %dma_start3A_184 = arith.constant 0 : i32
      %dma_start3A_185 = tpu.memref_slice %arg12[%add3A_157, %dma_start3A_184] : memref<10752x128xf32, #tpu.memory_space<vmem_shared>> -> memref<64x128xf32, #tpu.memory_space<vmem_shared>>
      tpu.enqueue_dma source(%dma_start3A_185 : memref<64x128xf32, #tpu.memory_space<vmem_shared>>) target(%dma_start3A_183 : memref<64x128xf32, #tpu.memory_space<hbm>>) target_semaphore(%run_scoped3A_180 : memref<!tpu.dma_semaphore, #tpu.memory_space<semaphore_mem>>)
      %dma_wait3A_186 = arith.constant 0 : i32
      %dma_wait3A_187 = tpu.memref_slice %arg6[%arg0, %add3A_159, %dma_wait3A_186] : memref<2x10752x128xf32, #tpu.memory_space<hbm>> -> memref<1x64x128xf32, #tpu.memory_space<hbm>>
      %dma_wait3A_188 = tpu.memref_squeeze %dma_wait3A_187 : memref<1x64x128xf32, #tpu.memory_space<hbm>> -> memref<64x128xf32, #tpu.memory_space<hbm>>
      %dma_wait3A_189 = arith.constant 0 : i32
      %dma_wait3A_190 = tpu.memref_slice %arg12[%add3A_157, %dma_wait3A_189] : memref<10752x128xf32, #tpu.memory_space<vmem_shared>> -> memref<64x128xf32, #tpu.memory_space<vmem_shared>>
      tpu.wait_dma2 semaphore(%run_scoped3A_180 : memref<!tpu.dma_semaphore, #tpu.memory_space<semaphore_mem>>) src(%dma_wait3A_190 : memref<64x128xf32, #tpu.memory_space<vmem_shared>>) dst(%dma_wait3A_188 : memref<64x128xf32, #tpu.memory_space<hbm>>)
      tpu.yield
    }) : () -> ()
    %add3A_160 = arith.constant 384 : i32
    %add3A_161 = arith.addi %mul3A_2, %add3A_160 : i32
    %add3A_162 = arith.constant 384 : i32
    %add3A_163 = arith.addi %mul3A_2, %add3A_162 : i32
    "tpu.region"() ({
      %run_scoped3A_180 = tpu.sem_alloc : memref<!tpu.dma_semaphore, #tpu.memory_space<semaphore_mem>>
      %dma_start3A_181 = arith.constant 0 : i32
      %dma_start3A_182 = tpu.memref_slice %arg6[%arg0, %add3A_163, %dma_start3A_181] : memref<2x10752x128xf32, #tpu.memory_space<hbm>> -> memref<1x64x128xf32, #tpu.memory_space<hbm>>
      %dma_start3A_183 = tpu.memref_squeeze %dma_start3A_182 : memref<1x64x128xf32, #tpu.memory_space<hbm>> -> memref<64x128xf32, #tpu.memory_space<hbm>>
      %dma_start3A_184 = arith.constant 0 : i32
      %dma_start3A_185 = tpu.memref_slice %arg12[%add3A_161, %dma_start3A_184] : memref<10752x128xf32, #tpu.memory_space<vmem_shared>> -> memref<64x128xf32, #tpu.memory_space<vmem_shared>>
      tpu.enqueue_dma source(%dma_start3A_185 : memref<64x128xf32, #tpu.memory_space<vmem_shared>>) target(%dma_start3A_183 : memref<64x128xf32, #tpu.memory_space<hbm>>) target_semaphore(%run_scoped3A_180 : memref<!tpu.dma_semaphore, #tpu.memory_space<semaphore_mem>>)
      %dma_wait3A_186 = arith.constant 0 : i32
      %dma_wait3A_187 = tpu.memref_slice %arg6[%arg0, %add3A_163, %dma_wait3A_186] : memref<2x10752x128xf32, #tpu.memory_space<hbm>> -> memref<1x64x128xf32, #tpu.memory_space<hbm>>
      %dma_wait3A_188 = tpu.memref_squeeze %dma_wait3A_187 : memref<1x64x128xf32, #tpu.memory_space<hbm>> -> memref<64x128xf32, #tpu.memory_space<hbm>>
      %dma_wait3A_189 = arith.constant 0 : i32
      %dma_wait3A_190 = tpu.memref_slice %arg12[%add3A_161, %dma_wait3A_189] : memref<10752x128xf32, #tpu.memory_space<vmem_shared>> -> memref<64x128xf32, #tpu.memory_space<vmem_shared>>
      tpu.wait_dma2 semaphore(%run_scoped3A_180 : memref<!tpu.dma_semaphore, #tpu.memory_space<semaphore_mem>>) src(%dma_wait3A_190 : memref<64x128xf32, #tpu.memory_space<vmem_shared>>) dst(%dma_wait3A_188 : memref<64x128xf32, #tpu.memory_space<hbm>>)
      tpu.yield
    }) : () -> ()
    %add3A_164 = arith.constant 448 : i32
    %add3A_165 = arith.addi %mul3A_2, %add3A_164 : i32
    %add3A_166 = arith.constant 448 : i32
    %add3A_167 = arith.addi %mul3A_2, %add3A_166 : i32
    "tpu.region"() ({
      %run_scoped3A_180 = tpu.sem_alloc : memref<!tpu.dma_semaphore, #tpu.memory_space<semaphore_mem>>
      %dma_start3A_181 = arith.constant 0 : i32
      %dma_start3A_182 = tpu.memref_slice %arg6[%arg0, %add3A_167, %dma_start3A_181] : memref<2x10752x128xf32, #tpu.memory_space<hbm>> -> memref<1x64x128xf32, #tpu.memory_space<hbm>>
      %dma_start3A_183 = tpu.memref_squeeze %dma_start3A_182 : memref<1x64x128xf32, #tpu.memory_space<hbm>> -> memref<64x128xf32, #tpu.memory_space<hbm>>
      %dma_start3A_184 = arith.constant 0 : i32
      %dma_start3A_185 = tpu.memref_slice %arg12[%add3A_165, %dma_start3A_184] : memref<10752x128xf32, #tpu.memory_space<vmem_shared>> -> memref<64x128xf32, #tpu.memory_space<vmem_shared>>
      tpu.enqueue_dma source(%dma_start3A_185 : memref<64x128xf32, #tpu.memory_space<vmem_shared>>) target(%dma_start3A_183 : memref<64x128xf32, #tpu.memory_space<hbm>>) target_semaphore(%run_scoped3A_180 : memref<!tpu.dma_semaphore, #tpu.memory_space<semaphore_mem>>)
      %dma_wait3A_186 = arith.constant 0 : i32
      %dma_wait3A_187 = tpu.memref_slice %arg6[%arg0, %add3A_167, %dma_wait3A_186] : memref<2x10752x128xf32, #tpu.memory_space<hbm>> -> memref<1x64x128xf32, #tpu.memory_space<hbm>>
      %dma_wait3A_188 = tpu.memref_squeeze %dma_wait3A_187 : memref<1x64x128xf32, #tpu.memory_space<hbm>> -> memref<64x128xf32, #tpu.memory_space<hbm>>
      %dma_wait3A_189 = arith.constant 0 : i32
      %dma_wait3A_190 = tpu.memref_slice %arg12[%add3A_165, %dma_wait3A_189] : memref<10752x128xf32, #tpu.memory_space<vmem_shared>> -> memref<64x128xf32, #tpu.memory_space<vmem_shared>>
      tpu.wait_dma2 semaphore(%run_scoped3A_180 : memref<!tpu.dma_semaphore, #tpu.memory_space<semaphore_mem>>) src(%dma_wait3A_190 : memref<64x128xf32, #tpu.memory_space<vmem_shared>>) dst(%dma_wait3A_188 : memref<64x128xf32, #tpu.memory_space<hbm>>)
      tpu.yield
    }) : () -> ()
    %add3A_168 = arith.constant 512 : i32
    %add3A_169 = arith.addi %mul3A_2, %add3A_168 : i32
    %add3A_170 = arith.constant 512 : i32
    %add3A_171 = arith.addi %mul3A_2, %add3A_170 : i32
    "tpu.region"() ({
      %run_scoped3A_180 = tpu.sem_alloc : memref<!tpu.dma_semaphore, #tpu.memory_space<semaphore_mem>>
      %dma_start3A_181 = arith.constant 0 : i32
      %dma_start3A_182 = tpu.memref_slice %arg6[%arg0, %add3A_171, %dma_start3A_181] : memref<2x10752x128xf32, #tpu.memory_space<hbm>> -> memref<1x64x128xf32, #tpu.memory_space<hbm>>
      %dma_start3A_183 = tpu.memref_squeeze %dma_start3A_182 : memref<1x64x128xf32, #tpu.memory_space<hbm>> -> memref<64x128xf32, #tpu.memory_space<hbm>>
      %dma_start3A_184 = arith.constant 0 : i32
      %dma_start3A_185 = tpu.memref_slice %arg12[%add3A_169, %dma_start3A_184] : memref<10752x128xf32, #tpu.memory_space<vmem_shared>> -> memref<64x128xf32, #tpu.memory_space<vmem_shared>>
      tpu.enqueue_dma source(%dma_start3A_185 : memref<64x128xf32, #tpu.memory_space<vmem_shared>>) target(%dma_start3A_183 : memref<64x128xf32, #tpu.memory_space<hbm>>) target_semaphore(%run_scoped3A_180 : memref<!tpu.dma_semaphore, #tpu.memory_space<semaphore_mem>>)
      %dma_wait3A_186 = arith.constant 0 : i32
      %dma_wait3A_187 = tpu.memref_slice %arg6[%arg0, %add3A_171, %dma_wait3A_186] : memref<2x10752x128xf32, #tpu.memory_space<hbm>> -> memref<1x64x128xf32, #tpu.memory_space<hbm>>
      %dma_wait3A_188 = tpu.memref_squeeze %dma_wait3A_187 : memref<1x64x128xf32, #tpu.memory_space<hbm>> -> memref<64x128xf32, #tpu.memory_space<hbm>>
      %dma_wait3A_189 = arith.constant 0 : i32
      %dma_wait3A_190 = tpu.memref_slice %arg12[%add3A_169, %dma_wait3A_189] : memref<10752x128xf32, #tpu.memory_space<vmem_shared>> -> memref<64x128xf32, #tpu.memory_space<vmem_shared>>
      tpu.wait_dma2 semaphore(%run_scoped3A_180 : memref<!tpu.dma_semaphore, #tpu.memory_space<semaphore_mem>>) src(%dma_wait3A_190 : memref<64x128xf32, #tpu.memory_space<vmem_shared>>) dst(%dma_wait3A_188 : memref<64x128xf32, #tpu.memory_space<hbm>>)
      tpu.yield
    }) : () -> ()
    %add3A_172 = arith.constant 576 : i32
    %add3A_173 = arith.addi %mul3A_2, %add3A_172 : i32
    %add3A_174 = arith.constant 576 : i32
    %add3A_175 = arith.addi %mul3A_2, %add3A_174 : i32
    "tpu.region"() ({
      %run_scoped3A_180 = tpu.sem_alloc : memref<!tpu.dma_semaphore, #tpu.memory_space<semaphore_mem>>
      %dma_start3A_181 = arith.constant 0 : i32
      %dma_start3A_182 = tpu.memref_slice %arg6[%arg0, %add3A_175, %dma_start3A_181] : memref<2x10752x128xf32, #tpu.memory_space<hbm>> -> memref<1x64x128xf32, #tpu.memory_space<hbm>>
      %dma_start3A_183 = tpu.memref_squeeze %dma_start3A_182 : memref<1x64x128xf32, #tpu.memory_space<hbm>> -> memref<64x128xf32, #tpu.memory_space<hbm>>
      %dma_start3A_184 = arith.constant 0 : i32
      %dma_start3A_185 = tpu.memref_slice %arg12[%add3A_173, %dma_start3A_184] : memref<10752x128xf32, #tpu.memory_space<vmem_shared>> -> memref<64x128xf32, #tpu.memory_space<vmem_shared>>
      tpu.enqueue_dma source(%dma_start3A_185 : memref<64x128xf32, #tpu.memory_space<vmem_shared>>) target(%dma_start3A_183 : memref<64x128xf32, #tpu.memory_space<hbm>>) target_semaphore(%run_scoped3A_180 : memref<!tpu.dma_semaphore, #tpu.memory_space<semaphore_mem>>)
      %dma_wait3A_186 = arith.constant 0 : i32
      %dma_wait3A_187 = tpu.memref_slice %arg6[%arg0, %add3A_175, %dma_wait3A_186] : memref<2x10752x128xf32, #tpu.memory_space<hbm>> -> memref<1x64x128xf32, #tpu.memory_space<hbm>>
      %dma_wait3A_188 = tpu.memref_squeeze %dma_wait3A_187 : memref<1x64x128xf32, #tpu.memory_space<hbm>> -> memref<64x128xf32, #tpu.memory_space<hbm>>
      %dma_wait3A_189 = arith.constant 0 : i32
      %dma_wait3A_190 = tpu.memref_slice %arg12[%add3A_173, %dma_wait3A_189] : memref<10752x128xf32, #tpu.memory_space<vmem_shared>> -> memref<64x128xf32, #tpu.memory_space<vmem_shared>>
      tpu.wait_dma2 semaphore(%run_scoped3A_180 : memref<!tpu.dma_semaphore, #tpu.memory_space<semaphore_mem>>) src(%dma_wait3A_190 : memref<64x128xf32, #tpu.memory_space<vmem_shared>>) dst(%dma_wait3A_188 : memref<64x128xf32, #tpu.memory_space<hbm>>)
      tpu.yield
    }) : () -> ()
    %add3A_176 = arith.constant 640 : i32
    %add3A_177 = arith.addi %mul3A_2, %add3A_176 : i32
    %add3A_178 = arith.constant 640 : i32
    %add3A_179 = arith.addi %mul3A_2, %add3A_178 : i32
    "tpu.region"() ({
      %run_scoped3A_180 = tpu.sem_alloc : memref<!tpu.dma_semaphore, #tpu.memory_space<semaphore_mem>>
      %dma_start3A_181 = arith.constant 0 : i32
      %dma_start3A_182 = tpu.memref_slice %arg6[%arg0, %add3A_179, %dma_start3A_181] : memref<2x10752x128xf32, #tpu.memory_space<hbm>> -> memref<1x32x128xf32, #tpu.memory_space<hbm>>
      %dma_start3A_183 = tpu.memref_squeeze %dma_start3A_182 : memref<1x32x128xf32, #tpu.memory_space<hbm>> -> memref<32x128xf32, #tpu.memory_space<hbm>>
      %dma_start3A_184 = arith.constant 0 : i32
      %dma_start3A_185 = tpu.memref_slice %arg12[%add3A_177, %dma_start3A_184] : memref<10752x128xf32, #tpu.memory_space<vmem_shared>> -> memref<32x128xf32, #tpu.memory_space<vmem_shared>>
      tpu.enqueue_dma source(%dma_start3A_185 : memref<32x128xf32, #tpu.memory_space<vmem_shared>>) target(%dma_start3A_183 : memref<32x128xf32, #tpu.memory_space<hbm>>) target_semaphore(%run_scoped3A_180 : memref<!tpu.dma_semaphore, #tpu.memory_space<semaphore_mem>>)
      %dma_wait3A_186 = arith.constant 0 : i32
      %dma_wait3A_187 = tpu.memref_slice %arg6[%arg0, %add3A_179, %dma_wait3A_186] : memref<2x10752x128xf32, #tpu.memory_space<hbm>> -> memref<1x32x128xf32, #tpu.memory_space<hbm>>
      %dma_wait3A_188 = tpu.memref_squeeze %dma_wait3A_187 : memref<1x32x128xf32, #tpu.memory_space<hbm>> -> memref<32x128xf32, #tpu.memory_space<hbm>>
      %dma_wait3A_189 = arith.constant 0 : i32
      %dma_wait3A_190 = tpu.memref_slice %arg12[%add3A_177, %dma_wait3A_189] : memref<10752x128xf32, #tpu.memory_space<vmem_shared>> -> memref<32x128xf32, #tpu.memory_space<vmem_shared>>
      tpu.wait_dma2 semaphore(%run_scoped3A_180 : memref<!tpu.dma_semaphore, #tpu.memory_space<semaphore_mem>>) src(%dma_wait3A_190 : memref<32x128xf32, #tpu.memory_space<vmem_shared>>) dst(%dma_wait3A_188 : memref<32x128xf32, #tpu.memory_space<hbm>>)
      tpu.yield
    }) : () -> ()
    return
  }
}

module attributes {stable_mosaic.version = 14 : i64} {
  func.func @_mm_body(%arg0: i32, %arg1: memref<1000x128xf32, #tpu.memory_space<vmem>>, %arg2: memref<128x128xf32, #tpu.memory_space<vmem>>, %arg3: memref<128x128xf32, #tpu.memory_space<vmem>>, %arg4: memref<1000x128xf32, #tpu.memory_space<vmem>>, %arg5: memref<1000x128xf32, #tpu.memory_space<vmem>>) attributes {dimension_semantics = [#tpu.dimension_semantics<arbitrary>], iteration_bounds = array<i64: 10>, scalar_prefetch = 0 : i64, scratch_operands = 0 : i64, tpu.core_type = #tpu.core_type<tc>, window_params = [{transform_indices = @transform_0, window_bounds = array<i64: 1000, 128>}, {pipeline_mode = #tpu.pipeline_mode<synchronous>, transform_indices = @transform_1, window_bounds = array<i64: 128, 128>}, {pipeline_mode = #tpu.pipeline_mode<synchronous>, transform_indices = @transform_2, window_bounds = array<i64: 128, 128>}, {transform_indices = @transform_3, window_bounds = array<i64: 1000, 128>}, {transform_indices = @transform_4, window_bounds = array<i64: 1000, 128>}]} {
    %get3A = arith.constant 0 : index
    %get3A_0 = arith.constant 0 : index
    %get3A_1 = vector.load %arg1[%get3A, %get3A_0] : memref<1000x128xf32, #tpu.memory_space<vmem>>, vector<1000x128xf32>
    %get3A_2 = arith.constant 0 : index
    %get3A_3 = arith.constant 0 : index
    %get3A_4 = vector.load %arg2[%get3A_2, %get3A_3] : memref<128x128xf32, #tpu.memory_space<vmem>>, vector<128x128xf32>
    %dot_general3A = arith.constant dense<0.000000e+00> : vector<1000x128xf32>
    %dot_general3A_5 = tpu.matmul %get3A_1, %get3A_4, %dot_general3A {dimension_numbers = #tpu.dot_dimension_numbers<[1], [1], [0], [0], [0, 0, 1, 0], [], []>, transpose_lhs_hint = false} : vector<1000x128xf32>, vector<128x128xf32>, vector<1000x128xf32> -> vector<1000x128xf32>
    %swap3A = arith.constant 0 : index
    %swap3A_6 = arith.constant 0 : index
    %swap3A_7 = vector.load %arg4[%swap3A, %swap3A_6] : memref<1000x128xf32, #tpu.memory_space<vmem>>, vector<1000x128xf32>
    tpu.vector_store %arg4[%swap3A, %swap3A_6], %dot_general3A_5 {strides = array<i32>} : memref<1000x128xf32, #tpu.memory_space<vmem>>, vector<1000x128xf32>,
    %get3A_8 = arith.constant 0 : index
    %get3A_9 = arith.constant 0 : index
    %get3A_10 = vector.load %arg3[%get3A_8, %get3A_9] : memref<128x128xf32, #tpu.memory_space<vmem>>, vector<128x128xf32>
    %dot_general3A_11 = arith.constant dense<0.000000e+00> : vector<1000x128xf32>
    %dot_general3A_12 = tpu.matmul %get3A_1, %get3A_10, %dot_general3A_11 {dimension_numbers = #tpu.dot_dimension_numbers<[1], [1], [0], [0], [0, 0, 1, 0], [], []>, transpose_lhs_hint = false} : vector<1000x128xf32>, vector<128x128xf32>, vector<1000x128xf32> -> vector<1000x128xf32>
    %swap3A_13 = arith.constant 0 : index
    %swap3A_14 = arith.constant 0 : index
    %swap3A_15 = vector.load %arg5[%swap3A_13, %swap3A_14] : memref<1000x128xf32, #tpu.memory_space<vmem>>, vector<1000x128xf32>
    tpu.vector_store %arg5[%swap3A_13, %swap3A_14], %dot_general3A_12 {strides = array<i32>} : memref<1000x128xf32, #tpu.memory_space<vmem>>, vector<1000x128xf32>,
    return
  }
  func.func @transform_0(%arg0: i32) -> (i32, i32) {
    %c0_i32 = arith.constant 0 : i32
    %c0_i32_0 = arith.constant 0 : i32
    return %arg0, %c0_i32 : i32, i32
  }
  func.func @transform_1(%arg0: i32) -> (i32, i32) {
    %c0_i32 = arith.constant 0 : i32
    %c0_i32_0 = arith.constant 0 : i32
    %c0_i32_1 = arith.constant 0 : i32
    return %c0_i32, %c0_i32_0 : i32, i32
  }
  func.func @transform_2(%arg0: i32) -> (i32, i32) {
    %c0_i32 = arith.constant 0 : i32
    %c0_i32_0 = arith.constant 0 : i32
    %c0_i32_1 = arith.constant 0 : i32
    return %c0_i32, %c0_i32_0 : i32, i32
  }
  func.func @transform_3(%arg0: i32) -> (i32, i32) {
    %c0_i32 = arith.constant 0 : i32
    %c0_i32_0 = arith.constant 0 : i32
    return %arg0, %c0_i32 : i32, i32
  }
  func.func @transform_4(%arg0: i32) -> (i32, i32) {
    %c0_i32 = arith.constant 0 : i32
    %c0_i32_0 = arith.constant 0 : i32
    return %arg0, %c0_i32 : i32, i32
  }
}

module attributes {stable_mosaic.version = 14 : i64} {
  func.func @_fin_body(%arg0: i32, %arg1: memref<2x1000x128xf32, #tpu.memory_space<vmem>>, %arg2: memref<2x1000x1xf32, #tpu.memory_space<vmem>>, %arg3: memref<128xf32, #tpu.memory_space<vmem>>, %arg4: memref<1000x128xf32, #tpu.memory_space<vmem>>) attributes {dimension_semantics = [#tpu.dimension_semantics<arbitrary>], iteration_bounds = array<i64: 10>, scalar_prefetch = 0 : i64, scratch_operands = 0 : i64, tpu.core_type = #tpu.core_type<tc>, window_params = [{transform_indices = @transform_0, window_bounds = array<i64: 2, 1000, 128>}, {transform_indices = @transform_1, window_bounds = array<i64: 2, 1000, 1>}, {pipeline_mode = #tpu.pipeline_mode<synchronous>, transform_indices = @transform_2, window_bounds = array<i64: 128>}, {transform_indices = @transform_3, window_bounds = array<i64: 1000, 128>}]} {
    %get3A = arith.constant 0 : index
    %get3A_0 = arith.constant 0 : index
    %get3A_1 = arith.constant 0 : index
    %get3A_2 = vector.load %arg1[%get3A, %get3A_0, %get3A_1] : memref<2x1000x128xf32, #tpu.memory_space<vmem>>, vector<1x1000x128xf32>
    %get3A_3 = vector.shape_cast %get3A_2 : vector<1x1000x128xf32> to vector<1000x128xf32>
    %get3A_4 = arith.constant 1 : index
    %get3A_5 = arith.constant 0 : index
    %get3A_6 = arith.constant 0 : index
    %get3A_7 = vector.load %arg1[%get3A_4, %get3A_5, %get3A_6] : memref<2x1000x128xf32, #tpu.memory_space<vmem>>, vector<1x1000x128xf32>
    %get3A_8 = vector.shape_cast %get3A_7 : vector<1x1000x128xf32> to vector<1000x128xf32>
    %add3A = arith.addf %get3A_3, %get3A_8 : vector<1000x128xf32>
    %get3A_9 = arith.constant 0 : index
    %get3A_10 = arith.constant 0 : index
    %get3A_11 = arith.constant 0 : index
    %get3A_12 = vector.load %arg2[%get3A_9, %get3A_10, %get3A_11] : memref<2x1000x1xf32, #tpu.memory_space<vmem>>, vector<1x1000x1xf32>
    %get3A_13 = vector.shape_cast %get3A_12 : vector<1x1000x1xf32> to vector<1000x1xf32>
    %get3A_14 = arith.constant 1 : index
    %get3A_15 = arith.constant 0 : index
    %get3A_16 = arith.constant 0 : index
    %get3A_17 = vector.load %arg2[%get3A_14, %get3A_15, %get3A_16] : memref<2x1000x1xf32, #tpu.memory_space<vmem>>, vector<1x1000x1xf32>
    %get3A_18 = vector.shape_cast %get3A_17 : vector<1x1000x1xf32> to vector<1000x1xf32>
    %add3A_19 = arith.addf %get3A_13, %get3A_18 : vector<1000x1xf32>
    %div3A = vector.broadcast %add3A_19 : vector<1000x1xf32> to vector<1000x128xf32>
    %div3A_20 = arith.divf %add3A, %div3A : vector<1000x128xf32>
    %get3A_21 = arith.constant 0 : index
    %get3A_22 = vector.load %arg3[%get3A_21] : memref<128xf32, #tpu.memory_space<vmem>>, vector<128xf32>
    %broadcast_in_dim3A = vector.shape_cast %get3A_22 : vector<128xf32> to vector<1x128xf32>
    %add3A_23 = vector.broadcast %broadcast_in_dim3A : vector<1x128xf32> to vector<1000x128xf32>
    %add3A_24 = arith.addf %div3A_20, %add3A_23 : vector<1000x128xf32>
    %swap3A = arith.constant 0 : index
    %swap3A_25 = arith.constant 0 : index
    %swap3A_26 = vector.load %arg4[%swap3A, %swap3A_25] : memref<1000x128xf32, #tpu.memory_space<vmem>>, vector<1000x128xf32>
    tpu.vector_store %arg4[%swap3A, %swap3A_25], %add3A_24 {strides = array<i32>} : memref<1000x128xf32, #tpu.memory_space<vmem>>, vector<1000x128xf32>,
    return
  }
  func.func @transform_0(%arg0: i32) -> (i32, i32, i32) {
    %c0_i32 = arith.constant 0 : i32
    %c0_i32_0 = arith.constant 0 : i32
    %c0_i32_1 = arith.constant 0 : i32
    return %c0_i32, %arg0, %c0_i32_0 : i32, i32, i32
  }
  func.func @transform_1(%arg0: i32) -> (i32, i32, i32) {
    %c0_i32 = arith.constant 0 : i32
    %c0_i32_0 = arith.constant 0 : i32
    %c0_i32_1 = arith.constant 0 : i32
    return %c0_i32, %arg0, %c0_i32_0 : i32, i32, i32
  }
  func.func @transform_2(%arg0: i32) -> i32 {
    %c0_i32 = arith.constant 0 : i32
    %c0_i32_0 = arith.constant 0 : i32
    return %c0_i32 : i32
  }
  func.func @transform_3(%arg0: i32) -> (i32, i32) {
    %c0_i32 = arith.constant 0 : i32
    %c0_i32_0 = arith.constant 0 : i32
    return %arg0, %c0_i32 : i32, i32
  }
}

</mosaic_0001>

<sc_bundles>
// kernel: kernel.5.cloned.1.call-start
scs
__scs_entry_jumppad:
0x0: {  	(pc) =	sbr.rel $0x88, $3  }
0x1: {  	(tag) =	ssettag $0x0;
	lr =	simm.s32 $0x1  }
0x2: {  	[smem:$0x3F9B] =	sst lr;
	_ =	strace $0xD0000000  }
0x3: {  	_ = 	snop  }
0x4: {  	_ = 	snop  }
0x5: {  	_ = 	snop  }
0x6: {  	_ = 	snop  }
0x7: {  	_ = 	snop  }
__scs_overlays_trampoline_lowered:
0x8: {  	[smem:$0x3FAA] =	sst s0  }
0x9: {  	[smem:$0x3FAB] =	sst s1  }
0xa: {  	[smem:$0x3FAC] =	sst s2  }
0xb: {  	[smem:$0x3FAD] =	sst s3  }
0xc: {  	[smem:$0x3FAE] =	sst s4  }
0xd: {  	[smem:$0x3FAF] =	sst s5  }
0xe: {  	[smem:$0x3FB0] =	sst s6  }
0xf: {  	[smem:$0x3FB1] =	sst s7  }
0x10: {  	[smem:$0x3FB2] =	sst s8  }
0x11: {  	[smem:$0x3FB3] =	sst s9;
	s0 =	simm.s32 @!p0 $0x0  }
0x12: {  	s1 =	sld [smem:$0x3F99];
	s0 =	simm.s32 @p0 $0x1  }
0x13: {  	[smem:$0x3FB4] =	sst s0;
	s0 =	simm.s32 @!p1 $0x0  }
0x14: {  	s2 =	sld [smem:$0x3F98];
	s0 =	simm.s32 @p1 $0x1  }
0x15: {  	[smem:$0x3FB5] =	sst s0;
	s0 =	simm.s32 @!p2 $0x0  }
0x16: {  	s3 =	sld [smem:$0x3FDB];
	s0 =	simm.s32 @p2 $0x1  }
0x17: {  	s4 =	simm.s32 $0x1BF5;
	[smem:$0x3FB7] =	sst s0  }
0x18: {  	s0 =	sld [smem:$0x3F9A];
	_ =	swait.ge [sflag:s4], $0x0  }
0x19: {  	s7 =	sld [smem:$0x3F9B]  }
0x1a: {  	s8 =	sadd.s32 $0xFFFFE003, lr  }
0x1b: {  	s9 =	sadd.s32 $0xFFFFFEF7, lr;
	s5 =	simm.s32 $0xFFFFFFFF;
	p2 =	slt.u32 s8, $0xFFFFF086  }
0x1c: {  	p1 =	slt.u32 s9, $0xF7A;
	s5 =	simm.s32 @!p2 $0x0  }
0x1d: {  	s5 =	simm.s32 @p1 $0x1;
	p0 =	seq.s32 s7, s2  }
0x1e: {  	s7 =	smul.u32 @!p0 $0xF7A, s2;
	p2 =	seq.s32 @!p0 s5, $0x0  }
0x1f: {  	s9 =	smul.u32 $0xF7A, s1;
	s8 =	simm.s32 @!p0 $0x1BF5;
	p2 =	por !p2, p0  }
0x20: {  	[sflag:s8] =	ssyncset.s32 @!p0 $0xFFFFF086;
	s6 =	sadd.s32 @!p0 s3, s7;
	s7 =	simm.s32 @!p0 $0x108  }
0x21: {  	s3 =	sadd.s32 s3, s9;
	s6 =	sadd.s32 @!p0 $0x88, s6;
	s7 =	simm.s32 @p2 $0x1082  }
0x22: {  	[simem:s7], [sflag:s8] =	dma.local @!p0 [hbm:s6], $0xF7A  }
0x23: {  	s9 =	sor.u32 $0xD0000000, s2;
	s6 =	simm.s32 $0x108;
	_ =	swait.ge @!p0 [sflag:s8], $0x0  }
0x24: {  	s3 =	sadd.s32 $0x88, s3;
	s6 =	simm.s32 @!p1 $0x1082;
	[sflag:s4] =	ssyncset.s32 $0xFFFFF086  }
0x25: {  	[simem:s6], [sflag:s4] =	dma.local [hbm:s3], $0xF7A  }
0x26: {  	[smem:$0x3F9B] =	sst s1;
	(tag) =	ssettag s2;
	_ =	strace s9  }
0x27: {  	s1 =	sld [smem:$0x3FAB]  }
0x28: {  	s2 =	sld [smem:$0x3FAC]  }
0x29: {  	s4 =	sld [smem:$0x3FAE]  }
0x2a: {  	p0 =	seq.s32 s5, $0x0;
	s5 =	sld [smem:$0x3FAF]  }
0x2b: {  	s6 =	sld [smem:$0x3FB0]  }
0x2c: {  	s7 =	sld [smem:$0x3FB1]  }
0x2d: {  	s3 =	simm.s32 $0x108;
	s8 =	sld [smem:$0x3FB2]  }
0x2e: {  	s3 =	simm.s32 @!p0 $0x1082;
	s9 =	sld [smem:$0x3FB3]  }
0x2f: {  	lr =	sadd.s32 s0, s3;
	s0 =	sld [smem:$0x3FAA]  }
0x30: {  	s3 =	sld [smem:$0x3FAD]  }
0x31: {  	[smem:$0x3FB6] =	sst s10  }
0x32: {  	s10 =	sld [smem:$0x3FB4];
	_ =	sdelay $0x3  }
0x33: {  	p0 =	seq.s32 s10, $0x1;
	s10 =	sld [smem:$0x3FB6];
	_ =	sdelay $0x3  }
0x34: {  	[smem:$0x3FB6] =	sst s10  }
0x35: {  	s10 =	sld [smem:$0x3FB5];
	_ =	sdelay $0x3  }
0x36: {  	p1 =	seq.s32 s10, $0x1;
	s10 =	sld [smem:$0x3FB6];
	_ =	sdelay $0x3  }
0x37: {  	[smem:$0x3FB6] =	sst s10  }
0x38: {  	s10 =	sld [smem:$0x3FB7]  }
0x39: {  	_ = 	snop;
	(pc) =	sbr.ind lr, $3  }
0x3a: {  	_ = 	snop  }
0x3b: {  	_ = 	snop  }
0x3c: {  	p2 =	seq.s32 s10, $0x1;
	s10 =	sld [smem:$0x3FB6]  }
0x3d: {  	_ =	shalt  }
0x3e: {  	_ =	shalt  }
0x3f: {  	_ =	shalt  }
0x40: {  	_ =	shalt  }
0x41: {  	_ =	shalt  }
0x42: {  	_ =	shalt  }
0x43: {  	_ =	shalt  }
0x44: {  	_ =	shalt  }
0x45: {  	_ =	shalt  }
0x46: {  	_ =	shalt  }
0x47: {  	_ =	shalt  }
0x48: {  	_ =	shalt  }
0x49: {  	_ =	shalt  }
0x4a: {  	_ =	shalt  }
0x4b: {  	_ =	shalt  }
0x4c: {  	_ =	shalt  }
0x4d: {  	_ =	shalt  }
0x4e: {  	_ =	shalt  }
0x4f: {  	_ =	shalt  }
0x50: {  	_ =	shalt  }
0x51: {  	_ =	shalt  }
0x52: {  	_ =	shalt  }
0x53: {  	_ =	shalt  }
0x54: {  	_ =	shalt  }
0x55: {  	_ =	shalt  }
0x56: {  	_ =	shalt  }
0x57: {  	_ =	shalt  }
0x58: {  	_ =	shalt  }
0x59: {  	_ =	shalt  }
0x5a: {  	_ =	shalt  }
0x5b: {  	_ =	shalt  }
0x5c: {  	_ =	shalt  }
0x5d: {  	_ =	shalt  }
0x5e: {  	_ =	shalt  }
0x5f: {  	_ =	shalt  }
0x60: {  	_ =	shalt  }
0x61: {  	_ =	shalt  }
0x62: {  	_ =	shalt  }
0x63: {  	_ =	shalt  }
0x64: {  	_ =	shalt  }
0x65: {  	_ =	shalt  }
0x66: {  	_ =	shalt  }
0x67: {  	_ =	shalt  }
0x68: {  	_ =	shalt  }
0x69: {  	_ =	shalt  }
0x6a: {  	_ =	shalt  }
0x6b: {  	_ =	shalt  }
0x6c: {  	_ =	shalt  }
0x6d: {  	_ =	shalt  }
0x6e: {  	_ =	shalt  }
0x6f: {  	_ =	shalt  }
0x70: {  	_ =	shalt  }
0x71: {  	_ =	shalt  }
0x72: {  	_ =	shalt  }
0x73: {  	_ =	shalt  }
0x74: {  	_ =	shalt  }
0x75: {  	_ =	shalt  }
0x76: {  	_ =	shalt  }
0x77: {  	_ =	shalt  }
0x78: {  	_ =	shalt  }
0x79: {  	_ =	shalt  }
0x7a: {  	_ =	shalt  }
0x7b: {  	_ =	shalt  }
0x7c: {  	_ =	shalt  }
0x7d: {  	_ =	shalt  }
0x7e: {  	_ =	shalt  }
0x7f: {  	_ =	shalt  }
0x80: {  	_ =	shalt  }
0x81: {  	_ =	shalt  }
0x82: {  	_ =	shalt  }
0x83: {  	_ =	shalt  }
0x84: {  	_ =	shalt  }
0x85: {  	_ =	shalt  }
0x86: {  	_ =	shalt  }
0x87: {  	_ =	shalt  }
.Lfunc_end0:
.L_simem_size_0:
called_computation_lowered:
.L_overlay_start_0:
0x88: {  	s2 =	sld [smem:$0x3FD9]  }
0x89: {  	s3 =	sld [smem:$0x3FFE];
	_ =	sdelay $0x1  }
0x8a: {  	s1 =	srdreg.scid  }
0x8b: {  	s0 =	sand.u32 $0x1, s1  }
0x8c: {  	s17 =	sshll.u32 s0, $0xA;
	s2 =	sadd.s32 s3, s2  }
0x8d: {  	s2 =	sadd.s32 s2, s17  }
0x8e: {  	[smem:$0x3FC2] =	sst s2  }
0x8f: {  	_ = 	snop  }
0x90: {  	s2 =	sld [smem:$0x3FC5]  }
0x91: {  	s18 =	sld [smem:$0x3FD0];
	(tm) =	ssettm $0x1  }
0x92: {  	s4 =	sld [smem:$0x3FFB];
	_ =	sdelay $0x3  }
0x93: {  	_ =	strace s4  }
0x94: {  	s4 =	sld [smem:$0x3FFC];
	_ =	sdelay $0x3  }
0x95: {  	_ =	strace s4  }
0x96: {  	s4 =	sld [smem:$0x3FFD];
	_ =	sdelay $0x3  }
0x97: {  	_ =	strace s4  }
0x98: {  	_ =	strace $0x8FFFFFFF  }
0x99: {  	s19 =	sld [smem:$0x3FDB];
	_ =	sdelay $0x1  }
0x9a: {  	s5 =	simm.s32 $_scs_section_size  }
0x9b: {  	s6 =	simm.s32 $_size__tile_overlayer_lowered;
	s7 =	simm.s32 $_tile_overlayer_lowered  }
0x9c: {  	s22 =	simm.s32 $0x1BFF;
	s21 =	sshll.u32 s7, $0x1;
	s4 =	sadd.s32 s5, s19  }
0x9d: {  	s8 =	simm.s32 $0x0;
	s20 =	sshll.u32 s6, $0x1;
	s6 =	sadd.s32 s21, s4  }
0x9e: {  	[timem:s8], [sflag:s22] =	dma.local [hbm:s6], s20  }
0x9f: {  	_ =	swait.ge [sflag:s22], s20  }
0xa0: {  	s5 =	ssub.s32 $0x0, s20;
	[sflag:s22] =	ssyncset.done $0x0  }
0xa1: {  	[sflag:s22] =	ssyncadd.s32 s5;
	_ =	sdelay $0x1  }
0xa2: {  	s23 =	simm.s32 $0x1B8B  }
0xa3: {  	_ =	swait.ge [sflag:s23], $0x1  }
0xa4: {  	[sflag:s23] =	ssyncset.done $0x0  }
0xa5: {  	s25 =	simm.s32 $0x1B8E;
	s24 =	sld [smem:$0x3FFE];
	[sflag:s23] =	ssyncadd.s32 $0xFFFFFFFF  }
0xa6: {  	s26 =	simm.s32 $execute0_lowered;
	[smem:$0x3FD2] =	sst s25  }
0xa7: {  	s6 =	sshll.u32 s26, $0x1;
	_ =	strace $0x80000046;
	[dreg:$0x1] =	wrdreg $0xFFFFFFFF  }
0xa8: {  	s28 =	simm.s32 $_size_execute0_lowered;
	s4 =	sadd.s32 s4, s6;
	[dreg:$0x0] =	wrdreg $0x0  }
0xa9: {  	s6 =	sshll.u32 s28, $0x1;
	[dreg:$0x2] =	wrdreg s4  }
0xaa: {  	[dreg:$0x3] =	wrdreg s6  }
0xab: {  	[dreg:$0x4] =	wrdreg $0xC0  }
0xac: {  	_ =	task [dreg:s8], $0x5FFFF  }
0xad: {  	[dreg:$0x1] =	wrdreg $0xFFFFFFFF  }
0xae: {  	[dreg:$0x0] =	wrdreg $0x60  }
0xaf: {  	[dreg:$0x2] =	wrdreg s18  }
0xb0: {  	[dreg:$0x3] =	wrdreg s24  }
0xb1: {  	[dreg:$0x4] =	wrdreg s2  }
0xb2: {  	[dreg:$0x5] =	wrdreg $0xA4800  }
0xb3: {  	[dreg:$0x6] =	wrdreg $0x9  }
0xb4: {  	_ =	task.clear_ibuf [dreg:s8], $0x7FFFF;
	_ =	strace $0x90000046  }
0xb5: {  	s29 =	simm.s32 $0x9;
	_ =	strace $0x80000048  }
0xb6: {  	_ =	swait.ge [sflag:s29], $0x1  }
0xb7: {  	[sflag:s29] =	ssyncadd.s32 $0xFFFFFFFF  }
0xb8: {  	_ =	strace $0x90000048  }
0xb9: {  	_ =	sfence  }
0xba: {  	s30 =	sld [smem:$0x0];
	_ =	sdelay $0x2  }
0xbb: {  	s31 =	sshll.u32 s1, $0xD;
	s1 =	sshrl.u32 s1, $0x2  }
0xbc: {  	s3 =	sand.u32 $0x4000, s31;
	s1 =	sadd.s32 s1, s30  }
0xbd: {  	s0 =	sor.u32 s3, s0;
	s1 =	sshll.u32 s1, $0x11  }
0xbe: {  	s0 =	sor.u32 s1, s0  }
0xbf: {  	s0 =	sadd.s32 $0x8F2B, s0  }
0xc0: {  	[sflag:s0] =	ssyncadd.remote.s32 $0x1  }
0xc1: {  	_ =	sfence.sel $0xFFFF  }
0xc2: {  	[dreg:$0x0] =	wrdreg $0xFFFFFFFF;
	(pc) =	sbr.abs _section_cstart, $3  }
0xc3: {  	[dreg:$0x1] =	wrdreg $0xFFFFFFFF  }
0xc4: {  	_ =	task.clear_ibuf [dreg:s8], $0x2FFFF;
	_ =	strace $0x9FFFFFFF  }
0xc5: {  	(tm) =	ssettm $0x7FFFFFFF  }
tec
execute0_lowered:
.L_overlay_start_1:
0x0: {  	(tag) =	ssettag $0x1  }
0x1: {  	s0 =	srdreg.scid  }
0x2: {  	s2 =	rddreg [dreg:$0x1];
	s1 =	simm.s32 $0x0;
	s18 =	stileid.u32  }
0x3: {  	s31 =	simm.s32 $0x180;
	s4 =	sand.u32 $0x1, s0;
	s6 =	smul.u32 $0x15000, s18  }
0x4: {  	[smem:$0x7FF] =	sst s1;
	s5 =	sshll.u32 s18, $0x1;
	s0 =	ssub.s32 $0x2, s4  }
0x5: {  	s7 =	sadd.s32 $0x79C00, s2;
	s3 =	sshrl.u32 s0, $0x1;
	s8 =	sadd.s32 $0x4000, s6  }
0x6: {  	s9 =	sadd.s32 $0x6000, s6;
	s11 =	sadd.s32 $0x8000, s6;
	s12 =	sadd.s32 $0xA000, s6  }
0x7: {  	s0 =	ssub.s32 s0, s3;
	s3 =	sor.u32 s4, s5;
	s4 =	smul.u32 $0x150000, s4  }
0x8: {  	s13 =	sadd.s32 $0xC000, s6;
	s15 =	sadd.s32 $0xE000, s6;
	s16 =	sadd.s32 $0x10000, s6  }
0x9: {  	s19 =	sadd.s32 $0x12000, s6;
	s5 =	sadd.s32 $0x2000, s6;
	s10 =	sadd.s32 s6, s4  }
0xa: {  	s14 =	sadd.s32 s4, s5;
	s6 =	sadd.s32 $0x14000, s6;
	s24 =	sadd.s32 s4, s8  }
0xb: {  	s25 =	sadd.s32 s4, s9;
	s17 =	sadd.s32 s4, s11;
	s20 =	sadd.s32 s4, s13  }
0xc: {  	s21 =	sadd.s32 s4, s15;
	s10 =	sshrl.u32 s10, $0x3;
	s14 =	sshrl.u32 s14, $0x3  }
0xd: {  	s26 =	sshrl.u32 s25, $0x3;
	s30 =	sshrl.u32 s17, $0x3;
	s17 =	sadd.s32 s4, s12  }
0xe: {  	s25 =	sadd.s32 s4, s16;
	s10 =	sadd.s32 s7, s10;
	s23 =	sadd.s32 s7, s14  }
0xf: {  	s14 =	sadd.s32 s7, s30;
	s30 =	sadd.s32 s4, s19;
	[dreg:$0x5] =	wrdreg s10  }
0x10: {  	s4 =	sadd.s32 s4, s6;
	[dreg:$0x6] =	wrdreg s23;
	s10 =	sshrl.u32 s24, $0x3  }
0x11: {  	[dreg:$0x9] =	wrdreg s14;
	s23 =	sshrl.u32 s21, $0x3;
	s10 =	sadd.s32 s7, s10  }
0x12: {  	s4 =	sshrl.u32 s4, $0x3;
	s24 =	sadd.s32 s7, s23;
	[dreg:$0x7] =	wrdreg s10  }
0x13: {  	s18 =	smul.u32 $0x54000, s18;
	s4 =	sadd.s32 s7, s4;
	[dreg:$0xc] =	wrdreg s24  }
0x14: {  	s10 =	sadd.s32 s7, s26;
	s26 =	sshrl.u32 s25, $0x3;
	[dreg:$0xf] =	wrdreg s4  }
0x15: {  	s0 =	smax.u32 s0, $0x1;
	[dreg:$0x8] =	wrdreg s10;
	s14 =	sadd.s32 s7, s26  }
0x16: {  	s22 =	sshrl.u32 s20, $0x3;
	s10 =	sshrl.u32 s17, $0x3;
	[dreg:$0xd] =	wrdreg s14  }
0x17: {  	s17 =	sshrl.u32 s30, $0x3;
	s10 =	sadd.s32 s7, s10;
	s14 =	rddreg [dreg:$0x3]  }
0x18: {  	s4 =	simm.s32 $0x40;
	s17 =	sadd.s32 s7, s17;
	[dreg:$0xa] =	wrdreg s10  }
0x19: {  	s10 =	sadd.s32 s7, s22;
	[dreg:$0xe] =	wrdreg s17;
	s7 =	sshrl.u32 s18, $0x2  }
0x1a: {  	s17 =	sadd.s32 $0x52A00, s2;
	s18 =	sadd.s32 $0x1200, s2;
	s26 =	sadd.s32 s5, s14  }
0x1b: {  	s28 =	sadd.s32 s8, s14;
	s29 =	sadd.s32 s9, s14;
	[dreg:$0xb] =	wrdreg s10  }
0x1c: {  	s8 =	sadd.s32 s11, s14;
	s9 =	sadd.s32 s12, s14;
	s10 =	rddreg [dreg:$0x0]  }
0x1d: {  	s11 =	smul.u32 $0x14600, s3;
	_ =	strace $0x80000047;
	[dreg:$0x14] =	wrdreg s8  }
0x1e: {  	v0 =	vimm.s32 $0xEFCDAB89;
	s20 =	sadd.s32 s13, s14;
	s21 =	sadd.s32 s15, s14;
	[dreg:$0x15] =	wrdreg s9  }
0x1f: {  	v1 =	vimm.s32 $0x67452301;
	v2 =	vimm.s32 $0xDCFE98BA;
	v3 =	vimm.s32 $0x54761032;
	s22 =	sadd.s32 s16, s14;
	s23 =	sadd.s32 s19, s14;
	[dreg:$0x16] =	wrdreg s20  }
0x20: {  	v4 =	vimm.s32 $0xBA98FEDC;
	v5 =	vimm.s32 $0x32107654;
	s24 =	sadd.s32 s6, s14;
	s2 =	simm.s32 $0x400;
	[dreg:$0x17] =	wrdreg s21  }
0x21: {  	v6 =	vimm.s32 $0xFEDCBA98;
	v7 =	vimm.s32 $0x76543210;
	s5 =	simm.s32 $0x80;
	s6 =	simm.s32 $0x4400;
	[dreg:$0x18] =	wrdreg s22  }
0x22: {  	v0 =	vunpack.c.l.s4.s8 v0;
	v1 =	vunpack.c.l.s4.s8 v1;
	v2 =	vunpack.c.l.s4.s8 v2;
	s15 =	simm.s32 $0x1;
	s16 =	simm.s32 $0x100;
	[dreg:$0x19] =	wrdreg s23  }
0x23: {  	v3 =	vunpack.c.l.s4.s8 v3;
	v4 =	vunpack.c.l.s4.s8 v4;
	v5 =	vunpack.c.l.s4.s8 v5;
	s19 =	simm.s32 $0x300;
	s25 =	sadd.s32 s7, s14;
	[dreg:$0x1a] =	wrdreg s24  }
0x24: {  	v6 =	vunpack.c.l.s4.s8 v6;
	v7 =	vunpack.c.l.s4.s8 v7;
	v0 =	vunpack.c.0.s8.s32 v0;
	s7 =	simm.s32 $0x200;
	s30 =	sshrl.u32 s11, $0x3;
	[dreg:$0x1c] =	wrdreg s0  }
0x25: {  	v1 =	vunpack.c.0.s8.s32 v1;
	v2 =	vunpack.c.0.s8.s32 v2;
	v3 =	vunpack.c.0.s8.s32 v3;
	s12 =	sadd.s32 $0x200, s11;
	s13 =	sadd.s32 $0x400, s11;
	[dreg:$0x10] =	wrdreg s25  }
0x26: {  	v4 =	vunpack.c.0.s8.s32 v4;
	v5 =	vunpack.c.0.s8.s32 v5;
	v6 =	vunpack.c.0.s8.s32 v6;
	s8 =	simm.s32 $0x2400;
	s9 =	simm.s32 $0x280;
	[dreg:$0x11] =	wrdreg s26  }
0x27: {  	v7 =	vunpack.c.0.s8.s32 v7;
	v0 =	vcombine.low v1, v0;
	s11 =	simm.s32 $0x6400;
	s0 =	simm.s32 $0x2;
	[dreg:$0x12] =	wrdreg s28  }
0x28: {  	v1 =	vcombine.low v3, v2;
	v2 =	vcombine.low v5, v4;
	v4 =	vand.u32 $0xF, v6;
	s20 =	simm.s32 $0x380;
	[dreg:$0x13] =	wrdreg s29;
	s3 =	sadd.s32 s18, s30  }
0x29: {  	v3 =	vimm.f32 $0.0e+00;
	v5 =	vlaneseq.u32;
	v4 =	vcombine.low v4, v7;
	s21 =	simm.s32 $0x8400;
	[dreg:$0x1b] =	wrdreg s3;
	s3 =	simm.s32 $0x3  }
.LBB2_1:
0x2a: {  	s22 =	simm.s32 $0x0;
	s23 =	simm.s32 $0x200  }
.LBB2_2:
0x2b: {  	p0 =	sne.s32 s23, $0x7E00;
	[tilespmem:s22+$0x8470] =	vst v3  }
0x2c: {  	[tilespmem:s22+$0x400] =	vst v3  }
0x2d: {  	[tilespmem:s22+$0x8400] =	vst v3  }
0x2e: {  	[tilespmem:s22+$0x410] =	vst v3  }
0x2f: {  	[tilespmem:s22+$0x8410] =	vst v3  }
0x30: {  	[tilespmem:s22+$0x420] =	vst v3  }
0x31: {  	[tilespmem:s22+$0x8420] =	vst v3  }
0x32: {  	[tilespmem:s22+$0x430] =	vst v3  }
0x33: {  	[tilespmem:s22+$0x8430] =	vst v3  }
0x34: {  	[tilespmem:s22+$0x440] =	vst v3  }
0x35: {  	[tilespmem:s22+$0x8440] =	vst v3  }
.Ltmp0:
0x36: {  	[tilespmem:s22+$0x450] =	vst v3;
	(pc) =	sbr.rel @p0 .LBB2_2-.Ltmp0, $4  }
0x37: {  	[tilespmem:s22+$0x8450] =	vst v3  }
0x38: {  	[tilespmem:s22+$0x460] =	vst v3  }
0x39: {  	[tilespmem:s22+$0x8460] =	vst v3  }
0x3a: {  	[tilespmem:s22+$0x470] =	vst v3;
	s22 =	sshra.s32 s23, $0x2;
	s23 =	sadd.s32 $0x200, s23  }
0x3b: {  	[tilespmem:s22+$0x8470] =	vst v3  }
0x3c: {  	[tilespmem:s22+$0x400] =	vst v3  }
0x3d: {  	[tilespmem:s22+$0x8400] =	vst v3  }
0x3e: {  	[tilespmem:s22+$0x410] =	vst v3  }
0x3f: {  	[tilespmem:s22+$0x8410] =	vst v3  }
0x40: {  	[tilespmem:s22+$0x420] =	vst v3  }
0x41: {  	[tilespmem:s22+$0x8420] =	vst v3  }
0x42: {  	[tilespmem:s22+$0x430] =	vst v3  }
0x43: {  	[tilespmem:s22+$0x8430] =	vst v3  }
0x44: {  	[tilespmem:s22+$0x440] =	vst v3  }
0x45: {  	[tilespmem:s22+$0x8440] =	vst v3  }
0x46: {  	[tilespmem:s22+$0x450] =	vst v3  }
0x47: {  	[tilespmem:s22+$0x8450] =	vst v3  }
0x48: {  	[tilespmem:s22+$0x460] =	vst v3  }
0x49: {  	[tilespmem:s22+$0x8460] =	vst v3  }
0x4a: {  	[tilespmem:s22+$0x470] =	vst v3  }
0x4b: {  	[spmem:s25] =	stream.linear.scatter [tilespmem:s2], [sflag:$0x3], $0x2000, $0x38;
	[tilespmem:$0x1F480] =	vst v63  }
0x4c: {  	_ =	swait.ge [sflag:s3], $0x2000  }
0x4d: {  	[sflag:s3] =	ssyncset.done $0x0  }
0x4e: {  	[sflag:s3] =	ssyncadd.s32 $0xFFFFE000  }
0x4f: {  	[spmem:s26] =	stream.linear.scatter [tilespmem:s2], [sflag:$0x3], $0x2000, $0x38;
	[tilespmem:$0x1F480] =	vst v63  }
0x50: {  	_ =	swait.ge [sflag:s3], $0x2000  }
0x51: {  	[sflag:s3] =	ssyncset.done $0x0  }
0x52: {  	[sflag:s3] =	ssyncadd.s32 $0xFFFFE000  }
0x53: {  	[spmem:s28] =	stream.linear.scatter [tilespmem:s2], [sflag:$0x3], $0x2000, $0x38;
	[tilespmem:$0x1F480] =	vst v63  }
0x54: {  	_ =	swait.ge [sflag:s3], $0x2000  }
0x55: {  	[sflag:s3] =	ssyncset.done $0x0  }
0x56: {  	[sflag:s3] =	ssyncadd.s32 $0xFFFFE000  }
0x57: {  	[spmem:s29] =	stream.linear.scatter [tilespmem:s2], [sflag:$0x3], $0x2000, $0x38;
	[tilespmem:$0x1F480] =	vst v63  }
0x58: {  	_ =	swait.ge [sflag:s3], $0x2000  }
0x59: {  	[sflag:s3] =	ssyncset.done $0x0  }
0x5a: {  	s30 =	rddreg [dreg:$0x14];
	[sflag:s3] =	ssyncadd.s32 $0xFFFFE000  }
0x5b: {  	[spmem:s30] =	stream.linear.scatter [tilespmem:s2], [sflag:$0x3], $0x2000, $0x38;
	[tilespmem:$0x1F480] =	vst v63  }
0x5c: {  	_ =	swait.ge [sflag:s3], $0x2000  }
0x5d: {  	[sflag:s3] =	ssyncset.done $0x0  }
0x5e: {  	s23 =	rddreg [dreg:$0x15];
	[sflag:s3] =	ssyncadd.s32 $0xFFFFE000  }
0x5f: {  	[spmem:s23] =	stream.linear.scatter [tilespmem:s2], [sflag:$0x3], $0x2000, $0x38;
	[tilespmem:$0x1F480] =	vst v63  }
0x60: {  	_ =	swait.ge [sflag:s3], $0x2000  }
0x61: {  	[sflag:s3] =	ssyncset.done $0x0  }
0x62: {  	s24 =	rddreg [dreg:$0x16];
	[sflag:s3] =	ssyncadd.s32 $0xFFFFE000  }
0x63: {  	[spmem:s24] =	stream.linear.scatter [tilespmem:s2], [sflag:$0x3], $0x2000, $0x38;
	[tilespmem:$0x1F480] =	vst v63  }
0x64: {  	_ =	swait.ge [sflag:s3], $0x2000  }
0x65: {  	[sflag:s3] =	ssyncset.done $0x0  }
0x66: {  	s25 =	rddreg [dreg:$0x17];
	[sflag:s3] =	ssyncadd.s32 $0xFFFFE000  }
0x67: {  	[spmem:s25] =	stream.linear.scatter [tilespmem:s2], [sflag:$0x3], $0x2000, $0x38;
	[tilespmem:$0x1F480] =	vst v63  }
0x68: {  	_ =	swait.ge [sflag:s3], $0x2000  }
0x69: {  	[sflag:s3] =	ssyncset.done $0x0  }
0x6a: {  	s26 =	rddreg [dreg:$0x18];
	[sflag:s3] =	ssyncadd.s32 $0xFFFFE000  }
0x6b: {  	[spmem:s26] =	stream.linear.scatter [tilespmem:s2], [sflag:$0x3], $0x2000, $0x38;
	[tilespmem:$0x1F480] =	vst v63  }
0x6c: {  	_ =	swait.ge [sflag:s3], $0x2000  }
0x6d: {  	[sflag:s3] =	ssyncset.done $0x0  }
0x6e: {  	s28 =	rddreg [dreg:$0x19];
	[sflag:s3] =	ssyncadd.s32 $0xFFFFE000  }
0x6f: {  	[spmem:s28] =	stream.linear.scatter [tilespmem:s2], [sflag:$0x3], $0x2000, $0x38;
	[tilespmem:$0x1F480] =	vst v63  }
0x70: {  	_ =	swait.ge [sflag:s3], $0x2000  }
0x71: {  	[sflag:s3] =	ssyncset.done $0x0  }
0x72: {  	s29 =	rddreg [dreg:$0x1a];
	[sflag:s3] =	ssyncadd.s32 $0xFFFFE000  }
0x73: {  	[spmem:s29] =	stream.linear.scatter [tilespmem:s2], [sflag:$0x3], $0x1000, $0x38;
	[tilespmem:$0x1F480] =	vst v63  }
0x74: {  	_ =	swait.ge [sflag:s3], $0x1000  }
0x75: {  	[sflag:s3] =	ssyncset.done $0x0  }
0x76: {  	[sflag:s3] =	ssyncadd.s32 $0xFFFFF000  }
0x77: {  	s22 =	simm.s32 $0x0;
	s24 =	simm.s32 $0xA400;
	s23 =	rddreg [dreg:$0x2]  }
0x78: {  	[tilespmem:s24], [sflag:$0x3] =	stream.linear.gather [hbm4b:s23+s22], $0x80, $0x38;
	[tilespmem:$0x1F480] =	vst v63  }
0x79: {  	_ =	swait.ge [sflag:s3], $0x80  }
0x7a: {  	[sflag:s3] =	ssyncset.done $0x0  }
0x7b: {  	[sflag:s3] =	ssyncadd.s32 $0xFFFFFF80  }
0x7c: {  	v6 =	vld [tilespmem:$0xA400]  }
0x7d: {  	v7 =	vld [tilespmem:$0xA410]  }
0x7e: {  	v8 =	vld [tilespmem:$0xA420]  }
0x7f: {  	v9 =	vld [tilespmem:$0xA430]  }
0x80: {  	v10 =	vld [tilespmem:$0xA440]  }
0x81: {  	v11 =	vld [tilespmem:$0xA450]  }
0x82: {  	v12 =	vld [tilespmem:$0xA460]  }
0x83: {  	v13 =	vld [tilespmem:$0xA470];
	[bflag:$0x0] =	sbarrier.arrive $0xFFFF  }
0x84: {  	s30 =	rddreg [dreg:$0x1b]  }
0x85: {  	[tilespmem:s22], [sflag:$0x3] =	stream.linear.gather [hbm4b:s30+s22], $0x200, $0x38;
	[tilespmem:$0x1F480] =	vst v63  }
0x86: {  	_ =	swait.ge [sflag:s3], $0x200  }
0x87: {  	[sflag:s3] =	ssyncset.done $0x0  }
0x88: {  	[sflag:s3] =	ssyncadd.s32 $0xFFFFFE00  }
0x89: {  	[tilespmem:s2], [sflag:$0x1] =	stream.indirect.gather [hbm4b:s10+s4], $0x80, s22, s4, $0xb8;
	[tilespmem:$0x1F480] =	vst v63  }
0x8a: {  	s23 =	simm.s32 $0x0  }
0x8b: {  	[tilespmem:s6], [sflag:$0x1] =	stream.indirect.gather [hbm4b:s17+s4], $0x80, s5, s4, $0xb8;
	[tilespmem:$0x1F480] =	vst v63  }
.LBB2_4:
0x8c: {  	s24 =	sshll.u32 s23, $0xA  }
0x8d: {  	s25 =	sadd.s32 s24, s12  }
0x8e: {  	s25 =	sshrl.u32 s25, $0x3  }
0x8f: {  	s25 =	sadd.s32 s18, s25  }
0x90: {  	[tilespmem:s7], [sflag:$0x3] =	stream.linear.gather [hbm4b:s25+s22], $0x200, $0x38;
	[tilespmem:$0x1F480] =	vst v63  }
0x91: {  	_ =	swait.ge [sflag:s3], $0x200  }
0x92: {  	[sflag:s3] =	ssyncset.done $0x0  }
0x93: {  	[sflag:s3] =	ssyncadd.s32 $0xFFFFFE00  }
0x94: {  	[tilespmem:s8], [sflag:$0x2] =	stream.indirect.gather [hbm4b:s10+s4], $0x80, s7, s4, $0xb8;
	[tilespmem:$0x1F480] =	vst v63  }
0x95: {  	_ = 	snop  }
0x96: {  	[tilespmem:s11], [sflag:$0x2] =	stream.indirect.gather [hbm4b:s17+s4], $0x80, s9, s4, $0xb8;
	[tilespmem:$0x1F480] =	vst v63  }
0x97: {  	_ =	swait.ge [sflag:s15], $0x2000  }
0x98: {  	[sflag:s15] =	ssyncset.done $0x0  }
0x99: {  	[sflag:s15] =	ssyncadd.s32 $0xFFFFE000  }
0x9a: {  	_ =	swait.ge [sflag:s15], $0x2000  }
0x9b: {  	[sflag:s15] =	ssyncset.done $0x0  }
0x9c: {  	s25 =	simm.s32 $0x4440;
	[sflag:s15] =	ssyncadd.s32 $0xFFFFE000  }
0x9d: {  	s26 =	simm.s32 $0x440;
	v14 =	vld [tilespmem:s25+$0xFFFFFFC0]  }
0x9e: {  	v15 =	vld [tilespmem:s26+$0xFFFFFFC0]  }
0x9f: {  	v16 =	vld [tilespmem:s25+$0xFFFFFFD0]  }
0xa0: {  	v17 =	vld [tilespmem:s26+$0xFFFFFFD0]  }
0xa1: {  	v18 =	vld [tilespmem:s25+$0xFFFFFFE0]  }
0xa2: {  	v19 =	vld [tilespmem:s26+$0xFFFFFFE0]  }
0xa3: {  	v20 =	vld [tilespmem:s25+$0xFFFFFFF0];
	v14 =	vadd.f32 v14, v15  }
0xa4: {  	v21 =	vld [tilespmem:s26+$0xFFFFFFF0]  }
0xa5: {  	v23 =	vld [tilespmem:s25+$0x0];
	v16 =	vadd.f32 v16, v17;
	v22 =	vmul.f32 $2.000000030e-01, v14  }
0xa6: {  	v24 =	vld [tilespmem:s26+$0x0]  }
0xa7: {  	v25 =	vld [tilespmem:s25+$0x10];
	v18 =	vadd.f32 v18, v19;
	v14 =	vmax.f32 v14, v22;
	v22 =	vmul.f32 $2.000000030e-01, v16  }
0xa8: {  	v26 =	vld [tilespmem:s26+$0x10];
	v14 =	vmul.f32 v14, v6  }
0xa9: {  	v27 =	vld [tilespmem:s25+$0x20];
	v20 =	vadd.f32 v20, v21;
	v16 =	vmax.f32 v16, v22;
	v22 =	vmul.f32 $2.000000030e-01, v18  }
0xaa: {  	v28 =	vld [tilespmem:s26+$0x20];
	v14 =	vadd.f32 $0.0e+00, v14;
	v16 =	vmul.f32 v16, v7  }
0xab: {  	v29 =	vld [tilespmem:s25+$0x30];
	v23 =	vadd.f32 v23, v24;
	v18 =	vmax.f32 v18, v22;
	v22 =	vmul.f32 $2.000000030e-01, v20  }
0xac: {  	v14 =	vadd.f32 v16, v14;
	v16 =	vmul.f32 v18, v8;
	v18 =	vld [tilespmem:s26+$0x30]  }
0xad: {  	v25 =	vadd.f32 v25, v26;
	v20 =	vmax.f32 v20, v22;
	v22 =	vmul.f32 $2.000000030e-01, v23  }
0xae: {  	v14 =	vadd.f32 v16, v14;
	v16 =	vmul.f32 v20, v9  }
0xaf: {  	v20 =	vmax.f32 v23, v22;
	v22 =	vmul.f32 $2.000000030e-01, v25;
	v23 =	vadd.f32 v27, v28  }
0xb0: {  	v14 =	vadd.f32 v16, v14;
	v16 =	vmul.f32 v20, v10  }
0xb1: {  	v20 =	vmax.f32 v25, v22;
	v22 =	vmul.f32 $2.000000030e-01, v23;
	v25 =	vadd.f32 v29, v18  }
0xb2: {  	v14 =	vadd.f32 v16, v14;
	v16 =	vmul.f32 v20, v11  }
0xb3: {  	v20 =	vmax.f32 v23, v22;
	v22 =	vmul.f32 $2.000000030e-01, v25  }
0xb4: {  	v14 =	vadd.f32 v16, v14;
	v16 =	vmul.f32 v20, v12  }
0xb5: {  	v20 =	vmax.f32 v25, v22  }
0xb6: {  	v14 =	vadd.f32 v16, v14;
	v16 =	vmul.f32 v20, v13;
	_ =	sdelay $0x1  }
0xb7: {  	v14 =	vadd.f32 v16, v14;
	_ =	sdelay $0x1  }
0xb8: {  	v16 =	vperm.xlane v14, v0;
	_ =	sdelay $0x1  }
0xb9: {  	v14 =	vadd.f32 v14, v16;
	_ =	sdelay $0x1  }
0xba: {  	v16 =	vperm.xlane v14, v1;
	_ =	sdelay $0x1  }
0xbb: {  	v14 =	vadd.f32 v14, v16;
	_ =	sdelay $0x1  }
0xbc: {  	v16 =	vperm.xlane v14, v2;
	_ =	sdelay $0x1  }
0xbd: {  	v14 =	vadd.f32 v14, v16;
	_ =	sdelay $0x1  }
0xbe: {  	v16 =	vperm.xlane v14, v4;
	_ =	sdelay $0x1  }
0xbf: {  	v14 =	vadd.f32 v14, v16;
	_ =	sdelay $0x1  }
0xc0: {  	v14 =	vmul.f32 $1.442695020e+00, v14;
	_ =	sdelay $0x1  }
0xc1: {  	(erf) = vpow2.f32 v14;
	_ =	sdelay $0x8  }
0xc2: {  	v16 =	vpop (erf)  }
0xc3: {  	v14 =	vld [tilespmem:$0x100];
	v15 =	vmul.f32 v16, v15  }
0xc4: {  	v17 =	vmul.f32 v16, v17  }
0xc5: {  	[tilespmem:s26+$0xFFFFFFC0] =	vst v15;
	v15 =	vmul.f32 v16, v19  }
0xc6: {  	[tilespmem:s26+$0xFFFFFFD0] =	vst v17;
	v17 =	vmul.f32 v16, v21  }
0xc7: {  	v19 =	vmov s22;
	[tilespmem:s26+$0xFFFFFFE0] =	vst v15;
	v15 =	vmul.f32 v16, v24  }
0xc8: {  	v19 =	vperm.xlane v14, v19;
	[tilespmem:s26+$0xFFFFFFF0] =	vst v17;
	v17 =	vmul.f32 v16, v26  }
0xc9: {  	[tilespmem:s26+$0x0] =	vst v15;
	v15 =	vmul.f32 v16, v28  }
0xca: {  	[tilespmem:s26+$0x10] =	vst v17;
	v17 =	vmul.f32 v16, v18;
	v18 =	vand.u32 $0xF, v19  }
0xcb: {  	vm0 =	veq.s32 v18, v5;
	[tilespmem:s26+$0x20] =	vst v15  }
0xcc: {  	s25 =	simm.s32 $0x8400;
	[tilespmem:s26+$0x30] =	vst v17;
	v15 =	vnsel vm0, $0x0, v16  }
0xcd: {  	s29 =	simm.s32 $0x44C0;
	[tilespmem:s25+$0x0] =	vst v15  }
0xce: {  	s26 =	simm.s32 $0x4C0;
	v18 =	vld [tilespmem:s29+$0xFFFFFFC0]  }
0xcf: {  	v15 =	vld [tilespmem:s26+$0xFFFFFFC0]  }
0xd0: {  	v19 =	vld [tilespmem:s29+$0xFFFFFFD0]  }
0xd1: {  	v16 =	vld [tilespmem:s26+$0xFFFFFFD0]  }
0xd2: {  	v22 =	vld [tilespmem:s29+$0xFFFFFFE0]  }
0xd3: {  	v17 =	vld [tilespmem:s26+$0xFFFFFFE0]  }
0xd4: {  	v21 =	vld [tilespmem:s29+$0xFFFFFFF0];
	v24 =	vadd.f32 v18, v15  }
0xd5: {  	v18 =	vld [tilespmem:s26+$0xFFFFFFF0]  }
0xd6: {  	v20 =	vld [tilespmem:s29+$0x0];
	v23 =	vadd.f32 v19, v16;
	v25 =	vmul.f32 $2.000000030e-01, v24  }
0xd7: {  	s28 =	simm.s32 $0x1;
	s30 =	simm.s32 $0x2;
	v19 =	vld [tilespmem:s26+$0x0]  }
.LBB2_5:
0xd8: {  	p0 =	sne.s32 s30, $0xF;
	v24 =	vmax.f32 v24, v25;
	v25 =	vmul.f32 $2.000000030e-01, v23;
	v22 =	vadd.f32 v22, v17;
	v26 =	vld [tilespmem:s29+$0x10]  }
0xd9: {  	v24 =	vmul.f32 v24, v6;
	v27 =	vld [tilespmem:s26+$0x10]  }
0xda: {  	v23 =	vmax.f32 v23, v25;
	v25 =	vmul.f32 $2.000000030e-01, v22;
	v21 =	vadd.f32 v21, v18;
	v28 =	vld [tilespmem:s29+$0x20]  }
0xdb: {  	v24 =	vadd.f32 $0.0e+00, v24;
	v23 =	vmul.f32 v23, v7;
	v29 =	vld [tilespmem:s26+$0x20]  }
0xdc: {  	v22 =	vmax.f32 v22, v25;
	v25 =	vmul.f32 $2.000000030e-01, v21;
	v20 =	vadd.f32 v20, v19;
	v30 =	vld [tilespmem:s29+$0x30]  }
0xdd: {  	v23 =	vadd.f32 v23, v24;
	v22 =	vmul.f32 v22, v8;
	v24 =	vld [tilespmem:s26+$0x30]  }
0xde: {  	v21 =	vmax.f32 v21, v25;
	v25 =	vmul.f32 $2.000000030e-01, v20;
	v26 =	vadd.f32 v26, v27  }
0xdf: {  	v22 =	vadd.f32 v22, v23;
	v21 =	vmul.f32 v21, v9  }
0xe0: {  	v20 =	vmax.f32 v20, v25;
	v23 =	vmul.f32 $2.000000030e-01, v26;
	v25 =	vadd.f32 v28, v29  }
0xe1: {  	v21 =	vadd.f32 v21, v22;
	v20 =	vmul.f32 v20, v10  }
0xe2: {  	v22 =	vmax.f32 v26, v23;
	v23 =	vmul.f32 $2.000000030e-01, v25;
	v26 =	vadd.f32 v30, v24  }
0xe3: {  	v20 =	vadd.f32 v20, v21;
	v21 =	vmul.f32 v22, v11  }
0xe4: {  	v22 =	vmax.f32 v25, v23;
	v23 =	vmul.f32 $2.000000030e-01, v26  }
0xe5: {  	v20 =	vadd.f32 v21, v20;
	v21 =	vmul.f32 v22, v12  }
0xe6: {  	v22 =	vmax.f32 v26, v23  }
0xe7: {  	v20 =	vadd.f32 v21, v20;
	v21 =	vmul.f32 v22, v13;
	_ =	sdelay $0x1  }
0xe8: {  	v20 =	vadd.f32 v21, v20;
	_ =	sdelay $0x1  }
0xe9: {  	v21 =	vperm.xlane v20, v0;
	_ =	sdelay $0x1  }
0xea: {  	v20 =	vadd.f32 v20, v21;
	_ =	sdelay $0x1  }
0xeb: {  	v21 =	vperm.xlane v20, v1;
	_ =	sdelay $0x1  }
0xec: {  	v20 =	vadd.f32 v20, v21;
	_ =	sdelay $0x1  }
0xed: {  	v21 =	vperm.xlane v20, v2;
	_ =	sdelay $0x1  }
0xee: {  	v20 =	vadd.f32 v20, v21;
	_ =	sdelay $0x1  }
0xef: {  	v21 =	vperm.xlane v20, v4;
	_ =	sdelay $0x1  }
0xf0: {  	v20 =	vadd.f32 v20, v21;
	_ =	sdelay $0x1  }
0xf1: {  	v20 =	vmul.f32 $1.442695020e+00, v20;
	_ =	sdelay $0x1  }
0xf2: {  	(erf) = vpow2.f32 v20;
	_ =	sdelay $0x8  }
0xf3: {  	v20 =	vpop (erf)  }
0xf4: {  	v15 =	vmul.f32 v20, v15  }
0xf5: {  	v16 =	vmul.f32 v20, v16  }
0xf6: {  	[tilespmem:s26+$0xFFFFFFC0] =	vst v15;
	v15 =	vmul.f32 v20, v17  }
0xf7: {  	[tilespmem:s26+$0xFFFFFFD0] =	vst v16;
	v16 =	vmul.f32 v20, v18  }
0xf8: {  	v17 =	vmov s28;
	s28 =	smov.u32 s30;
	[tilespmem:s26+$0xFFFFFFE0] =	vst v15;
	v15 =	vmul.f32 v20, v19  }
0xf9: {  	v17 =	vperm.xlane v14, v17;
	[tilespmem:s26+$0xFFFFFFF0] =	vst v16;
	v16 =	vmul.f32 v20, v27  }
0xfa: {  	[tilespmem:s26+$0x0] =	vst v15;
	v15 =	vmul.f32 v20, v29  }
0xfb: {  	v17 =	vand.u32 $0xF, v17;
	[tilespmem:s26+$0x10] =	vst v16;
	v16 =	vmul.f32 v20, v24  }
0xfc: {  	vm0 =	veq.s32 v17, v5;
	[tilespmem:s26+$0x20] =	vst v15  }
0xfd: {  	s25 =	sadd.s32 $0x80, s25;
	v15 =	vnsel vm0, $0x0, v20;
	[tilespmem:s26+$0x30] =	vst v16  }
0xfe: {  	s29 =	sadd.s32 $0x80, s29;
	[tilespmem:s25+$0x0] =	vst v15  }
0xff: {  	s26 =	sadd.s32 $0x80, s26;
	v18 =	vld [tilespmem:s29+$0xFFFFFFC0]  }
0x100: {  	v15 =	vld [tilespmem:s26+$0xFFFFFFC0]  }
0x101: {  	v19 =	vld [tilespmem:s29+$0xFFFFFFD0]  }
0x102: {  	v16 =	vld [tilespmem:s26+$0xFFFFFFD0]  }
0x103: {  	v22 =	vld [tilespmem:s29+$0xFFFFFFE0]  }
.Ltmp1:
0x104: {  	v17 =	vld [tilespmem:s26+$0xFFFFFFE0];
	(pc) =	sbr.rel @p0 .LBB2_5-.Ltmp1, $4  }
0x105: {  	v24 =	vadd.f32 v18, v15;
	v21 =	vld [tilespmem:s29+$0xFFFFFFF0]  }
0x106: {  	v18 =	vld [tilespmem:s26+$0xFFFFFFF0]  }
0x107: {  	v25 =	vmul.f32 $2.000000030e-01, v24;
	v23 =	vadd.f32 v19, v16;
	v20 =	vld [tilespmem:s29+$0x0]  }
0x108: {  	s30 =	sadd.s32 $0x1, s30;
	v19 =	vld [tilespmem:s26+$0x0]  }
0x109: {  	v24 =	vmax.f32 v24, v25;
	v25 =	vmul.f32 $2.000000030e-01, v23;
	v22 =	vadd.f32 v22, v17;
	v26 =	vld [tilespmem:s29+$0x10]  }
0x10a: {  	v27 =	vld [tilespmem:s26+$0x10];
	v24 =	vmul.f32 v24, v6  }
0x10b: {  	v28 =	vld [tilespmem:s29+$0x20];
	v23 =	vmax.f32 v23, v25;
	v25 =	vmul.f32 $2.000000030e-01, v22;
	v21 =	vadd.f32 v21, v18  }
0x10c: {  	v29 =	vld [tilespmem:s26+$0x20];
	v24 =	vadd.f32 $0.0e+00, v24;
	v23 =	vmul.f32 v23, v7  }
0x10d: {  	v30 =	vld [tilespmem:s29+$0x30];
	v22 =	vmax.f32 v22, v25;
	v25 =	vmul.f32 $2.000000030e-01, v21;
	v20 =	vadd.f32 v20, v19  }
0x10e: {  	v23 =	vadd.f32 v23, v24;
	v22 =	vmul.f32 v22, v8;
	v24 =	vld [tilespmem:s26+$0x30]  }
0x10f: {  	v26 =	vadd.f32 v26, v27;
	v21 =	vmax.f32 v21, v25;
	v25 =	vmul.f32 $2.000000030e-01, v20  }
0x110: {  	v22 =	vadd.f32 v22, v23;
	v21 =	vmul.f32 v21, v9  }
0x111: {  	v23 =	vmul.f32 $2.000000030e-01, v26;
	v20 =	vmax.f32 v20, v25;
	v25 =	vadd.f32 v28, v29  }
0x112: {  	v21 =	vadd.f32 v21, v22;
	v20 =	vmul.f32 v20, v10  }
0x113: {  	v22 =	vmax.f32 v26, v23;
	v23 =	vmul.f32 $2.000000030e-01, v25;
	v26 =	vadd.f32 v30, v24  }
0x114: {  	v20 =	vadd.f32 v20, v21;
	v21 =	vmul.f32 v22, v11  }
0x115: {  	v22 =	vmax.f32 v25, v23;
	v23 =	vmul.f32 $2.000000030e-01, v26  }
0x116: {  	v20 =	vadd.f32 v21, v20;
	v21 =	vmul.f32 v22, v12  }
0x117: {  	v22 =	vmax.f32 v26, v23  }
0x118: {  	v20 =	vadd.f32 v21, v20;
	v21 =	vmul.f32 v22, v13;
	_ =	sdelay $0x1  }
0x119: {  	v20 =	vadd.f32 v21, v20;
	_ =	sdelay $0x1  }
0x11a: {  	v21 =	vperm.xlane v20, v0;
	_ =	sdelay $0x1  }
0x11b: {  	v20 =	vadd.f32 v20, v21;
	_ =	sdelay $0x1  }
0x11c: {  	v21 =	vperm.xlane v20, v1;
	_ =	sdelay $0x1  }
0x11d: {  	v20 =	vadd.f32 v20, v21;
	_ =	sdelay $0x1  }
0x11e: {  	v21 =	vperm.xlane v20, v2;
	_ =	sdelay $0x1  }
0x11f: {  	v20 =	vadd.f32 v20, v21;
	_ =	sdelay $0x1  }
0x120: {  	v21 =	vperm.xlane v20, v4;
	_ =	sdelay $0x1  }
0x121: {  	v20 =	vadd.f32 v20, v21;
	_ =	sdelay $0x1  }
0x122: {  	v20 =	vmul.f32 $1.442695020e+00, v20;
	_ =	sdelay $0x1  }
0x123: {  	(erf) = vpow2.f32 v20;
	_ =	sdelay $0x8  }
0x124: {  	v20 =	vpop (erf)  }
0x125: {  	v15 =	vmul.f32 v20, v15  }
0x126: {  	v16 =	vmul.f32 v20, v16  }
0x127: {  	[tilespmem:s26+$0xFFFFFFC0] =	vst v15;
	v15 =	vmul.f32 v20, v17  }
0x128: {  	[tilespmem:s26+$0xFFFFFFD0] =	vst v16;
	v16 =	vmul.f32 v20, v18  }
0x129: {  	v17 =	vmov s28;
	[tilespmem:s26+$0xFFFFFFE0] =	vst v15;
	v15 =	vmul.f32 v20, v19  }
0x12a: {  	v14 =	vperm.xlane v14, v17;
	[tilespmem:s26+$0xFFFFFFF0] =	vst v16;
	v16 =	vmul.f32 v20, v27  }
0x12b: {  	[tilespmem:s26+$0x0] =	vst v15;
	v15 =	vmul.f32 v20, v29  }
0x12c: {  	v14 =	vand.u32 $0xF, v14;
	[tilespmem:s26+$0x10] =	vst v16;
	v16 =	vmul.f32 v20, v24  }
0x12d: {  	vm0 =	veq.s32 v14, v5;
	[tilespmem:s26+$0x20] =	vst v15  }
0x12e: {  	s25 =	sadd.s32 $0x80, s25;
	v14 =	vnsel vm0, $0x0, v20;
	[tilespmem:s26+$0x30] =	vst v16  }
0x12f: {  	[tilespmem:s25+$0x0] =	vst v14;
	s25 =	simm.s32 $0x4C70  }
0x130: {  	s26 =	simm.s32 $0xC70;
	v14 =	vld [tilespmem:s25+$0xFFFFFF90]  }
0x131: {  	v15 =	vld [tilespmem:s26+$0xFFFFFF90]  }
0x132: {  	v16 =	vld [tilespmem:s25+$0xFFFFFFA0]  }
0x133: {  	v17 =	vld [tilespmem:s26+$0xFFFFFFA0]  }
0x134: {  	v18 =	vld [tilespmem:s25+$0xFFFFFFB0]  }
0x135: {  	v19 =	vld [tilespmem:s26+$0xFFFFFFB0]  }
0x136: {  	v20 =	vld [tilespmem:s25+$0xFFFFFFC0];
	v14 =	vadd.f32 v14, v15  }
0x137: {  	v21 =	vld [tilespmem:s26+$0xFFFFFFC0]  }
0x138: {  	v23 =	vld [tilespmem:s25+$0xFFFFFFD0];
	v16 =	vadd.f32 v16, v17;
	v22 =	vmul.f32 $2.000000030e-01, v14  }
0x139: {  	v24 =	vld [tilespmem:s26+$0xFFFFFFD0]  }
0x13a: {  	v25 =	vld [tilespmem:s25+$0xFFFFFFE0];
	v18 =	vadd.f32 v18, v19;
	v14 =	vmax.f32 v14, v22;
	v22 =	vmul.f32 $2.000000030e-01, v16  }
0x13b: {  	v26 =	vld [tilespmem:s26+$0xFFFFFFE0];
	v14 =	vmul.f32 v14, v6  }
0x13c: {  	v27 =	vld [tilespmem:s25+$0xFFFFFFF0];
	v20 =	vadd.f32 v20, v21;
	v16 =	vmax.f32 v16, v22;
	v22 =	vmul.f32 $2.000000030e-01, v18  }
0x13d: {  	v62 =	vld [tilespmem:s26+$0xFFFFFFF0];
	v14 =	vadd.f32 $0.0e+00, v14;
	v16 =	vmul.f32 v16, v7  }
0x13e: {  	v63 =	vld [tilespmem:s25+$0x0];
	v23 =	vadd.f32 v23, v24;
	v18 =	vmax.f32 v18, v22;
	v22 =	vmul.f32 $2.000000030e-01, v20  }
0x13f: {  	v14 =	vadd.f32 v16, v14;
	v16 =	vmul.f32 v18, v8;
	v18 =	vld [tilespmem:s26+$0x0]  }
0x140: {  	v25 =	vadd.f32 v25, v26;
	v20 =	vmax.f32 v20, v22;
	v22 =	vmul.f32 $2.000000030e-01, v23  }
0x141: {  	v14 =	vadd.f32 v16, v14;
	v16 =	vmul.f32 v20, v9  }
0x142: {  	v20 =	vmax.f32 v23, v22;
	v22 =	vmul.f32 $2.000000030e-01, v25;
	v23 =	vadd.f32 v27, v62  }
0x143: {  	v14 =	vadd.f32 v16, v14;
	v16 =	vmul.f32 v20, v10  }
0x144: {  	v20 =	vmax.f32 v25, v22;
	v22 =	vmul.f32 $2.000000030e-01, v23;
	v25 =	vadd.f32 v63, v18  }
0x145: {  	v14 =	vadd.f32 v16, v14;
	v16 =	vmul.f32 v20, v11  }
0x146: {  	v20 =	vmax.f32 v23, v22;
	v22 =	vmul.f32 $2.000000030e-01, v25  }
0x147: {  	v14 =	vadd.f32 v16, v14;
	v16 =	vmul.f32 v20, v12  }
0x148: {  	v20 =	vmax.f32 v25, v22  }
0x149: {  	v14 =	vadd.f32 v16, v14;
	v16 =	vmul.f32 v20, v13;
	_ =	sdelay $0x1  }
0x14a: {  	v14 =	vadd.f32 v16, v14;
	_ =	sdelay $0x1  }
0x14b: {  	v16 =	vperm.xlane v14, v0;
	_ =	sdelay $0x1  }
0x14c: {  	v14 =	vadd.f32 v14, v16;
	_ =	sdelay $0x1  }
0x14d: {  	v16 =	vperm.xlane v14, v1;
	_ =	sdelay $0x1  }
0x14e: {  	v14 =	vadd.f32 v14, v16;
	_ =	sdelay $0x1  }
0x14f: {  	v16 =	vperm.xlane v14, v2;
	_ =	sdelay $0x1  }
0x150: {  	v14 =	vadd.f32 v14, v16;
	_ =	sdelay $0x1  }
0x151: {  	v16 =	vperm.xlane v14, v4;
	_ =	sdelay $0x1  }
0x152: {  	v14 =	vadd.f32 v14, v16;
	_ =	sdelay $0x1  }
0x153: {  	v14 =	vmul.f32 $1.442695020e+00, v14;
	_ =	sdelay $0x1  }
0x154: {  	(erf) = vpow2.f32 v14;
	_ =	sdelay $0x8  }
0x155: {  	v16 =	vpop (erf)  }
0x156: {  	v14 =	vld [tilespmem:$0x110];
	v15 =	vmul.f32 v16, v15  }
0x157: {  	v17 =	vmul.f32 v16, v17  }
0x158: {  	[tilespmem:s26+$0xFFFFFF90] =	vst v15;
	v15 =	vmul.f32 v16, v19  }
0x159: {  	s25 =	simm.s32 $0x0;
	[tilespmem:s26+$0xFFFFFFA0] =	vst v17;
	v17 =	vmul.f32 v16, v21  }
0x15a: {  	v19 =	vmov s25;
	[tilespmem:s26+$0xFFFFFFB0] =	vst v15;
	v15 =	vmul.f32 v16, v24  }
0x15b: {  	v19 =	vperm.xlane v14, v19;
	[tilespmem:s26+$0xFFFFFFC0] =	vst v17;
	v17 =	vmul.f32 v16, v26  }
0x15c: {  	[tilespmem:s26+$0xFFFFFFD0] =	vst v15;
	v15 =	vmul.f32 v16, v62  }
0x15d: {  	[tilespmem:s26+$0xFFFFFFE0] =	vst v17;
	v17 =	vmul.f32 v16, v18;
	v18 =	vand.u32 $0xF, v19  }
0x15e: {  	vm15 =	veq.s32 v18, v5;
	[tilespmem:s26+$0xFFFFFFF0] =	vst v15  }
0x15f: {  	s25 =	simm.s32 $0x8C00;
	[tilespmem:s26+$0x0] =	vst v17;
	v15 =	vnsel vm15, $0x0, v16  }
0x160: {  	s29 =	simm.s32 $0x4CF0;
	[tilespmem:s25+$0x0] =	vst v15  }
0x161: {  	s26 =	simm.s32 $0xCF0;
	v18 =	vld [tilespmem:s29+$0xFFFFFF90]  }
0x162: {  	v15 =	vld [tilespmem:s26+$0xFFFFFF90]  }
0x163: {  	v19 =	vld [tilespmem:s29+$0xFFFFFFA0]  }
0x164: {  	v16 =	vld [tilespmem:s26+$0xFFFFFFA0]  }
0x165: {  	v22 =	vld [tilespmem:s29+$0xFFFFFFB0]  }
0x166: {  	v17 =	vld [tilespmem:s26+$0xFFFFFFB0]  }
0x167: {  	v21 =	vld [tilespmem:s29+$0xFFFFFFC0];
	v24 =	vadd.f32 v18, v15  }
0x168: {  	v18 =	vld [tilespmem:s26+$0xFFFFFFC0]  }
0x169: {  	v20 =	vld [tilespmem:s29+$0xFFFFFFD0];
	v23 =	vadd.f32 v19, v16;
	v25 =	vmul.f32 $2.000000030e-01, v24  }
0x16a: {  	s30 =	simm.s32 $0x2;
	s28 =	simm.s32 $0x1;
	v19 =	vld [tilespmem:s26+$0xFFFFFFD0]  }
.LBB2_7:
0x16b: {  	p0 =	sne.s32 s30, $0xF;
	v24 =	vmax.f32 v24, v25;
	v25 =	vmul.f32 $2.000000030e-01, v23;
	v22 =	vadd.f32 v22, v17;
	v26 =	vld [tilespmem:s29+$0xFFFFFFE0]  }
0x16c: {  	v24 =	vmul.f32 v24, v6;
	v27 =	vld [tilespmem:s26+$0xFFFFFFE0]  }
0x16d: {  	v23 =	vmax.f32 v23, v25;
	v25 =	vmul.f32 $2.000000030e-01, v22;
	v21 =	vadd.f32 v21, v18;
	v28 =	vld [tilespmem:s29+$0xFFFFFFF0]  }
0x16e: {  	v24 =	vadd.f32 $0.0e+00, v24;
	v23 =	vmul.f32 v23, v7;
	v29 =	vld [tilespmem:s26+$0xFFFFFFF0]  }
0x16f: {  	v22 =	vmax.f32 v22, v25;
	v25 =	vmul.f32 $2.000000030e-01, v21;
	v20 =	vadd.f32 v20, v19;
	v30 =	vld [tilespmem:s29+$0x0]  }
0x170: {  	v23 =	vadd.f32 v23, v24;
	v22 =	vmul.f32 v22, v8;
	v24 =	vld [tilespmem:s26+$0x0]  }
0x171: {  	v21 =	vmax.f32 v21, v25;
	v25 =	vmul.f32 $2.000000030e-01, v20;
	v26 =	vadd.f32 v26, v27  }
0x172: {  	v22 =	vadd.f32 v22, v23;
	v21 =	vmul.f32 v21, v9  }
0x173: {  	v20 =	vmax.f32 v20, v25;
	v23 =	vmul.f32 $2.000000030e-01, v26;
	v25 =	vadd.f32 v28, v29  }
0x174: {  	v21 =	vadd.f32 v21, v22;
	v20 =	vmul.f32 v20, v10  }
0x175: {  	v22 =	vmax.f32 v26, v23;
	v23 =	vmul.f32 $2.000000030e-01, v25;
	v26 =	vadd.f32 v30, v24  }
0x176: {  	v20 =	vadd.f32 v20, v21;
	v21 =	vmul.f32 v22, v11  }
0x177: {  	v22 =	vmax.f32 v25, v23;
	v23 =	vmul.f32 $2.000000030e-01, v26  }
0x178: {  	v20 =	vadd.f32 v21, v20;
	v21 =	vmul.f32 v22, v12  }
0x179: {  	v22 =	vmax.f32 v26, v23  }
0x17a: {  	v20 =	vadd.f32 v21, v20;
	v21 =	vmul.f32 v22, v13;
	_ =	sdelay $0x1  }
0x17b: {  	v20 =	vadd.f32 v21, v20;
	_ =	sdelay $0x1  }
0x17c: {  	v21 =	vperm.xlane v20, v0;
	_ =	sdelay $0x1  }
0x17d: {  	v20 =	vadd.f32 v20, v21;
	_ =	sdelay $0x1  }
0x17e: {  	v21 =	vperm.xlane v20, v1;
	_ =	sdelay $0x1  }
0x17f: {  	v20 =	vadd.f32 v20, v21;
	_ =	sdelay $0x1  }
0x180: {  	v21 =	vperm.xlane v20, v2;
	_ =	sdelay $0x1  }
0x181: {  	v20 =	vadd.f32 v20, v21;
	_ =	sdelay $0x1  }
0x182: {  	v21 =	vperm.xlane v20, v4;
	_ =	sdelay $0x1  }
0x183: {  	v20 =	vadd.f32 v20, v21;
	_ =	sdelay $0x1  }
0x184: {  	v20 =	vmul.f32 $1.442695020e+00, v20;
	_ =	sdelay $0x1  }
0x185: {  	(erf) = vpow2.f32 v20;
	_ =	sdelay $0x8  }
0x186: {  	v20 =	vpop (erf)  }
0x187: {  	v15 =	vmul.f32 v20, v15  }
0x188: {  	v16 =	vmul.f32 v20, v16  }
0x189: {  	[tilespmem:s26+$0xFFFFFF90] =	vst v15;
	v15 =	vmul.f32 v20, v17  }
0x18a: {  	[tilespmem:s26+$0xFFFFFFA0] =	vst v16;
	v16 =	vmul.f32 v20, v18  }
0x18b: {  	v17 =	vmov s28;
	s28 =	smov.u32 s30;
	[tilespmem:s26+$0xFFFFFFB0] =	vst v15;
	v15 =	vmul.f32 v20, v19  }
0x18c: {  	v17 =	vperm.xlane v14, v17;
	[tilespmem:s26+$0xFFFFFFC0] =	vst v16;
	v16 =	vmul.f32 v20, v27  }
0x18d: {  	[tilespmem:s26+$0xFFFFFFD0] =	vst v15;
	v15 =	vmul.f32 v20, v29  }
0x18e: {  	v17 =	vand.u32 $0xF, v17;
	[tilespmem:s26+$0xFFFFFFE0] =	vst v16;
	v16 =	vmul.f32 v20, v24  }
0x18f: {  	vm0 =	veq.s32 v17, v5;
	[tilespmem:s26+$0xFFFFFFF0] =	vst v15  }
0x190: {  	s25 =	sadd.s32 $0x80, s25;
	v15 =	vnsel vm0, $0x0, v20;
	[tilespmem:s26+$0x0] =	vst v16  }
0x191: {  	s29 =	sadd.s32 $0x80, s29;
	[tilespmem:s25+$0x0] =	vst v15  }
0x192: {  	s26 =	sadd.s32 $0x80, s26;
	v18 =	vld [tilespmem:s29+$0xFFFFFF90]  }
0x193: {  	v15 =	vld [tilespmem:s26+$0xFFFFFF90]  }
0x194: {  	v19 =	vld [tilespmem:s29+$0xFFFFFFA0]  }
0x195: {  	v16 =	vld [tilespmem:s26+$0xFFFFFFA0]  }
0x196: {  	v22 =	vld [tilespmem:s29+$0xFFFFFFB0]  }
.Ltmp2:
0x197: {  	v17 =	vld [tilespmem:s26+$0xFFFFFFB0];
	(pc) =	sbr.rel @p0 .LBB2_7-.Ltmp2, $4  }
0x198: {  	v24 =	vadd.f32 v18, v15;
	v21 =	vld [tilespmem:s29+$0xFFFFFFC0]  }
0x199: {  	v18 =	vld [tilespmem:s26+$0xFFFFFFC0]  }
0x19a: {  	v25 =	vmul.f32 $2.000000030e-01, v24;
	v23 =	vadd.f32 v19, v16;
	v20 =	vld [tilespmem:s29+$0xFFFFFFD0]  }
0x19b: {  	s30 =	sadd.s32 $0x1, s30;
	v19 =	vld [tilespmem:s26+$0xFFFFFFD0]  }
0x19c: {  	v24 =	vmax.f32 v24, v25;
	v25 =	vmul.f32 $2.000000030e-01, v23;
	v22 =	vadd.f32 v22, v17;
	v26 =	vld [tilespmem:s29+$0xFFFFFFE0]  }
0x19d: {  	v27 =	vld [tilespmem:s26+$0xFFFFFFE0];
	v24 =	vmul.f32 v24, v6  }
0x19e: {  	v28 =	vld [tilespmem:s29+$0xFFFFFFF0];
	v23 =	vmax.f32 v23, v25;
	v25 =	vmul.f32 $2.000000030e-01, v22;
	v21 =	vadd.f32 v21, v18  }
0x19f: {  	v29 =	vld [tilespmem:s26+$0xFFFFFFF0];
	v24 =	vadd.f32 $0.0e+00, v24;
	v23 =	vmul.f32 v23, v7  }
0x1a0: {  	v30 =	vld [tilespmem:s29+$0x0];
	v22 =	vmax.f32 v22, v25;
	v25 =	vmul.f32 $2.000000030e-01, v21;
	v20 =	vadd.f32 v20, v19  }
0x1a1: {  	v23 =	vadd.f32 v23, v24;
	v22 =	vmul.f32 v22, v8;
	v24 =	vld [tilespmem:s26+$0x0]  }
0x1a2: {  	v26 =	vadd.f32 v26, v27;
	v21 =	vmax.f32 v21, v25;
	v25 =	vmul.f32 $2.000000030e-01, v20  }
0x1a3: {  	v22 =	vadd.f32 v22, v23;
	v21 =	vmul.f32 v21, v9  }
0x1a4: {  	v23 =	vmul.f32 $2.000000030e-01, v26;
	v20 =	vmax.f32 v20, v25;
	v25 =	vadd.f32 v28, v29  }
0x1a5: {  	v21 =	vadd.f32 v21, v22;
	v20 =	vmul.f32 v20, v10  }
0x1a6: {  	v22 =	vmax.f32 v26, v23;
	v23 =	vmul.f32 $2.000000030e-01, v25;
	v26 =	vadd.f32 v30, v24  }
0x1a7: {  	v20 =	vadd.f32 v20, v21;
	v21 =	vmul.f32 v22, v11  }
0x1a8: {  	v22 =	vmax.f32 v25, v23;
	v23 =	vmul.f32 $2.000000030e-01, v26  }
0x1a9: {  	v20 =	vadd.f32 v21, v20;
	v21 =	vmul.f32 v22, v12  }
0x1aa: {  	v22 =	vmax.f32 v26, v23  }
0x1ab: {  	v20 =	vadd.f32 v21, v20;
	v21 =	vmul.f32 v22, v13;
	_ =	sdelay $0x1  }
0x1ac: {  	v20 =	vadd.f32 v21, v20;
	_ =	sdelay $0x1  }
0x1ad: {  	v21 =	vperm.xlane v20, v0;
	_ =	sdelay $0x1  }
0x1ae: {  	v20 =	vadd.f32 v20, v21;
	_ =	sdelay $0x1  }
0x1af: {  	v21 =	vperm.xlane v20, v1;
	_ =	sdelay $0x1  }
0x1b0: {  	v20 =	vadd.f32 v20, v21;
	_ =	sdelay $0x1  }
0x1b1: {  	v21 =	vperm.xlane v20, v2;
	_ =	sdelay $0x1  }
0x1b2: {  	v20 =	vadd.f32 v20, v21;
	_ =	sdelay $0x1  }
0x1b3: {  	v21 =	vperm.xlane v20, v4;
	_ =	sdelay $0x1  }
0x1b4: {  	v20 =	vadd.f32 v20, v21;
	_ =	sdelay $0x1  }
0x1b5: {  	v20 =	vmul.f32 $1.442695020e+00, v20;
	_ =	sdelay $0x1  }
0x1b6: {  	(erf) = vpow2.f32 v20;
	_ =	sdelay $0x8  }
0x1b7: {  	v20 =	vpop (erf)  }
0x1b8: {  	v15 =	vmul.f32 v20, v15  }
0x1b9: {  	v16 =	vmul.f32 v20, v16  }
0x1ba: {  	[tilespmem:s26+$0xFFFFFF90] =	vst v15;
	v15 =	vmul.f32 v20, v17  }
0x1bb: {  	[tilespmem:s26+$0xFFFFFFA0] =	vst v16;
	v16 =	vmul.f32 v20, v18  }
0x1bc: {  	v17 =	vmov s28;
	[tilespmem:s26+$0xFFFFFFB0] =	vst v15;
	v15 =	vmul.f32 v20, v19  }
0x1bd: {  	v14 =	vperm.xlane v14, v17;
	[tilespmem:s26+$0xFFFFFFC0] =	vst v16;
	v16 =	vmul.f32 v20, v27  }
0x1be: {  	[tilespmem:s26+$0xFFFFFFD0] =	vst v15;
	v15 =	vmul.f32 v20, v29  }
0x1bf: {  	v14 =	vand.u32 $0xF, v14;
	[tilespmem:s26+$0xFFFFFFE0] =	vst v16;
	v16 =	vmul.f32 v20, v24  }
0x1c0: {  	vm0 =	veq.s32 v14, v5;
	[tilespmem:s26+$0xFFFFFFF0] =	vst v15  }
0x1c1: {  	s25 =	sadd.s32 $0x80, s25;
	v14 =	vnsel vm0, $0x0, v20;
	[tilespmem:s26+$0x0] =	vst v16  }
0x1c2: {  	[tilespmem:s25+$0x0] =	vst v14;
	s25 =	simm.s32 $0x5470  }
0x1c3: {  	s26 =	simm.s32 $0x1470;
	v14 =	vld [tilespmem:s25+$0xFFFFFF90]  }
0x1c4: {  	v15 =	vld [tilespmem:s26+$0xFFFFFF90]  }
0x1c5: {  	v16 =	vld [tilespmem:s25+$0xFFFFFFA0]  }
0x1c6: {  	v17 =	vld [tilespmem:s26+$0xFFFFFFA0]  }
0x1c7: {  	v18 =	vld [tilespmem:s25+$0xFFFFFFB0]  }
0x1c8: {  	v19 =	vld [tilespmem:s26+$0xFFFFFFB0]  }
0x1c9: {  	v20 =	vld [tilespmem:s25+$0xFFFFFFC0];
	v14 =	vadd.f32 v14, v15  }
0x1ca: {  	v21 =	vld [tilespmem:s26+$0xFFFFFFC0]  }
0x1cb: {  	v23 =	vld [tilespmem:s25+$0xFFFFFFD0];
	v16 =	vadd.f32 v16, v17;
	v22 =	vmul.f32 $2.000000030e-01, v14  }
0x1cc: {  	v24 =	vld [tilespmem:s26+$0xFFFFFFD0]  }
0x1cd: {  	v25 =	vld [tilespmem:s25+$0xFFFFFFE0];
	v18 =	vadd.f32 v18, v19;
	v14 =	vmax.f32 v14, v22;
	v22 =	vmul.f32 $2.000000030e-01, v16  }
0x1ce: {  	v26 =	vld [tilespmem:s26+$0xFFFFFFE0];
	v14 =	vmul.f32 v14, v6  }
0x1cf: {  	v27 =	vld [tilespmem:s25+$0xFFFFFFF0];
	v20 =	vadd.f32 v20, v21;
	v16 =	vmax.f32 v16, v22;
	v22 =	vmul.f32 $2.000000030e-01, v18  }
0x1d0: {  	v62 =	vld [tilespmem:s26+$0xFFFFFFF0];
	v14 =	vadd.f32 $0.0e+00, v14;
	v16 =	vmul.f32 v16, v7  }
0x1d1: {  	v63 =	vld [tilespmem:s25+$0x0];
	v23 =	vadd.f32 v23, v24;
	v18 =	vmax.f32 v18, v22;
	v22 =	vmul.f32 $2.000000030e-01, v20  }
0x1d2: {  	v14 =	vadd.f32 v16, v14;
	v16 =	vmul.f32 v18, v8;
	v18 =	vld [tilespmem:s26+$0x0]  }
0x1d3: {  	v25 =	vadd.f32 v25, v26;
	v20 =	vmax.f32 v20, v22;
	v22 =	vmul.f32 $2.000000030e-01, v23  }
0x1d4: {  	v14 =	vadd.f32 v16, v14;
	v16 =	vmul.f32 v20, v9  }
0x1d5: {  	v20 =	vmax.f32 v23, v22;
	v22 =	vmul.f32 $2.000000030e-01, v25;
	v23 =	vadd.f32 v27, v62  }
0x1d6: {  	v14 =	vadd.f32 v16, v14;
	v16 =	vmul.f32 v20, v10  }
0x1d7: {  	v20 =	vmax.f32 v25, v22;
	v22 =	vmul.f32 $2.000000030e-01, v23;
	v25 =	vadd.f32 v63, v18  }
0x1d8: {  	v14 =	vadd.f32 v16, v14;
	v16 =	vmul.f32 v20, v11  }
0x1d9: {  	v20 =	vmax.f32 v23, v22;
	v22 =	vmul.f32 $2.000000030e-01, v25  }
0x1da: {  	v14 =	vadd.f32 v16, v14;
	v16 =	vmul.f32 v20, v12  }
0x1db: {  	v20 =	vmax.f32 v25, v22  }
0x1dc: {  	v14 =	vadd.f32 v16, v14;
	v16 =	vmul.f32 v20, v13;
	_ =	sdelay $0x1  }
0x1dd: {  	v14 =	vadd.f32 v16, v14;
	_ =	sdelay $0x1  }
0x1de: {  	v16 =	vperm.xlane v14, v0;
	_ =	sdelay $0x1  }
0x1df: {  	v14 =	vadd.f32 v14, v16;
	_ =	sdelay $0x1  }
0x1e0: {  	v16 =	vperm.xlane v14, v1;
	_ =	sdelay $0x1  }
0x1e1: {  	v14 =	vadd.f32 v14, v16;
	_ =	sdelay $0x1  }
0x1e2: {  	v16 =	vperm.xlane v14, v2;
	_ =	sdelay $0x1  }
0x1e3: {  	v14 =	vadd.f32 v14, v16;
	_ =	sdelay $0x1  }
0x1e4: {  	v16 =	vperm.xlane v14, v4;
	_ =	sdelay $0x1  }
0x1e5: {  	v14 =	vadd.f32 v14, v16;
	_ =	sdelay $0x1  }
0x1e6: {  	v14 =	vmul.f32 $1.442695020e+00, v14;
	_ =	sdelay $0x1  }
0x1e7: {  	(erf) = vpow2.f32 v14;
	_ =	sdelay $0x8  }
0x1e8: {  	v16 =	vpop (erf)  }
0x1e9: {  	v14 =	vld [tilespmem:$0x120];
	v15 =	vmul.f32 v16, v15  }
0x1ea: {  	v17 =	vmul.f32 v16, v17  }
0x1eb: {  	[tilespmem:s26+$0xFFFFFF90] =	vst v15;
	v15 =	vmul.f32 v16, v19  }
0x1ec: {  	s25 =	simm.s32 $0x0;
	[tilespmem:s26+$0xFFFFFFA0] =	vst v17;
	v17 =	vmul.f32 v16, v21  }
0x1ed: {  	v19 =	vmov s25;
	[tilespmem:s26+$0xFFFFFFB0] =	vst v15;
	v15 =	vmul.f32 v16, v24  }
0x1ee: {  	v19 =	vperm.xlane v14, v19;
	[tilespmem:s26+$0xFFFFFFC0] =	vst v17;
	v17 =	vmul.f32 v16, v26  }
0x1ef: {  	[tilespmem:s26+$0xFFFFFFD0] =	vst v15;
	v15 =	vmul.f32 v16, v62  }
0x1f0: {  	[tilespmem:s26+$0xFFFFFFE0] =	vst v17;
	v17 =	vmul.f32 v16, v18;
	v18 =	vand.u32 $0xF, v19  }
0x1f1: {  	vm15 =	veq.s32 v18, v5;
	[tilespmem:s26+$0xFFFFFFF0] =	vst v15  }
0x1f2: {  	s25 =	simm.s32 $0x9400;
	[tilespmem:s26+$0x0] =	vst v17;
	v15 =	vnsel vm15, $0x0, v16  }
0x1f3: {  	s29 =	simm.s32 $0x54F0;
	[tilespmem:s25+$0x0] =	vst v15  }
0x1f4: {  	s26 =	simm.s32 $0x14F0;
	v18 =	vld [tilespmem:s29+$0xFFFFFF90]  }
0x1f5: {  	v15 =	vld [tilespmem:s26+$0xFFFFFF90]  }
0x1f6: {  	v19 =	vld [tilespmem:s29+$0xFFFFFFA0]  }
0x1f7: {  	v16 =	vld [tilespmem:s26+$0xFFFFFFA0]  }
0x1f8: {  	v22 =	vld [tilespmem:s29+$0xFFFFFFB0]  }
0x1f9: {  	v17 =	vld [tilespmem:s26+$0xFFFFFFB0]  }
0x1fa: {  	v21 =	vld [tilespmem:s29+$0xFFFFFFC0];
	v24 =	vadd.f32 v18, v15  }
0x1fb: {  	v18 =	vld [tilespmem:s26+$0xFFFFFFC0]  }
0x1fc: {  	v20 =	vld [tilespmem:s29+$0xFFFFFFD0];
	v23 =	vadd.f32 v19, v16;
	v25 =	vmul.f32 $2.000000030e-01, v24  }
0x1fd: {  	s30 =	simm.s32 $0x2;
	s28 =	simm.s32 $0x1;
	v19 =	vld [tilespmem:s26+$0xFFFFFFD0]  }
.LBB2_9:
0x1fe: {  	p0 =	sne.s32 s30, $0xF;
	v24 =	vmax.f32 v24, v25;
	v25 =	vmul.f32 $2.000000030e-01, v23;
	v22 =	vadd.f32 v22, v17;
	v26 =	vld [tilespmem:s29+$0xFFFFFFE0]  }
0x1ff: {  	v24 =	vmul.f32 v24, v6;
	v27 =	vld [tilespmem:s26+$0xFFFFFFE0]  }
0x200: {  	v23 =	vmax.f32 v23, v25;
	v25 =	vmul.f32 $2.000000030e-01, v22;
	v21 =	vadd.f32 v21, v18;
	v28 =	vld [tilespmem:s29+$0xFFFFFFF0]  }
0x201: {  	v24 =	vadd.f32 $0.0e+00, v24;
	v23 =	vmul.f32 v23, v7;
	v29 =	vld [tilespmem:s26+$0xFFFFFFF0]  }
0x202: {  	v22 =	vmax.f32 v22, v25;
	v25 =	vmul.f32 $2.000000030e-01, v21;
	v20 =	vadd.f32 v20, v19;
	v30 =	vld [tilespmem:s29+$0x0]  }
0x203: {  	v23 =	vadd.f32 v23, v24;
	v22 =	vmul.f32 v22, v8;
	v24 =	vld [tilespmem:s26+$0x0]  }
0x204: {  	v21 =	vmax.f32 v21, v25;
	v25 =	vmul.f32 $2.000000030e-01, v20;
	v26 =	vadd.f32 v26, v27  }
0x205: {  	v22 =	vadd.f32 v22, v23;
	v21 =	vmul.f32 v21, v9  }
0x206: {  	v20 =	vmax.f32 v20, v25;
	v23 =	vmul.f32 $2.000000030e-01, v26;
	v25 =	vadd.f32 v28, v29  }
0x207: {  	v21 =	vadd.f32 v21, v22;
	v20 =	vmul.f32 v20, v10  }
0x208: {  	v22 =	vmax.f32 v26, v23;
	v23 =	vmul.f32 $2.000000030e-01, v25;
	v26 =	vadd.f32 v30, v24  }
0x209: {  	v20 =	vadd.f32 v20, v21;
	v21 =	vmul.f32 v22, v11  }
0x20a: {  	v22 =	vmax.f32 v25, v23;
	v23 =	vmul.f32 $2.000000030e-01, v26  }
0x20b: {  	v20 =	vadd.f32 v21, v20;
	v21 =	vmul.f32 v22, v12  }
0x20c: {  	v22 =	vmax.f32 v26, v23  }
0x20d: {  	v20 =	vadd.f32 v21, v20;
	v21 =	vmul.f32 v22, v13;
	_ =	sdelay $0x1  }
0x20e: {  	v20 =	vadd.f32 v21, v20;
	_ =	sdelay $0x1  }
0x20f: {  	v21 =	vperm.xlane v20, v0;
	_ =	sdelay $0x1  }
0x210: {  	v20 =	vadd.f32 v20, v21;
	_ =	sdelay $0x1  }
0x211: {  	v21 =	vperm.xlane v20, v1;
	_ =	sdelay $0x1  }
0x212: {  	v20 =	vadd.f32 v20, v21;
	_ =	sdelay $0x1  }
0x213: {  	v21 =	vperm.xlane v20, v2;
	_ =	sdelay $0x1  }
0x214: {  	v20 =	vadd.f32 v20, v21;
	_ =	sdelay $0x1  }
0x215: {  	v21 =	vperm.xlane v20, v4;
	_ =	sdelay $0x1  }
0x216: {  	v20 =	vadd.f32 v20, v21;
	_ =	sdelay $0x1  }
0x217: {  	v20 =	vmul.f32 $1.442695020e+00, v20;
	_ =	sdelay $0x1  }
0x218: {  	(erf) = vpow2.f32 v20;
	_ =	sdelay $0x8  }
0x219: {  	v20 =	vpop (erf)  }
0x21a: {  	v15 =	vmul.f32 v20, v15  }
0x21b: {  	v16 =	vmul.f32 v20, v16  }
0x21c: {  	[tilespmem:s26+$0xFFFFFF90] =	vst v15;
	v15 =	vmul.f32 v20, v17  }
0x21d: {  	[tilespmem:s26+$0xFFFFFFA0] =	vst v16;
	v16 =	vmul.f32 v20, v18  }
0x21e: {  	v17 =	vmov s28;
	s28 =	smov.u32 s30;
	[tilespmem:s26+$0xFFFFFFB0] =	vst v15;
	v15 =	vmul.f32 v20, v19  }
0x21f: {  	v17 =	vperm.xlane v14, v17;
	[tilespmem:s26+$0xFFFFFFC0] =	vst v16;
	v16 =	vmul.f32 v20, v27  }
0x220: {  	[tilespmem:s26+$0xFFFFFFD0] =	vst v15;
	v15 =	vmul.f32 v20, v29  }
0x221: {  	v17 =	vand.u32 $0xF, v17;
	[tilespmem:s26+$0xFFFFFFE0] =	vst v16;
	v16 =	vmul.f32 v20, v24  }
0x222: {  	vm0 =	veq.s32 v17, v5;
	[tilespmem:s26+$0xFFFFFFF0] =	vst v15  }
0x223: {  	s25 =	sadd.s32 $0x80, s25;
	v15 =	vnsel vm0, $0x0, v20;
	[tilespmem:s26+$0x0] =	vst v16  }
0x224: {  	s29 =	sadd.s32 $0x80, s29;
	[tilespmem:s25+$0x0] =	vst v15  }
0x225: {  	s26 =	sadd.s32 $0x80, s26;
	v18 =	vld [tilespmem:s29+$0xFFFFFF90]  }
0x226: {  	v15 =	vld [tilespmem:s26+$0xFFFFFF90]  }
0x227: {  	v19 =	vld [tilespmem:s29+$0xFFFFFFA0]  }
0x228: {  	v16 =	vld [tilespmem:s26+$0xFFFFFFA0]  }
0x229: {  	v22 =	vld [tilespmem:s29+$0xFFFFFFB0]  }
.Ltmp3:
0x22a: {  	v17 =	vld [tilespmem:s26+$0xFFFFFFB0];
	(pc) =	sbr.rel @p0 .LBB2_9-.Ltmp3, $4  }
0x22b: {  	v24 =	vadd.f32 v18, v15;
	v21 =	vld [tilespmem:s29+$0xFFFFFFC0]  }
0x22c: {  	v18 =	vld [tilespmem:s26+$0xFFFFFFC0]  }
0x22d: {  	v25 =	vmul.f32 $2.000000030e-01, v24;
	v23 =	vadd.f32 v19, v16;
	v20 =	vld [tilespmem:s29+$0xFFFFFFD0]  }
0x22e: {  	s30 =	sadd.s32 $0x1, s30;
	v19 =	vld [tilespmem:s26+$0xFFFFFFD0]  }
0x22f: {  	v24 =	vmax.f32 v24, v25;
	v25 =	vmul.f32 $2.000000030e-01, v23;
	v22 =	vadd.f32 v22, v17;
	v26 =	vld [tilespmem:s29+$0xFFFFFFE0]  }
0x230: {  	v27 =	vld [tilespmem:s26+$0xFFFFFFE0];
	v24 =	vmul.f32 v24, v6  }
0x231: {  	v28 =	vld [tilespmem:s29+$0xFFFFFFF0];
	v23 =	vmax.f32 v23, v25;
	v25 =	vmul.f32 $2.000000030e-01, v22;
	v21 =	vadd.f32 v21, v18  }
0x232: {  	v29 =	vld [tilespmem:s26+$0xFFFFFFF0];
	v24 =	vadd.f32 $0.0e+00, v24;
	v23 =	vmul.f32 v23, v7  }
0x233: {  	v30 =	vld [tilespmem:s29+$0x0];
	v22 =	vmax.f32 v22, v25;
	v25 =	vmul.f32 $2.000000030e-01, v21;
	v20 =	vadd.f32 v20, v19  }
0x234: {  	v23 =	vadd.f32 v23, v24;
	v22 =	vmul.f32 v22, v8;
	v24 =	vld [tilespmem:s26+$0x0]  }
0x235: {  	v26 =	vadd.f32 v26, v27;
	v21 =	vmax.f32 v21, v25;
	v25 =	vmul.f32 $2.000000030e-01, v20  }
0x236: {  	v22 =	vadd.f32 v22, v23;
	v21 =	vmul.f32 v21, v9  }
0x237: {  	v23 =	vmul.f32 $2.000000030e-01, v26;
	v20 =	vmax.f32 v20, v25;
	v25 =	vadd.f32 v28, v29  }
0x238: {  	v21 =	vadd.f32 v21, v22;
	v20 =	vmul.f32 v20, v10  }
0x239: {  	v22 =	vmax.f32 v26, v23;
	v23 =	vmul.f32 $2.000000030e-01, v25;
	v26 =	vadd.f32 v30, v24  }
0x23a: {  	v20 =	vadd.f32 v20, v21;
	v21 =	vmul.f32 v22, v11  }
0x23b: {  	v22 =	vmax.f32 v25, v23;
	v23 =	vmul.f32 $2.000000030e-01, v26  }
0x23c: {  	v20 =	vadd.f32 v21, v20;
	v21 =	vmul.f32 v22, v12  }
0x23d: {  	v22 =	vmax.f32 v26, v23  }
0x23e: {  	v20 =	vadd.f32 v21, v20;
	v21 =	vmul.f32 v22, v13;
	_ =	sdelay $0x1  }
0x23f: {  	v20 =	vadd.f32 v21, v20;
	_ =	sdelay $0x1  }
0x240: {  	v21 =	vperm.xlane v20, v0;
	_ =	sdelay $0x1  }
0x241: {  	v20 =	vadd.f32 v20, v21;
	_ =	sdelay $0x1  }
0x242: {  	v21 =	vperm.xlane v20, v1;
	_ =	sdelay $0x1  }
0x243: {  	v20 =	vadd.f32 v20, v21;
	_ =	sdelay $0x1  }
0x244: {  	v21 =	vperm.xlane v20, v2;
	_ =	sdelay $0x1  }
0x245: {  	v20 =	vadd.f32 v20, v21;
	_ =	sdelay $0x1  }
0x246: {  	v21 =	vperm.xlane v20, v4;
	_ =	sdelay $0x1  }
0x247: {  	v20 =	vadd.f32 v20, v21;
	_ =	sdelay $0x1  }
0x248: {  	v20 =	vmul.f32 $1.442695020e+00, v20;
	_ =	sdelay $0x1  }
0x249: {  	(erf) = vpow2.f32 v20;
	_ =	sdelay $0x8  }
0x24a: {  	v20 =	vpop (erf)  }
0x24b: {  	v15 =	vmul.f32 v20, v15  }
0x24c: {  	v16 =	vmul.f32 v20, v16  }
0x24d: {  	[tilespmem:s26+$0xFFFFFF90] =	vst v15;
	v15 =	vmul.f32 v20, v17  }
0x24e: {  	[tilespmem:s26+$0xFFFFFFA0] =	vst v16;
	v16 =	vmul.f32 v20, v18  }
0x24f: {  	v17 =	vmov s28;
	[tilespmem:s26+$0xFFFFFFB0] =	vst v15;
	v15 =	vmul.f32 v20, v19  }
0x250: {  	v14 =	vperm.xlane v14, v17;
	[tilespmem:s26+$0xFFFFFFC0] =	vst v16;
	v16 =	vmul.f32 v20, v27  }
0x251: {  	[tilespmem:s26+$0xFFFFFFD0] =	vst v15;
	v15 =	vmul.f32 v20, v29  }
0x252: {  	v14 =	vand.u32 $0xF, v14;
	[tilespmem:s26+$0xFFFFFFE0] =	vst v16;
	v16 =	vmul.f32 v20, v24  }
0x253: {  	vm0 =	veq.s32 v14, v5;
	[tilespmem:s26+$0xFFFFFFF0] =	vst v15  }
0x254: {  	s25 =	sadd.s32 $0x80, s25;
	v14 =	vnsel vm0, $0x0, v20;
	[tilespmem:s26+$0x0] =	vst v16  }
0x255: {  	[tilespmem:s25+$0x0] =	vst v14;
	s25 =	simm.s32 $0x5C70  }
0x256: {  	s26 =	simm.s32 $0x1C70;
	v14 =	vld [tilespmem:s25+$0xFFFFFF90]  }
0x257: {  	v15 =	vld [tilespmem:s26+$0xFFFFFF90]  }
0x258: {  	v16 =	vld [tilespmem:s25+$0xFFFFFFA0]  }
0x259: {  	v17 =	vld [tilespmem:s26+$0xFFFFFFA0]  }
0x25a: {  	v18 =	vld [tilespmem:s25+$0xFFFFFFB0]  }
0x25b: {  	v19 =	vld [tilespmem:s26+$0xFFFFFFB0]  }
0x25c: {  	v20 =	vld [tilespmem:s25+$0xFFFFFFC0];
	v14 =	vadd.f32 v14, v15  }
0x25d: {  	v21 =	vld [tilespmem:s26+$0xFFFFFFC0]  }
0x25e: {  	v23 =	vld [tilespmem:s25+$0xFFFFFFD0];
	v16 =	vadd.f32 v16, v17;
	v22 =	vmul.f32 $2.000000030e-01, v14  }
0x25f: {  	v24 =	vld [tilespmem:s26+$0xFFFFFFD0]  }
0x260: {  	v25 =	vld [tilespmem:s25+$0xFFFFFFE0];
	v18 =	vadd.f32 v18, v19;
	v14 =	vmax.f32 v14, v22;
	v22 =	vmul.f32 $2.000000030e-01, v16  }
0x261: {  	v26 =	vld [tilespmem:s26+$0xFFFFFFE0];
	v14 =	vmul.f32 v14, v6  }
0x262: {  	v27 =	vld [tilespmem:s25+$0xFFFFFFF0];
	v20 =	vadd.f32 v20, v21;
	v16 =	vmax.f32 v16, v22;
	v22 =	vmul.f32 $2.000000030e-01, v18  }
0x263: {  	v62 =	vld [tilespmem:s26+$0xFFFFFFF0];
	v14 =	vadd.f32 $0.0e+00, v14;
	v16 =	vmul.f32 v16, v7  }
0x264: {  	v63 =	vld [tilespmem:s25+$0x0];
	v23 =	vadd.f32 v23, v24;
	v18 =	vmax.f32 v18, v22;
	v22 =	vmul.f32 $2.000000030e-01, v20  }
0x265: {  	v14 =	vadd.f32 v16, v14;
	v16 =	vmul.f32 v18, v8;
	v18 =	vld [tilespmem:s26+$0x0]  }
0x266: {  	v25 =	vadd.f32 v25, v26;
	v20 =	vmax.f32 v20, v22;
	v22 =	vmul.f32 $2.000000030e-01, v23  }
0x267: {  	v14 =	vadd.f32 v16, v14;
	v16 =	vmul.f32 v20, v9  }
0x268: {  	v20 =	vmax.f32 v23, v22;
	v22 =	vmul.f32 $2.000000030e-01, v25;
	v23 =	vadd.f32 v27, v62  }
0x269: {  	v14 =	vadd.f32 v16, v14;
	v16 =	vmul.f32 v20, v10  }
0x26a: {  	v20 =	vmax.f32 v25, v22;
	v22 =	vmul.f32 $2.000000030e-01, v23;
	v25 =	vadd.f32 v63, v18  }
0x26b: {  	v14 =	vadd.f32 v16, v14;
	v16 =	vmul.f32 v20, v11  }
0x26c: {  	v20 =	vmax.f32 v23, v22;
	v22 =	vmul.f32 $2.000000030e-01, v25  }
0x26d: {  	v14 =	vadd.f32 v16, v14;
	v16 =	vmul.f32 v20, v12  }
0x26e: {  	v20 =	vmax.f32 v25, v22  }
0x26f: {  	v14 =	vadd.f32 v16, v14;
	v16 =	vmul.f32 v20, v13;
	_ =	sdelay $0x1  }
0x270: {  	v14 =	vadd.f32 v16, v14;
	_ =	sdelay $0x1  }
0x271: {  	v16 =	vperm.xlane v14, v0;
	_ =	sdelay $0x1  }
0x272: {  	v14 =	vadd.f32 v14, v16;
	_ =	sdelay $0x1  }
0x273: {  	v16 =	vperm.xlane v14, v1;
	_ =	sdelay $0x1  }
0x274: {  	v14 =	vadd.f32 v14, v16;
	_ =	sdelay $0x1  }
0x275: {  	v16 =	vperm.xlane v14, v2;
	_ =	sdelay $0x1  }
0x276: {  	v14 =	vadd.f32 v14, v16;
	_ =	sdelay $0x1  }
0x277: {  	v16 =	vperm.xlane v14, v4;
	_ =	sdelay $0x1  }
0x278: {  	v14 =	vadd.f32 v14, v16;
	_ =	sdelay $0x1  }
0x279: {  	v14 =	vmul.f32 $1.442695020e+00, v14;
	_ =	sdelay $0x1  }
0x27a: {  	(erf) = vpow2.f32 v14;
	_ =	sdelay $0x8  }
0x27b: {  	v16 =	vpop (erf)  }
0x27c: {  	v14 =	vld [tilespmem:$0x130];
	v15 =	vmul.f32 v16, v15  }
0x27d: {  	v17 =	vmul.f32 v16, v17  }
0x27e: {  	[tilespmem:s26+$0xFFFFFF90] =	vst v15;
	v15 =	vmul.f32 v16, v19  }
0x27f: {  	s25 =	simm.s32 $0x0;
	[tilespmem:s26+$0xFFFFFFA0] =	vst v17;
	v17 =	vmul.f32 v16, v21  }
0x280: {  	v19 =	vmov s25;
	[tilespmem:s26+$0xFFFFFFB0] =	vst v15;
	v15 =	vmul.f32 v16, v24  }
0x281: {  	v19 =	vperm.xlane v14, v19;
	[tilespmem:s26+$0xFFFFFFC0] =	vst v17;
	v17 =	vmul.f32 v16, v26  }
0x282: {  	[tilespmem:s26+$0xFFFFFFD0] =	vst v15;
	v15 =	vmul.f32 v16, v62  }
0x283: {  	[tilespmem:s26+$0xFFFFFFE0] =	vst v17;
	v17 =	vmul.f32 v16, v18;
	v18 =	vand.u32 $0xF, v19  }
0x284: {  	vm15 =	veq.s32 v18, v5;
	[tilespmem:s26+$0xFFFFFFF0] =	vst v15  }
0x285: {  	s25 =	simm.s32 $0x9C00;
	[tilespmem:s26+$0x0] =	vst v17;
	v15 =	vnsel vm15, $0x0, v16  }
0x286: {  	s29 =	simm.s32 $0x5CF0;
	[tilespmem:s25+$0x0] =	vst v15  }
0x287: {  	s26 =	simm.s32 $0x1CF0;
	v18 =	vld [tilespmem:s29+$0xFFFFFF90]  }
0x288: {  	v15 =	vld [tilespmem:s26+$0xFFFFFF90]  }
0x289: {  	v19 =	vld [tilespmem:s29+$0xFFFFFFA0]  }
0x28a: {  	v16 =	vld [tilespmem:s26+$0xFFFFFFA0]  }
0x28b: {  	v22 =	vld [tilespmem:s29+$0xFFFFFFB0]  }
0x28c: {  	v17 =	vld [tilespmem:s26+$0xFFFFFFB0]  }
0x28d: {  	v21 =	vld [tilespmem:s29+$0xFFFFFFC0];
	v24 =	vadd.f32 v18, v15  }
0x28e: {  	v18 =	vld [tilespmem:s26+$0xFFFFFFC0]  }
0x28f: {  	v20 =	vld [tilespmem:s29+$0xFFFFFFD0];
	v23 =	vadd.f32 v19, v16;
	v25 =	vmul.f32 $2.000000030e-01, v24  }
0x290: {  	s30 =	simm.s32 $0x2;
	s28 =	simm.s32 $0x1;
	v19 =	vld [tilespmem:s26+$0xFFFFFFD0]  }
.LBB2_11:
0x291: {  	p0 =	sne.s32 s30, $0xF;
	v24 =	vmax.f32 v24, v25;
	v25 =	vmul.f32 $2.000000030e-01, v23;
	v22 =	vadd.f32 v22, v17;
	v26 =	vld [tilespmem:s29+$0xFFFFFFE0]  }
0x292: {  	v24 =	vmul.f32 v24, v6;
	v27 =	vld [tilespmem:s26+$0xFFFFFFE0]  }
0x293: {  	v23 =	vmax.f32 v23, v25;
	v25 =	vmul.f32 $2.000000030e-01, v22;
	v21 =	vadd.f32 v21, v18;
	v28 =	vld [tilespmem:s29+$0xFFFFFFF0]  }
0x294: {  	v24 =	vadd.f32 $0.0e+00, v24;
	v23 =	vmul.f32 v23, v7;
	v29 =	vld [tilespmem:s26+$0xFFFFFFF0]  }
0x295: {  	v22 =	vmax.f32 v22, v25;
	v25 =	vmul.f32 $2.000000030e-01, v21;
	v20 =	vadd.f32 v20, v19;
	v30 =	vld [tilespmem:s29+$0x0]  }
0x296: {  	v23 =	vadd.f32 v23, v24;
	v22 =	vmul.f32 v22, v8;
	v24 =	vld [tilespmem:s26+$0x0]  }
0x297: {  	v21 =	vmax.f32 v21, v25;
	v25 =	vmul.f32 $2.000000030e-01, v20;
	v26 =	vadd.f32 v26, v27  }
0x298: {  	v22 =	vadd.f32 v22, v23;
	v21 =	vmul.f32 v21, v9  }
0x299: {  	v20 =	vmax.f32 v20, v25;
	v23 =	vmul.f32 $2.000000030e-01, v26;
	v25 =	vadd.f32 v28, v29  }
0x29a: {  	v21 =	vadd.f32 v21, v22;
	v20 =	vmul.f32 v20, v10  }
0x29b: {  	v22 =	vmax.f32 v26, v23;
	v23 =	vmul.f32 $2.000000030e-01, v25;
	v26 =	vadd.f32 v30, v24  }
0x29c: {  	v20 =	vadd.f32 v20, v21;
	v21 =	vmul.f32 v22, v11  }
0x29d: {  	v22 =	vmax.f32 v25, v23;
	v23 =	vmul.f32 $2.000000030e-01, v26  }
0x29e: {  	v20 =	vadd.f32 v21, v20;
	v21 =	vmul.f32 v22, v12  }
0x29f: {  	v22 =	vmax.f32 v26, v23  }
0x2a0: {  	v20 =	vadd.f32 v21, v20;
	v21 =	vmul.f32 v22, v13;
	_ =	sdelay $0x1  }
0x2a1: {  	v20 =	vadd.f32 v21, v20;
	_ =	sdelay $0x1  }
0x2a2: {  	v21 =	vperm.xlane v20, v0;
	_ =	sdelay $0x1  }
0x2a3: {  	v20 =	vadd.f32 v20, v21;
	_ =	sdelay $0x1  }
0x2a4: {  	v21 =	vperm.xlane v20, v1;
	_ =	sdelay $0x1  }
0x2a5: {  	v20 =	vadd.f32 v20, v21;
	_ =	sdelay $0x1  }
0x2a6: {  	v21 =	vperm.xlane v20, v2;
	_ =	sdelay $0x1  }
0x2a7: {  	v20 =	vadd.f32 v20, v21;
	_ =	sdelay $0x1  }
0x2a8: {  	v21 =	vperm.xlane v20, v4;
	_ =	sdelay $0x1  }
0x2a9: {  	v20 =	vadd.f32 v20, v21;
	_ =	sdelay $0x1  }
0x2aa: {  	v20 =	vmul.f32 $1.442695020e+00, v20;
	_ =	sdelay $0x1  }
0x2ab: {  	(erf) = vpow2.f32 v20;
	_ =	sdelay $0x8  }
0x2ac: {  	v20 =	vpop (erf)  }
0x2ad: {  	v15 =	vmul.f32 v20, v15  }
0x2ae: {  	v16 =	vmul.f32 v20, v16  }
0x2af: {  	[tilespmem:s26+$0xFFFFFF90] =	vst v15;
	v15 =	vmul.f32 v20, v17  }
0x2b0: {  	[tilespmem:s26+$0xFFFFFFA0] =	vst v16;
	v16 =	vmul.f32 v20, v18  }
0x2b1: {  	v17 =	vmov s28;
	s28 =	smov.u32 s30;
	[tilespmem:s26+$0xFFFFFFB0] =	vst v15;
	v15 =	vmul.f32 v20, v19  }
0x2b2: {  	v17 =	vperm.xlane v14, v17;
	[tilespmem:s26+$0xFFFFFFC0] =	vst v16;
	v16 =	vmul.f32 v20, v27  }
0x2b3: {  	[tilespmem:s26+$0xFFFFFFD0] =	vst v15;
	v15 =	vmul.f32 v20, v29  }
0x2b4: {  	v17 =	vand.u32 $0xF, v17;
	[tilespmem:s26+$0xFFFFFFE0] =	vst v16;
	v16 =	vmul.f32 v20, v24  }
0x2b5: {  	vm0 =	veq.s32 v17, v5;
	[tilespmem:s26+$0xFFFFFFF0] =	vst v15  }
0x2b6: {  	s25 =	sadd.s32 $0x80, s25;
	v15 =	vnsel vm0, $0x0, v20;
	[tilespmem:s26+$0x0] =	vst v16  }
0x2b7: {  	s29 =	sadd.s32 $0x80, s29;
	[tilespmem:s25+$0x0] =	vst v15  }
0x2b8: {  	s26 =	sadd.s32 $0x80, s26;
	v18 =	vld [tilespmem:s29+$0xFFFFFF90]  }
0x2b9: {  	v15 =	vld [tilespmem:s26+$0xFFFFFF90]  }
0x2ba: {  	v19 =	vld [tilespmem:s29+$0xFFFFFFA0]  }
0x2bb: {  	v16 =	vld [tilespmem:s26+$0xFFFFFFA0]  }
0x2bc: {  	v22 =	vld [tilespmem:s29+$0xFFFFFFB0]  }
.Ltmp4:
0x2bd: {  	v17 =	vld [tilespmem:s26+$0xFFFFFFB0];
	(pc) =	sbr.rel @p0 .LBB2_11-.Ltmp4, $4  }
0x2be: {  	v24 =	vadd.f32 v18, v15;
	v21 =	vld [tilespmem:s29+$0xFFFFFFC0]  }
0x2bf: {  	v18 =	vld [tilespmem:s26+$0xFFFFFFC0]  }
0x2c0: {  	v25 =	vmul.f32 $2.000000030e-01, v24;
	v23 =	vadd.f32 v19, v16;
	v20 =	vld [tilespmem:s29+$0xFFFFFFD0]  }
0x2c1: {  	s30 =	sadd.s32 $0x1, s30;
	v19 =	vld [tilespmem:s26+$0xFFFFFFD0]  }
0x2c2: {  	v24 =	vmax.f32 v24, v25;
	v25 =	vmul.f32 $2.000000030e-01, v23;
	v22 =	vadd.f32 v22, v17;
	v26 =	vld [tilespmem:s29+$0xFFFFFFE0]  }
0x2c3: {  	v27 =	vld [tilespmem:s26+$0xFFFFFFE0];
	v24 =	vmul.f32 v24, v6  }
0x2c4: {  	v28 =	vld [tilespmem:s29+$0xFFFFFFF0];
	v23 =	vmax.f32 v23, v25;
	v25 =	vmul.f32 $2.000000030e-01, v22;
	v21 =	vadd.f32 v21, v18  }
0x2c5: {  	v29 =	vld [tilespmem:s26+$0xFFFFFFF0];
	v24 =	vadd.f32 $0.0e+00, v24;
	v23 =	vmul.f32 v23, v7  }
0x2c6: {  	v30 =	vld [tilespmem:s29+$0x0];
	v22 =	vmax.f32 v22, v25;
	v25 =	vmul.f32 $2.000000030e-01, v21;
	v20 =	vadd.f32 v20, v19  }
0x2c7: {  	v23 =	vadd.f32 v23, v24;
	v22 =	vmul.f32 v22, v8;
	v24 =	vld [tilespmem:s26+$0x0]  }
0x2c8: {  	v26 =	vadd.f32 v26, v27;
	v21 =	vmax.f32 v21, v25;
	v25 =	vmul.f32 $2.000000030e-01, v20  }
0x2c9: {  	v22 =	vadd.f32 v22, v23;
	v21 =	vmul.f32 v21, v9  }
0x2ca: {  	v23 =	vmul.f32 $2.000000030e-01, v26;
	v20 =	vmax.f32 v20, v25;
	v25 =	vadd.f32 v28, v29  }
0x2cb: {  	v21 =	vadd.f32 v21, v22;
	v20 =	vmul.f32 v20, v10  }
0x2cc: {  	v22 =	vmax.f32 v26, v23;
	v23 =	vmul.f32 $2.000000030e-01, v25;
	v26 =	vadd.f32 v30, v24  }
0x2cd: {  	v20 =	vadd.f32 v20, v21;
	v21 =	vmul.f32 v22, v11  }
0x2ce: {  	v22 =	vmax.f32 v25, v23;
	v23 =	vmul.f32 $2.000000030e-01, v26  }
0x2cf: {  	v20 =	vadd.f32 v21, v20;
	v21 =	vmul.f32 v22, v12  }
0x2d0: {  	v22 =	vmax.f32 v26, v23  }
0x2d1: {  	v20 =	vadd.f32 v21, v20;
	v21 =	vmul.f32 v22, v13;
	_ =	sdelay $0x1  }
0x2d2: {  	v20 =	vadd.f32 v21, v20;
	_ =	sdelay $0x1  }
0x2d3: {  	v21 =	vperm.xlane v20, v0;
	_ =	sdelay $0x1  }
0x2d4: {  	v20 =	vadd.f32 v20, v21;
	_ =	sdelay $0x1  }
0x2d5: {  	v21 =	vperm.xlane v20, v1;
	_ =	sdelay $0x1  }
0x2d6: {  	v20 =	vadd.f32 v20, v21;
	_ =	sdelay $0x1  }
0x2d7: {  	v21 =	vperm.xlane v20, v2;
	_ =	sdelay $0x1  }
0x2d8: {  	v20 =	vadd.f32 v20, v21;
	_ =	sdelay $0x1  }
0x2d9: {  	v21 =	vperm.xlane v20, v4;
	_ =	sdelay $0x1  }
0x2da: {  	v20 =	vadd.f32 v20, v21;
	_ =	sdelay $0x1  }
0x2db: {  	v20 =	vmul.f32 $1.442695020e+00, v20;
	_ =	sdelay $0x1  }
0x2dc: {  	(erf) = vpow2.f32 v20;
	_ =	sdelay $0x8  }
0x2dd: {  	v20 =	vpop (erf)  }
0x2de: {  	v15 =	vmul.f32 v20, v15  }
0x2df: {  	v16 =	vmul.f32 v20, v16  }
0x2e0: {  	[tilespmem:s26+$0xFFFFFF90] =	vst v15;
	v15 =	vmul.f32 v20, v17  }
0x2e1: {  	[tilespmem:s26+$0xFFFFFFA0] =	vst v16;
	v16 =	vmul.f32 v20, v18  }
0x2e2: {  	v17 =	vmov s28;
	[tilespmem:s26+$0xFFFFFFB0] =	vst v15;
	v15 =	vmul.f32 v20, v19  }
0x2e3: {  	v14 =	vperm.xlane v14, v17;
	[tilespmem:s26+$0xFFFFFFC0] =	vst v16;
	v16 =	vmul.f32 v20, v27  }
0x2e4: {  	[tilespmem:s26+$0xFFFFFFD0] =	vst v15;
	v15 =	vmul.f32 v20, v29  }
0x2e5: {  	v14 =	vand.u32 $0xF, v14;
	[tilespmem:s26+$0xFFFFFFE0] =	vst v16;
	v16 =	vmul.f32 v20, v24  }
0x2e6: {  	vm0 =	veq.s32 v14, v5;
	[tilespmem:s26+$0xFFFFFFF0] =	vst v15  }
0x2e7: {  	s25 =	sadd.s32 $0x80, s25;
	v14 =	vnsel vm0, $0x0, v20;
	[tilespmem:s26+$0x0] =	vst v16  }
0x2e8: {  	[tilespmem:s25+$0x0] =	vst v14  }
0x2e9: {  	[spmem:s14] =	stream.indirect.scatter.add.f32 [tilespmem:s2], [sflag:$0x1], $0x80, s16, s4, $0xb8;
	[tilespmem:$0x1F480] =	vst v63  }
0x2ea: {  	s25 =	simm.s32 $0x8400  }
0x2eb: {  	[spmem:s14] =	stream.indirect.scatter.add.f32 [tilespmem:s25], [sflag:$0x1], $0x80, s31, s4, $0xb8;
	[tilespmem:$0x1F480] =	vst v63  }
0x2ec: {  	_ =	swait.ge [sflag:s15], $0x2000  }
0x2ed: {  	[sflag:s15] =	ssyncset.done $0x0  }
0x2ee: {  	[sflag:s15] =	ssyncadd.s32 $0xFFFFE000  }
0x2ef: {  	s24 =	sadd.s32 s24, s13;
	_ =	swait.ge [sflag:s15], $0x2000  }
0x2f0: {  	s24 =	sshrl.u32 s24, $0x3;
	[sflag:s15] =	ssyncset.done $0x0  }
0x2f1: {  	s30 =	sadd.s32 s18, s24;
	s24 =	simm.s32 $0x0;
	[sflag:s15] =	ssyncadd.s32 $0xFFFFE000  }
0x2f2: {  	[tilespmem:s24], [sflag:$0x3] =	stream.linear.gather [hbm4b:s30+s24], $0x200, $0x38;
	[tilespmem:$0x1F480] =	vst v63  }
0x2f3: {  	_ =	swait.ge [sflag:s3], $0x200  }
0x2f4: {  	[sflag:s3] =	ssyncset.done $0x0  }
0x2f5: {  	[sflag:s3] =	ssyncadd.s32 $0xFFFFFE00  }
0x2f6: {  	[tilespmem:s2], [sflag:$0x1] =	stream.indirect.gather [hbm4b:s10+s4], $0x80, s24, s4, $0xb8;
	[tilespmem:$0x1F480] =	vst v63  }
0x2f7: {  	_ = 	snop  }
0x2f8: {  	[tilespmem:s6], [sflag:$0x1] =	stream.indirect.gather [hbm4b:s17+s4], $0x80, s5, s4, $0xb8;
	[tilespmem:$0x1F480] =	vst v63  }
0x2f9: {  	_ =	swait.ge [sflag:s0], $0x2000  }
0x2fa: {  	[sflag:s0] =	ssyncset.done $0x0  }
0x2fb: {  	[sflag:s0] =	ssyncadd.s32 $0xFFFFE000  }
0x2fc: {  	_ =	swait.ge [sflag:s0], $0x2000  }
0x2fd: {  	[sflag:s0] =	ssyncset.done $0x0  }
0x2fe: {  	s28 =	simm.s32 $0x6470;
	[sflag:s0] =	ssyncadd.s32 $0xFFFFE000  }
0x2ff: {  	s30 =	simm.s32 $0x2470;
	v14 =	vld [tilespmem:s28+$0xFFFFFF90]  }
0x300: {  	v15 =	vld [tilespmem:s30+$0xFFFFFF90]  }
0x301: {  	v16 =	vld [tilespmem:s28+$0xFFFFFFA0]  }
0x302: {  	v17 =	vld [tilespmem:s30+$0xFFFFFFA0]  }
0x303: {  	v18 =	vld [tilespmem:s28+$0xFFFFFFB0]  }
0x304: {  	v19 =	vld [tilespmem:s30+$0xFFFFFFB0]  }
0x305: {  	v20 =	vld [tilespmem:s28+$0xFFFFFFC0];
	v14 =	vadd.f32 v14, v15  }
0x306: {  	v21 =	vld [tilespmem:s30+$0xFFFFFFC0]  }
0x307: {  	v23 =	vld [tilespmem:s28+$0xFFFFFFD0];
	v16 =	vadd.f32 v16, v17;
	v22 =	vmul.f32 $2.000000030e-01, v14  }
0x308: {  	v24 =	vld [tilespmem:s30+$0xFFFFFFD0]  }
0x309: {  	v25 =	vld [tilespmem:s28+$0xFFFFFFE0];
	v18 =	vadd.f32 v18, v19;
	v14 =	vmax.f32 v14, v22;
	v22 =	vmul.f32 $2.000000030e-01, v16  }
0x30a: {  	v26 =	vld [tilespmem:s30+$0xFFFFFFE0];
	v14 =	vmul.f32 v14, v6  }
0x30b: {  	v27 =	vld [tilespmem:s28+$0xFFFFFFF0];
	v20 =	vadd.f32 v20, v21;
	v16 =	vmax.f32 v16, v22;
	v22 =	vmul.f32 $2.000000030e-01, v18  }
0x30c: {  	v62 =	vld [tilespmem:s30+$0xFFFFFFF0];
	v14 =	vadd.f32 $0.0e+00, v14;
	v16 =	vmul.f32 v16, v7  }
0x30d: {  	v63 =	vld [tilespmem:s28+$0x0];
	v23 =	vadd.f32 v23, v24;
	v18 =	vmax.f32 v18, v22;
	v22 =	vmul.f32 $2.000000030e-01, v20  }
0x30e: {  	v14 =	vadd.f32 v16, v14;
	v16 =	vmul.f32 v18, v8;
	v18 =	vld [tilespmem:s30+$0x0]  }
0x30f: {  	v25 =	vadd.f32 v25, v26;
	v20 =	vmax.f32 v20, v22;
	v22 =	vmul.f32 $2.000000030e-01, v23  }
0x310: {  	v14 =	vadd.f32 v16, v14;
	v16 =	vmul.f32 v20, v9  }
0x311: {  	v20 =	vmax.f32 v23, v22;
	v22 =	vmul.f32 $2.000000030e-01, v25;
	v23 =	vadd.f32 v27, v62  }
0x312: {  	v14 =	vadd.f32 v16, v14;
	v16 =	vmul.f32 v20, v10  }
0x313: {  	v20 =	vmax.f32 v25, v22;
	v22 =	vmul.f32 $2.000000030e-01, v23;
	v25 =	vadd.f32 v63, v18  }
0x314: {  	v14 =	vadd.f32 v16, v14;
	v16 =	vmul.f32 v20, v11  }
0x315: {  	v20 =	vmax.f32 v23, v22;
	v22 =	vmul.f32 $2.000000030e-01, v25  }
0x316: {  	v14 =	vadd.f32 v16, v14;
	v16 =	vmul.f32 v20, v12  }
0x317: {  	v20 =	vmax.f32 v25, v22  }
0x318: {  	v14 =	vadd.f32 v16, v14;
	v16 =	vmul.f32 v20, v13;
	_ =	sdelay $0x1  }
0x319: {  	v14 =	vadd.f32 v16, v14;
	_ =	sdelay $0x1  }
0x31a: {  	v16 =	vperm.xlane v14, v0;
	_ =	sdelay $0x1  }
0x31b: {  	v14 =	vadd.f32 v14, v16;
	_ =	sdelay $0x1  }
0x31c: {  	v16 =	vperm.xlane v14, v1;
	_ =	sdelay $0x1  }
0x31d: {  	v14 =	vadd.f32 v14, v16;
	_ =	sdelay $0x1  }
0x31e: {  	v16 =	vperm.xlane v14, v2;
	_ =	sdelay $0x1  }
0x31f: {  	v14 =	vadd.f32 v14, v16;
	_ =	sdelay $0x1  }
0x320: {  	v16 =	vperm.xlane v14, v4;
	_ =	sdelay $0x1  }
0x321: {  	v14 =	vadd.f32 v14, v16;
	_ =	sdelay $0x1  }
0x322: {  	v14 =	vmul.f32 $1.442695020e+00, v14;
	_ =	sdelay $0x1  }
0x323: {  	(erf) = vpow2.f32 v14;
	_ =	sdelay $0x8  }
0x324: {  	v16 =	vpop (erf)  }
0x325: {  	v14 =	vld [tilespmem:$0x300];
	v15 =	vmul.f32 v16, v15  }
0x326: {  	v17 =	vmul.f32 v16, v17  }
0x327: {  	[tilespmem:s30+$0xFFFFFF90] =	vst v15;
	v15 =	vmul.f32 v16, v19  }
0x328: {  	[tilespmem:s30+$0xFFFFFFA0] =	vst v17;
	v17 =	vmul.f32 v16, v21  }
0x329: {  	v19 =	vmov s24;
	[tilespmem:s30+$0xFFFFFFB0] =	vst v15;
	v15 =	vmul.f32 v16, v24  }
0x32a: {  	v19 =	vperm.xlane v14, v19;
	[tilespmem:s30+$0xFFFFFFC0] =	vst v17;
	v17 =	vmul.f32 v16, v26  }
0x32b: {  	[tilespmem:s30+$0xFFFFFFD0] =	vst v15;
	v15 =	vmul.f32 v16, v62  }
0x32c: {  	[tilespmem:s30+$0xFFFFFFE0] =	vst v17;
	v17 =	vmul.f32 v16, v18;
	v18 =	vand.u32 $0xF, v19  }
0x32d: {  	vm15 =	veq.s32 v18, v5;
	[tilespmem:s30+$0xFFFFFFF0] =	vst v15  }
0x32e: {  	[tilespmem:s30+$0x0] =	vst v17;
	v15 =	vnsel vm15, $0x0, v16  }
0x32f: {  	s28 =	simm.s32 $0x64F0;
	[tilespmem:s25+$0x0] =	vst v15  }
0x330: {  	s24 =	simm.s32 $0x24F0;
	v18 =	vld [tilespmem:s28+$0xFFFFFF90]  }
0x331: {  	v15 =	vld [tilespmem:s24+$0xFFFFFF90]  }
0x332: {  	v19 =	vld [tilespmem:s28+$0xFFFFFFA0]  }
0x333: {  	v16 =	vld [tilespmem:s24+$0xFFFFFFA0]  }
0x334: {  	v22 =	vld [tilespmem:s28+$0xFFFFFFB0]  }
0x335: {  	v17 =	vld [tilespmem:s24+$0xFFFFFFB0]  }
0x336: {  	v21 =	vld [tilespmem:s28+$0xFFFFFFC0];
	v24 =	vadd.f32 v18, v15  }
0x337: {  	v18 =	vld [tilespmem:s24+$0xFFFFFFC0]  }
0x338: {  	v20 =	vld [tilespmem:s28+$0xFFFFFFD0];
	v23 =	vadd.f32 v19, v16;
	v25 =	vmul.f32 $2.000000030e-01, v24  }
0x339: {  	s29 =	simm.s32 $0x2;
	s26 =	simm.s32 $0x1;
	v19 =	vld [tilespmem:s24+$0xFFFFFFD0]  }
.LBB2_13:
0x33a: {  	p0 =	sne.s32 s29, $0xF;
	v24 =	vmax.f32 v24, v25;
	v25 =	vmul.f32 $2.000000030e-01, v23;
	v22 =	vadd.f32 v22, v17;
	v26 =	vld [tilespmem:s28+$0xFFFFFFE0]  }
0x33b: {  	v24 =	vmul.f32 v24, v6;
	v27 =	vld [tilespmem:s24+$0xFFFFFFE0]  }
0x33c: {  	v23 =	vmax.f32 v23, v25;
	v25 =	vmul.f32 $2.000000030e-01, v22;
	v21 =	vadd.f32 v21, v18;
	v28 =	vld [tilespmem:s28+$0xFFFFFFF0]  }
0x33d: {  	v24 =	vadd.f32 $0.0e+00, v24;
	v23 =	vmul.f32 v23, v7;
	v29 =	vld [tilespmem:s24+$0xFFFFFFF0]  }
0x33e: {  	v22 =	vmax.f32 v22, v25;
	v25 =	vmul.f32 $2.000000030e-01, v21;
	v20 =	vadd.f32 v20, v19;
	v30 =	vld [tilespmem:s28+$0x0]  }
0x33f: {  	v23 =	vadd.f32 v23, v24;
	v22 =	vmul.f32 v22, v8;
	v24 =	vld [tilespmem:s24+$0x0]  }
0x340: {  	v21 =	vmax.f32 v21, v25;
	v25 =	vmul.f32 $2.000000030e-01, v20;
	v26 =	vadd.f32 v26, v27  }
0x341: {  	v22 =	vadd.f32 v22, v23;
	v21 =	vmul.f32 v21, v9  }
0x342: {  	v20 =	vmax.f32 v20, v25;
	v23 =	vmul.f32 $2.000000030e-01, v26;
	v25 =	vadd.f32 v28, v29  }
0x343: {  	v21 =	vadd.f32 v21, v22;
	v20 =	vmul.f32 v20, v10  }
0x344: {  	v22 =	vmax.f32 v26, v23;
	v23 =	vmul.f32 $2.000000030e-01, v25;
	v26 =	vadd.f32 v30, v24  }
0x345: {  	v20 =	vadd.f32 v20, v21;
	v21 =	vmul.f32 v22, v11  }
0x346: {  	v22 =	vmax.f32 v25, v23;
	v23 =	vmul.f32 $2.000000030e-01, v26  }
0x347: {  	v20 =	vadd.f32 v21, v20;
	v21 =	vmul.f32 v22, v12  }
0x348: {  	v22 =	vmax.f32 v26, v23  }
0x349: {  	v20 =	vadd.f32 v21, v20;
	v21 =	vmul.f32 v22, v13;
	_ =	sdelay $0x1  }
0x34a: {  	v20 =	vadd.f32 v21, v20;
	_ =	sdelay $0x1  }
0x34b: {  	v21 =	vperm.xlane v20, v0;
	_ =	sdelay $0x1  }
0x34c: {  	v20 =	vadd.f32 v20, v21;
	_ =	sdelay $0x1  }
0x34d: {  	v21 =	vperm.xlane v20, v1;
	_ =	sdelay $0x1  }
0x34e: {  	v20 =	vadd.f32 v20, v21;
	_ =	sdelay $0x1  }
0x34f: {  	v21 =	vperm.xlane v20, v2;
	_ =	sdelay $0x1  }
0x350: {  	v20 =	vadd.f32 v20, v21;
	_ =	sdelay $0x1  }
0x351: {  	v21 =	vperm.xlane v20, v4;
	_ =	sdelay $0x1  }
0x352: {  	v20 =	vadd.f32 v20, v21;
	_ =	sdelay $0x1  }
0x353: {  	v20 =	vmul.f32 $1.442695020e+00, v20;
	_ =	sdelay $0x1  }
0x354: {  	(erf) = vpow2.f32 v20;
	_ =	sdelay $0x8  }
0x355: {  	v20 =	vpop (erf)  }
0x356: {  	v15 =	vmul.f32 v20, v15  }
0x357: {  	v16 =	vmul.f32 v20, v16  }
0x358: {  	[tilespmem:s24+$0xFFFFFF90] =	vst v15;
	v15 =	vmul.f32 v20, v17  }
0x359: {  	[tilespmem:s24+$0xFFFFFFA0] =	vst v16;
	v16 =	vmul.f32 v20, v18  }
0x35a: {  	v17 =	vmov s26;
	s26 =	smov.u32 s29;
	[tilespmem:s24+$0xFFFFFFB0] =	vst v15;
	v15 =	vmul.f32 v20, v19  }
0x35b: {  	v17 =	vperm.xlane v14, v17;
	[tilespmem:s24+$0xFFFFFFC0] =	vst v16;
	v16 =	vmul.f32 v20, v27  }
0x35c: {  	[tilespmem:s24+$0xFFFFFFD0] =	vst v15;
	v15 =	vmul.f32 v20, v29  }
0x35d: {  	v17 =	vand.u32 $0xF, v17;
	[tilespmem:s24+$0xFFFFFFE0] =	vst v16;
	v16 =	vmul.f32 v20, v24  }
0x35e: {  	vm0 =	veq.s32 v17, v5;
	[tilespmem:s24+$0xFFFFFFF0] =	vst v15  }
0x35f: {  	s25 =	sadd.s32 $0x80, s25;
	v15 =	vnsel vm0, $0x0, v20;
	[tilespmem:s24+$0x0] =	vst v16  }
0x360: {  	s28 =	sadd.s32 $0x80, s28;
	[tilespmem:s25+$0x0] =	vst v15  }
0x361: {  	s24 =	sadd.s32 $0x80, s24;
	v18 =	vld [tilespmem:s28+$0xFFFFFF90]  }
0x362: {  	v15 =	vld [tilespmem:s24+$0xFFFFFF90]  }
0x363: {  	v19 =	vld [tilespmem:s28+$0xFFFFFFA0]  }
0x364: {  	v16 =	vld [tilespmem:s24+$0xFFFFFFA0]  }
0x365: {  	v22 =	vld [tilespmem:s28+$0xFFFFFFB0]  }
.Ltmp5:
0x366: {  	v17 =	vld [tilespmem:s24+$0xFFFFFFB0];
	(pc) =	sbr.rel @p0 .LBB2_13-.Ltmp5, $4  }
0x367: {  	v24 =	vadd.f32 v18, v15;
	v21 =	vld [tilespmem:s28+$0xFFFFFFC0]  }
0x368: {  	v18 =	vld [tilespmem:s24+$0xFFFFFFC0]  }
0x369: {  	v25 =	vmul.f32 $2.000000030e-01, v24;
	v23 =	vadd.f32 v19, v16;
	v20 =	vld [tilespmem:s28+$0xFFFFFFD0]  }
0x36a: {  	s29 =	sadd.s32 $0x1, s29;
	v19 =	vld [tilespmem:s24+$0xFFFFFFD0]  }
0x36b: {  	v24 =	vmax.f32 v24, v25;
	v25 =	vmul.f32 $2.000000030e-01, v23;
	v22 =	vadd.f32 v22, v17;
	v26 =	vld [tilespmem:s28+$0xFFFFFFE0]  }
0x36c: {  	v27 =	vld [tilespmem:s24+$0xFFFFFFE0];
	v24 =	vmul.f32 v24, v6  }
0x36d: {  	v28 =	vld [tilespmem:s28+$0xFFFFFFF0];
	v23 =	vmax.f32 v23, v25;
	v25 =	vmul.f32 $2.000000030e-01, v22;
	v21 =	vadd.f32 v21, v18  }
0x36e: {  	v29 =	vld [tilespmem:s24+$0xFFFFFFF0];
	v24 =	vadd.f32 $0.0e+00, v24;
	v23 =	vmul.f32 v23, v7  }
0x36f: {  	v30 =	vld [tilespmem:s28+$0x0];
	v22 =	vmax.f32 v22, v25;
	v25 =	vmul.f32 $2.000000030e-01, v21;
	v20 =	vadd.f32 v20, v19  }
0x370: {  	v23 =	vadd.f32 v23, v24;
	v22 =	vmul.f32 v22, v8;
	v24 =	vld [tilespmem:s24+$0x0]  }
0x371: {  	v26 =	vadd.f32 v26, v27;
	v21 =	vmax.f32 v21, v25;
	v25 =	vmul.f32 $2.000000030e-01, v20  }
0x372: {  	v22 =	vadd.f32 v22, v23;
	v21 =	vmul.f32 v21, v9  }
0x373: {  	v23 =	vmul.f32 $2.000000030e-01, v26;
	v20 =	vmax.f32 v20, v25;
	v25 =	vadd.f32 v28, v29  }
0x374: {  	v21 =	vadd.f32 v21, v22;
	v20 =	vmul.f32 v20, v10  }
0x375: {  	v22 =	vmax.f32 v26, v23;
	v23 =	vmul.f32 $2.000000030e-01, v25;
	v26 =	vadd.f32 v30, v24  }
0x376: {  	v20 =	vadd.f32 v20, v21;
	v21 =	vmul.f32 v22, v11  }
0x377: {  	v22 =	vmax.f32 v25, v23;
	v23 =	vmul.f32 $2.000000030e-01, v26  }
0x378: {  	v20 =	vadd.f32 v21, v20;
	v21 =	vmul.f32 v22, v12  }
0x379: {  	v22 =	vmax.f32 v26, v23  }
0x37a: {  	v20 =	vadd.f32 v21, v20;
	v21 =	vmul.f32 v22, v13;
	_ =	sdelay $0x1  }
0x37b: {  	v20 =	vadd.f32 v21, v20;
	_ =	sdelay $0x1  }
0x37c: {  	v21 =	vperm.xlane v20, v0;
	_ =	sdelay $0x1  }
0x37d: {  	v20 =	vadd.f32 v20, v21;
	_ =	sdelay $0x1  }
0x37e: {  	v21 =	vperm.xlane v20, v1;
	_ =	sdelay $0x1  }
0x37f: {  	v20 =	vadd.f32 v20, v21;
	_ =	sdelay $0x1  }
0x380: {  	v21 =	vperm.xlane v20, v2;
	_ =	sdelay $0x1  }
0x381: {  	v20 =	vadd.f32 v20, v21;
	_ =	sdelay $0x1  }
0x382: {  	v21 =	vperm.xlane v20, v4;
	_ =	sdelay $0x1  }
0x383: {  	v20 =	vadd.f32 v20, v21;
	_ =	sdelay $0x1  }
0x384: {  	v20 =	vmul.f32 $1.442695020e+00, v20;
	_ =	sdelay $0x1  }
0x385: {  	(erf) = vpow2.f32 v20;
	_ =	sdelay $0x8  }
0x386: {  	v20 =	vpop (erf)  }
0x387: {  	v15 =	vmul.f32 v20, v15  }
0x388: {  	v16 =	vmul.f32 v20, v16  }
0x389: {  	[tilespmem:s24+$0xFFFFFF90] =	vst v15;
	v15 =	vmul.f32 v20, v17  }
0x38a: {  	[tilespmem:s24+$0xFFFFFFA0] =	vst v16;
	v16 =	vmul.f32 v20, v18  }
0x38b: {  	v17 =	vmov s26;
	[tilespmem:s24+$0xFFFFFFB0] =	vst v15;
	v15 =	vmul.f32 v20, v19  }
0x38c: {  	v14 =	vperm.xlane v14, v17;
	[tilespmem:s24+$0xFFFFFFC0] =	vst v16;
	v16 =	vmul.f32 v20, v27  }
0x38d: {  	[tilespmem:s24+$0xFFFFFFD0] =	vst v15;
	v15 =	vmul.f32 v20, v29  }
0x38e: {  	v14 =	vand.u32 $0xF, v14;
	[tilespmem:s24+$0xFFFFFFE0] =	vst v16;
	v16 =	vmul.f32 v20, v24  }
0x38f: {  	vm0 =	veq.s32 v14, v5;
	[tilespmem:s24+$0xFFFFFFF0] =	vst v15  }
0x390: {  	s30 =	sadd.s32 $0x80, s25;
	v14 =	vnsel vm0, $0x0, v20;
	[tilespmem:s24+$0x0] =	vst v16  }
0x391: {  	s25 =	simm.s32 $0x6C70;
	[tilespmem:s30+$0x0] =	vst v14  }
0x392: {  	s26 =	simm.s32 $0x2C70;
	v14 =	vld [tilespmem:s25+$0xFFFFFF90]  }
0x393: {  	v15 =	vld [tilespmem:s26+$0xFFFFFF90]  }
0x394: {  	v16 =	vld [tilespmem:s25+$0xFFFFFFA0]  }
0x395: {  	v17 =	vld [tilespmem:s26+$0xFFFFFFA0]  }
0x396: {  	v18 =	vld [tilespmem:s25+$0xFFFFFFB0]  }
0x397: {  	v19 =	vld [tilespmem:s26+$0xFFFFFFB0]  }
0x398: {  	v20 =	vld [tilespmem:s25+$0xFFFFFFC0];
	v14 =	vadd.f32 v14, v15  }
0x399: {  	v21 =	vld [tilespmem:s26+$0xFFFFFFC0]  }
0x39a: {  	v23 =	vld [tilespmem:s25+$0xFFFFFFD0];
	v16 =	vadd.f32 v16, v17;
	v22 =	vmul.f32 $2.000000030e-01, v14  }
0x39b: {  	v24 =	vld [tilespmem:s26+$0xFFFFFFD0]  }
0x39c: {  	v25 =	vld [tilespmem:s25+$0xFFFFFFE0];
	v18 =	vadd.f32 v18, v19;
	v14 =	vmax.f32 v14, v22;
	v22 =	vmul.f32 $2.000000030e-01, v16  }
0x39d: {  	v26 =	vld [tilespmem:s26+$0xFFFFFFE0];
	v14 =	vmul.f32 v14, v6  }
0x39e: {  	v27 =	vld [tilespmem:s25+$0xFFFFFFF0];
	v20 =	vadd.f32 v20, v21;
	v16 =	vmax.f32 v16, v22;
	v22 =	vmul.f32 $2.000000030e-01, v18  }
0x39f: {  	v62 =	vld [tilespmem:s26+$0xFFFFFFF0];
	v14 =	vadd.f32 $0.0e+00, v14;
	v16 =	vmul.f32 v16, v7  }
0x3a0: {  	v63 =	vld [tilespmem:s25+$0x0];
	v23 =	vadd.f32 v23, v24;
	v18 =	vmax.f32 v18, v22;
	v22 =	vmul.f32 $2.000000030e-01, v20  }
0x3a1: {  	v14 =	vadd.f32 v16, v14;
	v16 =	vmul.f32 v18, v8;
	v18 =	vld [tilespmem:s26+$0x0]  }
0x3a2: {  	v25 =	vadd.f32 v25, v26;
	v20 =	vmax.f32 v20, v22;
	v22 =	vmul.f32 $2.000000030e-01, v23  }
0x3a3: {  	v14 =	vadd.f32 v16, v14;
	v16 =	vmul.f32 v20, v9  }
0x3a4: {  	v20 =	vmax.f32 v23, v22;
	v22 =	vmul.f32 $2.000000030e-01, v25;
	v23 =	vadd.f32 v27, v62  }
0x3a5: {  	v14 =	vadd.f32 v16, v14;
	v16 =	vmul.f32 v20, v10  }
0x3a6: {  	v20 =	vmax.f32 v25, v22;
	v22 =	vmul.f32 $2.000000030e-01, v23;
	v25 =	vadd.f32 v63, v18  }
0x3a7: {  	v14 =	vadd.f32 v16, v14;
	v16 =	vmul.f32 v20, v11  }
0x3a8: {  	v20 =	vmax.f32 v23, v22;
	v22 =	vmul.f32 $2.000000030e-01, v25  }
0x3a9: {  	v14 =	vadd.f32 v16, v14;
	v16 =	vmul.f32 v20, v12  }
0x3aa: {  	v20 =	vmax.f32 v25, v22  }
0x3ab: {  	v14 =	vadd.f32 v16, v14;
	v16 =	vmul.f32 v20, v13;
	_ =	sdelay $0x1  }
0x3ac: {  	v14 =	vadd.f32 v16, v14;
	_ =	sdelay $0x1  }
0x3ad: {  	v16 =	vperm.xlane v14, v0;
	_ =	sdelay $0x1  }
0x3ae: {  	v14 =	vadd.f32 v14, v16;
	_ =	sdelay $0x1  }
0x3af: {  	v16 =	vperm.xlane v14, v1;
	_ =	sdelay $0x1  }
0x3b0: {  	v14 =	vadd.f32 v14, v16;
	_ =	sdelay $0x1  }
0x3b1: {  	v16 =	vperm.xlane v14, v2;
	_ =	sdelay $0x1  }
0x3b2: {  	v14 =	vadd.f32 v14, v16;
	_ =	sdelay $0x1  }
0x3b3: {  	v16 =	vperm.xlane v14, v4;
	_ =	sdelay $0x1  }
0x3b4: {  	v14 =	vadd.f32 v14, v16;
	_ =	sdelay $0x1  }
0x3b5: {  	v14 =	vmul.f32 $1.442695020e+00, v14;
	_ =	sdelay $0x1  }
0x3b6: {  	(erf) = vpow2.f32 v14;
	_ =	sdelay $0x8  }
0x3b7: {  	v16 =	vpop (erf)  }
0x3b8: {  	v14 =	vld [tilespmem:$0x310];
	v15 =	vmul.f32 v16, v15  }
0x3b9: {  	v17 =	vmul.f32 v16, v17  }
0x3ba: {  	[tilespmem:s26+$0xFFFFFF90] =	vst v15;
	v15 =	vmul.f32 v16, v19  }
0x3bb: {  	s30 =	simm.s32 $0x0;
	[tilespmem:s26+$0xFFFFFFA0] =	vst v17;
	v17 =	vmul.f32 v16, v21  }
0x3bc: {  	v19 =	vmov s30;
	[tilespmem:s26+$0xFFFFFFB0] =	vst v15;
	v15 =	vmul.f32 v16, v24  }
0x3bd: {  	v19 =	vperm.xlane v14, v19;
	[tilespmem:s26+$0xFFFFFFC0] =	vst v17;
	v17 =	vmul.f32 v16, v26  }
0x3be: {  	[tilespmem:s26+$0xFFFFFFD0] =	vst v15;
	v15 =	vmul.f32 v16, v62  }
0x3bf: {  	[tilespmem:s26+$0xFFFFFFE0] =	vst v17;
	v17 =	vmul.f32 v16, v18;
	v18 =	vand.u32 $0xF, v19  }
0x3c0: {  	vm15 =	veq.s32 v18, v5;
	[tilespmem:s26+$0xFFFFFFF0] =	vst v15  }
0x3c1: {  	s24 =	simm.s32 $0x8C00;
	[tilespmem:s26+$0x0] =	vst v17;
	v15 =	vnsel vm15, $0x0, v16  }
0x3c2: {  	s28 =	simm.s32 $0x6CF0;
	[tilespmem:s24+$0x0] =	vst v15  }
0x3c3: {  	s25 =	simm.s32 $0x2CF0;
	v18 =	vld [tilespmem:s28+$0xFFFFFF90]  }
0x3c4: {  	v15 =	vld [tilespmem:s25+$0xFFFFFF90]  }
0x3c5: {  	v19 =	vld [tilespmem:s28+$0xFFFFFFA0]  }
0x3c6: {  	v16 =	vld [tilespmem:s25+$0xFFFFFFA0]  }
0x3c7: {  	v22 =	vld [tilespmem:s28+$0xFFFFFFB0]  }
0x3c8: {  	v17 =	vld [tilespmem:s25+$0xFFFFFFB0]  }
0x3c9: {  	v21 =	vld [tilespmem:s28+$0xFFFFFFC0];
	v24 =	vadd.f32 v18, v15  }
0x3ca: {  	v18 =	vld [tilespmem:s25+$0xFFFFFFC0]  }
0x3cb: {  	v20 =	vld [tilespmem:s28+$0xFFFFFFD0];
	v23 =	vadd.f32 v19, v16;
	v25 =	vmul.f32 $2.000000030e-01, v24  }
0x3cc: {  	s29 =	simm.s32 $0x2;
	s26 =	simm.s32 $0x1;
	v19 =	vld [tilespmem:s25+$0xFFFFFFD0]  }
.LBB2_15:
0x3cd: {  	p0 =	sne.s32 s29, $0xF;
	v24 =	vmax.f32 v24, v25;
	v25 =	vmul.f32 $2.000000030e-01, v23;
	v22 =	vadd.f32 v22, v17;
	v26 =	vld [tilespmem:s28+$0xFFFFFFE0]  }
0x3ce: {  	v24 =	vmul.f32 v24, v6;
	v27 =	vld [tilespmem:s25+$0xFFFFFFE0]  }
0x3cf: {  	v23 =	vmax.f32 v23, v25;
	v25 =	vmul.f32 $2.000000030e-01, v22;
	v21 =	vadd.f32 v21, v18;
	v28 =	vld [tilespmem:s28+$0xFFFFFFF0]  }
0x3d0: {  	v24 =	vadd.f32 $0.0e+00, v24;
	v23 =	vmul.f32 v23, v7;
	v29 =	vld [tilespmem:s25+$0xFFFFFFF0]  }
0x3d1: {  	v22 =	vmax.f32 v22, v25;
	v25 =	vmul.f32 $2.000000030e-01, v21;
	v20 =	vadd.f32 v20, v19;
	v30 =	vld [tilespmem:s28+$0x0]  }
0x3d2: {  	v23 =	vadd.f32 v23, v24;
	v22 =	vmul.f32 v22, v8;
	v24 =	vld [tilespmem:s25+$0x0]  }
0x3d3: {  	v21 =	vmax.f32 v21, v25;
	v25 =	vmul.f32 $2.000000030e-01, v20;
	v26 =	vadd.f32 v26, v27  }
0x3d4: {  	v22 =	vadd.f32 v22, v23;
	v21 =	vmul.f32 v21, v9  }
0x3d5: {  	v20 =	vmax.f32 v20, v25;
	v23 =	vmul.f32 $2.000000030e-01, v26;
	v25 =	vadd.f32 v28, v29  }
0x3d6: {  	v21 =	vadd.f32 v21, v22;
	v20 =	vmul.f32 v20, v10  }
0x3d7: {  	v22 =	vmax.f32 v26, v23;
	v23 =	vmul.f32 $2.000000030e-01, v25;
	v26 =	vadd.f32 v30, v24  }
0x3d8: {  	v20 =	vadd.f32 v20, v21;
	v21 =	vmul.f32 v22, v11  }
0x3d9: {  	v22 =	vmax.f32 v25, v23;
	v23 =	vmul.f32 $2.000000030e-01, v26  }
0x3da: {  	v20 =	vadd.f32 v21, v20;
	v21 =	vmul.f32 v22, v12  }
0x3db: {  	v22 =	vmax.f32 v26, v23  }
0x3dc: {  	v20 =	vadd.f32 v21, v20;
	v21 =	vmul.f32 v22, v13;
	_ =	sdelay $0x1  }
0x3dd: {  	v20 =	vadd.f32 v21, v20;
	_ =	sdelay $0x1  }
0x3de: {  	v21 =	vperm.xlane v20, v0;
	_ =	sdelay $0x1  }
0x3df: {  	v20 =	vadd.f32 v20, v21;
	_ =	sdelay $0x1  }
0x3e0: {  	v21 =	vperm.xlane v20, v1;
	_ =	sdelay $0x1  }
0x3e1: {  	v20 =	vadd.f32 v20, v21;
	_ =	sdelay $0x1  }
0x3e2: {  	v21 =	vperm.xlane v20, v2;
	_ =	sdelay $0x1  }
0x3e3: {  	v20 =	vadd.f32 v20, v21;
	_ =	sdelay $0x1  }
0x3e4: {  	v21 =	vperm.xlane v20, v4;
	_ =	sdelay $0x1  }
0x3e5: {  	v20 =	vadd.f32 v20, v21;
	_ =	sdelay $0x1  }
0x3e6: {  	v20 =	vmul.f32 $1.442695020e+00, v20;
	_ =	sdelay $0x1  }
0x3e7: {  	(erf) = vpow2.f32 v20;
	_ =	sdelay $0x8  }
0x3e8: {  	v20 =	vpop (erf)  }
0x3e9: {  	v15 =	vmul.f32 v20, v15  }
0x3ea: {  	v16 =	vmul.f32 v20, v16  }
0x3eb: {  	[tilespmem:s25+$0xFFFFFF90] =	vst v15;
	v15 =	vmul.f32 v20, v17  }
0x3ec: {  	[tilespmem:s25+$0xFFFFFFA0] =	vst v16;
	v16 =	vmul.f32 v20, v18  }
0x3ed: {  	v17 =	vmov s26;
	s26 =	smov.u32 s29;
	[tilespmem:s25+$0xFFFFFFB0] =	vst v15;
	v15 =	vmul.f32 v20, v19  }
0x3ee: {  	v17 =	vperm.xlane v14, v17;
	[tilespmem:s25+$0xFFFFFFC0] =	vst v16;
	v16 =	vmul.f32 v20, v27  }
0x3ef: {  	[tilespmem:s25+$0xFFFFFFD0] =	vst v15;
	v15 =	vmul.f32 v20, v29  }
0x3f0: {  	v17 =	vand.u32 $0xF, v17;
	[tilespmem:s25+$0xFFFFFFE0] =	vst v16;
	v16 =	vmul.f32 v20, v24  }
0x3f1: {  	vm0 =	veq.s32 v17, v5;
	[tilespmem:s25+$0xFFFFFFF0] =	vst v15  }
0x3f2: {  	s24 =	sadd.s32 $0x80, s24;
	v15 =	vnsel vm0, $0x0, v20;
	[tilespmem:s25+$0x0] =	vst v16  }
0x3f3: {  	s28 =	sadd.s32 $0x80, s28;
	[tilespmem:s24+$0x0] =	vst v15  }
0x3f4: {  	s25 =	sadd.s32 $0x80, s25;
	v18 =	vld [tilespmem:s28+$0xFFFFFF90]  }
0x3f5: {  	v15 =	vld [tilespmem:s25+$0xFFFFFF90]  }
0x3f6: {  	v19 =	vld [tilespmem:s28+$0xFFFFFFA0]  }
0x3f7: {  	v16 =	vld [tilespmem:s25+$0xFFFFFFA0]  }
0x3f8: {  	v22 =	vld [tilespmem:s28+$0xFFFFFFB0]  }
.Ltmp6:
0x3f9: {  	v17 =	vld [tilespmem:s25+$0xFFFFFFB0];
	(pc) =	sbr.rel @p0 .LBB2_15-.Ltmp6, $4  }
0x3fa: {  	v24 =	vadd.f32 v18, v15;
	v21 =	vld [tilespmem:s28+$0xFFFFFFC0]  }
0x3fb: {  	v18 =	vld [tilespmem:s25+$0xFFFFFFC0]  }
0x3fc: {  	v25 =	vmul.f32 $2.000000030e-01, v24;
	v23 =	vadd.f32 v19, v16;
	v20 =	vld [tilespmem:s28+$0xFFFFFFD0]  }
0x3fd: {  	s29 =	sadd.s32 $0x1, s29;
	v19 =	vld [tilespmem:s25+$0xFFFFFFD0]  }
0x3fe: {  	v24 =	vmax.f32 v24, v25;
	v25 =	vmul.f32 $2.000000030e-01, v23;
	v22 =	vadd.f32 v22, v17;
	v26 =	vld [tilespmem:s28+$0xFFFFFFE0]  }
0x3ff: {  	v27 =	vld [tilespmem:s25+$0xFFFFFFE0];
	v24 =	vmul.f32 v24, v6  }
0x400: {  	v28 =	vld [tilespmem:s28+$0xFFFFFFF0];
	v23 =	vmax.f32 v23, v25;
	v25 =	vmul.f32 $2.000000030e-01, v22;
	v21 =	vadd.f32 v21, v18  }
0x401: {  	v29 =	vld [tilespmem:s25+$0xFFFFFFF0];
	v24 =	vadd.f32 $0.0e+00, v24;
	v23 =	vmul.f32 v23, v7  }
0x402: {  	v30 =	vld [tilespmem:s28+$0x0];
	v22 =	vmax.f32 v22, v25;
	v25 =	vmul.f32 $2.000000030e-01, v21;
	v20 =	vadd.f32 v20, v19  }
0x403: {  	v23 =	vadd.f32 v23, v24;
	v22 =	vmul.f32 v22, v8;
	v24 =	vld [tilespmem:s25+$0x0]  }
0x404: {  	v26 =	vadd.f32 v26, v27;
	v21 =	vmax.f32 v21, v25;
	v25 =	vmul.f32 $2.000000030e-01, v20  }
0x405: {  	v22 =	vadd.f32 v22, v23;
	v21 =	vmul.f32 v21, v9  }
0x406: {  	v23 =	vmul.f32 $2.000000030e-01, v26;
	v20 =	vmax.f32 v20, v25;
	v25 =	vadd.f32 v28, v29  }
0x407: {  	v21 =	vadd.f32 v21, v22;
	v20 =	vmul.f32 v20, v10  }
0x408: {  	v22 =	vmax.f32 v26, v23;
	v23 =	vmul.f32 $2.000000030e-01, v25;
	v26 =	vadd.f32 v30, v24  }
0x409: {  	v20 =	vadd.f32 v20, v21;
	v21 =	vmul.f32 v22, v11  }
0x40a: {  	v22 =	vmax.f32 v25, v23;
	v23 =	vmul.f32 $2.000000030e-01, v26  }
0x40b: {  	v20 =	vadd.f32 v21, v20;
	v21 =	vmul.f32 v22, v12  }
0x40c: {  	v22 =	vmax.f32 v26, v23  }
0x40d: {  	v20 =	vadd.f32 v21, v20;
	v21 =	vmul.f32 v22, v13;
	_ =	sdelay $0x1  }
0x40e: {  	v20 =	vadd.f32 v21, v20;
	_ =	sdelay $0x1  }
0x40f: {  	v21 =	vperm.xlane v20, v0;
	_ =	sdelay $0x1  }
0x410: {  	v20 =	vadd.f32 v20, v21;
	_ =	sdelay $0x1  }
0x411: {  	v21 =	vperm.xlane v20, v1;
	_ =	sdelay $0x1  }
0x412: {  	v20 =	vadd.f32 v20, v21;
	_ =	sdelay $0x1  }
0x413: {  	v21 =	vperm.xlane v20, v2;
	_ =	sdelay $0x1  }
0x414: {  	v20 =	vadd.f32 v20, v21;
	_ =	sdelay $0x1  }
0x415: {  	v21 =	vperm.xlane v20, v4;
	_ =	sdelay $0x1  }
0x416: {  	v20 =	vadd.f32 v20, v21;
	_ =	sdelay $0x1  }
0x417: {  	v20 =	vmul.f32 $1.442695020e+00, v20;
	_ =	sdelay $0x1  }
0x418: {  	(erf) = vpow2.f32 v20;
	_ =	sdelay $0x8  }
0x419: {  	v20 =	vpop (erf)  }
0x41a: {  	v15 =	vmul.f32 v20, v15  }
0x41b: {  	v16 =	vmul.f32 v20, v16  }
0x41c: {  	[tilespmem:s25+$0xFFFFFF90] =	vst v15;
	v15 =	vmul.f32 v20, v17  }
0x41d: {  	[tilespmem:s25+$0xFFFFFFA0] =	vst v16;
	v16 =	vmul.f32 v20, v18  }
0x41e: {  	v17 =	vmov s26;
	[tilespmem:s25+$0xFFFFFFB0] =	vst v15;
	v15 =	vmul.f32 v20, v19  }
0x41f: {  	v14 =	vperm.xlane v14, v17;
	[tilespmem:s25+$0xFFFFFFC0] =	vst v16;
	v16 =	vmul.f32 v20, v27  }
0x420: {  	[tilespmem:s25+$0xFFFFFFD0] =	vst v15;
	v15 =	vmul.f32 v20, v29  }
0x421: {  	v14 =	vand.u32 $0xF, v14;
	[tilespmem:s25+$0xFFFFFFE0] =	vst v16;
	v16 =	vmul.f32 v20, v24  }
0x422: {  	vm0 =	veq.s32 v14, v5;
	[tilespmem:s25+$0xFFFFFFF0] =	vst v15  }
0x423: {  	s24 =	sadd.s32 $0x80, s24;
	v14 =	vnsel vm0, $0x0, v20;
	[tilespmem:s25+$0x0] =	vst v16  }
0x424: {  	s25 =	simm.s32 $0x7470;
	[tilespmem:s24+$0x0] =	vst v14  }
0x425: {  	s26 =	simm.s32 $0x3470;
	v14 =	vld [tilespmem:s25+$0xFFFFFF90]  }
0x426: {  	v15 =	vld [tilespmem:s26+$0xFFFFFF90]  }
0x427: {  	v16 =	vld [tilespmem:s25+$0xFFFFFFA0]  }
0x428: {  	v17 =	vld [tilespmem:s26+$0xFFFFFFA0]  }
0x429: {  	v18 =	vld [tilespmem:s25+$0xFFFFFFB0]  }
0x42a: {  	v19 =	vld [tilespmem:s26+$0xFFFFFFB0]  }
0x42b: {  	v20 =	vld [tilespmem:s25+$0xFFFFFFC0];
	v14 =	vadd.f32 v14, v15  }
0x42c: {  	v21 =	vld [tilespmem:s26+$0xFFFFFFC0]  }
0x42d: {  	v23 =	vld [tilespmem:s25+$0xFFFFFFD0];
	v16 =	vadd.f32 v16, v17;
	v22 =	vmul.f32 $2.000000030e-01, v14  }
0x42e: {  	v24 =	vld [tilespmem:s26+$0xFFFFFFD0]  }
0x42f: {  	v25 =	vld [tilespmem:s25+$0xFFFFFFE0];
	v18 =	vadd.f32 v18, v19;
	v14 =	vmax.f32 v14, v22;
	v22 =	vmul.f32 $2.000000030e-01, v16  }
0x430: {  	v26 =	vld [tilespmem:s26+$0xFFFFFFE0];
	v14 =	vmul.f32 v14, v6  }
0x431: {  	v27 =	vld [tilespmem:s25+$0xFFFFFFF0];
	v20 =	vadd.f32 v20, v21;
	v16 =	vmax.f32 v16, v22;
	v22 =	vmul.f32 $2.000000030e-01, v18  }
0x432: {  	v62 =	vld [tilespmem:s26+$0xFFFFFFF0];
	v14 =	vadd.f32 $0.0e+00, v14;
	v16 =	vmul.f32 v16, v7  }
0x433: {  	v63 =	vld [tilespmem:s25+$0x0];
	v23 =	vadd.f32 v23, v24;
	v18 =	vmax.f32 v18, v22;
	v22 =	vmul.f32 $2.000000030e-01, v20  }
0x434: {  	v14 =	vadd.f32 v16, v14;
	v16 =	vmul.f32 v18, v8;
	v18 =	vld [tilespmem:s26+$0x0]  }
0x435: {  	v25 =	vadd.f32 v25, v26;
	v20 =	vmax.f32 v20, v22;
	v22 =	vmul.f32 $2.000000030e-01, v23  }
0x436: {  	v14 =	vadd.f32 v16, v14;
	v16 =	vmul.f32 v20, v9  }
0x437: {  	v20 =	vmax.f32 v23, v22;
	v22 =	vmul.f32 $2.000000030e-01, v25;
	v23 =	vadd.f32 v27, v62  }
0x438: {  	v14 =	vadd.f32 v16, v14;
	v16 =	vmul.f32 v20, v10  }
0x439: {  	v20 =	vmax.f32 v25, v22;
	v22 =	vmul.f32 $2.000000030e-01, v23;
	v25 =	vadd.f32 v63, v18  }
0x43a: {  	v14 =	vadd.f32 v16, v14;
	v16 =	vmul.f32 v20, v11  }
0x43b: {  	v20 =	vmax.f32 v23, v22;
	v22 =	vmul.f32 $2.000000030e-01, v25  }
0x43c: {  	v14 =	vadd.f32 v16, v14;
	v16 =	vmul.f32 v20, v12  }
0x43d: {  	v20 =	vmax.f32 v25, v22  }
0x43e: {  	v14 =	vadd.f32 v16, v14;
	v16 =	vmul.f32 v20, v13;
	_ =	sdelay $0x1  }
0x43f: {  	v14 =	vadd.f32 v16, v14;
	_ =	sdelay $0x1  }
0x440: {  	v16 =	vperm.xlane v14, v0;
	_ =	sdelay $0x1  }
0x441: {  	v14 =	vadd.f32 v14, v16;
	_ =	sdelay $0x1  }
0x442: {  	v16 =	vperm.xlane v14, v1;
	_ =	sdelay $0x1  }
0x443: {  	v14 =	vadd.f32 v14, v16;
	_ =	sdelay $0x1  }
0x444: {  	v16 =	vperm.xlane v14, v2;
	_ =	sdelay $0x1  }
0x445: {  	v14 =	vadd.f32 v14, v16;
	_ =	sdelay $0x1  }
0x446: {  	v16 =	vperm.xlane v14, v4;
	_ =	sdelay $0x1  }
0x447: {  	v14 =	vadd.f32 v14, v16;
	_ =	sdelay $0x1  }
0x448: {  	v14 =	vmul.f32 $1.442695020e+00, v14;
	_ =	sdelay $0x1  }
0x449: {  	(erf) = vpow2.f32 v14;
	_ =	sdelay $0x8  }
0x44a: {  	v16 =	vpop (erf)  }
0x44b: {  	v14 =	vld [tilespmem:$0x320];
	v15 =	vmul.f32 v16, v15  }
0x44c: {  	v17 =	vmul.f32 v16, v17  }
0x44d: {  	[tilespmem:s26+$0xFFFFFF90] =	vst v15;
	v15 =	vmul.f32 v16, v19  }
0x44e: {  	s30 =	simm.s32 $0x0;
	[tilespmem:s26+$0xFFFFFFA0] =	vst v17;
	v17 =	vmul.f32 v16, v21  }
0x44f: {  	v19 =	vmov s30;
	[tilespmem:s26+$0xFFFFFFB0] =	vst v15;
	v15 =	vmul.f32 v16, v24  }
0x450: {  	v19 =	vperm.xlane v14, v19;
	[tilespmem:s26+$0xFFFFFFC0] =	vst v17;
	v17 =	vmul.f32 v16, v26  }
0x451: {  	[tilespmem:s26+$0xFFFFFFD0] =	vst v15;
	v15 =	vmul.f32 v16, v62  }
0x452: {  	[tilespmem:s26+$0xFFFFFFE0] =	vst v17;
	v17 =	vmul.f32 v16, v18;
	v18 =	vand.u32 $0xF, v19  }
0x453: {  	vm15 =	veq.s32 v18, v5;
	[tilespmem:s26+$0xFFFFFFF0] =	vst v15  }
0x454: {  	s24 =	simm.s32 $0x9400;
	[tilespmem:s26+$0x0] =	vst v17;
	v15 =	vnsel vm15, $0x0, v16  }
0x455: {  	s28 =	simm.s32 $0x74F0;
	[tilespmem:s24+$0x0] =	vst v15  }
0x456: {  	s25 =	simm.s32 $0x34F0;
	v18 =	vld [tilespmem:s28+$0xFFFFFF90]  }
0x457: {  	v15 =	vld [tilespmem:s25+$0xFFFFFF90]  }
0x458: {  	v19 =	vld [tilespmem:s28+$0xFFFFFFA0]  }
0x459: {  	v16 =	vld [tilespmem:s25+$0xFFFFFFA0]  }
0x45a: {  	v22 =	vld [tilespmem:s28+$0xFFFFFFB0]  }
0x45b: {  	v17 =	vld [tilespmem:s25+$0xFFFFFFB0]  }
0x45c: {  	v21 =	vld [tilespmem:s28+$0xFFFFFFC0];
	v24 =	vadd.f32 v18, v15  }
0x45d: {  	v18 =	vld [tilespmem:s25+$0xFFFFFFC0]  }
0x45e: {  	v20 =	vld [tilespmem:s28+$0xFFFFFFD0];
	v23 =	vadd.f32 v19, v16;
	v25 =	vmul.f32 $2.000000030e-01, v24  }
0x45f: {  	s29 =	simm.s32 $0x2;
	s26 =	simm.s32 $0x1;
	v19 =	vld [tilespmem:s25+$0xFFFFFFD0]  }
.LBB2_17:
0x460: {  	p0 =	sne.s32 s29, $0xF;
	v24 =	vmax.f32 v24, v25;
	v25 =	vmul.f32 $2.000000030e-01, v23;
	v22 =	vadd.f32 v22, v17;
	v26 =	vld [tilespmem:s28+$0xFFFFFFE0]  }
0x461: {  	v24 =	vmul.f32 v24, v6;
	v27 =	vld [tilespmem:s25+$0xFFFFFFE0]  }
0x462: {  	v23 =	vmax.f32 v23, v25;
	v25 =	vmul.f32 $2.000000030e-01, v22;
	v21 =	vadd.f32 v21, v18;
	v28 =	vld [tilespmem:s28+$0xFFFFFFF0]  }
0x463: {  	v24 =	vadd.f32 $0.0e+00, v24;
	v23 =	vmul.f32 v23, v7;
	v29 =	vld [tilespmem:s25+$0xFFFFFFF0]  }
0x464: {  	v22 =	vmax.f32 v22, v25;
	v25 =	vmul.f32 $2.000000030e-01, v21;
	v20 =	vadd.f32 v20, v19;
	v30 =	vld [tilespmem:s28+$0x0]  }
0x465: {  	v23 =	vadd.f32 v23, v24;
	v22 =	vmul.f32 v22, v8;
	v24 =	vld [tilespmem:s25+$0x0]  }
0x466: {  	v21 =	vmax.f32 v21, v25;
	v25 =	vmul.f32 $2.000000030e-01, v20;
	v26 =	vadd.f32 v26, v27  }
0x467: {  	v22 =	vadd.f32 v22, v23;
	v21 =	vmul.f32 v21, v9  }
0x468: {  	v20 =	vmax.f32 v20, v25;
	v23 =	vmul.f32 $2.000000030e-01, v26;
	v25 =	vadd.f32 v28, v29  }
0x469: {  	v21 =	vadd.f32 v21, v22;
	v20 =	vmul.f32 v20, v10  }
0x46a: {  	v22 =	vmax.f32 v26, v23;
	v23 =	vmul.f32 $2.000000030e-01, v25;
	v26 =	vadd.f32 v30, v24  }
0x46b: {  	v20 =	vadd.f32 v20, v21;
	v21 =	vmul.f32 v22, v11  }
0x46c: {  	v22 =	vmax.f32 v25, v23;
	v23 =	vmul.f32 $2.000000030e-01, v26  }
0x46d: {  	v20 =	vadd.f32 v21, v20;
	v21 =	vmul.f32 v22, v12  }
0x46e: {  	v22 =	vmax.f32 v26, v23  }
0x46f: {  	v20 =	vadd.f32 v21, v20;
	v21 =	vmul.f32 v22, v13;
	_ =	sdelay $0x1  }
0x470: {  	v20 =	vadd.f32 v21, v20;
	_ =	sdelay $0x1  }
0x471: {  	v21 =	vperm.xlane v20, v0;
	_ =	sdelay $0x1  }
0x472: {  	v20 =	vadd.f32 v20, v21;
	_ =	sdelay $0x1  }
0x473: {  	v21 =	vperm.xlane v20, v1;
	_ =	sdelay $0x1  }
0x474: {  	v20 =	vadd.f32 v20, v21;
	_ =	sdelay $0x1  }
0x475: {  	v21 =	vperm.xlane v20, v2;
	_ =	sdelay $0x1  }
0x476: {  	v20 =	vadd.f32 v20, v21;
	_ =	sdelay $0x1  }
0x477: {  	v21 =	vperm.xlane v20, v4;
	_ =	sdelay $0x1  }
0x478: {  	v20 =	vadd.f32 v20, v21;
	_ =	sdelay $0x1  }
0x479: {  	v20 =	vmul.f32 $1.442695020e+00, v20;
	_ =	sdelay $0x1  }
0x47a: {  	(erf) = vpow2.f32 v20;
	_ =	sdelay $0x8  }
0x47b: {  	v20 =	vpop (erf)  }
0x47c: {  	v15 =	vmul.f32 v20, v15  }
0x47d: {  	v16 =	vmul.f32 v20, v16  }
0x47e: {  	[tilespmem:s25+$0xFFFFFF90] =	vst v15;
	v15 =	vmul.f32 v20, v17  }
0x47f: {  	[tilespmem:s25+$0xFFFFFFA0] =	vst v16;
	v16 =	vmul.f32 v20, v18  }
0x480: {  	v17 =	vmov s26;
	s26 =	smov.u32 s29;
	[tilespmem:s25+$0xFFFFFFB0] =	vst v15;
	v15 =	vmul.f32 v20, v19  }
0x481: {  	v17 =	vperm.xlane v14, v17;
	[tilespmem:s25+$0xFFFFFFC0] =	vst v16;
	v16 =	vmul.f32 v20, v27  }
0x482: {  	[tilespmem:s25+$0xFFFFFFD0] =	vst v15;
	v15 =	vmul.f32 v20, v29  }
0x483: {  	v17 =	vand.u32 $0xF, v17;
	[tilespmem:s25+$0xFFFFFFE0] =	vst v16;
	v16 =	vmul.f32 v20, v24  }
0x484: {  	vm0 =	veq.s32 v17, v5;
	[tilespmem:s25+$0xFFFFFFF0] =	vst v15  }
0x485: {  	s24 =	sadd.s32 $0x80, s24;
	v15 =	vnsel vm0, $0x0, v20;
	[tilespmem:s25+$0x0] =	vst v16  }
0x486: {  	s28 =	sadd.s32 $0x80, s28;
	[tilespmem:s24+$0x0] =	vst v15  }
0x487: {  	s25 =	sadd.s32 $0x80, s25;
	v18 =	vld [tilespmem:s28+$0xFFFFFF90]  }
0x488: {  	v15 =	vld [tilespmem:s25+$0xFFFFFF90]  }
0x489: {  	v19 =	vld [tilespmem:s28+$0xFFFFFFA0]  }
0x48a: {  	v16 =	vld [tilespmem:s25+$0xFFFFFFA0]  }
0x48b: {  	v22 =	vld [tilespmem:s28+$0xFFFFFFB0]  }
.Ltmp7:
0x48c: {  	v17 =	vld [tilespmem:s25+$0xFFFFFFB0];
	(pc) =	sbr.rel @p0 .LBB2_17-.Ltmp7, $4  }
0x48d: {  	v24 =	vadd.f32 v18, v15;
	v21 =	vld [tilespmem:s28+$0xFFFFFFC0]  }
0x48e: {  	v18 =	vld [tilespmem:s25+$0xFFFFFFC0]  }
0x48f: {  	v25 =	vmul.f32 $2.000000030e-01, v24;
	v23 =	vadd.f32 v19, v16;
	v20 =	vld [tilespmem:s28+$0xFFFFFFD0]  }
0x490: {  	s29 =	sadd.s32 $0x1, s29;
	v19 =	vld [tilespmem:s25+$0xFFFFFFD0]  }
0x491: {  	v24 =	vmax.f32 v24, v25;
	v25 =	vmul.f32 $2.000000030e-01, v23;
	v22 =	vadd.f32 v22, v17;
	v26 =	vld [tilespmem:s28+$0xFFFFFFE0]  }
0x492: {  	v27 =	vld [tilespmem:s25+$0xFFFFFFE0];
	v24 =	vmul.f32 v24, v6  }
0x493: {  	v28 =	vld [tilespmem:s28+$0xFFFFFFF0];
	v23 =	vmax.f32 v23, v25;
	v25 =	vmul.f32 $2.000000030e-01, v22;
	v21 =	vadd.f32 v21, v18  }
0x494: {  	v29 =	vld [tilespmem:s25+$0xFFFFFFF0];
	v24 =	vadd.f32 $0.0e+00, v24;
	v23 =	vmul.f32 v23, v7  }
0x495: {  	v30 =	vld [tilespmem:s28+$0x0];
	v22 =	vmax.f32 v22, v25;
	v25 =	vmul.f32 $2.000000030e-01, v21;
	v20 =	vadd.f32 v20, v19  }
0x496: {  	v23 =	vadd.f32 v23, v24;
	v22 =	vmul.f32 v22, v8;
	v24 =	vld [tilespmem:s25+$0x0]  }
0x497: {  	v26 =	vadd.f32 v26, v27;
	v21 =	vmax.f32 v21, v25;
	v25 =	vmul.f32 $2.000000030e-01, v20  }
0x498: {  	v22 =	vadd.f32 v22, v23;
	v21 =	vmul.f32 v21, v9  }
0x499: {  	v23 =	vmul.f32 $2.000000030e-01, v26;
	v20 =	vmax.f32 v20, v25;
	v25 =	vadd.f32 v28, v29  }
0x49a: {  	v21 =	vadd.f32 v21, v22;
	v20 =	vmul.f32 v20, v10  }
0x49b: {  	v22 =	vmax.f32 v26, v23;
	v23 =	vmul.f32 $2.000000030e-01, v25;
	v26 =	vadd.f32 v30, v24  }
0x49c: {  	v20 =	vadd.f32 v20, v21;
	v21 =	vmul.f32 v22, v11  }
0x49d: {  	v22 =	vmax.f32 v25, v23;
	v23 =	vmul.f32 $2.000000030e-01, v26  }
0x49e: {  	v20 =	vadd.f32 v21, v20;
	v21 =	vmul.f32 v22, v12  }
0x49f: {  	v22 =	vmax.f32 v26, v23  }
0x4a0: {  	v20 =	vadd.f32 v21, v20;
	v21 =	vmul.f32 v22, v13;
	_ =	sdelay $0x1  }
0x4a1: {  	v20 =	vadd.f32 v21, v20;
	_ =	sdelay $0x1  }
0x4a2: {  	v21 =	vperm.xlane v20, v0;
	_ =	sdelay $0x1  }
0x4a3: {  	v20 =	vadd.f32 v20, v21;
	_ =	sdelay $0x1  }
0x4a4: {  	v21 =	vperm.xlane v20, v1;
	_ =	sdelay $0x1  }
0x4a5: {  	v20 =	vadd.f32 v20, v21;
	_ =	sdelay $0x1  }
0x4a6: {  	v21 =	vperm.xlane v20, v2;
	_ =	sdelay $0x1  }
0x4a7: {  	v20 =	vadd.f32 v20, v21;
	_ =	sdelay $0x1  }
0x4a8: {  	v21 =	vperm.xlane v20, v4;
	_ =	sdelay $0x1  }
0x4a9: {  	v20 =	vadd.f32 v20, v21;
	_ =	sdelay $0x1  }
0x4aa: {  	v20 =	vmul.f32 $1.442695020e+00, v20;
	_ =	sdelay $0x1  }
0x4ab: {  	(erf) = vpow2.f32 v20;
	_ =	sdelay $0x8  }
0x4ac: {  	v20 =	vpop (erf)  }
0x4ad: {  	v15 =	vmul.f32 v20, v15  }
0x4ae: {  	v16 =	vmul.f32 v20, v16  }
0x4af: {  	[tilespmem:s25+$0xFFFFFF90] =	vst v15;
	v15 =	vmul.f32 v20, v17  }
0x4b0: {  	[tilespmem:s25+$0xFFFFFFA0] =	vst v16;
	v16 =	vmul.f32 v20, v18  }
0x4b1: {  	v17 =	vmov s26;
	[tilespmem:s25+$0xFFFFFFB0] =	vst v15;
	v15 =	vmul.f32 v20, v19  }
0x4b2: {  	v14 =	vperm.xlane v14, v17;
	[tilespmem:s25+$0xFFFFFFC0] =	vst v16;
	v16 =	vmul.f32 v20, v27  }
0x4b3: {  	[tilespmem:s25+$0xFFFFFFD0] =	vst v15;
	v15 =	vmul.f32 v20, v29  }
0x4b4: {  	v14 =	vand.u32 $0xF, v14;
	[tilespmem:s25+$0xFFFFFFE0] =	vst v16;
	v16 =	vmul.f32 v20, v24  }
0x4b5: {  	vm0 =	veq.s32 v14, v5;
	[tilespmem:s25+$0xFFFFFFF0] =	vst v15  }
0x4b6: {  	s24 =	sadd.s32 $0x80, s24;
	v14 =	vnsel vm0, $0x0, v20;
	[tilespmem:s25+$0x0] =	vst v16  }
0x4b7: {  	s25 =	simm.s32 $0x7C70;
	[tilespmem:s24+$0x0] =	vst v14  }
0x4b8: {  	s26 =	simm.s32 $0x3C70;
	v14 =	vld [tilespmem:s25+$0xFFFFFF90]  }
0x4b9: {  	v15 =	vld [tilespmem:s26+$0xFFFFFF90]  }
0x4ba: {  	v16 =	vld [tilespmem:s25+$0xFFFFFFA0]  }
0x4bb: {  	v17 =	vld [tilespmem:s26+$0xFFFFFFA0]  }
0x4bc: {  	v18 =	vld [tilespmem:s25+$0xFFFFFFB0]  }
0x4bd: {  	v19 =	vld [tilespmem:s26+$0xFFFFFFB0]  }
0x4be: {  	v20 =	vld [tilespmem:s25+$0xFFFFFFC0];
	v14 =	vadd.f32 v14, v15  }
0x4bf: {  	v21 =	vld [tilespmem:s26+$0xFFFFFFC0]  }
0x4c0: {  	v23 =	vld [tilespmem:s25+$0xFFFFFFD0];
	v16 =	vadd.f32 v16, v17;
	v22 =	vmul.f32 $2.000000030e-01, v14  }
0x4c1: {  	v24 =	vld [tilespmem:s26+$0xFFFFFFD0]  }
0x4c2: {  	v25 =	vld [tilespmem:s25+$0xFFFFFFE0];
	v18 =	vadd.f32 v18, v19;
	v14 =	vmax.f32 v14, v22;
	v22 =	vmul.f32 $2.000000030e-01, v16  }
0x4c3: {  	v26 =	vld [tilespmem:s26+$0xFFFFFFE0];
	v14 =	vmul.f32 v14, v6  }
0x4c4: {  	v27 =	vld [tilespmem:s25+$0xFFFFFFF0];
	v20 =	vadd.f32 v20, v21;
	v16 =	vmax.f32 v16, v22;
	v22 =	vmul.f32 $2.000000030e-01, v18  }
0x4c5: {  	v62 =	vld [tilespmem:s26+$0xFFFFFFF0];
	v14 =	vadd.f32 $0.0e+00, v14;
	v16 =	vmul.f32 v16, v7  }
0x4c6: {  	v63 =	vld [tilespmem:s25+$0x0];
	v23 =	vadd.f32 v23, v24;
	v18 =	vmax.f32 v18, v22;
	v22 =	vmul.f32 $2.000000030e-01, v20  }
0x4c7: {  	v14 =	vadd.f32 v16, v14;
	v16 =	vmul.f32 v18, v8;
	v18 =	vld [tilespmem:s26+$0x0]  }
0x4c8: {  	v25 =	vadd.f32 v25, v26;
	v20 =	vmax.f32 v20, v22;
	v22 =	vmul.f32 $2.000000030e-01, v23  }
0x4c9: {  	v14 =	vadd.f32 v16, v14;
	v16 =	vmul.f32 v20, v9  }
0x4ca: {  	v20 =	vmax.f32 v23, v22;
	v22 =	vmul.f32 $2.000000030e-01, v25;
	v23 =	vadd.f32 v27, v62  }
0x4cb: {  	v14 =	vadd.f32 v16, v14;
	v16 =	vmul.f32 v20, v10  }
0x4cc: {  	v20 =	vmax.f32 v25, v22;
	v22 =	vmul.f32 $2.000000030e-01, v23;
	v25 =	vadd.f32 v63, v18  }
0x4cd: {  	v14 =	vadd.f32 v16, v14;
	v16 =	vmul.f32 v20, v11  }
0x4ce: {  	v20 =	vmax.f32 v23, v22;
	v22 =	vmul.f32 $2.000000030e-01, v25  }
0x4cf: {  	v14 =	vadd.f32 v16, v14;
	v16 =	vmul.f32 v20, v12  }
0x4d0: {  	v20 =	vmax.f32 v25, v22  }
0x4d1: {  	v14 =	vadd.f32 v16, v14;
	v16 =	vmul.f32 v20, v13;
	_ =	sdelay $0x1  }
0x4d2: {  	v14 =	vadd.f32 v16, v14;
	_ =	sdelay $0x1  }
0x4d3: {  	v16 =	vperm.xlane v14, v0;
	_ =	sdelay $0x1  }
0x4d4: {  	v14 =	vadd.f32 v14, v16;
	_ =	sdelay $0x1  }
0x4d5: {  	v16 =	vperm.xlane v14, v1;
	_ =	sdelay $0x1  }
0x4d6: {  	v14 =	vadd.f32 v14, v16;
	_ =	sdelay $0x1  }
0x4d7: {  	v16 =	vperm.xlane v14, v2;
	_ =	sdelay $0x1  }
0x4d8: {  	v14 =	vadd.f32 v14, v16;
	_ =	sdelay $0x1  }
0x4d9: {  	v16 =	vperm.xlane v14, v4;
	_ =	sdelay $0x1  }
0x4da: {  	v14 =	vadd.f32 v14, v16;
	_ =	sdelay $0x1  }
0x4db: {  	v14 =	vmul.f32 $1.442695020e+00, v14;
	_ =	sdelay $0x1  }
0x4dc: {  	(erf) = vpow2.f32 v14;
	_ =	sdelay $0x8  }
0x4dd: {  	v16 =	vpop (erf)  }
0x4de: {  	v14 =	vld [tilespmem:$0x330];
	v15 =	vmul.f32 v16, v15  }
0x4df: {  	v17 =	vmul.f32 v16, v17  }
0x4e0: {  	[tilespmem:s26+$0xFFFFFF90] =	vst v15;
	v15 =	vmul.f32 v16, v19  }
0x4e1: {  	s30 =	simm.s32 $0x0;
	[tilespmem:s26+$0xFFFFFFA0] =	vst v17;
	v17 =	vmul.f32 v16, v21  }
0x4e2: {  	v19 =	vmov s30;
	[tilespmem:s26+$0xFFFFFFB0] =	vst v15;
	v15 =	vmul.f32 v16, v24  }
0x4e3: {  	v19 =	vperm.xlane v14, v19;
	[tilespmem:s26+$0xFFFFFFC0] =	vst v17;
	v17 =	vmul.f32 v16, v26  }
0x4e4: {  	[tilespmem:s26+$0xFFFFFFD0] =	vst v15;
	v15 =	vmul.f32 v16, v62  }
0x4e5: {  	[tilespmem:s26+$0xFFFFFFE0] =	vst v17;
	v17 =	vmul.f32 v16, v18;
	v18 =	vand.u32 $0xF, v19  }
0x4e6: {  	vm15 =	veq.s32 v18, v5;
	[tilespmem:s26+$0xFFFFFFF0] =	vst v15  }
0x4e7: {  	s24 =	simm.s32 $0x9C00;
	[tilespmem:s26+$0x0] =	vst v17;
	v15 =	vnsel vm15, $0x0, v16  }
0x4e8: {  	s28 =	simm.s32 $0x7CF0;
	[tilespmem:s24+$0x0] =	vst v15  }
0x4e9: {  	s25 =	simm.s32 $0x3CF0;
	v18 =	vld [tilespmem:s28+$0xFFFFFF90]  }
0x4ea: {  	v15 =	vld [tilespmem:s25+$0xFFFFFF90]  }
0x4eb: {  	v19 =	vld [tilespmem:s28+$0xFFFFFFA0]  }
0x4ec: {  	v16 =	vld [tilespmem:s25+$0xFFFFFFA0]  }
0x4ed: {  	v22 =	vld [tilespmem:s28+$0xFFFFFFB0]  }
0x4ee: {  	v17 =	vld [tilespmem:s25+$0xFFFFFFB0]  }
0x4ef: {  	v21 =	vld [tilespmem:s28+$0xFFFFFFC0];
	v24 =	vadd.f32 v18, v15  }
0x4f0: {  	v18 =	vld [tilespmem:s25+$0xFFFFFFC0]  }
0x4f1: {  	v20 =	vld [tilespmem:s28+$0xFFFFFFD0];
	v23 =	vadd.f32 v19, v16;
	v25 =	vmul.f32 $2.000000030e-01, v24  }
0x4f2: {  	s29 =	simm.s32 $0x2;
	s26 =	simm.s32 $0x1;
	v19 =	vld [tilespmem:s25+$0xFFFFFFD0]  }
.LBB2_19:
0x4f3: {  	p0 =	sne.s32 s29, $0xF;
	v24 =	vmax.f32 v24, v25;
	v25 =	vmul.f32 $2.000000030e-01, v23;
	v22 =	vadd.f32 v22, v17;
	v26 =	vld [tilespmem:s28+$0xFFFFFFE0]  }
0x4f4: {  	v24 =	vmul.f32 v24, v6;
	v27 =	vld [tilespmem:s25+$0xFFFFFFE0]  }
0x4f5: {  	v23 =	vmax.f32 v23, v25;
	v25 =	vmul.f32 $2.000000030e-01, v22;
	v21 =	vadd.f32 v21, v18;
	v28 =	vld [tilespmem:s28+$0xFFFFFFF0]  }
0x4f6: {  	v24 =	vadd.f32 $0.0e+00, v24;
	v23 =	vmul.f32 v23, v7;
	v29 =	vld [tilespmem:s25+$0xFFFFFFF0]  }
0x4f7: {  	v22 =	vmax.f32 v22, v25;
	v25 =	vmul.f32 $2.000000030e-01, v21;
	v20 =	vadd.f32 v20, v19;
	v30 =	vld [tilespmem:s28+$0x0]  }
0x4f8: {  	v23 =	vadd.f32 v23, v24;
	v22 =	vmul.f32 v22, v8;
	v24 =	vld [tilespmem:s25+$0x0]  }
0x4f9: {  	v21 =	vmax.f32 v21, v25;
	v25 =	vmul.f32 $2.000000030e-01, v20;
	v26 =	vadd.f32 v26, v27  }
0x4fa: {  	v22 =	vadd.f32 v22, v23;
	v21 =	vmul.f32 v21, v9  }
0x4fb: {  	v20 =	vmax.f32 v20, v25;
	v23 =	vmul.f32 $2.000000030e-01, v26;
	v25 =	vadd.f32 v28, v29  }
0x4fc: {  	v21 =	vadd.f32 v21, v22;
	v20 =	vmul.f32 v20, v10  }
0x4fd: {  	v22 =	vmax.f32 v26, v23;
	v23 =	vmul.f32 $2.000000030e-01, v25;
	v26 =	vadd.f32 v30, v24  }
0x4fe: {  	v20 =	vadd.f32 v20, v21;
	v21 =	vmul.f32 v22, v11  }
0x4ff: {  	v22 =	vmax.f32 v25, v23;
	v23 =	vmul.f32 $2.000000030e-01, v26  }
0x500: {  	v20 =	vadd.f32 v21, v20;
	v21 =	vmul.f32 v22, v12  }
0x501: {  	v22 =	vmax.f32 v26, v23  }
0x502: {  	v20 =	vadd.f32 v21, v20;
	v21 =	vmul.f32 v22, v13;
	_ =	sdelay $0x1  }
0x503: {  	v20 =	vadd.f32 v21, v20;
	_ =	sdelay $0x1  }
0x504: {  	v21 =	vperm.xlane v20, v0;
	_ =	sdelay $0x1  }
0x505: {  	v20 =	vadd.f32 v20, v21;
	_ =	sdelay $0x1  }
0x506: {  	v21 =	vperm.xlane v20, v1;
	_ =	sdelay $0x1  }
0x507: {  	v20 =	vadd.f32 v20, v21;
	_ =	sdelay $0x1  }
0x508: {  	v21 =	vperm.xlane v20, v2;
	_ =	sdelay $0x1  }
0x509: {  	v20 =	vadd.f32 v20, v21;
	_ =	sdelay $0x1  }
0x50a: {  	v21 =	vperm.xlane v20, v4;
	_ =	sdelay $0x1  }
0x50b: {  	v20 =	vadd.f32 v20, v21;
	_ =	sdelay $0x1  }
0x50c: {  	v20 =	vmul.f32 $1.442695020e+00, v20;
	_ =	sdelay $0x1  }
0x50d: {  	(erf) = vpow2.f32 v20;
	_ =	sdelay $0x8  }
0x50e: {  	v20 =	vpop (erf)  }
0x50f: {  	v15 =	vmul.f32 v20, v15  }
0x510: {  	v16 =	vmul.f32 v20, v16  }
0x511: {  	[tilespmem:s25+$0xFFFFFF90] =	vst v15;
	v15 =	vmul.f32 v20, v17  }
0x512: {  	[tilespmem:s25+$0xFFFFFFA0] =	vst v16;
	v16 =	vmul.f32 v20, v18  }
0x513: {  	v17 =	vmov s26;
	s26 =	smov.u32 s29;
	[tilespmem:s25+$0xFFFFFFB0] =	vst v15;
	v15 =	vmul.f32 v20, v19  }
0x514: {  	v17 =	vperm.xlane v14, v17;
	[tilespmem:s25+$0xFFFFFFC0] =	vst v16;
	v16 =	vmul.f32 v20, v27  }
0x515: {  	[tilespmem:s25+$0xFFFFFFD0] =	vst v15;
	v15 =	vmul.f32 v20, v29  }
0x516: {  	v17 =	vand.u32 $0xF, v17;
	[tilespmem:s25+$0xFFFFFFE0] =	vst v16;
	v16 =	vmul.f32 v20, v24  }
0x517: {  	vm0 =	veq.s32 v17, v5;
	[tilespmem:s25+$0xFFFFFFF0] =	vst v15  }
0x518: {  	s24 =	sadd.s32 $0x80, s24;
	v15 =	vnsel vm0, $0x0, v20;
	[tilespmem:s25+$0x0] =	vst v16  }
0x519: {  	s28 =	sadd.s32 $0x80, s28;
	[tilespmem:s24+$0x0] =	vst v15  }
0x51a: {  	s25 =	sadd.s32 $0x80, s25;
	v18 =	vld [tilespmem:s28+$0xFFFFFF90]  }
0x51b: {  	v15 =	vld [tilespmem:s25+$0xFFFFFF90]  }
0x51c: {  	v19 =	vld [tilespmem:s28+$0xFFFFFFA0]  }
0x51d: {  	v16 =	vld [tilespmem:s25+$0xFFFFFFA0]  }
0x51e: {  	v22 =	vld [tilespmem:s28+$0xFFFFFFB0]  }
.Ltmp8:
0x51f: {  	v17 =	vld [tilespmem:s25+$0xFFFFFFB0];
	(pc) =	sbr.rel @p0 .LBB2_19-.Ltmp8, $4  }
0x520: {  	v24 =	vadd.f32 v18, v15;
	v21 =	vld [tilespmem:s28+$0xFFFFFFC0]  }
0x521: {  	v18 =	vld [tilespmem:s25+$0xFFFFFFC0]  }
0x522: {  	v25 =	vmul.f32 $2.000000030e-01, v24;
	v23 =	vadd.f32 v19, v16;
	v20 =	vld [tilespmem:s28+$0xFFFFFFD0]  }
0x523: {  	s29 =	sadd.s32 $0x1, s29;
	v19 =	vld [tilespmem:s25+$0xFFFFFFD0]  }
0x524: {  	v24 =	vmax.f32 v24, v25;
	v44 =	vmul.f32 $2.000000030e-01, v23;
	v22 =	vadd.f32 v22, v17;
	v26 =	vld [tilespmem:s28+$0xFFFFFFE0]  }
0x525: {  	v27 =	vld [tilespmem:s25+$0xFFFFFFE0];
	v24 =	vmul.f32 v24, v6  }
0x526: {  	v28 =	vld [tilespmem:s28+$0xFFFFFFF0];
	v23 =	vmax.f32 v23, v44;
	v45 =	vmul.f32 $2.000000030e-01, v22;
	v21 =	vadd.f32 v21, v18  }
0x527: {  	v29 =	vld [tilespmem:s25+$0xFFFFFFF0];
	v24 =	vadd.f32 $0.0e+00, v24;
	v23 =	vmul.f32 v23, v7  }
0x528: {  	v30 =	vld [tilespmem:s28+$0x0];
	v22 =	vmax.f32 v22, v45;
	v46 =	vmul.f32 $2.000000030e-01, v21;
	v20 =	vadd.f32 v20, v19  }
0x529: {  	v47 =	vld [tilespmem:s25+$0x0];
	v23 =	vadd.f32 v23, v24;
	v22 =	vmul.f32 v22, v8  }
0x52a: {  	v26 =	vadd.f32 v26, v27;
	v21 =	vmax.f32 v21, v46;
	v48 =	vmul.f32 $2.000000030e-01, v20  }
0x52b: {  	v22 =	vadd.f32 v22, v23;
	v21 =	vmul.f32 v21, v9  }
0x52c: {  	v50 =	vadd.f32 v28, v29;
	v49 =	vmul.f32 $2.000000030e-01, v26;
	v20 =	vmax.f32 v20, v48  }
0x52d: {  	v21 =	vadd.f32 v21, v22;
	v20 =	vmul.f32 v20, v10  }
0x52e: {  	v53 =	vadd.f32 v30, v47;
	v52 =	vmul.f32 $2.000000030e-01, v50;
	v51 =	vmax.f32 v26, v49  }
0x52f: {  	v54 =	vmul.f32 v51, v11;
	v20 =	vadd.f32 v20, v21  }
0x530: {  	v56 =	vmul.f32 $2.000000030e-01, v53;
	v55 =	vmax.f32 v50, v52  }
0x531: {  	v57 =	vmul.f32 v55, v12;
	v20 =	vadd.f32 v54, v20  }
0x532: {  	v58 =	vmax.f32 v53, v56  }
0x533: {  	v59 =	vmul.f32 v58, v13;
	v20 =	vadd.f32 v57, v20;
	_ =	sdelay $0x1  }
0x534: {  	v20 =	vadd.f32 v59, v20;
	_ =	sdelay $0x1  }
0x535: {  	v21 =	vperm.xlane v20, v0;
	_ =	sdelay $0x1  }
0x536: {  	v20 =	vadd.f32 v20, v21;
	_ =	sdelay $0x1  }
0x537: {  	v21 =	vperm.xlane v20, v1;
	_ =	sdelay $0x1  }
0x538: {  	v20 =	vadd.f32 v20, v21;
	_ =	sdelay $0x1  }
0x539: {  	v21 =	vperm.xlane v20, v2;
	_ =	sdelay $0x1  }
0x53a: {  	v20 =	vadd.f32 v20, v21;
	_ =	sdelay $0x1  }
0x53b: {  	v21 =	vperm.xlane v20, v4;
	_ =	sdelay $0x1  }
0x53c: {  	v20 =	vadd.f32 v20, v21;
	_ =	sdelay $0x1  }
0x53d: {  	v20 =	vmul.f32 $1.442695020e+00, v20;
	_ =	sdelay $0x1  }
0x53e: {  	(erf) = vpow2.f32 v20;
	_ =	sdelay $0x8  }
0x53f: {  	v20 =	vpop (erf)  }
0x540: {  	v15 =	vmul.f32 v20, v15  }
0x541: {  	v16 =	vmul.f32 v20, v16  }
0x542: {  	v60 =	vmul.f32 v20, v18;
	[tilespmem:s25+$0xFFFFFF90] =	vst v15  }
0x543: {  	v15 =	vmul.f32 v20, v17;
	[tilespmem:s25+$0xFFFFFFA0] =	vst v16  }
0x544: {  	v61 =	vmov s26;
	v62 =	vmul.f32 v20, v27;
	[tilespmem:s25+$0xFFFFFFC0] =	vst v60  }
0x545: {  	v14 =	vperm.xlane v14, v61;
	[tilespmem:s25+$0xFFFFFFB0] =	vst v15;
	v15 =	vmul.f32 v20, v19  }
0x546: {  	v63 =	vmul.f32 v20, v47;
	[tilespmem:s25+$0xFFFFFFE0] =	vst v62  }
0x547: {  	v14 =	vand.u32 $0xF, v14;
	[tilespmem:s25+$0xFFFFFFD0] =	vst v15;
	v15 =	vmul.f32 v20, v29  }
0x548: {  	vm0 =	veq.s32 v14, v5;
	[tilespmem:s25+$0x0] =	vst v63  }
0x549: {  	s24 =	sadd.s32 $0x80, s24;
	v14 =	vnsel vm0, $0x0, v20;
	[tilespmem:s25+$0xFFFFFFF0] =	vst v15  }
0x54a: {  	[tilespmem:s24+$0x0] =	vst v14  }
0x54b: {  	[spmem:s14] =	stream.indirect.scatter.add.f32 [tilespmem:s8], [sflag:$0x2], $0x80, s19, s4, $0xb8;
	[tilespmem:$0x1F480] =	vst v63  }
0x54c: {  	s23 =	sadd.s32 $0x1, s23  }
0x54d: {  	[spmem:s14] =	stream.indirect.scatter.add.f32 [tilespmem:s21], [sflag:$0x2], $0x80, s20, s4, $0xb8;
	[tilespmem:$0x1F480] =	vst v63  }
0x54e: {  	p0 =	sne.s32 s23, $0x51;
	_ =	swait.ge [sflag:s0], $0x2000  }
.Ltmp9:
0x54f: {  	[sflag:s0] =	ssyncset.done $0x0;
	(pc) =	sbr.rel @p0 .LBB2_4-.Ltmp9, $4  }
0x550: {  	[sflag:s0] =	ssyncadd.s32 $0xFFFFE000  }
0x551: {  	_ =	swait.ge [sflag:s0], $0x2000  }
0x552: {  	[sflag:s0] =	ssyncset.done $0x0  }
0x553: {  	[sflag:s0] =	ssyncadd.s32 $0xFFFFE000  }
0x554: {  	_ =	swait.ge [sflag:s15], $0x2000  }
0x555: {  	[sflag:s15] =	ssyncset.done $0x0  }
0x556: {  	[sflag:s15] =	ssyncadd.s32 $0xFFFFE000  }
0x557: {  	_ =	swait.ge [sflag:s15], $0x2000  }
0x558: {  	[sflag:s15] =	ssyncset.done $0x0  }
0x559: {  	[sflag:s15] =	ssyncadd.s32 $0xFFFFE000  }
0x55a: {  	s22 =	stileid.u32;
	[bflag:$0x0] =	sbarrier.arrive $0xFFFF  }
0x55b: {  	s22 =	sshll.u32 s22, $0x6;
	s25 =	rddreg [dreg:$0x10]  }
0x55c: {  	s22 =	sor.u32 $0x1C03, s22;
	s24 =	rddreg [dreg:$0x5];
	s23 =	sshrl.u32 s25, $0x3  }
0x55d: {  	[hbm:s24], [sflag:s22] =	dma.local [spmem:s23], $0x400  }
0x55e: {  	_ =	swait.ge [sflag:s3], $0x400  }
0x55f: {  	[sflag:s3] =	ssyncset.done $0x0;
	s26 =	rddreg [dreg:$0x11]  }
0x560: {  	s30 =	rddreg [dreg:$0x6];
	[sflag:s3] =	ssyncadd.s32 $0xFFFFFC00;
	s24 =	sshrl.u32 s26, $0x3  }
0x561: {  	[hbm:s30], [sflag:s22] =	dma.local [spmem:s24], $0x400  }
0x562: {  	_ =	swait.ge [sflag:s3], $0x400  }
0x563: {  	[sflag:s3] =	ssyncset.done $0x0;
	s28 =	rddreg [dreg:$0x12]  }
0x564: {  	s30 =	rddreg [dreg:$0x7];
	[sflag:s3] =	ssyncadd.s32 $0xFFFFFC00;
	s24 =	sshrl.u32 s28, $0x3  }
0x565: {  	[hbm:s30], [sflag:s22] =	dma.local [spmem:s24], $0x400  }
0x566: {  	_ =	swait.ge [sflag:s3], $0x400  }
0x567: {  	[sflag:s3] =	ssyncset.done $0x0;
	s29 =	rddreg [dreg:$0x13]  }
0x568: {  	s30 =	rddreg [dreg:$0x8];
	[sflag:s3] =	ssyncadd.s32 $0xFFFFFC00;
	s24 =	sshrl.u32 s29, $0x3  }
0x569: {  	[hbm:s30], [sflag:s22] =	dma.local [spmem:s24], $0x400  }
0x56a: {  	_ =	swait.ge [sflag:s3], $0x400  }
0x56b: {  	[sflag:s3] =	ssyncset.done $0x0;
	s24 =	rddreg [dreg:$0x14]  }
0x56c: {  	s30 =	rddreg [dreg:$0x9];
	[sflag:s3] =	ssyncadd.s32 $0xFFFFFC00;
	s23 =	sshrl.u32 s24, $0x3  }
0x56d: {  	[hbm:s30], [sflag:s22] =	dma.local [spmem:s23], $0x400  }
0x56e: {  	_ =	swait.ge [sflag:s3], $0x400  }
0x56f: {  	[sflag:s3] =	ssyncset.done $0x0;
	s24 =	rddreg [dreg:$0x15]  }
0x570: {  	s30 =	rddreg [dreg:$0xa];
	[sflag:s3] =	ssyncadd.s32 $0xFFFFFC00;
	s23 =	sshrl.u32 s24, $0x3  }
0x571: {  	[hbm:s30], [sflag:s22] =	dma.local [spmem:s23], $0x400  }
0x572: {  	_ =	swait.ge [sflag:s3], $0x400  }
0x573: {  	[sflag:s3] =	ssyncset.done $0x0;
	s24 =	rddreg [dreg:$0x16]  }
0x574: {  	s30 =	rddreg [dreg:$0xb];
	[sflag:s3] =	ssyncadd.s32 $0xFFFFFC00;
	s23 =	sshrl.u32 s24, $0x3  }
0x575: {  	[hbm:s30], [sflag:s22] =	dma.local [spmem:s23], $0x400  }
0x576: {  	_ =	swait.ge [sflag:s3], $0x400  }
0x577: {  	[sflag:s3] =	ssyncset.done $0x0;
	s24 =	rddreg [dreg:$0x17]  }
0x578: {  	s30 =	rddreg [dreg:$0xc];
	[sflag:s3] =	ssyncadd.s32 $0xFFFFFC00;
	s23 =	sshrl.u32 s24, $0x3  }
0x579: {  	[hbm:s30], [sflag:s22] =	dma.local [spmem:s23], $0x400  }
0x57a: {  	_ =	swait.ge [sflag:s3], $0x400  }
0x57b: {  	[sflag:s3] =	ssyncset.done $0x0;
	s24 =	rddreg [dreg:$0x18]  }
0x57c: {  	s30 =	rddreg [dreg:$0xd];
	[sflag:s3] =	ssyncadd.s32 $0xFFFFFC00;
	s23 =	sshrl.u32 s24, $0x3  }
0x57d: {  	[hbm:s30], [sflag:s22] =	dma.local [spmem:s23], $0x400  }
0x57e: {  	_ =	swait.ge [sflag:s3], $0x400  }
0x57f: {  	[sflag:s3] =	ssyncset.done $0x0;
	s24 =	rddreg [dreg:$0x19]  }
0x580: {  	s30 =	rddreg [dreg:$0xe];
	[sflag:s3] =	ssyncadd.s32 $0xFFFFFC00;
	s23 =	sshrl.u32 s24, $0x3  }
0x581: {  	[hbm:s30], [sflag:s22] =	dma.local [spmem:s23], $0x400  }
0x582: {  	_ =	swait.ge [sflag:s3], $0x400  }
0x583: {  	[sflag:s3] =	ssyncset.done $0x0;
	s24 =	rddreg [dreg:$0x1a]  }
0x584: {  	s30 =	rddreg [dreg:$0xf];
	[sflag:s3] =	ssyncadd.s32 $0xFFFFFC00;
	s23 =	sshrl.u32 s24, $0x3  }
0x585: {  	[hbm:s30], [sflag:s22] =	dma.local [spmem:s23], $0x200  }
0x586: {  	_ =	swait.ge [sflag:s3], $0x200  }
0x587: {  	s1 =	sadd.s32 $0x1, s1;
	s30 =	rddreg [dreg:$0x1c]  }
0x588: {  	p0 =	sne.s32 s1, s30  }
.Ltmp10:
0x589: {  	_ = 	snop;
	(pc) =	sbr.rel @p0 .LBB2_1-.Ltmp10, $3  }
0x58a: {  	_ =	sdelay $0x1  }
0x58b: {  	[sflag:s3] =	ssyncset.done $0x0  }
0x58c: {  	[sflag:s3] =	ssyncadd.s32 $0xFFFFFE00  }
0x58d: {  	_ =	sfence.sel $0x180000  }
0x58e: {  	[bflag:$0x0] =	sbarrier.arrive $0xFFFF  }
0x58f: {  	_ =	strace $0x90000047  }
0x590: {  	s0 =	stileid.u32;
	[bflag:$0x2] =	sbarrier.arrive $0xFFFF  }
0x591: {  	p0 =	sne.s32 s0, $0x0;
	s0 =	rddreg [dreg:$0x4]  }
0x592: {  	s0 =	sadd.s32 @!p0 $0x100000, s0  }
0x593: {  	[sflag:s0] =	ssyncadd.tile.s32 @!p0 $0x1;
	_ =	shalt  }
.Lfunc_end2:
_tile_overlayer_lowered:
.L_overlay_start_2:
0x594: {  	(tag) =	ssettag $0x2  }
0x595: {  	s0 =	rddreg [dreg:$0x0];
	s2 =	stileid.u32  }
0x596: {  	s1 =	rddreg [dreg:$0x1];
	p0 =	sne.s32 s2, $0x0  }
0x597: {  	s3 =	rddreg [dreg:$0x2];
	[bflag:$0x3] =	sbarrier.arrive $0xFFFF;
	s2 =	simm.s32 @!p0 $0x1C03  }
0x598: {  	[timem:s3], [sflag:s2] =	dma.local @!p0 [hbm:s0], s1  }
0x599: {  	s0 =	simm.s32 @!p0 $0x3  }
0x59a: {  	_ =	swait.ge @!p0 [sflag:s0], s1  }
0x59b: {  	s1 =	ssub.s32 @!p0 $0x0, s1;
	[sflag:s0] =	ssyncset.done @!p0 $0x0  }
0x59c: {  	[sflag:s0] =	ssyncadd.s32 @!p0 s1  }
0x59d: {  	[bflag:$0x3] =	sbarrier.arrive $0xFFFF  }
0x59e: {  	_ =	shalt  }

</sc_bundles>
